<compile_context>
chip_gen: v7x
topology: tpu7x:2x2x1
jax: 0.10.2.dev20260603
libtpu: 0.0.44.dev20260713+nightly
codegen_flags: <defaults>
</compile_context>

<pallas_src>
import functools

import jax
import jax.numpy as jnp
from jax import lax
from jax.experimental import pallas as pl
from jax.experimental.pallas import tpu as pltpu
from jax.experimental.pallas import tpu_sc as plsc

LAMBDA = 0.05
EPS = 1e-12
NBINS = 256
NWORKERS = 32
LANES = 16

N_TOTAL = 64 * 3 * 256 * 256
NROWS = N_TOTAL // NBINS
ROWS_PER_WORKER = NROWS // NWORKERS
ROWCHUNK = 128
NCHUNK = ROWS_PER_WORKER // ROWCHUNK


def _hist_body(tar_hbm, out_hbm, buf0, buf1, hist, red, sem0, sem1):
    wid = lax.axis_index("s") * 2 + lax.axis_index("c")
    rbase = wid * ROWS_PER_WORKER

    lane = lax.iota(jnp.int32, LANES)
    ones = jnp.full((LANES,), 1.0, jnp.float32)
    zeros = jnp.zeros((LANES,), jnp.float32)

    def _zero(i, _):
        r = i // (NBINS // LANES)
        c = i % (NBINS // LANES)
        hist[r, pl.ds(c * LANES, LANES)] = zeros
        return ()

    lax.fori_loop(0, LANES * (NBINS // LANES), _zero, ())

    bufs = (buf0, buf1)
    sems = (sem0, sem1)

    def start(k):
        return pltpu.async_copy(
            tar_hbm.at[pl.ds(rbase + k * ROWCHUNK, ROWCHUNK)], bufs[k % 2], sems[k % 2]
        )

    cp = start(0)
    for k in range(NCHUNK):
        nxt = start(k + 1) if k + 1 < NCHUNK else None
        cp.wait()
        buf = bufs[k % 2]

        def _scan_row(r, _):
            vals = [buf[r, pl.ds(c * LANES, LANES)] for c in range(NBINS // LANES)]
            idxs = [v.astype(jnp.int32) for v in vals]
            for idx in idxs:
                plsc.addupdate_scatter(hist, [lane, idx], ones)
            return ()

        lax.fori_loop(0, ROWCHUNK, _scan_row, (), unroll=2)
        cp = nxt

    def _reduce(c, _):
        acc = hist[0, pl.ds(c * LANES, LANES)]
        for l in range(1, LANES):
            acc = acc + hist[l, pl.ds(c * LANES, LANES)]
        red[pl.ds(c * LANES, LANES)] = acc
        return ()

    lax.fori_loop(0, NBINS // LANES, _reduce, ())

    pltpu.sync_copy(red, out_hbm.at[wid])


_hist_call = functools.partial(
    pl.kernel,
    mesh=plsc.VectorSubcoreMesh(core_axis_name="c", subcore_axis_name="s"),
    out_type=jax.ShapeDtypeStruct((NWORKERS, NBINS), jnp.float32),
    scratch_types=[
        pltpu.VMEM((ROWCHUNK, NBINS), jnp.float32),
        pltpu.VMEM((ROWCHUNK, NBINS), jnp.float32),
        pltpu.VMEM((LANES, NBINS), jnp.float32),
        pltpu.VMEM((NBINS,), jnp.float32),
        pltpu.SemaphoreType.DMA,
        pltpu.SemaphoreType.DMA,
    ],
    compiler_params=pltpu.CompilerParams(needs_layout_passes=False),
)(_hist_body)


ROWS = NROWS
ROW_BLK = 2048
GRID = ROWS // ROW_BLK


def _ssum_body(src_ref, tar_ref, out_ref):
    d = src_ref[...] - tar_ref[...]
    p = jnp.sum(d * d, axis=0, keepdims=True)

    @pl.when(pl.program_id(0) == 0)
    def _init():
        out_ref[...] = jnp.zeros_like(out_ref)

    out_ref[...] += p


_ssum_call = pl.pallas_call(
    _ssum_body,
    grid=(GRID,),
    in_specs=[
        pl.BlockSpec((ROW_BLK, NBINS), lambda i: (i, 0)),
        pl.BlockSpec((ROW_BLK, NBINS), lambda i: (i, 0)),
    ],
    out_specs=pl.BlockSpec((1, NBINS), lambda i: (0, 0)),
    out_shape=jax.ShapeDtypeStruct((1, NBINS), jnp.float32),
)


def _combine_body(cnt_ref, s_ref, out_ref):
    counts = jnp.sum(cnt_ref[...], axis=0, keepdims=True)
    p_y = counts / jnp.float32(N_TOTAL)
    w = LAMBDA / (p_y + EPS)
    loss = jnp.sum(w * s_ref[...]) / jnp.float32(N_TOTAL)
    out_ref[...] = jnp.reshape(loss, (1, 1))


_combine_call = pl.pallas_call(
    _combine_body,
    out_shape=jax.ShapeDtypeStruct((1, 1), jnp.float32),
)


def kernel(src, tar):
    tar2d = tar.reshape(ROWS, NBINS)
    cnt_part = _hist_call(tar2d)
    s_part = _ssum_call(src.reshape(ROWS, NBINS), tar2d)
    loss = _combine_call(cnt_part, s_part)
    return loss.reshape(())

# --- scband reference (transcript-rebuilt; emitter-appended) ---
"""Pipeline reference for scband-pwrswt-l-69475390980207 (READ-ONLY COPY).

The authoritative reference and input builder live on the scoring server;
editing this copy changes nothing except your own understanding.
"""

import jax, jax.numpy as jnp
import numpy as np

LAMBDA_L2 = 0.05

def setup_inputs(seed: int = 0) -> dict:
    key = jax.random.key(seed)
    k_src, k_tar = jax.random.split(key)
    shape = (64, 3, 256, 256)
    src = jax.random.uniform(k_src, shape, dtype=jnp.float32)
    tar = jax.random.randint(k_tar, shape, 0, 256).astype(jnp.float32)
    return {"src": src, "tar": tar}

def reference(src, tar):
    # torch.histc(tar, bins=256, min=0, max=255) -> 256 equal bins over [0, 255]
    counts, _ = jnp.histogram(tar, bins=256, range=(0.0, 255.0))
    p_y = counts.astype(jnp.float32) / tar.size
    weight = LAMBDA_L2 / (p_y + 1e-12)  # shape [256]
    # weight broadcasts against the trailing axis of (src - tar)**2, matching torch
    loss = jnp.mean(weight * (src - tar) ** 2)
    return loss

if __name__ == "__main__":
    import jax
    _d = setup_inputs()
    print(jax.jit(kernel)(*tuple(_d.values())))

</pallas_src>

<mosaic_0001>
#map = affine_map<(d0, d1) -> (0, 0)>
module attributes {stable_mosaic.version = 14 : i64} {
  func.func @_hist_body(%arg0: i32, %arg1: i32, %arg2: memref<49152x256xf32, #tpu.memory_space<hbm>>, %arg3: memref<32x256xf32, #tpu.memory_space<hbm>>, %arg4: memref<128x256xf32, #tpu.memory_space<vmem>>, %arg5: memref<128x256xf32, #tpu.memory_space<vmem>>, %arg6: memref<16x256xf32, #tpu.memory_space<vmem>>, %arg7: memref<256xf32, #tpu.memory_space<vmem>>, %arg8: memref<!tpu.dma_semaphore, #tpu.memory_space<semaphore_mem>>, %arg9: memref<!tpu.dma_semaphore, #tpu.memory_space<semaphore_mem>>) attributes {dimension_semantics = [#tpu.dimension_semantics<core_parallel>, #tpu.dimension_semantics<subcore_parallel>], iteration_bounds = array<i64: 2, 16>, scalar_prefetch = 0 : i64, scratch_operands = 6 : i64, tpu.core_type = #tpu.core_type<sc_vector_subcore>, window_params = [{transform_indices = #map}, {transform_indices = #map}]} {
    %mul3A = arith.constant 2 : i32
    %mul3A_0 = arith.muli %arg1, %mul3A : i32
    %add3A = arith.addi %mul3A_0, %arg0 : i32
    %mul3A_1 = arith.constant 1536 : i32
    %mul3A_2 = arith.muli %add3A, %mul3A_1 : i32
    %iota3A = tpu.iota {dimensions = array<i32: 0>} : vector<16xi32>
    %broadcast_in_dim3A = arith.constant 1.000000e+00 : f32
    %broadcast_in_dim3A_3 = vector.broadcast %broadcast_in_dim3A : f32 to vector<16xf32>
    %broadcast_in_dim3A_4 = arith.constant 0.000000e+00 : f32
    %broadcast_in_dim3A_5 = vector.broadcast %broadcast_in_dim3A_4 : f32 to vector<16xf32>
    %scan3A = arith.constant 0 : i32
    %scan3A_6 = arith.constant 256 : i32
    %scan3A_7 = arith.addi %scan3A, %scan3A_6 : i32
    %scan3A_8 = arith.constant 1 : i32
    scf.for %scan3A_193 = %scan3A to %scan3A_7 step %scan3A_8  : i32 {
      %jit3A = arith.constant 16 : i32
      %div3A = arith.divsi %scan3A_193, %jit3A : i32
      %sign3A = arith.constant 0 : i32
      %sign3A_194 = arith.cmpi sgt, %scan3A_193, %sign3A : i32
      %sign3A_195 = arith.extui %sign3A_194 : i1 to i32
      %sign3A_196 = arith.constant 0 : i32
      %sign3A_197 = arith.cmpi slt, %scan3A_193, %sign3A_196 : i32
      %sign3A_198 = arith.extui %sign3A_197 : i1 to i32
      %sign3A_199 = arith.subi %sign3A_195, %sign3A_198 : i32
      %sign3A_200 = arith.constant 0 : i32
      %sign3A_201 = arith.cmpi sgt, %jit3A, %sign3A_200 : i32
      %sign3A_202 = arith.extui %sign3A_201 : i1 to i32
      %sign3A_203 = arith.constant 0 : i32
      %sign3A_204 = arith.cmpi slt, %jit3A, %sign3A_203 : i32
      %sign3A_205 = arith.extui %sign3A_204 : i1 to i32
      %sign3A_206 = arith.subi %sign3A_202, %sign3A_205 : i32
      %ne3A = arith.cmpi ne, %sign3A_199, %sign3A_206 : i32
      %rem3A = arith.remsi %scan3A_193, %jit3A : i32
      %ne3A_207 = arith.constant 0 : i32
      %ne3A_208 = arith.cmpi ne, %rem3A, %ne3A_207 : i32
      %and3A = arith.andi %ne3A, %ne3A_208 : i1
      %sub3A = arith.constant 1 : i32
      %sub3A_209 = arith.subi %div3A, %sub3A : i32
      %select_n3A = arith.select %and3A, %sub3A_209, %div3A : i32
      %jit3A_210 = arith.constant 16 : i32
      %eq3A = arith.constant 0 : i32
      %eq3A_211 = arith.cmpi eq, %jit3A_210, %eq3A : i32
      %jit3A_212 = arith.constant 1 : i32
      %select_n3A_213 = arith.select %eq3A_211, %jit3A_212, %jit3A_210 : i32
      %rem3A_214 = arith.remsi %scan3A_193, %select_n3A_213 : i32
      %ne3A_215 = arith.constant 0 : i32
      %ne3A_216 = arith.cmpi ne, %rem3A_214, %ne3A_215 : i32
      %lt3A = arith.constant 0 : i32
      %lt3A_217 = arith.cmpi slt, %rem3A_214, %lt3A : i32
      %lt3A_218 = arith.constant 0 : i32
      %lt3A_219 = arith.cmpi slt, %select_n3A_213, %lt3A_218 : i32
      %ne3A_220 = arith.xori %lt3A_217, %lt3A_219 : i1
      %and3A_221 = arith.andi %ne3A_220, %ne3A_216 : i1
      %add3A_222 = arith.addi %rem3A_214, %select_n3A_213 : i32
      %select_n3A_223 = arith.select %and3A_221, %add3A_222, %rem3A_214 : i32
      %mul3A_224 = arith.constant 16 : i32
      %mul3A_225 = arith.muli %select_n3A_223, %mul3A_224 : i32
      %swap3A = arith.index_cast %select_n3A : i32 to index
      %swap3A_226 = arith.index_cast %mul3A_225 : i32 to index
      %swap3A_227 = tpu.vector_load %arg6[%swap3A, %swap3A_226] {strides = array<i32>} : memref<16x256xf32, #tpu.memory_space<vmem>>, vector<16xf32>,
      tpu.vector_store %arg6[%swap3A, %swap3A_226], %broadcast_in_dim3A_5 {strides = array<i32>} : memref<16x256xf32, #tpu.memory_space<vmem>>, vector<16xf32>,
    }
    %scan3A_9 = arith.constant 256 : i32
    %add3A_10 = arith.constant 0 : i32
    %add3A_11 = arith.addi %mul3A_2, %add3A_10 : i32
    %dma_start3A = arith.constant 0 : i32
    %dma_start3A_12 = tpu.memref_slice %arg2[%add3A_11, %dma_start3A] : memref<49152x256xf32, #tpu.memory_space<hbm>> -> memref<128x256xf32, #tpu.memory_space<hbm>>
    %dma_start3A_13 = arith.constant 0 : i32
    %dma_start3A_14 = tpu.memref_slice %arg2[%add3A_11, %dma_start3A_13] : memref<49152x256xf32, #tpu.memory_space<hbm>> -> memref<128x256xf32, #tpu.memory_space<hbm>>
    tpu.enqueue_dma source(%dma_start3A_14 : memref<128x256xf32, #tpu.memory_space<hbm>>) target(%arg4 : memref<128x256xf32, #tpu.memory_space<vmem>>) target_semaphore(%arg8 : memref<!tpu.dma_semaphore, #tpu.memory_space<semaphore_mem>>)
    %add3A_15 = arith.constant 128 : i32
    %add3A_16 = arith.addi %mul3A_2, %add3A_15 : i32
    %dma_start3A_17 = arith.constant 0 : i32
    %dma_start3A_18 = tpu.memref_slice %arg2[%add3A_16, %dma_start3A_17] : memref<49152x256xf32, #tpu.memory_space<hbm>> -> memref<128x256xf32, #tpu.memory_space<hbm>>
    %dma_start3A_19 = arith.constant 0 : i32
    %dma_start3A_20 = tpu.memref_slice %arg2[%add3A_16, %dma_start3A_19] : memref<49152x256xf32, #tpu.memory_space<hbm>> -> memref<128x256xf32, #tpu.memory_space<hbm>>
    tpu.enqueue_dma source(%dma_start3A_20 : memref<128x256xf32, #tpu.memory_space<hbm>>) target(%arg5 : memref<128x256xf32, #tpu.memory_space<vmem>>) target_semaphore(%arg9 : memref<!tpu.dma_semaphore, #tpu.memory_space<semaphore_mem>>)
    %dma_wait3A = arith.constant 0 : i32
    %dma_wait3A_21 = tpu.memref_slice %arg2[%add3A_11, %dma_wait3A] : memref<49152x256xf32, #tpu.memory_space<hbm>> -> memref<128x256xf32, #tpu.memory_space<hbm>>
    %dma_wait3A_22 = arith.constant 0 : i32
    %dma_wait3A_23 = tpu.memref_slice %arg2[%add3A_11, %dma_wait3A_22] : memref<49152x256xf32, #tpu.memory_space<hbm>> -> memref<128x256xf32, #tpu.memory_space<hbm>>
    tpu.wait_dma2 semaphore(%arg8 : memref<!tpu.dma_semaphore, #tpu.memory_space<semaphore_mem>>) src(%dma_wait3A_23 : memref<128x256xf32, #tpu.memory_space<hbm>>) dst(%arg4 : memref<128x256xf32, #tpu.memory_space<vmem>>)
    %scan3A_24 = arith.constant 0 : i32
    %scan3A_25 = arith.constant 128 : i32
    %scan3A_26 = arith.addi %scan3A_24, %scan3A_25 : i32
    %scan3A_27 = arith.constant 2 : i32
    scf.for %scan3A_193 = %scan3A_24 to %scan3A_26 step %scan3A_27  : i32 {
      %get3A = arith.index_cast %scan3A_193 : i32 to index
      %get3A_194 = arith.constant 0 : index
      %get3A_195 = tpu.vector_load %arg4[%get3A, %get3A_194] {strides = array<i32>} : memref<128x256xf32, #tpu.memory_space<vmem>>, vector<16xf32>,
      %get3A_196 = arith.index_cast %scan3A_193 : i32 to index
      %get3A_197 = arith.constant 16 : index
      %get3A_198 = tpu.vector_load %arg4[%get3A_196, %get3A_197] {strides = array<i32>} : memref<128x256xf32, #tpu.memory_space<vmem>>, vector<16xf32>,
      %get3A_199 = arith.index_cast %scan3A_193 : i32 to index
      %get3A_200 = arith.constant 32 : index
      %get3A_201 = tpu.vector_load %arg4[%get3A_199, %get3A_200] {strides = array<i32>} : memref<128x256xf32, #tpu.memory_space<vmem>>, vector<16xf32>,
      %get3A_202 = arith.index_cast %scan3A_193 : i32 to index
      %get3A_203 = arith.constant 48 : index
      %get3A_204 = tpu.vector_load %arg4[%get3A_202, %get3A_203] {strides = array<i32>} : memref<128x256xf32, #tpu.memory_space<vmem>>, vector<16xf32>,
      %get3A_205 = arith.index_cast %scan3A_193 : i32 to index
      %get3A_206 = arith.constant 64 : index
      %get3A_207 = tpu.vector_load %arg4[%get3A_205, %get3A_206] {strides = array<i32>} : memref<128x256xf32, #tpu.memory_space<vmem>>, vector<16xf32>,
      %get3A_208 = arith.index_cast %scan3A_193 : i32 to index
      %get3A_209 = arith.constant 80 : index
      %get3A_210 = tpu.vector_load %arg4[%get3A_208, %get3A_209] {strides = array<i32>} : memref<128x256xf32, #tpu.memory_space<vmem>>, vector<16xf32>,
      %get3A_211 = arith.index_cast %scan3A_193 : i32 to index
      %get3A_212 = arith.constant 96 : index
      %get3A_213 = tpu.vector_load %arg4[%get3A_211, %get3A_212] {strides = array<i32>} : memref<128x256xf32, #tpu.memory_space<vmem>>, vector<16xf32>,
      %get3A_214 = arith.index_cast %scan3A_193 : i32 to index
      %get3A_215 = arith.constant 112 : index
      %get3A_216 = tpu.vector_load %arg4[%get3A_214, %get3A_215] {strides = array<i32>} : memref<128x256xf32, #tpu.memory_space<vmem>>, vector<16xf32>,
      %get3A_217 = arith.index_cast %scan3A_193 : i32 to index
      %get3A_218 = arith.constant 128 : index
      %get3A_219 = tpu.vector_load %arg4[%get3A_217, %get3A_218] {strides = array<i32>} : memref<128x256xf32, #tpu.memory_space<vmem>>, vector<16xf32>,
      %get3A_220 = arith.index_cast %scan3A_193 : i32 to index
      %get3A_221 = arith.constant 144 : index
      %get3A_222 = tpu.vector_load %arg4[%get3A_220, %get3A_221] {strides = array<i32>} : memref<128x256xf32, #tpu.memory_space<vmem>>, vector<16xf32>,
      %get3A_223 = arith.index_cast %scan3A_193 : i32 to index
      %get3A_224 = arith.constant 160 : index
      %get3A_225 = tpu.vector_load %arg4[%get3A_223, %get3A_224] {strides = array<i32>} : memref<128x256xf32, #tpu.memory_space<vmem>>, vector<16xf32>,
      %get3A_226 = arith.index_cast %scan3A_193 : i32 to index
      %get3A_227 = arith.constant 176 : index
      %get3A_228 = tpu.vector_load %arg4[%get3A_226, %get3A_227] {strides = array<i32>} : memref<128x256xf32, #tpu.memory_space<vmem>>, vector<16xf32>,
      %get3A_229 = arith.index_cast %scan3A_193 : i32 to index
      %get3A_230 = arith.constant 192 : index
      %get3A_231 = tpu.vector_load %arg4[%get3A_229, %get3A_230] {strides = array<i32>} : memref<128x256xf32, #tpu.memory_space<vmem>>, vector<16xf32>,
      %get3A_232 = arith.index_cast %scan3A_193 : i32 to index
      %get3A_233 = arith.constant 208 : index
      %get3A_234 = tpu.vector_load %arg4[%get3A_232, %get3A_233] {strides = array<i32>} : memref<128x256xf32, #tpu.memory_space<vmem>>, vector<16xf32>,
      %get3A_235 = arith.index_cast %scan3A_193 : i32 to index
      %get3A_236 = arith.constant 224 : index
      %get3A_237 = tpu.vector_load %arg4[%get3A_235, %get3A_236] {strides = array<i32>} : memref<128x256xf32, #tpu.memory_space<vmem>>, vector<16xf32>,
      %get3A_238 = arith.index_cast %scan3A_193 : i32 to index
      %get3A_239 = arith.constant 240 : index
      %get3A_240 = tpu.vector_load %arg4[%get3A_238, %get3A_239] {strides = array<i32>} : memref<128x256xf32, #tpu.memory_space<vmem>>, vector<16xf32>,
      %convert_element_type3A = arith.fptosi %get3A_195 : vector<16xf32> to vector<16xi32>
      %convert_element_type3A_241 = arith.fptosi %get3A_198 : vector<16xf32> to vector<16xi32>
      %convert_element_type3A_242 = arith.fptosi %get3A_201 : vector<16xf32> to vector<16xi32>
      %convert_element_type3A_243 = arith.fptosi %get3A_204 : vector<16xf32> to vector<16xi32>
      %convert_element_type3A_244 = arith.fptosi %get3A_207 : vector<16xf32> to vector<16xi32>
      %convert_element_type3A_245 = arith.fptosi %get3A_210 : vector<16xf32> to vector<16xi32>
      %convert_element_type3A_246 = arith.fptosi %get3A_213 : vector<16xf32> to vector<16xi32>
      %convert_element_type3A_247 = arith.fptosi %get3A_216 : vector<16xf32> to vector<16xi32>
      %convert_element_type3A_248 = arith.fptosi %get3A_219 : vector<16xf32> to vector<16xi32>
      %convert_element_type3A_249 = arith.fptosi %get3A_222 : vector<16xf32> to vector<16xi32>
      %convert_element_type3A_250 = arith.fptosi %get3A_225 : vector<16xf32> to vector<16xi32>
      %convert_element_type3A_251 = arith.fptosi %get3A_228 : vector<16xf32> to vector<16xi32>
      %convert_element_type3A_252 = arith.fptosi %get3A_231 : vector<16xf32> to vector<16xi32>
      %convert_element_type3A_253 = arith.fptosi %get3A_234 : vector<16xf32> to vector<16xi32>
      %convert_element_type3A_254 = arith.fptosi %get3A_237 : vector<16xf32> to vector<16xi32>
      %convert_element_type3A_255 = arith.fptosi %get3A_240 : vector<16xf32> to vector<16xi32>
      tpu.vector_store_idx %arg6[%iota3A, %convert_element_type3A], %broadcast_in_dim3A_3 {add = true} : memref<16x256xf32, #tpu.memory_space<vmem>>[vector<16xi32>, vector<16xi32>], vector<16xf32>,
      tpu.vector_store_idx %arg6[%iota3A, %convert_element_type3A_241], %broadcast_in_dim3A_3 {add = true} : memref<16x256xf32, #tpu.memory_space<vmem>>[vector<16xi32>, vector<16xi32>], vector<16xf32>,
      tpu.vector_store_idx %arg6[%iota3A, %convert_element_type3A_242], %broadcast_in_dim3A_3 {add = true} : memref<16x256xf32, #tpu.memory_space<vmem>>[vector<16xi32>, vector<16xi32>], vector<16xf32>,
      tpu.vector_store_idx %arg6[%iota3A, %convert_element_type3A_243], %broadcast_in_dim3A_3 {add = true} : memref<16x256xf32, #tpu.memory_space<vmem>>[vector<16xi32>, vector<16xi32>], vector<16xf32>,
      tpu.vector_store_idx %arg6[%iota3A, %convert_element_type3A_244], %broadcast_in_dim3A_3 {add = true} : memref<16x256xf32, #tpu.memory_space<vmem>>[vector<16xi32>, vector<16xi32>], vector<16xf32>,
      tpu.vector_store_idx %arg6[%iota3A, %convert_element_type3A_245], %broadcast_in_dim3A_3 {add = true} : memref<16x256xf32, #tpu.memory_space<vmem>>[vector<16xi32>, vector<16xi32>], vector<16xf32>,
      tpu.vector_store_idx %arg6[%iota3A, %convert_element_type3A_246], %broadcast_in_dim3A_3 {add = true} : memref<16x256xf32, #tpu.memory_space<vmem>>[vector<16xi32>, vector<16xi32>], vector<16xf32>,
      tpu.vector_store_idx %arg6[%iota3A, %convert_element_type3A_247], %broadcast_in_dim3A_3 {add = true} : memref<16x256xf32, #tpu.memory_space<vmem>>[vector<16xi32>, vector<16xi32>], vector<16xf32>,
      tpu.vector_store_idx %arg6[%iota3A, %convert_element_type3A_248], %broadcast_in_dim3A_3 {add = true} : memref<16x256xf32, #tpu.memory_space<vmem>>[vector<16xi32>, vector<16xi32>], vector<16xf32>,
      tpu.vector_store_idx %arg6[%iota3A, %convert_element_type3A_249], %broadcast_in_dim3A_3 {add = true} : memref<16x256xf32, #tpu.memory_space<vmem>>[vector<16xi32>, vector<16xi32>], vector<16xf32>,
      tpu.vector_store_idx %arg6[%iota3A, %convert_element_type3A_250], %broadcast_in_dim3A_3 {add = true} : memref<16x256xf32, #tpu.memory_space<vmem>>[vector<16xi32>, vector<16xi32>], vector<16xf32>,
      tpu.vector_store_idx %arg6[%iota3A, %convert_element_type3A_251], %broadcast_in_dim3A_3 {add = true} : memref<16x256xf32, #tpu.memory_space<vmem>>[vector<16xi32>, vector<16xi32>], vector<16xf32>,
      tpu.vector_store_idx %arg6[%iota3A, %convert_element_type3A_252], %broadcast_in_dim3A_3 {add = true} : memref<16x256xf32, #tpu.memory_space<vmem>>[vector<16xi32>, vector<16xi32>], vector<16xf32>,
      tpu.vector_store_idx %arg6[%iota3A, %convert_element_type3A_253], %broadcast_in_dim3A_3 {add = true} : memref<16x256xf32, #tpu.memory_space<vmem>>[vector<16xi32>, vector<16xi32>], vector<16xf32>,
      tpu.vector_store_idx %arg6[%iota3A, %convert_element_type3A_254], %broadcast_in_dim3A_3 {add = true} : memref<16x256xf32, #tpu.memory_space<vmem>>[vector<16xi32>, vector<16xi32>], vector<16xf32>,
      tpu.vector_store_idx %arg6[%iota3A, %convert_element_type3A_255], %broadcast_in_dim3A_3 {add = true} : memref<16x256xf32, #tpu.memory_space<vmem>>[vector<16xi32>, vector<16xi32>], vector<16xf32>,
      %scan3A_256 = arith.constant 1 : i32
      %scan3A_257 = arith.addi %scan3A_193, %scan3A_256 : i32
      %get3A_258 = arith.index_cast %scan3A_257 : i32 to index
      %get3A_259 = arith.constant 0 : index
      %get3A_260 = tpu.vector_load %arg4[%get3A_258, %get3A_259] {strides = array<i32>} : memref<128x256xf32, #tpu.memory_space<vmem>>, vector<16xf32>,
      %get3A_261 = arith.index_cast %scan3A_257 : i32 to index
      %get3A_262 = arith.constant 16 : index
      %get3A_263 = tpu.vector_load %arg4[%get3A_261, %get3A_262] {strides = array<i32>} : memref<128x256xf32, #tpu.memory_space<vmem>>, vector<16xf32>,
      %get3A_264 = arith.index_cast %scan3A_257 : i32 to index
      %get3A_265 = arith.constant 32 : index
      %get3A_266 = tpu.vector_load %arg4[%get3A_264, %get3A_265] {strides = array<i32>} : memref<128x256xf32, #tpu.memory_space<vmem>>, vector<16xf32>,
      %get3A_267 = arith.index_cast %scan3A_257 : i32 to index
      %get3A_268 = arith.constant 48 : index
      %get3A_269 = tpu.vector_load %arg4[%get3A_267, %get3A_268] {strides = array<i32>} : memref<128x256xf32, #tpu.memory_space<vmem>>, vector<16xf32>,
      %get3A_270 = arith.index_cast %scan3A_257 : i32 to index
      %get3A_271 = arith.constant 64 : index
      %get3A_272 = tpu.vector_load %arg4[%get3A_270, %get3A_271] {strides = array<i32>} : memref<128x256xf32, #tpu.memory_space<vmem>>, vector<16xf32>,
      %get3A_273 = arith.index_cast %scan3A_257 : i32 to index
      %get3A_274 = arith.constant 80 : index
      %get3A_275 = tpu.vector_load %arg4[%get3A_273, %get3A_274] {strides = array<i32>} : memref<128x256xf32, #tpu.memory_space<vmem>>, vector<16xf32>,
      %get3A_276 = arith.index_cast %scan3A_257 : i32 to index
      %get3A_277 = arith.constant 96 : index
      %get3A_278 = tpu.vector_load %arg4[%get3A_276, %get3A_277] {strides = array<i32>} : memref<128x256xf32, #tpu.memory_space<vmem>>, vector<16xf32>,
      %get3A_279 = arith.index_cast %scan3A_257 : i32 to index
      %get3A_280 = arith.constant 112 : index
      %get3A_281 = tpu.vector_load %arg4[%get3A_279, %get3A_280] {strides = array<i32>} : memref<128x256xf32, #tpu.memory_space<vmem>>, vector<16xf32>,
      %get3A_282 = arith.index_cast %scan3A_257 : i32 to index
      %get3A_283 = arith.constant 128 : index
      %get3A_284 = tpu.vector_load %arg4[%get3A_282, %get3A_283] {strides = array<i32>} : memref<128x256xf32, #tpu.memory_space<vmem>>, vector<16xf32>,
      %get3A_285 = arith.index_cast %scan3A_257 : i32 to index
      %get3A_286 = arith.constant 144 : index
      %get3A_287 = tpu.vector_load %arg4[%get3A_285, %get3A_286] {strides = array<i32>} : memref<128x256xf32, #tpu.memory_space<vmem>>, vector<16xf32>,
      %get3A_288 = arith.index_cast %scan3A_257 : i32 to index
      %get3A_289 = arith.constant 160 : index
      %get3A_290 = tpu.vector_load %arg4[%get3A_288, %get3A_289] {strides = array<i32>} : memref<128x256xf32, #tpu.memory_space<vmem>>, vector<16xf32>,
      %get3A_291 = arith.index_cast %scan3A_257 : i32 to index
      %get3A_292 = arith.constant 176 : index
      %get3A_293 = tpu.vector_load %arg4[%get3A_291, %get3A_292] {strides = array<i32>} : memref<128x256xf32, #tpu.memory_space<vmem>>, vector<16xf32>,
      %get3A_294 = arith.index_cast %scan3A_257 : i32 to index
      %get3A_295 = arith.constant 192 : index
      %get3A_296 = tpu.vector_load %arg4[%get3A_294, %get3A_295] {strides = array<i32>} : memref<128x256xf32, #tpu.memory_space<vmem>>, vector<16xf32>,
      %get3A_297 = arith.index_cast %scan3A_257 : i32 to index
      %get3A_298 = arith.constant 208 : index
      %get3A_299 = tpu.vector_load %arg4[%get3A_297, %get3A_298] {strides = array<i32>} : memref<128x256xf32, #tpu.memory_space<vmem>>, vector<16xf32>,
      %get3A_300 = arith.index_cast %scan3A_257 : i32 to index
      %get3A_301 = arith.constant 224 : index
      %get3A_302 = tpu.vector_load %arg4[%get3A_300, %get3A_301] {strides = array<i32>} : memref<128x256xf32, #tpu.memory_space<vmem>>, vector<16xf32>,
      %get3A_303 = arith.index_cast %scan3A_257 : i32 to index
      %get3A_304 = arith.constant 240 : index
      %get3A_305 = tpu.vector_load %arg4[%get3A_303, %get3A_304] {strides = array<i32>} : memref<128x256xf32, #tpu.memory_space<vmem>>, vector<16xf32>,
      %convert_element_type3A_306 = arith.fptosi %get3A_260 : vector<16xf32> to vector<16xi32>
      %convert_element_type3A_307 = arith.fptosi %get3A_263 : vector<16xf32> to vector<16xi32>
      %convert_element_type3A_308 = arith.fptosi %get3A_266 : vector<16xf32> to vector<16xi32>
      %convert_element_type3A_309 = arith.fptosi %get3A_269 : vector<16xf32> to vector<16xi32>
      %convert_element_type3A_310 = arith.fptosi %get3A_272 : vector<16xf32> to vector<16xi32>
      %convert_element_type3A_311 = arith.fptosi %get3A_275 : vector<16xf32> to vector<16xi32>
      %convert_element_type3A_312 = arith.fptosi %get3A_278 : vector<16xf32> to vector<16xi32>
      %convert_element_type3A_313 = arith.fptosi %get3A_281 : vector<16xf32> to vector<16xi32>
      %convert_element_type3A_314 = arith.fptosi %get3A_284 : vector<16xf32> to vector<16xi32>
      %convert_element_type3A_315 = arith.fptosi %get3A_287 : vector<16xf32> to vector<16xi32>
      %convert_element_type3A_316 = arith.fptosi %get3A_290 : vector<16xf32> to vector<16xi32>
      %convert_element_type3A_317 = arith.fptosi %get3A_293 : vector<16xf32> to vector<16xi32>
      %convert_element_type3A_318 = arith.fptosi %get3A_296 : vector<16xf32> to vector<16xi32>
      %convert_element_type3A_319 = arith.fptosi %get3A_299 : vector<16xf32> to vector<16xi32>
      %convert_element_type3A_320 = arith.fptosi %get3A_302 : vector<16xf32> to vector<16xi32>
      %convert_element_type3A_321 = arith.fptosi %get3A_305 : vector<16xf32> to vector<16xi32>
      tpu.vector_store_idx %arg6[%iota3A, %convert_element_type3A_306], %broadcast_in_dim3A_3 {add = true} : memref<16x256xf32, #tpu.memory_space<vmem>>[vector<16xi32>, vector<16xi32>], vector<16xf32>,
      tpu.vector_store_idx %arg6[%iota3A, %convert_element_type3A_307], %broadcast_in_dim3A_3 {add = true} : memref<16x256xf32, #tpu.memory_space<vmem>>[vector<16xi32>, vector<16xi32>], vector<16xf32>,
      tpu.vector_store_idx %arg6[%iota3A, %convert_element_type3A_308], %broadcast_in_dim3A_3 {add = true} : memref<16x256xf32, #tpu.memory_space<vmem>>[vector<16xi32>, vector<16xi32>], vector<16xf32>,
      tpu.vector_store_idx %arg6[%iota3A, %convert_element_type3A_309], %broadcast_in_dim3A_3 {add = true} : memref<16x256xf32, #tpu.memory_space<vmem>>[vector<16xi32>, vector<16xi32>], vector<16xf32>,
      tpu.vector_store_idx %arg6[%iota3A, %convert_element_type3A_310], %broadcast_in_dim3A_3 {add = true} : memref<16x256xf32, #tpu.memory_space<vmem>>[vector<16xi32>, vector<16xi32>], vector<16xf32>,
      tpu.vector_store_idx %arg6[%iota3A, %convert_element_type3A_311], %broadcast_in_dim3A_3 {add = true} : memref<16x256xf32, #tpu.memory_space<vmem>>[vector<16xi32>, vector<16xi32>], vector<16xf32>,
      tpu.vector_store_idx %arg6[%iota3A, %convert_element_type3A_312], %broadcast_in_dim3A_3 {add = true} : memref<16x256xf32, #tpu.memory_space<vmem>>[vector<16xi32>, vector<16xi32>], vector<16xf32>,
      tpu.vector_store_idx %arg6[%iota3A, %convert_element_type3A_313], %broadcast_in_dim3A_3 {add = true} : memref<16x256xf32, #tpu.memory_space<vmem>>[vector<16xi32>, vector<16xi32>], vector<16xf32>,
      tpu.vector_store_idx %arg6[%iota3A, %convert_element_type3A_314], %broadcast_in_dim3A_3 {add = true} : memref<16x256xf32, #tpu.memory_space<vmem>>[vector<16xi32>, vector<16xi32>], vector<16xf32>,
      tpu.vector_store_idx %arg6[%iota3A, %convert_element_type3A_315], %broadcast_in_dim3A_3 {add = true} : memref<16x256xf32, #tpu.memory_space<vmem>>[vector<16xi32>, vector<16xi32>], vector<16xf32>,
      tpu.vector_store_idx %arg6[%iota3A, %convert_element_type3A_316], %broadcast_in_dim3A_3 {add = true} : memref<16x256xf32, #tpu.memory_space<vmem>>[vector<16xi32>, vector<16xi32>], vector<16xf32>,
      tpu.vector_store_idx %arg6[%iota3A, %convert_element_type3A_317], %broadcast_in_dim3A_3 {add = true} : memref<16x256xf32, #tpu.memory_space<vmem>>[vector<16xi32>, vector<16xi32>], vector<16xf32>,
      tpu.vector_store_idx %arg6[%iota3A, %convert_element_type3A_318], %broadcast_in_dim3A_3 {add = true} : memref<16x256xf32, #tpu.memory_space<vmem>>[vector<16xi32>, vector<16xi32>], vector<16xf32>,
      tpu.vector_store_idx %arg6[%iota3A, %convert_element_type3A_319], %broadcast_in_dim3A_3 {add = true} : memref<16x256xf32, #tpu.memory_space<vmem>>[vector<16xi32>, vector<16xi32>], vector<16xf32>,
      tpu.vector_store_idx %arg6[%iota3A, %convert_element_type3A_320], %broadcast_in_dim3A_3 {add = true} : memref<16x256xf32, #tpu.memory_space<vmem>>[vector<16xi32>, vector<16xi32>], vector<16xf32>,
      tpu.vector_store_idx %arg6[%iota3A, %convert_element_type3A_321], %broadcast_in_dim3A_3 {add = true} : memref<16x256xf32, #tpu.memory_space<vmem>>[vector<16xi32>, vector<16xi32>], vector<16xf32>,
    }
    %scan3A_28 = arith.constant 128 : i32
    %add3A_29 = arith.constant 256 : i32
    %add3A_30 = arith.addi %mul3A_2, %add3A_29 : i32
    %dma_start3A_31 = arith.constant 0 : i32
    %dma_start3A_32 = tpu.memref_slice %arg2[%add3A_30, %dma_start3A_31] : memref<49152x256xf32, #tpu.memory_space<hbm>> -> memref<128x256xf32, #tpu.memory_space<hbm>>
    %dma_start3A_33 = arith.constant 0 : i32
    %dma_start3A_34 = tpu.memref_slice %arg2[%add3A_30, %dma_start3A_33] : memref<49152x256xf32, #tpu.memory_space<hbm>> -> memref<128x256xf32, #tpu.memory_space<hbm>>
    tpu.enqueue_dma source(%dma_start3A_34 : memref<128x256xf32, #tpu.memory_space<hbm>>) target(%arg4 : memref<128x256xf32, #tpu.memory_space<vmem>>) target_semaphore(%arg8 : memref<!tpu.dma_semaphore, #tpu.memory_space<semaphore_mem>>)
    %dma_wait3A_35 = arith.constant 0 : i32
    %dma_wait3A_36 = tpu.memref_slice %arg2[%add3A_16, %dma_wait3A_35] : memref<49152x256xf32, #tpu.memory_space<hbm>> -> memref<128x256xf32, #tpu.memory_space<hbm>>
    %dma_wait3A_37 = arith.constant 0 : i32
    %dma_wait3A_38 = tpu.memref_slice %arg2[%add3A_16, %dma_wait3A_37] : memref<49152x256xf32, #tpu.memory_space<hbm>> -> memref<128x256xf32, #tpu.memory_space<hbm>>
    tpu.wait_dma2 semaphore(%arg9 : memref<!tpu.dma_semaphore, #tpu.memory_space<semaphore_mem>>) src(%dma_wait3A_38 : memref<128x256xf32, #tpu.memory_space<hbm>>) dst(%arg5 : memref<128x256xf32, #tpu.memory_space<vmem>>)
    %scan3A_39 = arith.constant 0 : i32
    %scan3A_40 = arith.constant 128 : i32
    %scan3A_41 = arith.addi %scan3A_39, %scan3A_40 : i32
    %scan3A_42 = arith.constant 2 : i32
    scf.for %scan3A_193 = %scan3A_39 to %scan3A_41 step %scan3A_42  : i32 {
      %get3A = arith.index_cast %scan3A_193 : i32 to index
      %get3A_194 = arith.constant 0 : index
      %get3A_195 = tpu.vector_load %arg5[%get3A, %get3A_194] {strides = array<i32>} : memref<128x256xf32, #tpu.memory_space<vmem>>, vector<16xf32>,
      %get3A_196 = arith.index_cast %scan3A_193 : i32 to index
      %get3A_197 = arith.constant 16 : index
      %get3A_198 = tpu.vector_load %arg5[%get3A_196, %get3A_197] {strides = array<i32>} : memref<128x256xf32, #tpu.memory_space<vmem>>, vector<16xf32>,
      %get3A_199 = arith.index_cast %scan3A_193 : i32 to index
      %get3A_200 = arith.constant 32 : index
      %get3A_201 = tpu.vector_load %arg5[%get3A_199, %get3A_200] {strides = array<i32>} : memref<128x256xf32, #tpu.memory_space<vmem>>, vector<16xf32>,
      %get3A_202 = arith.index_cast %scan3A_193 : i32 to index
      %get3A_203 = arith.constant 48 : index
      %get3A_204 = tpu.vector_load %arg5[%get3A_202, %get3A_203] {strides = array<i32>} : memref<128x256xf32, #tpu.memory_space<vmem>>, vector<16xf32>,
      %get3A_205 = arith.index_cast %scan3A_193 : i32 to index
      %get3A_206 = arith.constant 64 : index
      %get3A_207 = tpu.vector_load %arg5[%get3A_205, %get3A_206] {strides = array<i32>} : memref<128x256xf32, #tpu.memory_space<vmem>>, vector<16xf32>,
      %get3A_208 = arith.index_cast %scan3A_193 : i32 to index
      %get3A_209 = arith.constant 80 : index
      %get3A_210 = tpu.vector_load %arg5[%get3A_208, %get3A_209] {strides = array<i32>} : memref<128x256xf32, #tpu.memory_space<vmem>>, vector<16xf32>,
      %get3A_211 = arith.index_cast %scan3A_193 : i32 to index
      %get3A_212 = arith.constant 96 : index
      %get3A_213 = tpu.vector_load %arg5[%get3A_211, %get3A_212] {strides = array<i32>} : memref<128x256xf32, #tpu.memory_space<vmem>>, vector<16xf32>,
      %get3A_214 = arith.index_cast %scan3A_193 : i32 to index
      %get3A_215 = arith.constant 112 : index
      %get3A_216 = tpu.vector_load %arg5[%get3A_214, %get3A_215] {strides = array<i32>} : memref<128x256xf32, #tpu.memory_space<vmem>>, vector<16xf32>,
      %get3A_217 = arith.index_cast %scan3A_193 : i32 to index
      %get3A_218 = arith.constant 128 : index
      %get3A_219 = tpu.vector_load %arg5[%get3A_217, %get3A_218] {strides = array<i32>} : memref<128x256xf32, #tpu.memory_space<vmem>>, vector<16xf32>,
      %get3A_220 = arith.index_cast %scan3A_193 : i32 to index
      %get3A_221 = arith.constant 144 : index
      %get3A_222 = tpu.vector_load %arg5[%get3A_220, %get3A_221] {strides = array<i32>} : memref<128x256xf32, #tpu.memory_space<vmem>>, vector<16xf32>,
      %get3A_223 = arith.index_cast %scan3A_193 : i32 to index
      %get3A_224 = arith.constant 160 : index
      %get3A_225 = tpu.vector_load %arg5[%get3A_223, %get3A_224] {strides = array<i32>} : memref<128x256xf32, #tpu.memory_space<vmem>>, vector<16xf32>,
      %get3A_226 = arith.index_cast %scan3A_193 : i32 to index
      %get3A_227 = arith.constant 176 : index
      %get3A_228 = tpu.vector_load %arg5[%get3A_226, %get3A_227] {strides = array<i32>} : memref<128x256xf32, #tpu.memory_space<vmem>>, vector<16xf32>,
      %get3A_229 = arith.index_cast %scan3A_193 : i32 to index
      %get3A_230 = arith.constant 192 : index
      %get3A_231 = tpu.vector_load %arg5[%get3A_229, %get3A_230] {strides = array<i32>} : memref<128x256xf32, #tpu.memory_space<vmem>>, vector<16xf32>,
      %get3A_232 = arith.index_cast %scan3A_193 : i32 to index
      %get3A_233 = arith.constant 208 : index
      %get3A_234 = tpu.vector_load %arg5[%get3A_232, %get3A_233] {strides = array<i32>} : memref<128x256xf32, #tpu.memory_space<vmem>>, vector<16xf32>,
      %get3A_235 = arith.index_cast %scan3A_193 : i32 to index
      %get3A_236 = arith.constant 224 : index
      %get3A_237 = tpu.vector_load %arg5[%get3A_235, %get3A_236] {strides = array<i32>} : memref<128x256xf32, #tpu.memory_space<vmem>>, vector<16xf32>,
      %get3A_238 = arith.index_cast %scan3A_193 : i32 to index
      %get3A_239 = arith.constant 240 : index
      %get3A_240 = tpu.vector_load %arg5[%get3A_238, %get3A_239] {strides = array<i32>} : memref<128x256xf32, #tpu.memory_space<vmem>>, vector<16xf32>,
      %convert_element_type3A = arith.fptosi %get3A_195 : vector<16xf32> to vector<16xi32>
      %convert_element_type3A_241 = arith.fptosi %get3A_198 : vector<16xf32> to vector<16xi32>
      %convert_element_type3A_242 = arith.fptosi %get3A_201 : vector<16xf32> to vector<16xi32>
      %convert_element_type3A_243 = arith.fptosi %get3A_204 : vector<16xf32> to vector<16xi32>
      %convert_element_type3A_244 = arith.fptosi %get3A_207 : vector<16xf32> to vector<16xi32>
      %convert_element_type3A_245 = arith.fptosi %get3A_210 : vector<16xf32> to vector<16xi32>
      %convert_element_type3A_246 = arith.fptosi %get3A_213 : vector<16xf32> to vector<16xi32>
      %convert_element_type3A_247 = arith.fptosi %get3A_216 : vector<16xf32> to vector<16xi32>
      %convert_element_type3A_248 = arith.fptosi %get3A_219 : vector<16xf32> to vector<16xi32>
      %convert_element_type3A_249 = arith.fptosi %get3A_222 : vector<16xf32> to vector<16xi32>
      %convert_element_type3A_250 = arith.fptosi %get3A_225 : vector<16xf32> to vector<16xi32>
      %convert_element_type3A_251 = arith.fptosi %get3A_228 : vector<16xf32> to vector<16xi32>
      %convert_element_type3A_252 = arith.fptosi %get3A_231 : vector<16xf32> to vector<16xi32>
      %convert_element_type3A_253 = arith.fptosi %get3A_234 : vector<16xf32> to vector<16xi32>
      %convert_element_type3A_254 = arith.fptosi %get3A_237 : vector<16xf32> to vector<16xi32>
      %convert_element_type3A_255 = arith.fptosi %get3A_240 : vector<16xf32> to vector<16xi32>
      tpu.vector_store_idx %arg6[%iota3A, %convert_element_type3A], %broadcast_in_dim3A_3 {add = true} : memref<16x256xf32, #tpu.memory_space<vmem>>[vector<16xi32>, vector<16xi32>], vector<16xf32>,
      tpu.vector_store_idx %arg6[%iota3A, %convert_element_type3A_241], %broadcast_in_dim3A_3 {add = true} : memref<16x256xf32, #tpu.memory_space<vmem>>[vector<16xi32>, vector<16xi32>], vector<16xf32>,
      tpu.vector_store_idx %arg6[%iota3A, %convert_element_type3A_242], %broadcast_in_dim3A_3 {add = true} : memref<16x256xf32, #tpu.memory_space<vmem>>[vector<16xi32>, vector<16xi32>], vector<16xf32>,
      tpu.vector_store_idx %arg6[%iota3A, %convert_element_type3A_243], %broadcast_in_dim3A_3 {add = true} : memref<16x256xf32, #tpu.memory_space<vmem>>[vector<16xi32>, vector<16xi32>], vector<16xf32>,
      tpu.vector_store_idx %arg6[%iota3A, %convert_element_type3A_244], %broadcast_in_dim3A_3 {add = true} : memref<16x256xf32, #tpu.memory_space<vmem>>[vector<16xi32>, vector<16xi32>], vector<16xf32>,
      tpu.vector_store_idx %arg6[%iota3A, %convert_element_type3A_245], %broadcast_in_dim3A_3 {add = true} : memref<16x256xf32, #tpu.memory_space<vmem>>[vector<16xi32>, vector<16xi32>], vector<16xf32>,
      tpu.vector_store_idx %arg6[%iota3A, %convert_element_type3A_246], %broadcast_in_dim3A_3 {add = true} : memref<16x256xf32, #tpu.memory_space<vmem>>[vector<16xi32>, vector<16xi32>], vector<16xf32>,
      tpu.vector_store_idx %arg6[%iota3A, %convert_element_type3A_247], %broadcast_in_dim3A_3 {add = true} : memref<16x256xf32, #tpu.memory_space<vmem>>[vector<16xi32>, vector<16xi32>], vector<16xf32>,
      tpu.vector_store_idx %arg6[%iota3A, %convert_element_type3A_248], %broadcast_in_dim3A_3 {add = true} : memref<16x256xf32, #tpu.memory_space<vmem>>[vector<16xi32>, vector<16xi32>], vector<16xf32>,
      tpu.vector_store_idx %arg6[%iota3A, %convert_element_type3A_249], %broadcast_in_dim3A_3 {add = true} : memref<16x256xf32, #tpu.memory_space<vmem>>[vector<16xi32>, vector<16xi32>], vector<16xf32>,
      tpu.vector_store_idx %arg6[%iota3A, %convert_element_type3A_250], %broadcast_in_dim3A_3 {add = true} : memref<16x256xf32, #tpu.memory_space<vmem>>[vector<16xi32>, vector<16xi32>], vector<16xf32>,
      tpu.vector_store_idx %arg6[%iota3A, %convert_element_type3A_251], %broadcast_in_dim3A_3 {add = true} : memref<16x256xf32, #tpu.memory_space<vmem>>[vector<16xi32>, vector<16xi32>], vector<16xf32>,
      tpu.vector_store_idx %arg6[%iota3A, %convert_element_type3A_252], %broadcast_in_dim3A_3 {add = true} : memref<16x256xf32, #tpu.memory_space<vmem>>[vector<16xi32>, vector<16xi32>], vector<16xf32>,
      tpu.vector_store_idx %arg6[%iota3A, %convert_element_type3A_253], %broadcast_in_dim3A_3 {add = true} : memref<16x256xf32, #tpu.memory_space<vmem>>[vector<16xi32>, vector<16xi32>], vector<16xf32>,
      tpu.vector_store_idx %arg6[%iota3A, %convert_element_type3A_254], %broadcast_in_dim3A_3 {add = true} : memref<16x256xf32, #tpu.memory_space<vmem>>[vector<16xi32>, vector<16xi32>], vector<16xf32>,
      tpu.vector_store_idx %arg6[%iota3A, %convert_element_type3A_255], %broadcast_in_dim3A_3 {add = true} : memref<16x256xf32, #tpu.memory_space<vmem>>[vector<16xi32>, vector<16xi32>], vector<16xf32>,
      %scan3A_256 = arith.constant 1 : i32
      %scan3A_257 = arith.addi %scan3A_193, %scan3A_256 : i32
      %get3A_258 = arith.index_cast %scan3A_257 : i32 to index
      %get3A_259 = arith.constant 0 : index
      %get3A_260 = tpu.vector_load %arg5[%get3A_258, %get3A_259] {strides = array<i32>} : memref<128x256xf32, #tpu.memory_space<vmem>>, vector<16xf32>,
      %get3A_261 = arith.index_cast %scan3A_257 : i32 to index
      %get3A_262 = arith.constant 16 : index
      %get3A_263 = tpu.vector_load %arg5[%get3A_261, %get3A_262] {strides = array<i32>} : memref<128x256xf32, #tpu.memory_space<vmem>>, vector<16xf32>,
      %get3A_264 = arith.index_cast %scan3A_257 : i32 to index
      %get3A_265 = arith.constant 32 : index
      %get3A_266 = tpu.vector_load %arg5[%get3A_264, %get3A_265] {strides = array<i32>} : memref<128x256xf32, #tpu.memory_space<vmem>>, vector<16xf32>,
      %get3A_267 = arith.index_cast %scan3A_257 : i32 to index
      %get3A_268 = arith.constant 48 : index
      %get3A_269 = tpu.vector_load %arg5[%get3A_267, %get3A_268] {strides = array<i32>} : memref<128x256xf32, #tpu.memory_space<vmem>>, vector<16xf32>,
      %get3A_270 = arith.index_cast %scan3A_257 : i32 to index
      %get3A_271 = arith.constant 64 : index
      %get3A_272 = tpu.vector_load %arg5[%get3A_270, %get3A_271] {strides = array<i32>} : memref<128x256xf32, #tpu.memory_space<vmem>>, vector<16xf32>,
      %get3A_273 = arith.index_cast %scan3A_257 : i32 to index
      %get3A_274 = arith.constant 80 : index
      %get3A_275 = tpu.vector_load %arg5[%get3A_273, %get3A_274] {strides = array<i32>} : memref<128x256xf32, #tpu.memory_space<vmem>>, vector<16xf32>,
      %get3A_276 = arith.index_cast %scan3A_257 : i32 to index
      %get3A_277 = arith.constant 96 : index
      %get3A_278 = tpu.vector_load %arg5[%get3A_276, %get3A_277] {strides = array<i32>} : memref<128x256xf32, #tpu.memory_space<vmem>>, vector<16xf32>,
      %get3A_279 = arith.index_cast %scan3A_257 : i32 to index
      %get3A_280 = arith.constant 112 : index
      %get3A_281 = tpu.vector_load %arg5[%get3A_279, %get3A_280] {strides = array<i32>} : memref<128x256xf32, #tpu.memory_space<vmem>>, vector<16xf32>,
      %get3A_282 = arith.index_cast %scan3A_257 : i32 to index
      %get3A_283 = arith.constant 128 : index
      %get3A_284 = tpu.vector_load %arg5[%get3A_282, %get3A_283] {strides = array<i32>} : memref<128x256xf32, #tpu.memory_space<vmem>>, vector<16xf32>,
      %get3A_285 = arith.index_cast %scan3A_257 : i32 to index
      %get3A_286 = arith.constant 144 : index
      %get3A_287 = tpu.vector_load %arg5[%get3A_285, %get3A_286] {strides = array<i32>} : memref<128x256xf32, #tpu.memory_space<vmem>>, vector<16xf32>,
      %get3A_288 = arith.index_cast %scan3A_257 : i32 to index
      %get3A_289 = arith.constant 160 : index
      %get3A_290 = tpu.vector_load %arg5[%get3A_288, %get3A_289] {strides = array<i32>} : memref<128x256xf32, #tpu.memory_space<vmem>>, vector<16xf32>,
      %get3A_291 = arith.index_cast %scan3A_257 : i32 to index
      %get3A_292 = arith.constant 176 : index
      %get3A_293 = tpu.vector_load %arg5[%get3A_291, %get3A_292] {strides = array<i32>} : memref<128x256xf32, #tpu.memory_space<vmem>>, vector<16xf32>,
      %get3A_294 = arith.index_cast %scan3A_257 : i32 to index
      %get3A_295 = arith.constant 192 : index
      %get3A_296 = tpu.vector_load %arg5[%get3A_294, %get3A_295] {strides = array<i32>} : memref<128x256xf32, #tpu.memory_space<vmem>>, vector<16xf32>,
      %get3A_297 = arith.index_cast %scan3A_257 : i32 to index
      %get3A_298 = arith.constant 208 : index
      %get3A_299 = tpu.vector_load %arg5[%get3A_297, %get3A_298] {strides = array<i32>} : memref<128x256xf32, #tpu.memory_space<vmem>>, vector<16xf32>,
      %get3A_300 = arith.index_cast %scan3A_257 : i32 to index
      %get3A_301 = arith.constant 224 : index
      %get3A_302 = tpu.vector_load %arg5[%get3A_300, %get3A_301] {strides = array<i32>} : memref<128x256xf32, #tpu.memory_space<vmem>>, vector<16xf32>,
      %get3A_303 = arith.index_cast %scan3A_257 : i32 to index
      %get3A_304 = arith.constant 240 : index
      %get3A_305 = tpu.vector_load %arg5[%get3A_303, %get3A_304] {strides = array<i32>} : memref<128x256xf32, #tpu.memory_space<vmem>>, vector<16xf32>,
      %convert_element_type3A_306 = arith.fptosi %get3A_260 : vector<16xf32> to vector<16xi32>
      %convert_element_type3A_307 = arith.fptosi %get3A_263 : vector<16xf32> to vector<16xi32>
      %convert_element_type3A_308 = arith.fptosi %get3A_266 : vector<16xf32> to vector<16xi32>
      %convert_element_type3A_309 = arith.fptosi %get3A_269 : vector<16xf32> to vector<16xi32>
      %convert_element_type3A_310 = arith.fptosi %get3A_272 : vector<16xf32> to vector<16xi32>
      %convert_element_type3A_311 = arith.fptosi %get3A_275 : vector<16xf32> to vector<16xi32>
      %convert_element_type3A_312 = arith.fptosi %get3A_278 : vector<16xf32> to vector<16xi32>
      %convert_element_type3A_313 = arith.fptosi %get3A_281 : vector<16xf32> to vector<16xi32>
      %convert_element_type3A_314 = arith.fptosi %get3A_284 : vector<16xf32> to vector<16xi32>
      %convert_element_type3A_315 = arith.fptosi %get3A_287 : vector<16xf32> to vector<16xi32>
      %convert_element_type3A_316 = arith.fptosi %get3A_290 : vector<16xf32> to vector<16xi32>
      %convert_element_type3A_317 = arith.fptosi %get3A_293 : vector<16xf32> to vector<16xi32>
      %convert_element_type3A_318 = arith.fptosi %get3A_296 : vector<16xf32> to vector<16xi32>
      %convert_element_type3A_319 = arith.fptosi %get3A_299 : vector<16xf32> to vector<16xi32>
      %convert_element_type3A_320 = arith.fptosi %get3A_302 : vector<16xf32> to vector<16xi32>
      %convert_element_type3A_321 = arith.fptosi %get3A_305 : vector<16xf32> to vector<16xi32>
      tpu.vector_store_idx %arg6[%iota3A, %convert_element_type3A_306], %broadcast_in_dim3A_3 {add = true} : memref<16x256xf32, #tpu.memory_space<vmem>>[vector<16xi32>, vector<16xi32>], vector<16xf32>,
      tpu.vector_store_idx %arg6[%iota3A, %convert_element_type3A_307], %broadcast_in_dim3A_3 {add = true} : memref<16x256xf32, #tpu.memory_space<vmem>>[vector<16xi32>, vector<16xi32>], vector<16xf32>,
      tpu.vector_store_idx %arg6[%iota3A, %convert_element_type3A_308], %broadcast_in_dim3A_3 {add = true} : memref<16x256xf32, #tpu.memory_space<vmem>>[vector<16xi32>, vector<16xi32>], vector<16xf32>,
      tpu.vector_store_idx %arg6[%iota3A, %convert_element_type3A_309], %broadcast_in_dim3A_3 {add = true} : memref<16x256xf32, #tpu.memory_space<vmem>>[vector<16xi32>, vector<16xi32>], vector<16xf32>,
      tpu.vector_store_idx %arg6[%iota3A, %convert_element_type3A_310], %broadcast_in_dim3A_3 {add = true} : memref<16x256xf32, #tpu.memory_space<vmem>>[vector<16xi32>, vector<16xi32>], vector<16xf32>,
      tpu.vector_store_idx %arg6[%iota3A, %convert_element_type3A_311], %broadcast_in_dim3A_3 {add = true} : memref<16x256xf32, #tpu.memory_space<vmem>>[vector<16xi32>, vector<16xi32>], vector<16xf32>,
      tpu.vector_store_idx %arg6[%iota3A, %convert_element_type3A_312], %broadcast_in_dim3A_3 {add = true} : memref<16x256xf32, #tpu.memory_space<vmem>>[vector<16xi32>, vector<16xi32>], vector<16xf32>,
      tpu.vector_store_idx %arg6[%iota3A, %convert_element_type3A_313], %broadcast_in_dim3A_3 {add = true} : memref<16x256xf32, #tpu.memory_space<vmem>>[vector<16xi32>, vector<16xi32>], vector<16xf32>,
      tpu.vector_store_idx %arg6[%iota3A, %convert_element_type3A_314], %broadcast_in_dim3A_3 {add = true} : memref<16x256xf32, #tpu.memory_space<vmem>>[vector<16xi32>, vector<16xi32>], vector<16xf32>,
      tpu.vector_store_idx %arg6[%iota3A, %convert_element_type3A_315], %broadcast_in_dim3A_3 {add = true} : memref<16x256xf32, #tpu.memory_space<vmem>>[vector<16xi32>, vector<16xi32>], vector<16xf32>,
      tpu.vector_store_idx %arg6[%iota3A, %convert_element_type3A_316], %broadcast_in_dim3A_3 {add = true} : memref<16x256xf32, #tpu.memory_space<vmem>>[vector<16xi32>, vector<16xi32>], vector<16xf32>,
      tpu.vector_store_idx %arg6[%iota3A, %convert_element_type3A_317], %broadcast_in_dim3A_3 {add = true} : memref<16x256xf32, #tpu.memory_space<vmem>>[vector<16xi32>, vector<16xi32>], vector<16xf32>,
      tpu.vector_store_idx %arg6[%iota3A, %convert_element_type3A_318], %broadcast_in_dim3A_3 {add = true} : memref<16x256xf32, #tpu.memory_space<vmem>>[vector<16xi32>, vector<16xi32>], vector<16xf32>,
      tpu.vector_store_idx %arg6[%iota3A, %convert_element_type3A_319], %broadcast_in_dim3A_3 {add = true} : memref<16x256xf32, #tpu.memory_space<vmem>>[vector<16xi32>, vector<16xi32>], vector<16xf32>,
      tpu.vector_store_idx %arg6[%iota3A, %convert_element_type3A_320], %broadcast_in_dim3A_3 {add = true} : memref<16x256xf32, #tpu.memory_space<vmem>>[vector<16xi32>, vector<16xi32>], vector<16xf32>,
      tpu.vector_store_idx %arg6[%iota3A, %convert_element_type3A_321], %broadcast_in_dim3A_3 {add = true} : memref<16x256xf32, #tpu.memory_space<vmem>>[vector<16xi32>, vector<16xi32>], vector<16xf32>,
    }
    %scan3A_43 = arith.constant 128 : i32
    %add3A_44 = arith.constant 384 : i32
    %add3A_45 = arith.addi %mul3A_2, %add3A_44 : i32
    %dma_start3A_46 = arith.constant 0 : i32
    %dma_start3A_47 = tpu.memref_slice %arg2[%add3A_45, %dma_start3A_46] : memref<49152x256xf32, #tpu.memory_space<hbm>> -> memref<128x256xf32, #tpu.memory_space<hbm>>
    %dma_start3A_48 = arith.constant 0 : i32
    %dma_start3A_49 = tpu.memref_slice %arg2[%add3A_45, %dma_start3A_48] : memref<49152x256xf32, #tpu.memory_space<hbm>> -> memref<128x256xf32, #tpu.memory_space<hbm>>
    tpu.enqueue_dma source(%dma_start3A_49 : memref<128x256xf32, #tpu.memory_space<hbm>>) target(%arg5 : memref<128x256xf32, #tpu.memory_space<vmem>>) target_semaphore(%arg9 : memref<!tpu.dma_semaphore, #tpu.memory_space<semaphore_mem>>)
    %dma_wait3A_50 = arith.constant 0 : i32
    %dma_wait3A_51 = tpu.memref_slice %arg2[%add3A_30, %dma_wait3A_50] : memref<49152x256xf32, #tpu.memory_space<hbm>> -> memref<128x256xf32, #tpu.memory_space<hbm>>
    %dma_wait3A_52 = arith.constant 0 : i32
    %dma_wait3A_53 = tpu.memref_slice %arg2[%add3A_30, %dma_wait3A_52] : memref<49152x256xf32, #tpu.memory_space<hbm>> -> memref<128x256xf32, #tpu.memory_space<hbm>>
    tpu.wait_dma2 semaphore(%arg8 : memref<!tpu.dma_semaphore, #tpu.memory_space<semaphore_mem>>) src(%dma_wait3A_53 : memref<128x256xf32, #tpu.memory_space<hbm>>) dst(%arg4 : memref<128x256xf32, #tpu.memory_space<vmem>>)
    %scan3A_54 = arith.constant 0 : i32
    %scan3A_55 = arith.constant 128 : i32
    %scan3A_56 = arith.addi %scan3A_54, %scan3A_55 : i32
    %scan3A_57 = arith.constant 2 : i32
    scf.for %scan3A_193 = %scan3A_54 to %scan3A_56 step %scan3A_57  : i32 {
      %get3A = arith.index_cast %scan3A_193 : i32 to index
      %get3A_194 = arith.constant 0 : index
      %get3A_195 = tpu.vector_load %arg4[%get3A, %get3A_194] {strides = array<i32>} : memref<128x256xf32, #tpu.memory_space<vmem>>, vector<16xf32>,
      %get3A_196 = arith.index_cast %scan3A_193 : i32 to index
      %get3A_197 = arith.constant 16 : index
      %get3A_198 = tpu.vector_load %arg4[%get3A_196, %get3A_197] {strides = array<i32>} : memref<128x256xf32, #tpu.memory_space<vmem>>, vector<16xf32>,
      %get3A_199 = arith.index_cast %scan3A_193 : i32 to index
      %get3A_200 = arith.constant 32 : index
      %get3A_201 = tpu.vector_load %arg4[%get3A_199, %get3A_200] {strides = array<i32>} : memref<128x256xf32, #tpu.memory_space<vmem>>, vector<16xf32>,
      %get3A_202 = arith.index_cast %scan3A_193 : i32 to index
      %get3A_203 = arith.constant 48 : index
      %get3A_204 = tpu.vector_load %arg4[%get3A_202, %get3A_203] {strides = array<i32>} : memref<128x256xf32, #tpu.memory_space<vmem>>, vector<16xf32>,
      %get3A_205 = arith.index_cast %scan3A_193 : i32 to index
      %get3A_206 = arith.constant 64 : index
      %get3A_207 = tpu.vector_load %arg4[%get3A_205, %get3A_206] {strides = array<i32>} : memref<128x256xf32, #tpu.memory_space<vmem>>, vector<16xf32>,
      %get3A_208 = arith.index_cast %scan3A_193 : i32 to index
      %get3A_209 = arith.constant 80 : index
      %get3A_210 = tpu.vector_load %arg4[%get3A_208, %get3A_209] {strides = array<i32>} : memref<128x256xf32, #tpu.memory_space<vmem>>, vector<16xf32>,
      %get3A_211 = arith.index_cast %scan3A_193 : i32 to index
      %get3A_212 = arith.constant 96 : index
      %get3A_213 = tpu.vector_load %arg4[%get3A_211, %get3A_212] {strides = array<i32>} : memref<128x256xf32, #tpu.memory_space<vmem>>, vector<16xf32>,
      %get3A_214 = arith.index_cast %scan3A_193 : i32 to index
      %get3A_215 = arith.constant 112 : index
      %get3A_216 = tpu.vector_load %arg4[%get3A_214, %get3A_215] {strides = array<i32>} : memref<128x256xf32, #tpu.memory_space<vmem>>, vector<16xf32>,
      %get3A_217 = arith.index_cast %scan3A_193 : i32 to index
      %get3A_218 = arith.constant 128 : index
      %get3A_219 = tpu.vector_load %arg4[%get3A_217, %get3A_218] {strides = array<i32>} : memref<128x256xf32, #tpu.memory_space<vmem>>, vector<16xf32>,
      %get3A_220 = arith.index_cast %scan3A_193 : i32 to index
      %get3A_221 = arith.constant 144 : index
      %get3A_222 = tpu.vector_load %arg4[%get3A_220, %get3A_221] {strides = array<i32>} : memref<128x256xf32, #tpu.memory_space<vmem>>, vector<16xf32>,
      %get3A_223 = arith.index_cast %scan3A_193 : i32 to index
      %get3A_224 = arith.constant 160 : index
      %get3A_225 = tpu.vector_load %arg4[%get3A_223, %get3A_224] {strides = array<i32>} : memref<128x256xf32, #tpu.memory_space<vmem>>, vector<16xf32>,
      %get3A_226 = arith.index_cast %scan3A_193 : i32 to index
      %get3A_227 = arith.constant 176 : index
      %get3A_228 = tpu.vector_load %arg4[%get3A_226, %get3A_227] {strides = array<i32>} : memref<128x256xf32, #tpu.memory_space<vmem>>, vector<16xf32>,
      %get3A_229 = arith.index_cast %scan3A_193 : i32 to index
      %get3A_230 = arith.constant 192 : index
      %get3A_231 = tpu.vector_load %arg4[%get3A_229, %get3A_230] {strides = array<i32>} : memref<128x256xf32, #tpu.memory_space<vmem>>, vector<16xf32>,
      %get3A_232 = arith.index_cast %scan3A_193 : i32 to index
      %get3A_233 = arith.constant 208 : index
      %get3A_234 = tpu.vector_load %arg4[%get3A_232, %get3A_233] {strides = array<i32>} : memref<128x256xf32, #tpu.memory_space<vmem>>, vector<16xf32>,
      %get3A_235 = arith.index_cast %scan3A_193 : i32 to index
      %get3A_236 = arith.constant 224 : index
      %get3A_237 = tpu.vector_load %arg4[%get3A_235, %get3A_236] {strides = array<i32>} : memref<128x256xf32, #tpu.memory_space<vmem>>, vector<16xf32>,
      %get3A_238 = arith.index_cast %scan3A_193 : i32 to index
      %get3A_239 = arith.constant 240 : index
      %get3A_240 = tpu.vector_load %arg4[%get3A_238, %get3A_239] {strides = array<i32>} : memref<128x256xf32, #tpu.memory_space<vmem>>, vector<16xf32>,
      %convert_element_type3A = arith.fptosi %get3A_195 : vector<16xf32> to vector<16xi32>
      %convert_element_type3A_241 = arith.fptosi %get3A_198 : vector<16xf32> to vector<16xi32>
      %convert_element_type3A_242 = arith.fptosi %get3A_201 : vector<16xf32> to vector<16xi32>
      %convert_element_type3A_243 = arith.fptosi %get3A_204 : vector<16xf32> to vector<16xi32>
      %convert_element_type3A_244 = arith.fptosi %get3A_207 : vector<16xf32> to vector<16xi32>
      %convert_element_type3A_245 = arith.fptosi %get3A_210 : vector<16xf32> to vector<16xi32>
      %convert_element_type3A_246 = arith.fptosi %get3A_213 : vector<16xf32> to vector<16xi32>
      %convert_element_type3A_247 = arith.fptosi %get3A_216 : vector<16xf32> to vector<16xi32>
      %convert_element_type3A_248 = arith.fptosi %get3A_219 : vector<16xf32> to vector<16xi32>
      %convert_element_type3A_249 = arith.fptosi %get3A_222 : vector<16xf32> to vector<16xi32>
      %convert_element_type3A_250 = arith.fptosi %get3A_225 : vector<16xf32> to vector<16xi32>
      %convert_element_type3A_251 = arith.fptosi %get3A_228 : vector<16xf32> to vector<16xi32>
      %convert_element_type3A_252 = arith.fptosi %get3A_231 : vector<16xf32> to vector<16xi32>
      %convert_element_type3A_253 = arith.fptosi %get3A_234 : vector<16xf32> to vector<16xi32>
      %convert_element_type3A_254 = arith.fptosi %get3A_237 : vector<16xf32> to vector<16xi32>
      %convert_element_type3A_255 = arith.fptosi %get3A_240 : vector<16xf32> to vector<16xi32>
      tpu.vector_store_idx %arg6[%iota3A, %convert_element_type3A], %broadcast_in_dim3A_3 {add = true} : memref<16x256xf32, #tpu.memory_space<vmem>>[vector<16xi32>, vector<16xi32>], vector<16xf32>,
      tpu.vector_store_idx %arg6[%iota3A, %convert_element_type3A_241], %broadcast_in_dim3A_3 {add = true} : memref<16x256xf32, #tpu.memory_space<vmem>>[vector<16xi32>, vector<16xi32>], vector<16xf32>,
      tpu.vector_store_idx %arg6[%iota3A, %convert_element_type3A_242], %broadcast_in_dim3A_3 {add = true} : memref<16x256xf32, #tpu.memory_space<vmem>>[vector<16xi32>, vector<16xi32>], vector<16xf32>,
      tpu.vector_store_idx %arg6[%iota3A, %convert_element_type3A_243], %broadcast_in_dim3A_3 {add = true} : memref<16x256xf32, #tpu.memory_space<vmem>>[vector<16xi32>, vector<16xi32>], vector<16xf32>,
      tpu.vector_store_idx %arg6[%iota3A, %convert_element_type3A_244], %broadcast_in_dim3A_3 {add = true} : memref<16x256xf32, #tpu.memory_space<vmem>>[vector<16xi32>, vector<16xi32>], vector<16xf32>,
      tpu.vector_store_idx %arg6[%iota3A, %convert_element_type3A_245], %broadcast_in_dim3A_3 {add = true} : memref<16x256xf32, #tpu.memory_space<vmem>>[vector<16xi32>, vector<16xi32>], vector<16xf32>,
      tpu.vector_store_idx %arg6[%iota3A, %convert_element_type3A_246], %broadcast_in_dim3A_3 {add = true} : memref<16x256xf32, #tpu.memory_space<vmem>>[vector<16xi32>, vector<16xi32>], vector<16xf32>,
      tpu.vector_store_idx %arg6[%iota3A, %convert_element_type3A_247], %broadcast_in_dim3A_3 {add = true} : memref<16x256xf32, #tpu.memory_space<vmem>>[vector<16xi32>, vector<16xi32>], vector<16xf32>,
      tpu.vector_store_idx %arg6[%iota3A, %convert_element_type3A_248], %broadcast_in_dim3A_3 {add = true} : memref<16x256xf32, #tpu.memory_space<vmem>>[vector<16xi32>, vector<16xi32>], vector<16xf32>,
      tpu.vector_store_idx %arg6[%iota3A, %convert_element_type3A_249], %broadcast_in_dim3A_3 {add = true} : memref<16x256xf32, #tpu.memory_space<vmem>>[vector<16xi32>, vector<16xi32>], vector<16xf32>,
      tpu.vector_store_idx %arg6[%iota3A, %convert_element_type3A_250], %broadcast_in_dim3A_3 {add = true} : memref<16x256xf32, #tpu.memory_space<vmem>>[vector<16xi32>, vector<16xi32>], vector<16xf32>,
      tpu.vector_store_idx %arg6[%iota3A, %convert_element_type3A_251], %broadcast_in_dim3A_3 {add = true} : memref<16x256xf32, #tpu.memory_space<vmem>>[vector<16xi32>, vector<16xi32>], vector<16xf32>,
      tpu.vector_store_idx %arg6[%iota3A, %convert_element_type3A_252], %broadcast_in_dim3A_3 {add = true} : memref<16x256xf32, #tpu.memory_space<vmem>>[vector<16xi32>, vector<16xi32>], vector<16xf32>,
      tpu.vector_store_idx %arg6[%iota3A, %convert_element_type3A_253], %broadcast_in_dim3A_3 {add = true} : memref<16x256xf32, #tpu.memory_space<vmem>>[vector<16xi32>, vector<16xi32>], vector<16xf32>,
      tpu.vector_store_idx %arg6[%iota3A, %convert_element_type3A_254], %broadcast_in_dim3A_3 {add = true} : memref<16x256xf32, #tpu.memory_space<vmem>>[vector<16xi32>, vector<16xi32>], vector<16xf32>,
      tpu.vector_store_idx %arg6[%iota3A, %convert_element_type3A_255], %broadcast_in_dim3A_3 {add = true} : memref<16x256xf32, #tpu.memory_space<vmem>>[vector<16xi32>, vector<16xi32>], vector<16xf32>,
      %scan3A_256 = arith.constant 1 : i32
      %scan3A_257 = arith.addi %scan3A_193, %scan3A_256 : i32
      %get3A_258 = arith.index_cast %scan3A_257 : i32 to index
      %get3A_259 = arith.constant 0 : index
      %get3A_260 = tpu.vector_load %arg4[%get3A_258, %get3A_259] {strides = array<i32>} : memref<128x256xf32, #tpu.memory_space<vmem>>, vector<16xf32>,
      %get3A_261 = arith.index_cast %scan3A_257 : i32 to index
      %get3A_262 = arith.constant 16 : index
      %get3A_263 = tpu.vector_load %arg4[%get3A_261, %get3A_262] {strides = array<i32>} : memref<128x256xf32, #tpu.memory_space<vmem>>, vector<16xf32>,
      %get3A_264 = arith.index_cast %scan3A_257 : i32 to index
      %get3A_265 = arith.constant 32 : index
      %get3A_266 = tpu.vector_load %arg4[%get3A_264, %get3A_265] {strides = array<i32>} : memref<128x256xf32, #tpu.memory_space<vmem>>, vector<16xf32>,
      %get3A_267 = arith.index_cast %scan3A_257 : i32 to index
      %get3A_268 = arith.constant 48 : index
      %get3A_269 = tpu.vector_load %arg4[%get3A_267, %get3A_268] {strides = array<i32>} : memref<128x256xf32, #tpu.memory_space<vmem>>, vector<16xf32>,
      %get3A_270 = arith.index_cast %scan3A_257 : i32 to index
      %get3A_271 = arith.constant 64 : index
      %get3A_272 = tpu.vector_load %arg4[%get3A_270, %get3A_271] {strides = array<i32>} : memref<128x256xf32, #tpu.memory_space<vmem>>, vector<16xf32>,
      %get3A_273 = arith.index_cast %scan3A_257 : i32 to index
      %get3A_274 = arith.constant 80 : index
      %get3A_275 = tpu.vector_load %arg4[%get3A_273, %get3A_274] {strides = array<i32>} : memref<128x256xf32, #tpu.memory_space<vmem>>, vector<16xf32>,
      %get3A_276 = arith.index_cast %scan3A_257 : i32 to index
      %get3A_277 = arith.constant 96 : index
      %get3A_278 = tpu.vector_load %arg4[%get3A_276, %get3A_277] {strides = array<i32>} : memref<128x256xf32, #tpu.memory_space<vmem>>, vector<16xf32>,
      %get3A_279 = arith.index_cast %scan3A_257 : i32 to index
      %get3A_280 = arith.constant 112 : index
      %get3A_281 = tpu.vector_load %arg4[%get3A_279, %get3A_280] {strides = array<i32>} : memref<128x256xf32, #tpu.memory_space<vmem>>, vector<16xf32>,
      %get3A_282 = arith.index_cast %scan3A_257 : i32 to index
      %get3A_283 = arith.constant 128 : index
      %get3A_284 = tpu.vector_load %arg4[%get3A_282, %get3A_283] {strides = array<i32>} : memref<128x256xf32, #tpu.memory_space<vmem>>, vector<16xf32>,
      %get3A_285 = arith.index_cast %scan3A_257 : i32 to index
      %get3A_286 = arith.constant 144 : index
      %get3A_287 = tpu.vector_load %arg4[%get3A_285, %get3A_286] {strides = array<i32>} : memref<128x256xf32, #tpu.memory_space<vmem>>, vector<16xf32>,
      %get3A_288 = arith.index_cast %scan3A_257 : i32 to index
      %get3A_289 = arith.constant 160 : index
      %get3A_290 = tpu.vector_load %arg4[%get3A_288, %get3A_289] {strides = array<i32>} : memref<128x256xf32, #tpu.memory_space<vmem>>, vector<16xf32>,
      %get3A_291 = arith.index_cast %scan3A_257 : i32 to index
      %get3A_292 = arith.constant 176 : index
      %get3A_293 = tpu.vector_load %arg4[%get3A_291, %get3A_292] {strides = array<i32>} : memref<128x256xf32, #tpu.memory_space<vmem>>, vector<16xf32>,
      %get3A_294 = arith.index_cast %scan3A_257 : i32 to index
      %get3A_295 = arith.constant 192 : index
      %get3A_296 = tpu.vector_load %arg4[%get3A_294, %get3A_295] {strides = array<i32>} : memref<128x256xf32, #tpu.memory_space<vmem>>, vector<16xf32>,
      %get3A_297 = arith.index_cast %scan3A_257 : i32 to index
      %get3A_298 = arith.constant 208 : index
      %get3A_299 = tpu.vector_load %arg4[%get3A_297, %get3A_298] {strides = array<i32>} : memref<128x256xf32, #tpu.memory_space<vmem>>, vector<16xf32>,
      %get3A_300 = arith.index_cast %scan3A_257 : i32 to index
      %get3A_301 = arith.constant 224 : index
      %get3A_302 = tpu.vector_load %arg4[%get3A_300, %get3A_301] {strides = array<i32>} : memref<128x256xf32, #tpu.memory_space<vmem>>, vector<16xf32>,
      %get3A_303 = arith.index_cast %scan3A_257 : i32 to index
      %get3A_304 = arith.constant 240 : index
      %get3A_305 = tpu.vector_load %arg4[%get3A_303, %get3A_304] {strides = array<i32>} : memref<128x256xf32, #tpu.memory_space<vmem>>, vector<16xf32>,
      %convert_element_type3A_306 = arith.fptosi %get3A_260 : vector<16xf32> to vector<16xi32>
      %convert_element_type3A_307 = arith.fptosi %get3A_263 : vector<16xf32> to vector<16xi32>
      %convert_element_type3A_308 = arith.fptosi %get3A_266 : vector<16xf32> to vector<16xi32>
      %convert_element_type3A_309 = arith.fptosi %get3A_269 : vector<16xf32> to vector<16xi32>
      %convert_element_type3A_310 = arith.fptosi %get3A_272 : vector<16xf32> to vector<16xi32>
      %convert_element_type3A_311 = arith.fptosi %get3A_275 : vector<16xf32> to vector<16xi32>
      %convert_element_type3A_312 = arith.fptosi %get3A_278 : vector<16xf32> to vector<16xi32>
      %convert_element_type3A_313 = arith.fptosi %get3A_281 : vector<16xf32> to vector<16xi32>
      %convert_element_type3A_314 = arith.fptosi %get3A_284 : vector<16xf32> to vector<16xi32>
      %convert_element_type3A_315 = arith.fptosi %get3A_287 : vector<16xf32> to vector<16xi32>
      %convert_element_type3A_316 = arith.fptosi %get3A_290 : vector<16xf32> to vector<16xi32>
      %convert_element_type3A_317 = arith.fptosi %get3A_293 : vector<16xf32> to vector<16xi32>
      %convert_element_type3A_318 = arith.fptosi %get3A_296 : vector<16xf32> to vector<16xi32>
      %convert_element_type3A_319 = arith.fptosi %get3A_299 : vector<16xf32> to vector<16xi32>
      %convert_element_type3A_320 = arith.fptosi %get3A_302 : vector<16xf32> to vector<16xi32>
      %convert_element_type3A_321 = arith.fptosi %get3A_305 : vector<16xf32> to vector<16xi32>
      tpu.vector_store_idx %arg6[%iota3A, %convert_element_type3A_306], %broadcast_in_dim3A_3 {add = true} : memref<16x256xf32, #tpu.memory_space<vmem>>[vector<16xi32>, vector<16xi32>], vector<16xf32>,
      tpu.vector_store_idx %arg6[%iota3A, %convert_element_type3A_307], %broadcast_in_dim3A_3 {add = true} : memref<16x256xf32, #tpu.memory_space<vmem>>[vector<16xi32>, vector<16xi32>], vector<16xf32>,
      tpu.vector_store_idx %arg6[%iota3A, %convert_element_type3A_308], %broadcast_in_dim3A_3 {add = true} : memref<16x256xf32, #tpu.memory_space<vmem>>[vector<16xi32>, vector<16xi32>], vector<16xf32>,
      tpu.vector_store_idx %arg6[%iota3A, %convert_element_type3A_309], %broadcast_in_dim3A_3 {add = true} : memref<16x256xf32, #tpu.memory_space<vmem>>[vector<16xi32>, vector<16xi32>], vector<16xf32>,
      tpu.vector_store_idx %arg6[%iota3A, %convert_element_type3A_310], %broadcast_in_dim3A_3 {add = true} : memref<16x256xf32, #tpu.memory_space<vmem>>[vector<16xi32>, vector<16xi32>], vector<16xf32>,
      tpu.vector_store_idx %arg6[%iota3A, %convert_element_type3A_311], %broadcast_in_dim3A_3 {add = true} : memref<16x256xf32, #tpu.memory_space<vmem>>[vector<16xi32>, vector<16xi32>], vector<16xf32>,
      tpu.vector_store_idx %arg6[%iota3A, %convert_element_type3A_312], %broadcast_in_dim3A_3 {add = true} : memref<16x256xf32, #tpu.memory_space<vmem>>[vector<16xi32>, vector<16xi32>], vector<16xf32>,
      tpu.vector_store_idx %arg6[%iota3A, %convert_element_type3A_313], %broadcast_in_dim3A_3 {add = true} : memref<16x256xf32, #tpu.memory_space<vmem>>[vector<16xi32>, vector<16xi32>], vector<16xf32>,
      tpu.vector_store_idx %arg6[%iota3A, %convert_element_type3A_314], %broadcast_in_dim3A_3 {add = true} : memref<16x256xf32, #tpu.memory_space<vmem>>[vector<16xi32>, vector<16xi32>], vector<16xf32>,
      tpu.vector_store_idx %arg6[%iota3A, %convert_element_type3A_315], %broadcast_in_dim3A_3 {add = true} : memref<16x256xf32, #tpu.memory_space<vmem>>[vector<16xi32>, vector<16xi32>], vector<16xf32>,
      tpu.vector_store_idx %arg6[%iota3A, %convert_element_type3A_316], %broadcast_in_dim3A_3 {add = true} : memref<16x256xf32, #tpu.memory_space<vmem>>[vector<16xi32>, vector<16xi32>], vector<16xf32>,
      tpu.vector_store_idx %arg6[%iota3A, %convert_element_type3A_317], %broadcast_in_dim3A_3 {add = true} : memref<16x256xf32, #tpu.memory_space<vmem>>[vector<16xi32>, vector<16xi32>], vector<16xf32>,
      tpu.vector_store_idx %arg6[%iota3A, %convert_element_type3A_318], %broadcast_in_dim3A_3 {add = true} : memref<16x256xf32, #tpu.memory_space<vmem>>[vector<16xi32>, vector<16xi32>], vector<16xf32>,
      tpu.vector_store_idx %arg6[%iota3A, %convert_element_type3A_319], %broadcast_in_dim3A_3 {add = true} : memref<16x256xf32, #tpu.memory_space<vmem>>[vector<16xi32>, vector<16xi32>], vector<16xf32>,
      tpu.vector_store_idx %arg6[%iota3A, %convert_element_type3A_320], %broadcast_in_dim3A_3 {add = true} : memref<16x256xf32, #tpu.memory_space<vmem>>[vector<16xi32>, vector<16xi32>], vector<16xf32>,
      tpu.vector_store_idx %arg6[%iota3A, %convert_element_type3A_321], %broadcast_in_dim3A_3 {add = true} : memref<16x256xf32, #tpu.memory_space<vmem>>[vector<16xi32>, vector<16xi32>], vector<16xf32>,
    }
    %scan3A_58 = arith.constant 128 : i32
    %add3A_59 = arith.constant 512 : i32
    %add3A_60 = arith.addi %mul3A_2, %add3A_59 : i32
    %dma_start3A_61 = arith.constant 0 : i32
    %dma_start3A_62 = tpu.memref_slice %arg2[%add3A_60, %dma_start3A_61] : memref<49152x256xf32, #tpu.memory_space<hbm>> -> memref<128x256xf32, #tpu.memory_space<hbm>>
    %dma_start3A_63 = arith.constant 0 : i32
    %dma_start3A_64 = tpu.memref_slice %arg2[%add3A_60, %dma_start3A_63] : memref<49152x256xf32, #tpu.memory_space<hbm>> -> memref<128x256xf32, #tpu.memory_space<hbm>>
    tpu.enqueue_dma source(%dma_start3A_64 : memref<128x256xf32, #tpu.memory_space<hbm>>) target(%arg4 : memref<128x256xf32, #tpu.memory_space<vmem>>) target_semaphore(%arg8 : memref<!tpu.dma_semaphore, #tpu.memory_space<semaphore_mem>>)
    %dma_wait3A_65 = arith.constant 0 : i32
    %dma_wait3A_66 = tpu.memref_slice %arg2[%add3A_45, %dma_wait3A_65] : memref<49152x256xf32, #tpu.memory_space<hbm>> -> memref<128x256xf32, #tpu.memory_space<hbm>>
    %dma_wait3A_67 = arith.constant 0 : i32
    %dma_wait3A_68 = tpu.memref_slice %arg2[%add3A_45, %dma_wait3A_67] : memref<49152x256xf32, #tpu.memory_space<hbm>> -> memref<128x256xf32, #tpu.memory_space<hbm>>
    tpu.wait_dma2 semaphore(%arg9 : memref<!tpu.dma_semaphore, #tpu.memory_space<semaphore_mem>>) src(%dma_wait3A_68 : memref<128x256xf32, #tpu.memory_space<hbm>>) dst(%arg5 : memref<128x256xf32, #tpu.memory_space<vmem>>)
    %scan3A_69 = arith.constant 0 : i32
    %scan3A_70 = arith.constant 128 : i32
    %scan3A_71 = arith.addi %scan3A_69, %scan3A_70 : i32
    %scan3A_72 = arith.constant 2 : i32
    scf.for %scan3A_193 = %scan3A_69 to %scan3A_71 step %scan3A_72  : i32 {
      %get3A = arith.index_cast %scan3A_193 : i32 to index
      %get3A_194 = arith.constant 0 : index
      %get3A_195 = tpu.vector_load %arg5[%get3A, %get3A_194] {strides = array<i32>} : memref<128x256xf32, #tpu.memory_space<vmem>>, vector<16xf32>,
      %get3A_196 = arith.index_cast %scan3A_193 : i32 to index
      %get3A_197 = arith.constant 16 : index
      %get3A_198 = tpu.vector_load %arg5[%get3A_196, %get3A_197] {strides = array<i32>} : memref<128x256xf32, #tpu.memory_space<vmem>>, vector<16xf32>,
      %get3A_199 = arith.index_cast %scan3A_193 : i32 to index
      %get3A_200 = arith.constant 32 : index
      %get3A_201 = tpu.vector_load %arg5[%get3A_199, %get3A_200] {strides = array<i32>} : memref<128x256xf32, #tpu.memory_space<vmem>>, vector<16xf32>,
      %get3A_202 = arith.index_cast %scan3A_193 : i32 to index
      %get3A_203 = arith.constant 48 : index
      %get3A_204 = tpu.vector_load %arg5[%get3A_202, %get3A_203] {strides = array<i32>} : memref<128x256xf32, #tpu.memory_space<vmem>>, vector<16xf32>,
      %get3A_205 = arith.index_cast %scan3A_193 : i32 to index
      %get3A_206 = arith.constant 64 : index
      %get3A_207 = tpu.vector_load %arg5[%get3A_205, %get3A_206] {strides = array<i32>} : memref<128x256xf32, #tpu.memory_space<vmem>>, vector<16xf32>,
      %get3A_208 = arith.index_cast %scan3A_193 : i32 to index
      %get3A_209 = arith.constant 80 : index
      %get3A_210 = tpu.vector_load %arg5[%get3A_208, %get3A_209] {strides = array<i32>} : memref<128x256xf32, #tpu.memory_space<vmem>>, vector<16xf32>,
      %get3A_211 = arith.index_cast %scan3A_193 : i32 to index
      %get3A_212 = arith.constant 96 : index
      %get3A_213 = tpu.vector_load %arg5[%get3A_211, %get3A_212] {strides = array<i32>} : memref<128x256xf32, #tpu.memory_space<vmem>>, vector<16xf32>,
      %get3A_214 = arith.index_cast %scan3A_193 : i32 to index
      %get3A_215 = arith.constant 112 : index
      %get3A_216 = tpu.vector_load %arg5[%get3A_214, %get3A_215] {strides = array<i32>} : memref<128x256xf32, #tpu.memory_space<vmem>>, vector<16xf32>,
      %get3A_217 = arith.index_cast %scan3A_193 : i32 to index
      %get3A_218 = arith.constant 128 : index
      %get3A_219 = tpu.vector_load %arg5[%get3A_217, %get3A_218] {strides = array<i32>} : memref<128x256xf32, #tpu.memory_space<vmem>>, vector<16xf32>,
      %get3A_220 = arith.index_cast %scan3A_193 : i32 to index
      %get3A_221 = arith.constant 144 : index
      %get3A_222 = tpu.vector_load %arg5[%get3A_220, %get3A_221] {strides = array<i32>} : memref<128x256xf32, #tpu.memory_space<vmem>>, vector<16xf32>,
      %get3A_223 = arith.index_cast %scan3A_193 : i32 to index
      %get3A_224 = arith.constant 160 : index
      %get3A_225 = tpu.vector_load %arg5[%get3A_223, %get3A_224] {strides = array<i32>} : memref<128x256xf32, #tpu.memory_space<vmem>>, vector<16xf32>,
      %get3A_226 = arith.index_cast %scan3A_193 : i32 to index
      %get3A_227 = arith.constant 176 : index
      %get3A_228 = tpu.vector_load %arg5[%get3A_226, %get3A_227] {strides = array<i32>} : memref<128x256xf32, #tpu.memory_space<vmem>>, vector<16xf32>,
      %get3A_229 = arith.index_cast %scan3A_193 : i32 to index
      %get3A_230 = arith.constant 192 : index
      %get3A_231 = tpu.vector_load %arg5[%get3A_229, %get3A_230] {strides = array<i32>} : memref<128x256xf32, #tpu.memory_space<vmem>>, vector<16xf32>,
      %get3A_232 = arith.index_cast %scan3A_193 : i32 to index
      %get3A_233 = arith.constant 208 : index
      %get3A_234 = tpu.vector_load %arg5[%get3A_232, %get3A_233] {strides = array<i32>} : memref<128x256xf32, #tpu.memory_space<vmem>>, vector<16xf32>,
      %get3A_235 = arith.index_cast %scan3A_193 : i32 to index
      %get3A_236 = arith.constant 224 : index
      %get3A_237 = tpu.vector_load %arg5[%get3A_235, %get3A_236] {strides = array<i32>} : memref<128x256xf32, #tpu.memory_space<vmem>>, vector<16xf32>,
      %get3A_238 = arith.index_cast %scan3A_193 : i32 to index
      %get3A_239 = arith.constant 240 : index
      %get3A_240 = tpu.vector_load %arg5[%get3A_238, %get3A_239] {strides = array<i32>} : memref<128x256xf32, #tpu.memory_space<vmem>>, vector<16xf32>,
      %convert_element_type3A = arith.fptosi %get3A_195 : vector<16xf32> to vector<16xi32>
      %convert_element_type3A_241 = arith.fptosi %get3A_198 : vector<16xf32> to vector<16xi32>
      %convert_element_type3A_242 = arith.fptosi %get3A_201 : vector<16xf32> to vector<16xi32>
      %convert_element_type3A_243 = arith.fptosi %get3A_204 : vector<16xf32> to vector<16xi32>
      %convert_element_type3A_244 = arith.fptosi %get3A_207 : vector<16xf32> to vector<16xi32>
      %convert_element_type3A_245 = arith.fptosi %get3A_210 : vector<16xf32> to vector<16xi32>
      %convert_element_type3A_246 = arith.fptosi %get3A_213 : vector<16xf32> to vector<16xi32>
      %convert_element_type3A_247 = arith.fptosi %get3A_216 : vector<16xf32> to vector<16xi32>
      %convert_element_type3A_248 = arith.fptosi %get3A_219 : vector<16xf32> to vector<16xi32>
      %convert_element_type3A_249 = arith.fptosi %get3A_222 : vector<16xf32> to vector<16xi32>
      %convert_element_type3A_250 = arith.fptosi %get3A_225 : vector<16xf32> to vector<16xi32>
      %convert_element_type3A_251 = arith.fptosi %get3A_228 : vector<16xf32> to vector<16xi32>
      %convert_element_type3A_252 = arith.fptosi %get3A_231 : vector<16xf32> to vector<16xi32>
      %convert_element_type3A_253 = arith.fptosi %get3A_234 : vector<16xf32> to vector<16xi32>
      %convert_element_type3A_254 = arith.fptosi %get3A_237 : vector<16xf32> to vector<16xi32>
      %convert_element_type3A_255 = arith.fptosi %get3A_240 : vector<16xf32> to vector<16xi32>
      tpu.vector_store_idx %arg6[%iota3A, %convert_element_type3A], %broadcast_in_dim3A_3 {add = true} : memref<16x256xf32, #tpu.memory_space<vmem>>[vector<16xi32>, vector<16xi32>], vector<16xf32>,
      tpu.vector_store_idx %arg6[%iota3A, %convert_element_type3A_241], %broadcast_in_dim3A_3 {add = true} : memref<16x256xf32, #tpu.memory_space<vmem>>[vector<16xi32>, vector<16xi32>], vector<16xf32>,
      tpu.vector_store_idx %arg6[%iota3A, %convert_element_type3A_242], %broadcast_in_dim3A_3 {add = true} : memref<16x256xf32, #tpu.memory_space<vmem>>[vector<16xi32>, vector<16xi32>], vector<16xf32>,
      tpu.vector_store_idx %arg6[%iota3A, %convert_element_type3A_243], %broadcast_in_dim3A_3 {add = true} : memref<16x256xf32, #tpu.memory_space<vmem>>[vector<16xi32>, vector<16xi32>], vector<16xf32>,
      tpu.vector_store_idx %arg6[%iota3A, %convert_element_type3A_244], %broadcast_in_dim3A_3 {add = true} : memref<16x256xf32, #tpu.memory_space<vmem>>[vector<16xi32>, vector<16xi32>], vector<16xf32>,
      tpu.vector_store_idx %arg6[%iota3A, %convert_element_type3A_245], %broadcast_in_dim3A_3 {add = true} : memref<16x256xf32, #tpu.memory_space<vmem>>[vector<16xi32>, vector<16xi32>], vector<16xf32>,
      tpu.vector_store_idx %arg6[%iota3A, %convert_element_type3A_246], %broadcast_in_dim3A_3 {add = true} : memref<16x256xf32, #tpu.memory_space<vmem>>[vector<16xi32>, vector<16xi32>], vector<16xf32>,
      tpu.vector_store_idx %arg6[%iota3A, %convert_element_type3A_247], %broadcast_in_dim3A_3 {add = true} : memref<16x256xf32, #tpu.memory_space<vmem>>[vector<16xi32>, vector<16xi32>], vector<16xf32>,
      tpu.vector_store_idx %arg6[%iota3A, %convert_element_type3A_248], %broadcast_in_dim3A_3 {add = true} : memref<16x256xf32, #tpu.memory_space<vmem>>[vector<16xi32>, vector<16xi32>], vector<16xf32>,
      tpu.vector_store_idx %arg6[%iota3A, %convert_element_type3A_249], %broadcast_in_dim3A_3 {add = true} : memref<16x256xf32, #tpu.memory_space<vmem>>[vector<16xi32>, vector<16xi32>], vector<16xf32>,
      tpu.vector_store_idx %arg6[%iota3A, %convert_element_type3A_250], %broadcast_in_dim3A_3 {add = true} : memref<16x256xf32, #tpu.memory_space<vmem>>[vector<16xi32>, vector<16xi32>], vector<16xf32>,
      tpu.vector_store_idx %arg6[%iota3A, %convert_element_type3A_251], %broadcast_in_dim3A_3 {add = true} : memref<16x256xf32, #tpu.memory_space<vmem>>[vector<16xi32>, vector<16xi32>], vector<16xf32>,
      tpu.vector_store_idx %arg6[%iota3A, %convert_element_type3A_252], %broadcast_in_dim3A_3 {add = true} : memref<16x256xf32, #tpu.memory_space<vmem>>[vector<16xi32>, vector<16xi32>], vector<16xf32>,
      tpu.vector_store_idx %arg6[%iota3A, %convert_element_type3A_253], %broadcast_in_dim3A_3 {add = true} : memref<16x256xf32, #tpu.memory_space<vmem>>[vector<16xi32>, vector<16xi32>], vector<16xf32>,
      tpu.vector_store_idx %arg6[%iota3A, %convert_element_type3A_254], %broadcast_in_dim3A_3 {add = true} : memref<16x256xf32, #tpu.memory_space<vmem>>[vector<16xi32>, vector<16xi32>], vector<16xf32>,
      tpu.vector_store_idx %arg6[%iota3A, %convert_element_type3A_255], %broadcast_in_dim3A_3 {add = true} : memref<16x256xf32, #tpu.memory_space<vmem>>[vector<16xi32>, vector<16xi32>], vector<16xf32>,
      %scan3A_256 = arith.constant 1 : i32
      %scan3A_257 = arith.addi %scan3A_193, %scan3A_256 : i32
      %get3A_258 = arith.index_cast %scan3A_257 : i32 to index
      %get3A_259 = arith.constant 0 : index
      %get3A_260 = tpu.vector_load %arg5[%get3A_258, %get3A_259] {strides = array<i32>} : memref<128x256xf32, #tpu.memory_space<vmem>>, vector<16xf32>,
      %get3A_261 = arith.index_cast %scan3A_257 : i32 to index
      %get3A_262 = arith.constant 16 : index
      %get3A_263 = tpu.vector_load %arg5[%get3A_261, %get3A_262] {strides = array<i32>} : memref<128x256xf32, #tpu.memory_space<vmem>>, vector<16xf32>,
      %get3A_264 = arith.index_cast %scan3A_257 : i32 to index
      %get3A_265 = arith.constant 32 : index
      %get3A_266 = tpu.vector_load %arg5[%get3A_264, %get3A_265] {strides = array<i32>} : memref<128x256xf32, #tpu.memory_space<vmem>>, vector<16xf32>,
      %get3A_267 = arith.index_cast %scan3A_257 : i32 to index
      %get3A_268 = arith.constant 48 : index
      %get3A_269 = tpu.vector_load %arg5[%get3A_267, %get3A_268] {strides = array<i32>} : memref<128x256xf32, #tpu.memory_space<vmem>>, vector<16xf32>,
      %get3A_270 = arith.index_cast %scan3A_257 : i32 to index
      %get3A_271 = arith.constant 64 : index
      %get3A_272 = tpu.vector_load %arg5[%get3A_270, %get3A_271] {strides = array<i32>} : memref<128x256xf32, #tpu.memory_space<vmem>>, vector<16xf32>,
      %get3A_273 = arith.index_cast %scan3A_257 : i32 to index
      %get3A_274 = arith.constant 80 : index
      %get3A_275 = tpu.vector_load %arg5[%get3A_273, %get3A_274] {strides = array<i32>} : memref<128x256xf32, #tpu.memory_space<vmem>>, vector<16xf32>,
      %get3A_276 = arith.index_cast %scan3A_257 : i32 to index
      %get3A_277 = arith.constant 96 : index
      %get3A_278 = tpu.vector_load %arg5[%get3A_276, %get3A_277] {strides = array<i32>} : memref<128x256xf32, #tpu.memory_space<vmem>>, vector<16xf32>,
      %get3A_279 = arith.index_cast %scan3A_257 : i32 to index
      %get3A_280 = arith.constant 112 : index
      %get3A_281 = tpu.vector_load %arg5[%get3A_279, %get3A_280] {strides = array<i32>} : memref<128x256xf32, #tpu.memory_space<vmem>>, vector<16xf32>,
      %get3A_282 = arith.index_cast %scan3A_257 : i32 to index
      %get3A_283 = arith.constant 128 : index
      %get3A_284 = tpu.vector_load %arg5[%get3A_282, %get3A_283] {strides = array<i32>} : memref<128x256xf32, #tpu.memory_space<vmem>>, vector<16xf32>,
      %get3A_285 = arith.index_cast %scan3A_257 : i32 to index
      %get3A_286 = arith.constant 144 : index
      %get3A_287 = tpu.vector_load %arg5[%get3A_285, %get3A_286] {strides = array<i32>} : memref<128x256xf32, #tpu.memory_space<vmem>>, vector<16xf32>,
      %get3A_288 = arith.index_cast %scan3A_257 : i32 to index
      %get3A_289 = arith.constant 160 : index
      %get3A_290 = tpu.vector_load %arg5[%get3A_288, %get3A_289] {strides = array<i32>} : memref<128x256xf32, #tpu.memory_space<vmem>>, vector<16xf32>,
      %get3A_291 = arith.index_cast %scan3A_257 : i32 to index
      %get3A_292 = arith.constant 176 : index
      %get3A_293 = tpu.vector_load %arg5[%get3A_291, %get3A_292] {strides = array<i32>} : memref<128x256xf32, #tpu.memory_space<vmem>>, vector<16xf32>,
      %get3A_294 = arith.index_cast %scan3A_257 : i32 to index
      %get3A_295 = arith.constant 192 : index
      %get3A_296 = tpu.vector_load %arg5[%get3A_294, %get3A_295] {strides = array<i32>} : memref<128x256xf32, #tpu.memory_space<vmem>>, vector<16xf32>,
      %get3A_297 = arith.index_cast %scan3A_257 : i32 to index
      %get3A_298 = arith.constant 208 : index
      %get3A_299 = tpu.vector_load %arg5[%get3A_297, %get3A_298] {strides = array<i32>} : memref<128x256xf32, #tpu.memory_space<vmem>>, vector<16xf32>,
      %get3A_300 = arith.index_cast %scan3A_257 : i32 to index
      %get3A_301 = arith.constant 224 : index
      %get3A_302 = tpu.vector_load %arg5[%get3A_300, %get3A_301] {strides = array<i32>} : memref<128x256xf32, #tpu.memory_space<vmem>>, vector<16xf32>,
      %get3A_303 = arith.index_cast %scan3A_257 : i32 to index
      %get3A_304 = arith.constant 240 : index
      %get3A_305 = tpu.vector_load %arg5[%get3A_303, %get3A_304] {strides = array<i32>} : memref<128x256xf32, #tpu.memory_space<vmem>>, vector<16xf32>,
      %convert_element_type3A_306 = arith.fptosi %get3A_260 : vector<16xf32> to vector<16xi32>
      %convert_element_type3A_307 = arith.fptosi %get3A_263 : vector<16xf32> to vector<16xi32>
      %convert_element_type3A_308 = arith.fptosi %get3A_266 : vector<16xf32> to vector<16xi32>
      %convert_element_type3A_309 = arith.fptosi %get3A_269 : vector<16xf32> to vector<16xi32>
      %convert_element_type3A_310 = arith.fptosi %get3A_272 : vector<16xf32> to vector<16xi32>
      %convert_element_type3A_311 = arith.fptosi %get3A_275 : vector<16xf32> to vector<16xi32>
      %convert_element_type3A_312 = arith.fptosi %get3A_278 : vector<16xf32> to vector<16xi32>
      %convert_element_type3A_313 = arith.fptosi %get3A_281 : vector<16xf32> to vector<16xi32>
      %convert_element_type3A_314 = arith.fptosi %get3A_284 : vector<16xf32> to vector<16xi32>
      %convert_element_type3A_315 = arith.fptosi %get3A_287 : vector<16xf32> to vector<16xi32>
      %convert_element_type3A_316 = arith.fptosi %get3A_290 : vector<16xf32> to vector<16xi32>
      %convert_element_type3A_317 = arith.fptosi %get3A_293 : vector<16xf32> to vector<16xi32>
      %convert_element_type3A_318 = arith.fptosi %get3A_296 : vector<16xf32> to vector<16xi32>
      %convert_element_type3A_319 = arith.fptosi %get3A_299 : vector<16xf32> to vector<16xi32>
      %convert_element_type3A_320 = arith.fptosi %get3A_302 : vector<16xf32> to vector<16xi32>
      %convert_element_type3A_321 = arith.fptosi %get3A_305 : vector<16xf32> to vector<16xi32>
      tpu.vector_store_idx %arg6[%iota3A, %convert_element_type3A_306], %broadcast_in_dim3A_3 {add = true} : memref<16x256xf32, #tpu.memory_space<vmem>>[vector<16xi32>, vector<16xi32>], vector<16xf32>,
      tpu.vector_store_idx %arg6[%iota3A, %convert_element_type3A_307], %broadcast_in_dim3A_3 {add = true} : memref<16x256xf32, #tpu.memory_space<vmem>>[vector<16xi32>, vector<16xi32>], vector<16xf32>,
      tpu.vector_store_idx %arg6[%iota3A, %convert_element_type3A_308], %broadcast_in_dim3A_3 {add = true} : memref<16x256xf32, #tpu.memory_space<vmem>>[vector<16xi32>, vector<16xi32>], vector<16xf32>,
      tpu.vector_store_idx %arg6[%iota3A, %convert_element_type3A_309], %broadcast_in_dim3A_3 {add = true} : memref<16x256xf32, #tpu.memory_space<vmem>>[vector<16xi32>, vector<16xi32>], vector<16xf32>,
      tpu.vector_store_idx %arg6[%iota3A, %convert_element_type3A_310], %broadcast_in_dim3A_3 {add = true} : memref<16x256xf32, #tpu.memory_space<vmem>>[vector<16xi32>, vector<16xi32>], vector<16xf32>,
      tpu.vector_store_idx %arg6[%iota3A, %convert_element_type3A_311], %broadcast_in_dim3A_3 {add = true} : memref<16x256xf32, #tpu.memory_space<vmem>>[vector<16xi32>, vector<16xi32>], vector<16xf32>,
      tpu.vector_store_idx %arg6[%iota3A, %convert_element_type3A_312], %broadcast_in_dim3A_3 {add = true} : memref<16x256xf32, #tpu.memory_space<vmem>>[vector<16xi32>, vector<16xi32>], vector<16xf32>,
      tpu.vector_store_idx %arg6[%iota3A, %convert_element_type3A_313], %broadcast_in_dim3A_3 {add = true} : memref<16x256xf32, #tpu.memory_space<vmem>>[vector<16xi32>, vector<16xi32>], vector<16xf32>,
      tpu.vector_store_idx %arg6[%iota3A, %convert_element_type3A_314], %broadcast_in_dim3A_3 {add = true} : memref<16x256xf32, #tpu.memory_space<vmem>>[vector<16xi32>, vector<16xi32>], vector<16xf32>,
      tpu.vector_store_idx %arg6[%iota3A, %convert_element_type3A_315], %broadcast_in_dim3A_3 {add = true} : memref<16x256xf32, #tpu.memory_space<vmem>>[vector<16xi32>, vector<16xi32>], vector<16xf32>,
      tpu.vector_store_idx %arg6[%iota3A, %convert_element_type3A_316], %broadcast_in_dim3A_3 {add = true} : memref<16x256xf32, #tpu.memory_space<vmem>>[vector<16xi32>, vector<16xi32>], vector<16xf32>,
      tpu.vector_store_idx %arg6[%iota3A, %convert_element_type3A_317], %broadcast_in_dim3A_3 {add = true} : memref<16x256xf32, #tpu.memory_space<vmem>>[vector<16xi32>, vector<16xi32>], vector<16xf32>,
      tpu.vector_store_idx %arg6[%iota3A, %convert_element_type3A_318], %broadcast_in_dim3A_3 {add = true} : memref<16x256xf32, #tpu.memory_space<vmem>>[vector<16xi32>, vector<16xi32>], vector<16xf32>,
      tpu.vector_store_idx %arg6[%iota3A, %convert_element_type3A_319], %broadcast_in_dim3A_3 {add = true} : memref<16x256xf32, #tpu.memory_space<vmem>>[vector<16xi32>, vector<16xi32>], vector<16xf32>,
      tpu.vector_store_idx %arg6[%iota3A, %convert_element_type3A_320], %broadcast_in_dim3A_3 {add = true} : memref<16x256xf32, #tpu.memory_space<vmem>>[vector<16xi32>, vector<16xi32>], vector<16xf32>,
      tpu.vector_store_idx %arg6[%iota3A, %convert_element_type3A_321], %broadcast_in_dim3A_3 {add = true} : memref<16x256xf32, #tpu.memory_space<vmem>>[vector<16xi32>, vector<16xi32>], vector<16xf32>,
    }
    %scan3A_73 = arith.constant 128 : i32
    %add3A_74 = arith.constant 640 : i32
    %add3A_75 = arith.addi %mul3A_2, %add3A_74 : i32
    %dma_start3A_76 = arith.constant 0 : i32
    %dma_start3A_77 = tpu.memref_slice %arg2[%add3A_75, %dma_start3A_76] : memref<49152x256xf32, #tpu.memory_space<hbm>> -> memref<128x256xf32, #tpu.memory_space<hbm>>
    %dma_start3A_78 = arith.constant 0 : i32
    %dma_start3A_79 = tpu.memref_slice %arg2[%add3A_75, %dma_start3A_78] : memref<49152x256xf32, #tpu.memory_space<hbm>> -> memref<128x256xf32, #tpu.memory_space<hbm>>
    tpu.enqueue_dma source(%dma_start3A_79 : memref<128x256xf32, #tpu.memory_space<hbm>>) target(%arg5 : memref<128x256xf32, #tpu.memory_space<vmem>>) target_semaphore(%arg9 : memref<!tpu.dma_semaphore, #tpu.memory_space<semaphore_mem>>)
    %dma_wait3A_80 = arith.constant 0 : i32
    %dma_wait3A_81 = tpu.memref_slice %arg2[%add3A_60, %dma_wait3A_80] : memref<49152x256xf32, #tpu.memory_space<hbm>> -> memref<128x256xf32, #tpu.memory_space<hbm>>
    %dma_wait3A_82 = arith.constant 0 : i32
    %dma_wait3A_83 = tpu.memref_slice %arg2[%add3A_60, %dma_wait3A_82] : memref<49152x256xf32, #tpu.memory_space<hbm>> -> memref<128x256xf32, #tpu.memory_space<hbm>>
    tpu.wait_dma2 semaphore(%arg8 : memref<!tpu.dma_semaphore, #tpu.memory_space<semaphore_mem>>) src(%dma_wait3A_83 : memref<128x256xf32, #tpu.memory_space<hbm>>) dst(%arg4 : memref<128x256xf32, #tpu.memory_space<vmem>>)
    %scan3A_84 = arith.constant 0 : i32
    %scan3A_85 = arith.constant 128 : i32
    %scan3A_86 = arith.addi %scan3A_84, %scan3A_85 : i32
    %scan3A_87 = arith.constant 2 : i32
    scf.for %scan3A_193 = %scan3A_84 to %scan3A_86 step %scan3A_87  : i32 {
      %get3A = arith.index_cast %scan3A_193 : i32 to index
      %get3A_194 = arith.constant 0 : index
      %get3A_195 = tpu.vector_load %arg4[%get3A, %get3A_194] {strides = array<i32>} : memref<128x256xf32, #tpu.memory_space<vmem>>, vector<16xf32>,
      %get3A_196 = arith.index_cast %scan3A_193 : i32 to index
      %get3A_197 = arith.constant 16 : index
      %get3A_198 = tpu.vector_load %arg4[%get3A_196, %get3A_197] {strides = array<i32>} : memref<128x256xf32, #tpu.memory_space<vmem>>, vector<16xf32>,
      %get3A_199 = arith.index_cast %scan3A_193 : i32 to index
      %get3A_200 = arith.constant 32 : index
      %get3A_201 = tpu.vector_load %arg4[%get3A_199, %get3A_200] {strides = array<i32>} : memref<128x256xf32, #tpu.memory_space<vmem>>, vector<16xf32>,
      %get3A_202 = arith.index_cast %scan3A_193 : i32 to index
      %get3A_203 = arith.constant 48 : index
      %get3A_204 = tpu.vector_load %arg4[%get3A_202, %get3A_203] {strides = array<i32>} : memref<128x256xf32, #tpu.memory_space<vmem>>, vector<16xf32>,
      %get3A_205 = arith.index_cast %scan3A_193 : i32 to index
      %get3A_206 = arith.constant 64 : index
      %get3A_207 = tpu.vector_load %arg4[%get3A_205, %get3A_206] {strides = array<i32>} : memref<128x256xf32, #tpu.memory_space<vmem>>, vector<16xf32>,
      %get3A_208 = arith.index_cast %scan3A_193 : i32 to index
      %get3A_209 = arith.constant 80 : index
      %get3A_210 = tpu.vector_load %arg4[%get3A_208, %get3A_209] {strides = array<i32>} : memref<128x256xf32, #tpu.memory_space<vmem>>, vector<16xf32>,
      %get3A_211 = arith.index_cast %scan3A_193 : i32 to index
      %get3A_212 = arith.constant 96 : index
      %get3A_213 = tpu.vector_load %arg4[%get3A_211, %get3A_212] {strides = array<i32>} : memref<128x256xf32, #tpu.memory_space<vmem>>, vector<16xf32>,
      %get3A_214 = arith.index_cast %scan3A_193 : i32 to index
      %get3A_215 = arith.constant 112 : index
      %get3A_216 = tpu.vector_load %arg4[%get3A_214, %get3A_215] {strides = array<i32>} : memref<128x256xf32, #tpu.memory_space<vmem>>, vector<16xf32>,
      %get3A_217 = arith.index_cast %scan3A_193 : i32 to index
      %get3A_218 = arith.constant 128 : index
      %get3A_219 = tpu.vector_load %arg4[%get3A_217, %get3A_218] {strides = array<i32>} : memref<128x256xf32, #tpu.memory_space<vmem>>, vector<16xf32>,
      %get3A_220 = arith.index_cast %scan3A_193 : i32 to index
      %get3A_221 = arith.constant 144 : index
      %get3A_222 = tpu.vector_load %arg4[%get3A_220, %get3A_221] {strides = array<i32>} : memref<128x256xf32, #tpu.memory_space<vmem>>, vector<16xf32>,
      %get3A_223 = arith.index_cast %scan3A_193 : i32 to index
      %get3A_224 = arith.constant 160 : index
      %get3A_225 = tpu.vector_load %arg4[%get3A_223, %get3A_224] {strides = array<i32>} : memref<128x256xf32, #tpu.memory_space<vmem>>, vector<16xf32>,
      %get3A_226 = arith.index_cast %scan3A_193 : i32 to index
      %get3A_227 = arith.constant 176 : index
      %get3A_228 = tpu.vector_load %arg4[%get3A_226, %get3A_227] {strides = array<i32>} : memref<128x256xf32, #tpu.memory_space<vmem>>, vector<16xf32>,
      %get3A_229 = arith.index_cast %scan3A_193 : i32 to index
      %get3A_230 = arith.constant 192 : index
      %get3A_231 = tpu.vector_load %arg4[%get3A_229, %get3A_230] {strides = array<i32>} : memref<128x256xf32, #tpu.memory_space<vmem>>, vector<16xf32>,
      %get3A_232 = arith.index_cast %scan3A_193 : i32 to index
      %get3A_233 = arith.constant 208 : index
      %get3A_234 = tpu.vector_load %arg4[%get3A_232, %get3A_233] {strides = array<i32>} : memref<128x256xf32, #tpu.memory_space<vmem>>, vector<16xf32>,
      %get3A_235 = arith.index_cast %scan3A_193 : i32 to index
      %get3A_236 = arith.constant 224 : index
      %get3A_237 = tpu.vector_load %arg4[%get3A_235, %get3A_236] {strides = array<i32>} : memref<128x256xf32, #tpu.memory_space<vmem>>, vector<16xf32>,
      %get3A_238 = arith.index_cast %scan3A_193 : i32 to index
      %get3A_239 = arith.constant 240 : index
      %get3A_240 = tpu.vector_load %arg4[%get3A_238, %get3A_239] {strides = array<i32>} : memref<128x256xf32, #tpu.memory_space<vmem>>, vector<16xf32>,
      %convert_element_type3A = arith.fptosi %get3A_195 : vector<16xf32> to vector<16xi32>
      %convert_element_type3A_241 = arith.fptosi %get3A_198 : vector<16xf32> to vector<16xi32>
      %convert_element_type3A_242 = arith.fptosi %get3A_201 : vector<16xf32> to vector<16xi32>
      %convert_element_type3A_243 = arith.fptosi %get3A_204 : vector<16xf32> to vector<16xi32>
      %convert_element_type3A_244 = arith.fptosi %get3A_207 : vector<16xf32> to vector<16xi32>
      %convert_element_type3A_245 = arith.fptosi %get3A_210 : vector<16xf32> to vector<16xi32>
      %convert_element_type3A_246 = arith.fptosi %get3A_213 : vector<16xf32> to vector<16xi32>
      %convert_element_type3A_247 = arith.fptosi %get3A_216 : vector<16xf32> to vector<16xi32>
      %convert_element_type3A_248 = arith.fptosi %get3A_219 : vector<16xf32> to vector<16xi32>
      %convert_element_type3A_249 = arith.fptosi %get3A_222 : vector<16xf32> to vector<16xi32>
      %convert_element_type3A_250 = arith.fptosi %get3A_225 : vector<16xf32> to vector<16xi32>
      %convert_element_type3A_251 = arith.fptosi %get3A_228 : vector<16xf32> to vector<16xi32>
      %convert_element_type3A_252 = arith.fptosi %get3A_231 : vector<16xf32> to vector<16xi32>
      %convert_element_type3A_253 = arith.fptosi %get3A_234 : vector<16xf32> to vector<16xi32>
      %convert_element_type3A_254 = arith.fptosi %get3A_237 : vector<16xf32> to vector<16xi32>
      %convert_element_type3A_255 = arith.fptosi %get3A_240 : vector<16xf32> to vector<16xi32>
      tpu.vector_store_idx %arg6[%iota3A, %convert_element_type3A], %broadcast_in_dim3A_3 {add = true} : memref<16x256xf32, #tpu.memory_space<vmem>>[vector<16xi32>, vector<16xi32>], vector<16xf32>,
      tpu.vector_store_idx %arg6[%iota3A, %convert_element_type3A_241], %broadcast_in_dim3A_3 {add = true} : memref<16x256xf32, #tpu.memory_space<vmem>>[vector<16xi32>, vector<16xi32>], vector<16xf32>,
      tpu.vector_store_idx %arg6[%iota3A, %convert_element_type3A_242], %broadcast_in_dim3A_3 {add = true} : memref<16x256xf32, #tpu.memory_space<vmem>>[vector<16xi32>, vector<16xi32>], vector<16xf32>,
      tpu.vector_store_idx %arg6[%iota3A, %convert_element_type3A_243], %broadcast_in_dim3A_3 {add = true} : memref<16x256xf32, #tpu.memory_space<vmem>>[vector<16xi32>, vector<16xi32>], vector<16xf32>,
      tpu.vector_store_idx %arg6[%iota3A, %convert_element_type3A_244], %broadcast_in_dim3A_3 {add = true} : memref<16x256xf32, #tpu.memory_space<vmem>>[vector<16xi32>, vector<16xi32>], vector<16xf32>,
      tpu.vector_store_idx %arg6[%iota3A, %convert_element_type3A_245], %broadcast_in_dim3A_3 {add = true} : memref<16x256xf32, #tpu.memory_space<vmem>>[vector<16xi32>, vector<16xi32>], vector<16xf32>,
      tpu.vector_store_idx %arg6[%iota3A, %convert_element_type3A_246], %broadcast_in_dim3A_3 {add = true} : memref<16x256xf32, #tpu.memory_space<vmem>>[vector<16xi32>, vector<16xi32>], vector<16xf32>,
      tpu.vector_store_idx %arg6[%iota3A, %convert_element_type3A_247], %broadcast_in_dim3A_3 {add = true} : memref<16x256xf32, #tpu.memory_space<vmem>>[vector<16xi32>, vector<16xi32>], vector<16xf32>,
      tpu.vector_store_idx %arg6[%iota3A, %convert_element_type3A_248], %broadcast_in_dim3A_3 {add = true} : memref<16x256xf32, #tpu.memory_space<vmem>>[vector<16xi32>, vector<16xi32>], vector<16xf32>,
      tpu.vector_store_idx %arg6[%iota3A, %convert_element_type3A_249], %broadcast_in_dim3A_3 {add = true} : memref<16x256xf32, #tpu.memory_space<vmem>>[vector<16xi32>, vector<16xi32>], vector<16xf32>,
      tpu.vector_store_idx %arg6[%iota3A, %convert_element_type3A_250], %broadcast_in_dim3A_3 {add = true} : memref<16x256xf32, #tpu.memory_space<vmem>>[vector<16xi32>, vector<16xi32>], vector<16xf32>,
      tpu.vector_store_idx %arg6[%iota3A, %convert_element_type3A_251], %broadcast_in_dim3A_3 {add = true} : memref<16x256xf32, #tpu.memory_space<vmem>>[vector<16xi32>, vector<16xi32>], vector<16xf32>,
      tpu.vector_store_idx %arg6[%iota3A, %convert_element_type3A_252], %broadcast_in_dim3A_3 {add = true} : memref<16x256xf32, #tpu.memory_space<vmem>>[vector<16xi32>, vector<16xi32>], vector<16xf32>,
      tpu.vector_store_idx %arg6[%iota3A, %convert_element_type3A_253], %broadcast_in_dim3A_3 {add = true} : memref<16x256xf32, #tpu.memory_space<vmem>>[vector<16xi32>, vector<16xi32>], vector<16xf32>,
      tpu.vector_store_idx %arg6[%iota3A, %convert_element_type3A_254], %broadcast_in_dim3A_3 {add = true} : memref<16x256xf32, #tpu.memory_space<vmem>>[vector<16xi32>, vector<16xi32>], vector<16xf32>,
      tpu.vector_store_idx %arg6[%iota3A, %convert_element_type3A_255], %broadcast_in_dim3A_3 {add = true} : memref<16x256xf32, #tpu.memory_space<vmem>>[vector<16xi32>, vector<16xi32>], vector<16xf32>,
      %scan3A_256 = arith.constant 1 : i32
      %scan3A_257 = arith.addi %scan3A_193, %scan3A_256 : i32
      %get3A_258 = arith.index_cast %scan3A_257 : i32 to index
      %get3A_259 = arith.constant 0 : index
      %get3A_260 = tpu.vector_load %arg4[%get3A_258, %get3A_259] {strides = array<i32>} : memref<128x256xf32, #tpu.memory_space<vmem>>, vector<16xf32>,
      %get3A_261 = arith.index_cast %scan3A_257 : i32 to index
      %get3A_262 = arith.constant 16 : index
      %get3A_263 = tpu.vector_load %arg4[%get3A_261, %get3A_262] {strides = array<i32>} : memref<128x256xf32, #tpu.memory_space<vmem>>, vector<16xf32>,
      %get3A_264 = arith.index_cast %scan3A_257 : i32 to index
      %get3A_265 = arith.constant 32 : index
      %get3A_266 = tpu.vector_load %arg4[%get3A_264, %get3A_265] {strides = array<i32>} : memref<128x256xf32, #tpu.memory_space<vmem>>, vector<16xf32>,
      %get3A_267 = arith.index_cast %scan3A_257 : i32 to index
      %get3A_268 = arith.constant 48 : index
      %get3A_269 = tpu.vector_load %arg4[%get3A_267, %get3A_268] {strides = array<i32>} : memref<128x256xf32, #tpu.memory_space<vmem>>, vector<16xf32>,
      %get3A_270 = arith.index_cast %scan3A_257 : i32 to index
      %get3A_271 = arith.constant 64 : index
      %get3A_272 = tpu.vector_load %arg4[%get3A_270, %get3A_271] {strides = array<i32>} : memref<128x256xf32, #tpu.memory_space<vmem>>, vector<16xf32>,
      %get3A_273 = arith.index_cast %scan3A_257 : i32 to index
      %get3A_274 = arith.constant 80 : index
      %get3A_275 = tpu.vector_load %arg4[%get3A_273, %get3A_274] {strides = array<i32>} : memref<128x256xf32, #tpu.memory_space<vmem>>, vector<16xf32>,
      %get3A_276 = arith.index_cast %scan3A_257 : i32 to index
      %get3A_277 = arith.constant 96 : index
      %get3A_278 = tpu.vector_load %arg4[%get3A_276, %get3A_277] {strides = array<i32>} : memref<128x256xf32, #tpu.memory_space<vmem>>, vector<16xf32>,
      %get3A_279 = arith.index_cast %scan3A_257 : i32 to index
      %get3A_280 = arith.constant 112 : index
      %get3A_281 = tpu.vector_load %arg4[%get3A_279, %get3A_280] {strides = array<i32>} : memref<128x256xf32, #tpu.memory_space<vmem>>, vector<16xf32>,
      %get3A_282 = arith.index_cast %scan3A_257 : i32 to index
      %get3A_283 = arith.constant 128 : index
      %get3A_284 = tpu.vector_load %arg4[%get3A_282, %get3A_283] {strides = array<i32>} : memref<128x256xf32, #tpu.memory_space<vmem>>, vector<16xf32>,
      %get3A_285 = arith.index_cast %scan3A_257 : i32 to index
      %get3A_286 = arith.constant 144 : index
      %get3A_287 = tpu.vector_load %arg4[%get3A_285, %get3A_286] {strides = array<i32>} : memref<128x256xf32, #tpu.memory_space<vmem>>, vector<16xf32>,
      %get3A_288 = arith.index_cast %scan3A_257 : i32 to index
      %get3A_289 = arith.constant 160 : index
      %get3A_290 = tpu.vector_load %arg4[%get3A_288, %get3A_289] {strides = array<i32>} : memref<128x256xf32, #tpu.memory_space<vmem>>, vector<16xf32>,
      %get3A_291 = arith.index_cast %scan3A_257 : i32 to index
      %get3A_292 = arith.constant 176 : index
      %get3A_293 = tpu.vector_load %arg4[%get3A_291, %get3A_292] {strides = array<i32>} : memref<128x256xf32, #tpu.memory_space<vmem>>, vector<16xf32>,
      %get3A_294 = arith.index_cast %scan3A_257 : i32 to index
      %get3A_295 = arith.constant 192 : index
      %get3A_296 = tpu.vector_load %arg4[%get3A_294, %get3A_295] {strides = array<i32>} : memref<128x256xf32, #tpu.memory_space<vmem>>, vector<16xf32>,
      %get3A_297 = arith.index_cast %scan3A_257 : i32 to index
      %get3A_298 = arith.constant 208 : index
      %get3A_299 = tpu.vector_load %arg4[%get3A_297, %get3A_298] {strides = array<i32>} : memref<128x256xf32, #tpu.memory_space<vmem>>, vector<16xf32>,
      %get3A_300 = arith.index_cast %scan3A_257 : i32 to index
      %get3A_301 = arith.constant 224 : index
      %get3A_302 = tpu.vector_load %arg4[%get3A_300, %get3A_301] {strides = array<i32>} : memref<128x256xf32, #tpu.memory_space<vmem>>, vector<16xf32>,
      %get3A_303 = arith.index_cast %scan3A_257 : i32 to index
      %get3A_304 = arith.constant 240 : index
      %get3A_305 = tpu.vector_load %arg4[%get3A_303, %get3A_304] {strides = array<i32>} : memref<128x256xf32, #tpu.memory_space<vmem>>, vector<16xf32>,
      %convert_element_type3A_306 = arith.fptosi %get3A_260 : vector<16xf32> to vector<16xi32>
      %convert_element_type3A_307 = arith.fptosi %get3A_263 : vector<16xf32> to vector<16xi32>
      %convert_element_type3A_308 = arith.fptosi %get3A_266 : vector<16xf32> to vector<16xi32>
      %convert_element_type3A_309 = arith.fptosi %get3A_269 : vector<16xf32> to vector<16xi32>
      %convert_element_type3A_310 = arith.fptosi %get3A_272 : vector<16xf32> to vector<16xi32>
      %convert_element_type3A_311 = arith.fptosi %get3A_275 : vector<16xf32> to vector<16xi32>
      %convert_element_type3A_312 = arith.fptosi %get3A_278 : vector<16xf32> to vector<16xi32>
      %convert_element_type3A_313 = arith.fptosi %get3A_281 : vector<16xf32> to vector<16xi32>
      %convert_element_type3A_314 = arith.fptosi %get3A_284 : vector<16xf32> to vector<16xi32>
      %convert_element_type3A_315 = arith.fptosi %get3A_287 : vector<16xf32> to vector<16xi32>
      %convert_element_type3A_316 = arith.fptosi %get3A_290 : vector<16xf32> to vector<16xi32>
      %convert_element_type3A_317 = arith.fptosi %get3A_293 : vector<16xf32> to vector<16xi32>
      %convert_element_type3A_318 = arith.fptosi %get3A_296 : vector<16xf32> to vector<16xi32>
      %convert_element_type3A_319 = arith.fptosi %get3A_299 : vector<16xf32> to vector<16xi32>
      %convert_element_type3A_320 = arith.fptosi %get3A_302 : vector<16xf32> to vector<16xi32>
      %convert_element_type3A_321 = arith.fptosi %get3A_305 : vector<16xf32> to vector<16xi32>
      tpu.vector_store_idx %arg6[%iota3A, %convert_element_type3A_306], %broadcast_in_dim3A_3 {add = true} : memref<16x256xf32, #tpu.memory_space<vmem>>[vector<16xi32>, vector<16xi32>], vector<16xf32>,
      tpu.vector_store_idx %arg6[%iota3A, %convert_element_type3A_307], %broadcast_in_dim3A_3 {add = true} : memref<16x256xf32, #tpu.memory_space<vmem>>[vector<16xi32>, vector<16xi32>], vector<16xf32>,
      tpu.vector_store_idx %arg6[%iota3A, %convert_element_type3A_308], %broadcast_in_dim3A_3 {add = true} : memref<16x256xf32, #tpu.memory_space<vmem>>[vector<16xi32>, vector<16xi32>], vector<16xf32>,
      tpu.vector_store_idx %arg6[%iota3A, %convert_element_type3A_309], %broadcast_in_dim3A_3 {add = true} : memref<16x256xf32, #tpu.memory_space<vmem>>[vector<16xi32>, vector<16xi32>], vector<16xf32>,
      tpu.vector_store_idx %arg6[%iota3A, %convert_element_type3A_310], %broadcast_in_dim3A_3 {add = true} : memref<16x256xf32, #tpu.memory_space<vmem>>[vector<16xi32>, vector<16xi32>], vector<16xf32>,
      tpu.vector_store_idx %arg6[%iota3A, %convert_element_type3A_311], %broadcast_in_dim3A_3 {add = true} : memref<16x256xf32, #tpu.memory_space<vmem>>[vector<16xi32>, vector<16xi32>], vector<16xf32>,
      tpu.vector_store_idx %arg6[%iota3A, %convert_element_type3A_312], %broadcast_in_dim3A_3 {add = true} : memref<16x256xf32, #tpu.memory_space<vmem>>[vector<16xi32>, vector<16xi32>], vector<16xf32>,
      tpu.vector_store_idx %arg6[%iota3A, %convert_element_type3A_313], %broadcast_in_dim3A_3 {add = true} : memref<16x256xf32, #tpu.memory_space<vmem>>[vector<16xi32>, vector<16xi32>], vector<16xf32>,
      tpu.vector_store_idx %arg6[%iota3A, %convert_element_type3A_314], %broadcast_in_dim3A_3 {add = true} : memref<16x256xf32, #tpu.memory_space<vmem>>[vector<16xi32>, vector<16xi32>], vector<16xf32>,
      tpu.vector_store_idx %arg6[%iota3A, %convert_element_type3A_315], %broadcast_in_dim3A_3 {add = true} : memref<16x256xf32, #tpu.memory_space<vmem>>[vector<16xi32>, vector<16xi32>], vector<16xf32>,
      tpu.vector_store_idx %arg6[%iota3A, %convert_element_type3A_316], %broadcast_in_dim3A_3 {add = true} : memref<16x256xf32, #tpu.memory_space<vmem>>[vector<16xi32>, vector<16xi32>], vector<16xf32>,
      tpu.vector_store_idx %arg6[%iota3A, %convert_element_type3A_317], %broadcast_in_dim3A_3 {add = true} : memref<16x256xf32, #tpu.memory_space<vmem>>[vector<16xi32>, vector<16xi32>], vector<16xf32>,
      tpu.vector_store_idx %arg6[%iota3A, %convert_element_type3A_318], %broadcast_in_dim3A_3 {add = true} : memref<16x256xf32, #tpu.memory_space<vmem>>[vector<16xi32>, vector<16xi32>], vector<16xf32>,
      tpu.vector_store_idx %arg6[%iota3A, %convert_element_type3A_319], %broadcast_in_dim3A_3 {add = true} : memref<16x256xf32, #tpu.memory_space<vmem>>[vector<16xi32>, vector<16xi32>], vector<16xf32>,
      tpu.vector_store_idx %arg6[%iota3A, %convert_element_type3A_320], %broadcast_in_dim3A_3 {add = true} : memref<16x256xf32, #tpu.memory_space<vmem>>[vector<16xi32>, vector<16xi32>], vector<16xf32>,
      tpu.vector_store_idx %arg6[%iota3A, %convert_element_type3A_321], %broadcast_in_dim3A_3 {add = true} : memref<16x256xf32, #tpu.memory_space<vmem>>[vector<16xi32>, vector<16xi32>], vector<16xf32>,
    }
    %scan3A_88 = arith.constant 128 : i32
    %add3A_89 = arith.constant 768 : i32
    %add3A_90 = arith.addi %mul3A_2, %add3A_89 : i32
    %dma_start3A_91 = arith.constant 0 : i32
    %dma_start3A_92 = tpu.memref_slice %arg2[%add3A_90, %dma_start3A_91] : memref<49152x256xf32, #tpu.memory_space<hbm>> -> memref<128x256xf32, #tpu.memory_space<hbm>>
    %dma_start3A_93 = arith.constant 0 : i32
    %dma_start3A_94 = tpu.memref_slice %arg2[%add3A_90, %dma_start3A_93] : memref<49152x256xf32, #tpu.memory_space<hbm>> -> memref<128x256xf32, #tpu.memory_space<hbm>>
    tpu.enqueue_dma source(%dma_start3A_94 : memref<128x256xf32, #tpu.memory_space<hbm>>) target(%arg4 : memref<128x256xf32, #tpu.memory_space<vmem>>) target_semaphore(%arg8 : memref<!tpu.dma_semaphore, #tpu.memory_space<semaphore_mem>>)
    %dma_wait3A_95 = arith.constant 0 : i32
    %dma_wait3A_96 = tpu.memref_slice %arg2[%add3A_75, %dma_wait3A_95] : memref<49152x256xf32, #tpu.memory_space<hbm>> -> memref<128x256xf32, #tpu.memory_space<hbm>>
    %dma_wait3A_97 = arith.constant 0 : i32
    %dma_wait3A_98 = tpu.memref_slice %arg2[%add3A_75, %dma_wait3A_97] : memref<49152x256xf32, #tpu.memory_space<hbm>> -> memref<128x256xf32, #tpu.memory_space<hbm>>
    tpu.wait_dma2 semaphore(%arg9 : memref<!tpu.dma_semaphore, #tpu.memory_space<semaphore_mem>>) src(%dma_wait3A_98 : memref<128x256xf32, #tpu.memory_space<hbm>>) dst(%arg5 : memref<128x256xf32, #tpu.memory_space<vmem>>)
    %scan3A_99 = arith.constant 0 : i32
    %scan3A_100 = arith.constant 128 : i32
    %scan3A_101 = arith.addi %scan3A_99, %scan3A_100 : i32
    %scan3A_102 = arith.constant 2 : i32
    scf.for %scan3A_193 = %scan3A_99 to %scan3A_101 step %scan3A_102  : i32 {
      %get3A = arith.index_cast %scan3A_193 : i32 to index
      %get3A_194 = arith.constant 0 : index
      %get3A_195 = tpu.vector_load %arg5[%get3A, %get3A_194] {strides = array<i32>} : memref<128x256xf32, #tpu.memory_space<vmem>>, vector<16xf32>,
      %get3A_196 = arith.index_cast %scan3A_193 : i32 to index
      %get3A_197 = arith.constant 16 : index
      %get3A_198 = tpu.vector_load %arg5[%get3A_196, %get3A_197] {strides = array<i32>} : memref<128x256xf32, #tpu.memory_space<vmem>>, vector<16xf32>,
      %get3A_199 = arith.index_cast %scan3A_193 : i32 to index
      %get3A_200 = arith.constant 32 : index
      %get3A_201 = tpu.vector_load %arg5[%get3A_199, %get3A_200] {strides = array<i32>} : memref<128x256xf32, #tpu.memory_space<vmem>>, vector<16xf32>,
      %get3A_202 = arith.index_cast %scan3A_193 : i32 to index
      %get3A_203 = arith.constant 48 : index
      %get3A_204 = tpu.vector_load %arg5[%get3A_202, %get3A_203] {strides = array<i32>} : memref<128x256xf32, #tpu.memory_space<vmem>>, vector<16xf32>,
      %get3A_205 = arith.index_cast %scan3A_193 : i32 to index
      %get3A_206 = arith.constant 64 : index
      %get3A_207 = tpu.vector_load %arg5[%get3A_205, %get3A_206] {strides = array<i32>} : memref<128x256xf32, #tpu.memory_space<vmem>>, vector<16xf32>,
      %get3A_208 = arith.index_cast %scan3A_193 : i32 to index
      %get3A_209 = arith.constant 80 : index
      %get3A_210 = tpu.vector_load %arg5[%get3A_208, %get3A_209] {strides = array<i32>} : memref<128x256xf32, #tpu.memory_space<vmem>>, vector<16xf32>,
      %get3A_211 = arith.index_cast %scan3A_193 : i32 to index
      %get3A_212 = arith.constant 96 : index
      %get3A_213 = tpu.vector_load %arg5[%get3A_211, %get3A_212] {strides = array<i32>} : memref<128x256xf32, #tpu.memory_space<vmem>>, vector<16xf32>,
      %get3A_214 = arith.index_cast %scan3A_193 : i32 to index
      %get3A_215 = arith.constant 112 : index
      %get3A_216 = tpu.vector_load %arg5[%get3A_214, %get3A_215] {strides = array<i32>} : memref<128x256xf32, #tpu.memory_space<vmem>>, vector<16xf32>,
      %get3A_217 = arith.index_cast %scan3A_193 : i32 to index
      %get3A_218 = arith.constant 128 : index
      %get3A_219 = tpu.vector_load %arg5[%get3A_217, %get3A_218] {strides = array<i32>} : memref<128x256xf32, #tpu.memory_space<vmem>>, vector<16xf32>,
      %get3A_220 = arith.index_cast %scan3A_193 : i32 to index
      %get3A_221 = arith.constant 144 : index
      %get3A_222 = tpu.vector_load %arg5[%get3A_220, %get3A_221] {strides = array<i32>} : memref<128x256xf32, #tpu.memory_space<vmem>>, vector<16xf32>,
      %get3A_223 = arith.index_cast %scan3A_193 : i32 to index
      %get3A_224 = arith.constant 160 : index
      %get3A_225 = tpu.vector_load %arg5[%get3A_223, %get3A_224] {strides = array<i32>} : memref<128x256xf32, #tpu.memory_space<vmem>>, vector<16xf32>,
      %get3A_226 = arith.index_cast %scan3A_193 : i32 to index
      %get3A_227 = arith.constant 176 : index
      %get3A_228 = tpu.vector_load %arg5[%get3A_226, %get3A_227] {strides = array<i32>} : memref<128x256xf32, #tpu.memory_space<vmem>>, vector<16xf32>,
      %get3A_229 = arith.index_cast %scan3A_193 : i32 to index
      %get3A_230 = arith.constant 192 : index
      %get3A_231 = tpu.vector_load %arg5[%get3A_229, %get3A_230] {strides = array<i32>} : memref<128x256xf32, #tpu.memory_space<vmem>>, vector<16xf32>,
      %get3A_232 = arith.index_cast %scan3A_193 : i32 to index
      %get3A_233 = arith.constant 208 : index
      %get3A_234 = tpu.vector_load %arg5[%get3A_232, %get3A_233] {strides = array<i32>} : memref<128x256xf32, #tpu.memory_space<vmem>>, vector<16xf32>,
      %get3A_235 = arith.index_cast %scan3A_193 : i32 to index
      %get3A_236 = arith.constant 224 : index
      %get3A_237 = tpu.vector_load %arg5[%get3A_235, %get3A_236] {strides = array<i32>} : memref<128x256xf32, #tpu.memory_space<vmem>>, vector<16xf32>,
      %get3A_238 = arith.index_cast %scan3A_193 : i32 to index
      %get3A_239 = arith.constant 240 : index
      %get3A_240 = tpu.vector_load %arg5[%get3A_238, %get3A_239] {strides = array<i32>} : memref<128x256xf32, #tpu.memory_space<vmem>>, vector<16xf32>,
      %convert_element_type3A = arith.fptosi %get3A_195 : vector<16xf32> to vector<16xi32>
      %convert_element_type3A_241 = arith.fptosi %get3A_198 : vector<16xf32> to vector<16xi32>
      %convert_element_type3A_242 = arith.fptosi %get3A_201 : vector<16xf32> to vector<16xi32>
      %convert_element_type3A_243 = arith.fptosi %get3A_204 : vector<16xf32> to vector<16xi32>
      %convert_element_type3A_244 = arith.fptosi %get3A_207 : vector<16xf32> to vector<16xi32>
      %convert_element_type3A_245 = arith.fptosi %get3A_210 : vector<16xf32> to vector<16xi32>
      %convert_element_type3A_246 = arith.fptosi %get3A_213 : vector<16xf32> to vector<16xi32>
      %convert_element_type3A_247 = arith.fptosi %get3A_216 : vector<16xf32> to vector<16xi32>
      %convert_element_type3A_248 = arith.fptosi %get3A_219 : vector<16xf32> to vector<16xi32>
      %convert_element_type3A_249 = arith.fptosi %get3A_222 : vector<16xf32> to vector<16xi32>
      %convert_element_type3A_250 = arith.fptosi %get3A_225 : vector<16xf32> to vector<16xi32>
      %convert_element_type3A_251 = arith.fptosi %get3A_228 : vector<16xf32> to vector<16xi32>
      %convert_element_type3A_252 = arith.fptosi %get3A_231 : vector<16xf32> to vector<16xi32>
      %convert_element_type3A_253 = arith.fptosi %get3A_234 : vector<16xf32> to vector<16xi32>
      %convert_element_type3A_254 = arith.fptosi %get3A_237 : vector<16xf32> to vector<16xi32>
      %convert_element_type3A_255 = arith.fptosi %get3A_240 : vector<16xf32> to vector<16xi32>
      tpu.vector_store_idx %arg6[%iota3A, %convert_element_type3A], %broadcast_in_dim3A_3 {add = true} : memref<16x256xf32, #tpu.memory_space<vmem>>[vector<16xi32>, vector<16xi32>], vector<16xf32>,
      tpu.vector_store_idx %arg6[%iota3A, %convert_element_type3A_241], %broadcast_in_dim3A_3 {add = true} : memref<16x256xf32, #tpu.memory_space<vmem>>[vector<16xi32>, vector<16xi32>], vector<16xf32>,
      tpu.vector_store_idx %arg6[%iota3A, %convert_element_type3A_242], %broadcast_in_dim3A_3 {add = true} : memref<16x256xf32, #tpu.memory_space<vmem>>[vector<16xi32>, vector<16xi32>], vector<16xf32>,
      tpu.vector_store_idx %arg6[%iota3A, %convert_element_type3A_243], %broadcast_in_dim3A_3 {add = true} : memref<16x256xf32, #tpu.memory_space<vmem>>[vector<16xi32>, vector<16xi32>], vector<16xf32>,
      tpu.vector_store_idx %arg6[%iota3A, %convert_element_type3A_244], %broadcast_in_dim3A_3 {add = true} : memref<16x256xf32, #tpu.memory_space<vmem>>[vector<16xi32>, vector<16xi32>], vector<16xf32>,
      tpu.vector_store_idx %arg6[%iota3A, %convert_element_type3A_245], %broadcast_in_dim3A_3 {add = true} : memref<16x256xf32, #tpu.memory_space<vmem>>[vector<16xi32>, vector<16xi32>], vector<16xf32>,
      tpu.vector_store_idx %arg6[%iota3A, %convert_element_type3A_246], %broadcast_in_dim3A_3 {add = true} : memref<16x256xf32, #tpu.memory_space<vmem>>[vector<16xi32>, vector<16xi32>], vector<16xf32>,
      tpu.vector_store_idx %arg6[%iota3A, %convert_element_type3A_247], %broadcast_in_dim3A_3 {add = true} : memref<16x256xf32, #tpu.memory_space<vmem>>[vector<16xi32>, vector<16xi32>], vector<16xf32>,
      tpu.vector_store_idx %arg6[%iota3A, %convert_element_type3A_248], %broadcast_in_dim3A_3 {add = true} : memref<16x256xf32, #tpu.memory_space<vmem>>[vector<16xi32>, vector<16xi32>], vector<16xf32>,
      tpu.vector_store_idx %arg6[%iota3A, %convert_element_type3A_249], %broadcast_in_dim3A_3 {add = true} : memref<16x256xf32, #tpu.memory_space<vmem>>[vector<16xi32>, vector<16xi32>], vector<16xf32>,
      tpu.vector_store_idx %arg6[%iota3A, %convert_element_type3A_250], %broadcast_in_dim3A_3 {add = true} : memref<16x256xf32, #tpu.memory_space<vmem>>[vector<16xi32>, vector<16xi32>], vector<16xf32>,
      tpu.vector_store_idx %arg6[%iota3A, %convert_element_type3A_251], %broadcast_in_dim3A_3 {add = true} : memref<16x256xf32, #tpu.memory_space<vmem>>[vector<16xi32>, vector<16xi32>], vector<16xf32>,
      tpu.vector_store_idx %arg6[%iota3A, %convert_element_type3A_252], %broadcast_in_dim3A_3 {add = true} : memref<16x256xf32, #tpu.memory_space<vmem>>[vector<16xi32>, vector<16xi32>], vector<16xf32>,
      tpu.vector_store_idx %arg6[%iota3A, %convert_element_type3A_253], %broadcast_in_dim3A_3 {add = true} : memref<16x256xf32, #tpu.memory_space<vmem>>[vector<16xi32>, vector<16xi32>], vector<16xf32>,
      tpu.vector_store_idx %arg6[%iota3A, %convert_element_type3A_254], %broadcast_in_dim3A_3 {add = true} : memref<16x256xf32, #tpu.memory_space<vmem>>[vector<16xi32>, vector<16xi32>], vector<16xf32>,
      tpu.vector_store_idx %arg6[%iota3A, %convert_element_type3A_255], %broadcast_in_dim3A_3 {add = true} : memref<16x256xf32, #tpu.memory_space<vmem>>[vector<16xi32>, vector<16xi32>], vector<16xf32>,
      %scan3A_256 = arith.constant 1 : i32
      %scan3A_257 = arith.addi %scan3A_193, %scan3A_256 : i32
      %get3A_258 = arith.index_cast %scan3A_257 : i32 to index
      %get3A_259 = arith.constant 0 : index
      %get3A_260 = tpu.vector_load %arg5[%get3A_258, %get3A_259] {strides = array<i32>} : memref<128x256xf32, #tpu.memory_space<vmem>>, vector<16xf32>,
      %get3A_261 = arith.index_cast %scan3A_257 : i32 to index
      %get3A_262 = arith.constant 16 : index
      %get3A_263 = tpu.vector_load %arg5[%get3A_261, %get3A_262] {strides = array<i32>} : memref<128x256xf32, #tpu.memory_space<vmem>>, vector<16xf32>,
      %get3A_264 = arith.index_cast %scan3A_257 : i32 to index
      %get3A_265 = arith.constant 32 : index
      %get3A_266 = tpu.vector_load %arg5[%get3A_264, %get3A_265] {strides = array<i32>} : memref<128x256xf32, #tpu.memory_space<vmem>>, vector<16xf32>,
      %get3A_267 = arith.index_cast %scan3A_257 : i32 to index
      %get3A_268 = arith.constant 48 : index
      %get3A_269 = tpu.vector_load %arg5[%get3A_267, %get3A_268] {strides = array<i32>} : memref<128x256xf32, #tpu.memory_space<vmem>>, vector<16xf32>,
      %get3A_270 = arith.index_cast %scan3A_257 : i32 to index
      %get3A_271 = arith.constant 64 : index
      %get3A_272 = tpu.vector_load %arg5[%get3A_270, %get3A_271] {strides = array<i32>} : memref<128x256xf32, #tpu.memory_space<vmem>>, vector<16xf32>,
      %get3A_273 = arith.index_cast %scan3A_257 : i32 to index
      %get3A_274 = arith.constant 80 : index
      %get3A_275 = tpu.vector_load %arg5[%get3A_273, %get3A_274] {strides = array<i32>} : memref<128x256xf32, #tpu.memory_space<vmem>>, vector<16xf32>,
      %get3A_276 = arith.index_cast %scan3A_257 : i32 to index
      %get3A_277 = arith.constant 96 : index
      %get3A_278 = tpu.vector_load %arg5[%get3A_276, %get3A_277] {strides = array<i32>} : memref<128x256xf32, #tpu.memory_space<vmem>>, vector<16xf32>,
      %get3A_279 = arith.index_cast %scan3A_257 : i32 to index
      %get3A_280 = arith.constant 112 : index
      %get3A_281 = tpu.vector_load %arg5[%get3A_279, %get3A_280] {strides = array<i32>} : memref<128x256xf32, #tpu.memory_space<vmem>>, vector<16xf32>,
      %get3A_282 = arith.index_cast %scan3A_257 : i32 to index
      %get3A_283 = arith.constant 128 : index
      %get3A_284 = tpu.vector_load %arg5[%get3A_282, %get3A_283] {strides = array<i32>} : memref<128x256xf32, #tpu.memory_space<vmem>>, vector<16xf32>,
      %get3A_285 = arith.index_cast %scan3A_257 : i32 to index
      %get3A_286 = arith.constant 144 : index
      %get3A_287 = tpu.vector_load %arg5[%get3A_285, %get3A_286] {strides = array<i32>} : memref<128x256xf32, #tpu.memory_space<vmem>>, vector<16xf32>,
      %get3A_288 = arith.index_cast %scan3A_257 : i32 to index
      %get3A_289 = arith.constant 160 : index
      %get3A_290 = tpu.vector_load %arg5[%get3A_288, %get3A_289] {strides = array<i32>} : memref<128x256xf32, #tpu.memory_space<vmem>>, vector<16xf32>,
      %get3A_291 = arith.index_cast %scan3A_257 : i32 to index
      %get3A_292 = arith.constant 176 : index
      %get3A_293 = tpu.vector_load %arg5[%get3A_291, %get3A_292] {strides = array<i32>} : memref<128x256xf32, #tpu.memory_space<vmem>>, vector<16xf32>,
      %get3A_294 = arith.index_cast %scan3A_257 : i32 to index
      %get3A_295 = arith.constant 192 : index
      %get3A_296 = tpu.vector_load %arg5[%get3A_294, %get3A_295] {strides = array<i32>} : memref<128x256xf32, #tpu.memory_space<vmem>>, vector<16xf32>,
      %get3A_297 = arith.index_cast %scan3A_257 : i32 to index
      %get3A_298 = arith.constant 208 : index
      %get3A_299 = tpu.vector_load %arg5[%get3A_297, %get3A_298] {strides = array<i32>} : memref<128x256xf32, #tpu.memory_space<vmem>>, vector<16xf32>,
      %get3A_300 = arith.index_cast %scan3A_257 : i32 to index
      %get3A_301 = arith.constant 224 : index
      %get3A_302 = tpu.vector_load %arg5[%get3A_300, %get3A_301] {strides = array<i32>} : memref<128x256xf32, #tpu.memory_space<vmem>>, vector<16xf32>,
      %get3A_303 = arith.index_cast %scan3A_257 : i32 to index
      %get3A_304 = arith.constant 240 : index
      %get3A_305 = tpu.vector_load %arg5[%get3A_303, %get3A_304] {strides = array<i32>} : memref<128x256xf32, #tpu.memory_space<vmem>>, vector<16xf32>,
      %convert_element_type3A_306 = arith.fptosi %get3A_260 : vector<16xf32> to vector<16xi32>
      %convert_element_type3A_307 = arith.fptosi %get3A_263 : vector<16xf32> to vector<16xi32>
      %convert_element_type3A_308 = arith.fptosi %get3A_266 : vector<16xf32> to vector<16xi32>
      %convert_element_type3A_309 = arith.fptosi %get3A_269 : vector<16xf32> to vector<16xi32>
      %convert_element_type3A_310 = arith.fptosi %get3A_272 : vector<16xf32> to vector<16xi32>
      %convert_element_type3A_311 = arith.fptosi %get3A_275 : vector<16xf32> to vector<16xi32>
      %convert_element_type3A_312 = arith.fptosi %get3A_278 : vector<16xf32> to vector<16xi32>
      %convert_element_type3A_313 = arith.fptosi %get3A_281 : vector<16xf32> to vector<16xi32>
      %convert_element_type3A_314 = arith.fptosi %get3A_284 : vector<16xf32> to vector<16xi32>
      %convert_element_type3A_315 = arith.fptosi %get3A_287 : vector<16xf32> to vector<16xi32>
      %convert_element_type3A_316 = arith.fptosi %get3A_290 : vector<16xf32> to vector<16xi32>
      %convert_element_type3A_317 = arith.fptosi %get3A_293 : vector<16xf32> to vector<16xi32>
      %convert_element_type3A_318 = arith.fptosi %get3A_296 : vector<16xf32> to vector<16xi32>
      %convert_element_type3A_319 = arith.fptosi %get3A_299 : vector<16xf32> to vector<16xi32>
      %convert_element_type3A_320 = arith.fptosi %get3A_302 : vector<16xf32> to vector<16xi32>
      %convert_element_type3A_321 = arith.fptosi %get3A_305 : vector<16xf32> to vector<16xi32>
      tpu.vector_store_idx %arg6[%iota3A, %convert_element_type3A_306], %broadcast_in_dim3A_3 {add = true} : memref<16x256xf32, #tpu.memory_space<vmem>>[vector<16xi32>, vector<16xi32>], vector<16xf32>,
      tpu.vector_store_idx %arg6[%iota3A, %convert_element_type3A_307], %broadcast_in_dim3A_3 {add = true} : memref<16x256xf32, #tpu.memory_space<vmem>>[vector<16xi32>, vector<16xi32>], vector<16xf32>,
      tpu.vector_store_idx %arg6[%iota3A, %convert_element_type3A_308], %broadcast_in_dim3A_3 {add = true} : memref<16x256xf32, #tpu.memory_space<vmem>>[vector<16xi32>, vector<16xi32>], vector<16xf32>,
      tpu.vector_store_idx %arg6[%iota3A, %convert_element_type3A_309], %broadcast_in_dim3A_3 {add = true} : memref<16x256xf32, #tpu.memory_space<vmem>>[vector<16xi32>, vector<16xi32>], vector<16xf32>,
      tpu.vector_store_idx %arg6[%iota3A, %convert_element_type3A_310], %broadcast_in_dim3A_3 {add = true} : memref<16x256xf32, #tpu.memory_space<vmem>>[vector<16xi32>, vector<16xi32>], vector<16xf32>,
      tpu.vector_store_idx %arg6[%iota3A, %convert_element_type3A_311], %broadcast_in_dim3A_3 {add = true} : memref<16x256xf32, #tpu.memory_space<vmem>>[vector<16xi32>, vector<16xi32>], vector<16xf32>,
      tpu.vector_store_idx %arg6[%iota3A, %convert_element_type3A_312], %broadcast_in_dim3A_3 {add = true} : memref<16x256xf32, #tpu.memory_space<vmem>>[vector<16xi32>, vector<16xi32>], vector<16xf32>,
      tpu.vector_store_idx %arg6[%iota3A, %convert_element_type3A_313], %broadcast_in_dim3A_3 {add = true} : memref<16x256xf32, #tpu.memory_space<vmem>>[vector<16xi32>, vector<16xi32>], vector<16xf32>,
      tpu.vector_store_idx %arg6[%iota3A, %convert_element_type3A_314], %broadcast_in_dim3A_3 {add = true} : memref<16x256xf32, #tpu.memory_space<vmem>>[vector<16xi32>, vector<16xi32>], vector<16xf32>,
      tpu.vector_store_idx %arg6[%iota3A, %convert_element_type3A_315], %broadcast_in_dim3A_3 {add = true} : memref<16x256xf32, #tpu.memory_space<vmem>>[vector<16xi32>, vector<16xi32>], vector<16xf32>,
      tpu.vector_store_idx %arg6[%iota3A, %convert_element_type3A_316], %broadcast_in_dim3A_3 {add = true} : memref<16x256xf32, #tpu.memory_space<vmem>>[vector<16xi32>, vector<16xi32>], vector<16xf32>,
      tpu.vector_store_idx %arg6[%iota3A, %convert_element_type3A_317], %broadcast_in_dim3A_3 {add = true} : memref<16x256xf32, #tpu.memory_space<vmem>>[vector<16xi32>, vector<16xi32>], vector<16xf32>,
      tpu.vector_store_idx %arg6[%iota3A, %convert_element_type3A_318], %broadcast_in_dim3A_3 {add = true} : memref<16x256xf32, #tpu.memory_space<vmem>>[vector<16xi32>, vector<16xi32>], vector<16xf32>,
      tpu.vector_store_idx %arg6[%iota3A, %convert_element_type3A_319], %broadcast_in_dim3A_3 {add = true} : memref<16x256xf32, #tpu.memory_space<vmem>>[vector<16xi32>, vector<16xi32>], vector<16xf32>,
      tpu.vector_store_idx %arg6[%iota3A, %convert_element_type3A_320], %broadcast_in_dim3A_3 {add = true} : memref<16x256xf32, #tpu.memory_space<vmem>>[vector<16xi32>, vector<16xi32>], vector<16xf32>,
      tpu.vector_store_idx %arg6[%iota3A, %convert_element_type3A_321], %broadcast_in_dim3A_3 {add = true} : memref<16x256xf32, #tpu.memory_space<vmem>>[vector<16xi32>, vector<16xi32>], vector<16xf32>,
    }
    %scan3A_103 = arith.constant 128 : i32
    %add3A_104 = arith.constant 896 : i32
    %add3A_105 = arith.addi %mul3A_2, %add3A_104 : i32
    %dma_start3A_106 = arith.constant 0 : i32
    %dma_start3A_107 = tpu.memref_slice %arg2[%add3A_105, %dma_start3A_106] : memref<49152x256xf32, #tpu.memory_space<hbm>> -> memref<128x256xf32, #tpu.memory_space<hbm>>
    %dma_start3A_108 = arith.constant 0 : i32
    %dma_start3A_109 = tpu.memref_slice %arg2[%add3A_105, %dma_start3A_108] : memref<49152x256xf32, #tpu.memory_space<hbm>> -> memref<128x256xf32, #tpu.memory_space<hbm>>
    tpu.enqueue_dma source(%dma_start3A_109 : memref<128x256xf32, #tpu.memory_space<hbm>>) target(%arg5 : memref<128x256xf32, #tpu.memory_space<vmem>>) target_semaphore(%arg9 : memref<!tpu.dma_semaphore, #tpu.memory_space<semaphore_mem>>)
    %dma_wait3A_110 = arith.constant 0 : i32
    %dma_wait3A_111 = tpu.memref_slice %arg2[%add3A_90, %dma_wait3A_110] : memref<49152x256xf32, #tpu.memory_space<hbm>> -> memref<128x256xf32, #tpu.memory_space<hbm>>
    %dma_wait3A_112 = arith.constant 0 : i32
    %dma_wait3A_113 = tpu.memref_slice %arg2[%add3A_90, %dma_wait3A_112] : memref<49152x256xf32, #tpu.memory_space<hbm>> -> memref<128x256xf32, #tpu.memory_space<hbm>>
    tpu.wait_dma2 semaphore(%arg8 : memref<!tpu.dma_semaphore, #tpu.memory_space<semaphore_mem>>) src(%dma_wait3A_113 : memref<128x256xf32, #tpu.memory_space<hbm>>) dst(%arg4 : memref<128x256xf32, #tpu.memory_space<vmem>>)
    %scan3A_114 = arith.constant 0 : i32
    %scan3A_115 = arith.constant 128 : i32
    %scan3A_116 = arith.addi %scan3A_114, %scan3A_115 : i32
    %scan3A_117 = arith.constant 2 : i32
    scf.for %scan3A_193 = %scan3A_114 to %scan3A_116 step %scan3A_117  : i32 {
      %get3A = arith.index_cast %scan3A_193 : i32 to index
      %get3A_194 = arith.constant 0 : index
      %get3A_195 = tpu.vector_load %arg4[%get3A, %get3A_194] {strides = array<i32>} : memref<128x256xf32, #tpu.memory_space<vmem>>, vector<16xf32>,
      %get3A_196 = arith.index_cast %scan3A_193 : i32 to index
      %get3A_197 = arith.constant 16 : index
      %get3A_198 = tpu.vector_load %arg4[%get3A_196, %get3A_197] {strides = array<i32>} : memref<128x256xf32, #tpu.memory_space<vmem>>, vector<16xf32>,
      %get3A_199 = arith.index_cast %scan3A_193 : i32 to index
      %get3A_200 = arith.constant 32 : index
      %get3A_201 = tpu.vector_load %arg4[%get3A_199, %get3A_200] {strides = array<i32>} : memref<128x256xf32, #tpu.memory_space<vmem>>, vector<16xf32>,
      %get3A_202 = arith.index_cast %scan3A_193 : i32 to index
      %get3A_203 = arith.constant 48 : index
      %get3A_204 = tpu.vector_load %arg4[%get3A_202, %get3A_203] {strides = array<i32>} : memref<128x256xf32, #tpu.memory_space<vmem>>, vector<16xf32>,
      %get3A_205 = arith.index_cast %scan3A_193 : i32 to index
      %get3A_206 = arith.constant 64 : index
      %get3A_207 = tpu.vector_load %arg4[%get3A_205, %get3A_206] {strides = array<i32>} : memref<128x256xf32, #tpu.memory_space<vmem>>, vector<16xf32>,
      %get3A_208 = arith.index_cast %scan3A_193 : i32 to index
      %get3A_209 = arith.constant 80 : index
      %get3A_210 = tpu.vector_load %arg4[%get3A_208, %get3A_209] {strides = array<i32>} : memref<128x256xf32, #tpu.memory_space<vmem>>, vector<16xf32>,
      %get3A_211 = arith.index_cast %scan3A_193 : i32 to index
      %get3A_212 = arith.constant 96 : index
      %get3A_213 = tpu.vector_load %arg4[%get3A_211, %get3A_212] {strides = array<i32>} : memref<128x256xf32, #tpu.memory_space<vmem>>, vector<16xf32>,
      %get3A_214 = arith.index_cast %scan3A_193 : i32 to index
      %get3A_215 = arith.constant 112 : index
      %get3A_216 = tpu.vector_load %arg4[%get3A_214, %get3A_215] {strides = array<i32>} : memref<128x256xf32, #tpu.memory_space<vmem>>, vector<16xf32>,
      %get3A_217 = arith.index_cast %scan3A_193 : i32 to index
      %get3A_218 = arith.constant 128 : index
      %get3A_219 = tpu.vector_load %arg4[%get3A_217, %get3A_218] {strides = array<i32>} : memref<128x256xf32, #tpu.memory_space<vmem>>, vector<16xf32>,
      %get3A_220 = arith.index_cast %scan3A_193 : i32 to index
      %get3A_221 = arith.constant 144 : index
      %get3A_222 = tpu.vector_load %arg4[%get3A_220, %get3A_221] {strides = array<i32>} : memref<128x256xf32, #tpu.memory_space<vmem>>, vector<16xf32>,
      %get3A_223 = arith.index_cast %scan3A_193 : i32 to index
      %get3A_224 = arith.constant 160 : index
      %get3A_225 = tpu.vector_load %arg4[%get3A_223, %get3A_224] {strides = array<i32>} : memref<128x256xf32, #tpu.memory_space<vmem>>, vector<16xf32>,
      %get3A_226 = arith.index_cast %scan3A_193 : i32 to index
      %get3A_227 = arith.constant 176 : index
      %get3A_228 = tpu.vector_load %arg4[%get3A_226, %get3A_227] {strides = array<i32>} : memref<128x256xf32, #tpu.memory_space<vmem>>, vector<16xf32>,
      %get3A_229 = arith.index_cast %scan3A_193 : i32 to index
      %get3A_230 = arith.constant 192 : index
      %get3A_231 = tpu.vector_load %arg4[%get3A_229, %get3A_230] {strides = array<i32>} : memref<128x256xf32, #tpu.memory_space<vmem>>, vector<16xf32>,
      %get3A_232 = arith.index_cast %scan3A_193 : i32 to index
      %get3A_233 = arith.constant 208 : index
      %get3A_234 = tpu.vector_load %arg4[%get3A_232, %get3A_233] {strides = array<i32>} : memref<128x256xf32, #tpu.memory_space<vmem>>, vector<16xf32>,
      %get3A_235 = arith.index_cast %scan3A_193 : i32 to index
      %get3A_236 = arith.constant 224 : index
      %get3A_237 = tpu.vector_load %arg4[%get3A_235, %get3A_236] {strides = array<i32>} : memref<128x256xf32, #tpu.memory_space<vmem>>, vector<16xf32>,
      %get3A_238 = arith.index_cast %scan3A_193 : i32 to index
      %get3A_239 = arith.constant 240 : index
      %get3A_240 = tpu.vector_load %arg4[%get3A_238, %get3A_239] {strides = array<i32>} : memref<128x256xf32, #tpu.memory_space<vmem>>, vector<16xf32>,
      %convert_element_type3A = arith.fptosi %get3A_195 : vector<16xf32> to vector<16xi32>
      %convert_element_type3A_241 = arith.fptosi %get3A_198 : vector<16xf32> to vector<16xi32>
      %convert_element_type3A_242 = arith.fptosi %get3A_201 : vector<16xf32> to vector<16xi32>
      %convert_element_type3A_243 = arith.fptosi %get3A_204 : vector<16xf32> to vector<16xi32>
      %convert_element_type3A_244 = arith.fptosi %get3A_207 : vector<16xf32> to vector<16xi32>
      %convert_element_type3A_245 = arith.fptosi %get3A_210 : vector<16xf32> to vector<16xi32>
      %convert_element_type3A_246 = arith.fptosi %get3A_213 : vector<16xf32> to vector<16xi32>
      %convert_element_type3A_247 = arith.fptosi %get3A_216 : vector<16xf32> to vector<16xi32>
      %convert_element_type3A_248 = arith.fptosi %get3A_219 : vector<16xf32> to vector<16xi32>
      %convert_element_type3A_249 = arith.fptosi %get3A_222 : vector<16xf32> to vector<16xi32>
      %convert_element_type3A_250 = arith.fptosi %get3A_225 : vector<16xf32> to vector<16xi32>
      %convert_element_type3A_251 = arith.fptosi %get3A_228 : vector<16xf32> to vector<16xi32>
      %convert_element_type3A_252 = arith.fptosi %get3A_231 : vector<16xf32> to vector<16xi32>
      %convert_element_type3A_253 = arith.fptosi %get3A_234 : vector<16xf32> to vector<16xi32>
      %convert_element_type3A_254 = arith.fptosi %get3A_237 : vector<16xf32> to vector<16xi32>
      %convert_element_type3A_255 = arith.fptosi %get3A_240 : vector<16xf32> to vector<16xi32>
      tpu.vector_store_idx %arg6[%iota3A, %convert_element_type3A], %broadcast_in_dim3A_3 {add = true} : memref<16x256xf32, #tpu.memory_space<vmem>>[vector<16xi32>, vector<16xi32>], vector<16xf32>,
      tpu.vector_store_idx %arg6[%iota3A, %convert_element_type3A_241], %broadcast_in_dim3A_3 {add = true} : memref<16x256xf32, #tpu.memory_space<vmem>>[vector<16xi32>, vector<16xi32>], vector<16xf32>,
      tpu.vector_store_idx %arg6[%iota3A, %convert_element_type3A_242], %broadcast_in_dim3A_3 {add = true} : memref<16x256xf32, #tpu.memory_space<vmem>>[vector<16xi32>, vector<16xi32>], vector<16xf32>,
      tpu.vector_store_idx %arg6[%iota3A, %convert_element_type3A_243], %broadcast_in_dim3A_3 {add = true} : memref<16x256xf32, #tpu.memory_space<vmem>>[vector<16xi32>, vector<16xi32>], vector<16xf32>,
      tpu.vector_store_idx %arg6[%iota3A, %convert_element_type3A_244], %broadcast_in_dim3A_3 {add = true} : memref<16x256xf32, #tpu.memory_space<vmem>>[vector<16xi32>, vector<16xi32>], vector<16xf32>,
      tpu.vector_store_idx %arg6[%iota3A, %convert_element_type3A_245], %broadcast_in_dim3A_3 {add = true} : memref<16x256xf32, #tpu.memory_space<vmem>>[vector<16xi32>, vector<16xi32>], vector<16xf32>,
      tpu.vector_store_idx %arg6[%iota3A, %convert_element_type3A_246], %broadcast_in_dim3A_3 {add = true} : memref<16x256xf32, #tpu.memory_space<vmem>>[vector<16xi32>, vector<16xi32>], vector<16xf32>,
      tpu.vector_store_idx %arg6[%iota3A, %convert_element_type3A_247], %broadcast_in_dim3A_3 {add = true} : memref<16x256xf32, #tpu.memory_space<vmem>>[vector<16xi32>, vector<16xi32>], vector<16xf32>,
      tpu.vector_store_idx %arg6[%iota3A, %convert_element_type3A_248], %broadcast_in_dim3A_3 {add = true} : memref<16x256xf32, #tpu.memory_space<vmem>>[vector<16xi32>, vector<16xi32>], vector<16xf32>,
      tpu.vector_store_idx %arg6[%iota3A, %convert_element_type3A_249], %broadcast_in_dim3A_3 {add = true} : memref<16x256xf32, #tpu.memory_space<vmem>>[vector<16xi32>, vector<16xi32>], vector<16xf32>,
      tpu.vector_store_idx %arg6[%iota3A, %convert_element_type3A_250], %broadcast_in_dim3A_3 {add = true} : memref<16x256xf32, #tpu.memory_space<vmem>>[vector<16xi32>, vector<16xi32>], vector<16xf32>,
      tpu.vector_store_idx %arg6[%iota3A, %convert_element_type3A_251], %broadcast_in_dim3A_3 {add = true} : memref<16x256xf32, #tpu.memory_space<vmem>>[vector<16xi32>, vector<16xi32>], vector<16xf32>,
      tpu.vector_store_idx %arg6[%iota3A, %convert_element_type3A_252], %broadcast_in_dim3A_3 {add = true} : memref<16x256xf32, #tpu.memory_space<vmem>>[vector<16xi32>, vector<16xi32>], vector<16xf32>,
      tpu.vector_store_idx %arg6[%iota3A, %convert_element_type3A_253], %broadcast_in_dim3A_3 {add = true} : memref<16x256xf32, #tpu.memory_space<vmem>>[vector<16xi32>, vector<16xi32>], vector<16xf32>,
      tpu.vector_store_idx %arg6[%iota3A, %convert_element_type3A_254], %broadcast_in_dim3A_3 {add = true} : memref<16x256xf32, #tpu.memory_space<vmem>>[vector<16xi32>, vector<16xi32>], vector<16xf32>,
      tpu.vector_store_idx %arg6[%iota3A, %convert_element_type3A_255], %broadcast_in_dim3A_3 {add = true} : memref<16x256xf32, #tpu.memory_space<vmem>>[vector<16xi32>, vector<16xi32>], vector<16xf32>,
      %scan3A_256 = arith.constant 1 : i32
      %scan3A_257 = arith.addi %scan3A_193, %scan3A_256 : i32
      %get3A_258 = arith.index_cast %scan3A_257 : i32 to index
      %get3A_259 = arith.constant 0 : index
      %get3A_260 = tpu.vector_load %arg4[%get3A_258, %get3A_259] {strides = array<i32>} : memref<128x256xf32, #tpu.memory_space<vmem>>, vector<16xf32>,
      %get3A_261 = arith.index_cast %scan3A_257 : i32 to index
      %get3A_262 = arith.constant 16 : index
      %get3A_263 = tpu.vector_load %arg4[%get3A_261, %get3A_262] {strides = array<i32>} : memref<128x256xf32, #tpu.memory_space<vmem>>, vector<16xf32>,
      %get3A_264 = arith.index_cast %scan3A_257 : i32 to index
      %get3A_265 = arith.constant 32 : index
      %get3A_266 = tpu.vector_load %arg4[%get3A_264, %get3A_265] {strides = array<i32>} : memref<128x256xf32, #tpu.memory_space<vmem>>, vector<16xf32>,
      %get3A_267 = arith.index_cast %scan3A_257 : i32 to index
      %get3A_268 = arith.constant 48 : index
      %get3A_269 = tpu.vector_load %arg4[%get3A_267, %get3A_268] {strides = array<i32>} : memref<128x256xf32, #tpu.memory_space<vmem>>, vector<16xf32>,
      %get3A_270 = arith.index_cast %scan3A_257 : i32 to index
      %get3A_271 = arith.constant 64 : index
      %get3A_272 = tpu.vector_load %arg4[%get3A_270, %get3A_271] {strides = array<i32>} : memref<128x256xf32, #tpu.memory_space<vmem>>, vector<16xf32>,
      %get3A_273 = arith.index_cast %scan3A_257 : i32 to index
      %get3A_274 = arith.constant 80 : index
      %get3A_275 = tpu.vector_load %arg4[%get3A_273, %get3A_274] {strides = array<i32>} : memref<128x256xf32, #tpu.memory_space<vmem>>, vector<16xf32>,
      %get3A_276 = arith.index_cast %scan3A_257 : i32 to index
      %get3A_277 = arith.constant 96 : index
      %get3A_278 = tpu.vector_load %arg4[%get3A_276, %get3A_277] {strides = array<i32>} : memref<128x256xf32, #tpu.memory_space<vmem>>, vector<16xf32>,
      %get3A_279 = arith.index_cast %scan3A_257 : i32 to index
      %get3A_280 = arith.constant 112 : index
      %get3A_281 = tpu.vector_load %arg4[%get3A_279, %get3A_280] {strides = array<i32>} : memref<128x256xf32, #tpu.memory_space<vmem>>, vector<16xf32>,
      %get3A_282 = arith.index_cast %scan3A_257 : i32 to index
      %get3A_283 = arith.constant 128 : index
      %get3A_284 = tpu.vector_load %arg4[%get3A_282, %get3A_283] {strides = array<i32>} : memref<128x256xf32, #tpu.memory_space<vmem>>, vector<16xf32>,
      %get3A_285 = arith.index_cast %scan3A_257 : i32 to index
      %get3A_286 = arith.constant 144 : index
      %get3A_287 = tpu.vector_load %arg4[%get3A_285, %get3A_286] {strides = array<i32>} : memref<128x256xf32, #tpu.memory_space<vmem>>, vector<16xf32>,
      %get3A_288 = arith.index_cast %scan3A_257 : i32 to index
      %get3A_289 = arith.constant 160 : index
      %get3A_290 = tpu.vector_load %arg4[%get3A_288, %get3A_289] {strides = array<i32>} : memref<128x256xf32, #tpu.memory_space<vmem>>, vector<16xf32>,
      %get3A_291 = arith.index_cast %scan3A_257 : i32 to index
      %get3A_292 = arith.constant 176 : index
      %get3A_293 = tpu.vector_load %arg4[%get3A_291, %get3A_292] {strides = array<i32>} : memref<128x256xf32, #tpu.memory_space<vmem>>, vector<16xf32>,
      %get3A_294 = arith.index_cast %scan3A_257 : i32 to index
      %get3A_295 = arith.constant 192 : index
      %get3A_296 = tpu.vector_load %arg4[%get3A_294, %get3A_295] {strides = array<i32>} : memref<128x256xf32, #tpu.memory_space<vmem>>, vector<16xf32>,
      %get3A_297 = arith.index_cast %scan3A_257 : i32 to index
      %get3A_298 = arith.constant 208 : index
      %get3A_299 = tpu.vector_load %arg4[%get3A_297, %get3A_298] {strides = array<i32>} : memref<128x256xf32, #tpu.memory_space<vmem>>, vector<16xf32>,
      %get3A_300 = arith.index_cast %scan3A_257 : i32 to index
      %get3A_301 = arith.constant 224 : index
      %get3A_302 = tpu.vector_load %arg4[%get3A_300, %get3A_301] {strides = array<i32>} : memref<128x256xf32, #tpu.memory_space<vmem>>, vector<16xf32>,
      %get3A_303 = arith.index_cast %scan3A_257 : i32 to index
      %get3A_304 = arith.constant 240 : index
      %get3A_305 = tpu.vector_load %arg4[%get3A_303, %get3A_304] {strides = array<i32>} : memref<128x256xf32, #tpu.memory_space<vmem>>, vector<16xf32>,
      %convert_element_type3A_306 = arith.fptosi %get3A_260 : vector<16xf32> to vector<16xi32>
      %convert_element_type3A_307 = arith.fptosi %get3A_263 : vector<16xf32> to vector<16xi32>
      %convert_element_type3A_308 = arith.fptosi %get3A_266 : vector<16xf32> to vector<16xi32>
      %convert_element_type3A_309 = arith.fptosi %get3A_269 : vector<16xf32> to vector<16xi32>
      %convert_element_type3A_310 = arith.fptosi %get3A_272 : vector<16xf32> to vector<16xi32>
      %convert_element_type3A_311 = arith.fptosi %get3A_275 : vector<16xf32> to vector<16xi32>
      %convert_element_type3A_312 = arith.fptosi %get3A_278 : vector<16xf32> to vector<16xi32>
      %convert_element_type3A_313 = arith.fptosi %get3A_281 : vector<16xf32> to vector<16xi32>
      %convert_element_type3A_314 = arith.fptosi %get3A_284 : vector<16xf32> to vector<16xi32>
      %convert_element_type3A_315 = arith.fptosi %get3A_287 : vector<16xf32> to vector<16xi32>
      %convert_element_type3A_316 = arith.fptosi %get3A_290 : vector<16xf32> to vector<16xi32>
      %convert_element_type3A_317 = arith.fptosi %get3A_293 : vector<16xf32> to vector<16xi32>
      %convert_element_type3A_318 = arith.fptosi %get3A_296 : vector<16xf32> to vector<16xi32>
      %convert_element_type3A_319 = arith.fptosi %get3A_299 : vector<16xf32> to vector<16xi32>
      %convert_element_type3A_320 = arith.fptosi %get3A_302 : vector<16xf32> to vector<16xi32>
      %convert_element_type3A_321 = arith.fptosi %get3A_305 : vector<16xf32> to vector<16xi32>
      tpu.vector_store_idx %arg6[%iota3A, %convert_element_type3A_306], %broadcast_in_dim3A_3 {add = true} : memref<16x256xf32, #tpu.memory_space<vmem>>[vector<16xi32>, vector<16xi32>], vector<16xf32>,
      tpu.vector_store_idx %arg6[%iota3A, %convert_element_type3A_307], %broadcast_in_dim3A_3 {add = true} : memref<16x256xf32, #tpu.memory_space<vmem>>[vector<16xi32>, vector<16xi32>], vector<16xf32>,
      tpu.vector_store_idx %arg6[%iota3A, %convert_element_type3A_308], %broadcast_in_dim3A_3 {add = true} : memref<16x256xf32, #tpu.memory_space<vmem>>[vector<16xi32>, vector<16xi32>], vector<16xf32>,
      tpu.vector_store_idx %arg6[%iota3A, %convert_element_type3A_309], %broadcast_in_dim3A_3 {add = true} : memref<16x256xf32, #tpu.memory_space<vmem>>[vector<16xi32>, vector<16xi32>], vector<16xf32>,
      tpu.vector_store_idx %arg6[%iota3A, %convert_element_type3A_310], %broadcast_in_dim3A_3 {add = true} : memref<16x256xf32, #tpu.memory_space<vmem>>[vector<16xi32>, vector<16xi32>], vector<16xf32>,
      tpu.vector_store_idx %arg6[%iota3A, %convert_element_type3A_311], %broadcast_in_dim3A_3 {add = true} : memref<16x256xf32, #tpu.memory_space<vmem>>[vector<16xi32>, vector<16xi32>], vector<16xf32>,
      tpu.vector_store_idx %arg6[%iota3A, %convert_element_type3A_312], %broadcast_in_dim3A_3 {add = true} : memref<16x256xf32, #tpu.memory_space<vmem>>[vector<16xi32>, vector<16xi32>], vector<16xf32>,
      tpu.vector_store_idx %arg6[%iota3A, %convert_element_type3A_313], %broadcast_in_dim3A_3 {add = true} : memref<16x256xf32, #tpu.memory_space<vmem>>[vector<16xi32>, vector<16xi32>], vector<16xf32>,
      tpu.vector_store_idx %arg6[%iota3A, %convert_element_type3A_314], %broadcast_in_dim3A_3 {add = true} : memref<16x256xf32, #tpu.memory_space<vmem>>[vector<16xi32>, vector<16xi32>], vector<16xf32>,
      tpu.vector_store_idx %arg6[%iota3A, %convert_element_type3A_315], %broadcast_in_dim3A_3 {add = true} : memref<16x256xf32, #tpu.memory_space<vmem>>[vector<16xi32>, vector<16xi32>], vector<16xf32>,
      tpu.vector_store_idx %arg6[%iota3A, %convert_element_type3A_316], %broadcast_in_dim3A_3 {add = true} : memref<16x256xf32, #tpu.memory_space<vmem>>[vector<16xi32>, vector<16xi32>], vector<16xf32>,
      tpu.vector_store_idx %arg6[%iota3A, %convert_element_type3A_317], %broadcast_in_dim3A_3 {add = true} : memref<16x256xf32, #tpu.memory_space<vmem>>[vector<16xi32>, vector<16xi32>], vector<16xf32>,
      tpu.vector_store_idx %arg6[%iota3A, %convert_element_type3A_318], %broadcast_in_dim3A_3 {add = true} : memref<16x256xf32, #tpu.memory_space<vmem>>[vector<16xi32>, vector<16xi32>], vector<16xf32>,
      tpu.vector_store_idx %arg6[%iota3A, %convert_element_type3A_319], %broadcast_in_dim3A_3 {add = true} : memref<16x256xf32, #tpu.memory_space<vmem>>[vector<16xi32>, vector<16xi32>], vector<16xf32>,
      tpu.vector_store_idx %arg6[%iota3A, %convert_element_type3A_320], %broadcast_in_dim3A_3 {add = true} : memref<16x256xf32, #tpu.memory_space<vmem>>[vector<16xi32>, vector<16xi32>], vector<16xf32>,
      tpu.vector_store_idx %arg6[%iota3A, %convert_element_type3A_321], %broadcast_in_dim3A_3 {add = true} : memref<16x256xf32, #tpu.memory_space<vmem>>[vector<16xi32>, vector<16xi32>], vector<16xf32>,
    }
    %scan3A_118 = arith.constant 128 : i32
    %add3A_119 = arith.constant 1024 : i32
    %add3A_120 = arith.addi %mul3A_2, %add3A_119 : i32
    %dma_start3A_121 = arith.constant 0 : i32
    %dma_start3A_122 = tpu.memref_slice %arg2[%add3A_120, %dma_start3A_121] : memref<49152x256xf32, #tpu.memory_space<hbm>> -> memref<128x256xf32, #tpu.memory_space<hbm>>
    %dma_start3A_123 = arith.constant 0 : i32
    %dma_start3A_124 = tpu.memref_slice %arg2[%add3A_120, %dma_start3A_123] : memref<49152x256xf32, #tpu.memory_space<hbm>> -> memref<128x256xf32, #tpu.memory_space<hbm>>
    tpu.enqueue_dma source(%dma_start3A_124 : memref<128x256xf32, #tpu.memory_space<hbm>>) target(%arg4 : memref<128x256xf32, #tpu.memory_space<vmem>>) target_semaphore(%arg8 : memref<!tpu.dma_semaphore, #tpu.memory_space<semaphore_mem>>)
    %dma_wait3A_125 = arith.constant 0 : i32
    %dma_wait3A_126 = tpu.memref_slice %arg2[%add3A_105, %dma_wait3A_125] : memref<49152x256xf32, #tpu.memory_space<hbm>> -> memref<128x256xf32, #tpu.memory_space<hbm>>
    %dma_wait3A_127 = arith.constant 0 : i32
    %dma_wait3A_128 = tpu.memref_slice %arg2[%add3A_105, %dma_wait3A_127] : memref<49152x256xf32, #tpu.memory_space<hbm>> -> memref<128x256xf32, #tpu.memory_space<hbm>>
    tpu.wait_dma2 semaphore(%arg9 : memref<!tpu.dma_semaphore, #tpu.memory_space<semaphore_mem>>) src(%dma_wait3A_128 : memref<128x256xf32, #tpu.memory_space<hbm>>) dst(%arg5 : memref<128x256xf32, #tpu.memory_space<vmem>>)
    %scan3A_129 = arith.constant 0 : i32
    %scan3A_130 = arith.constant 128 : i32
    %scan3A_131 = arith.addi %scan3A_129, %scan3A_130 : i32
    %scan3A_132 = arith.constant 2 : i32
    scf.for %scan3A_193 = %scan3A_129 to %scan3A_131 step %scan3A_132  : i32 {
      %get3A = arith.index_cast %scan3A_193 : i32 to index
      %get3A_194 = arith.constant 0 : index
      %get3A_195 = tpu.vector_load %arg5[%get3A, %get3A_194] {strides = array<i32>} : memref<128x256xf32, #tpu.memory_space<vmem>>, vector<16xf32>,
      %get3A_196 = arith.index_cast %scan3A_193 : i32 to index
      %get3A_197 = arith.constant 16 : index
      %get3A_198 = tpu.vector_load %arg5[%get3A_196, %get3A_197] {strides = array<i32>} : memref<128x256xf32, #tpu.memory_space<vmem>>, vector<16xf32>,
      %get3A_199 = arith.index_cast %scan3A_193 : i32 to index
      %get3A_200 = arith.constant 32 : index
      %get3A_201 = tpu.vector_load %arg5[%get3A_199, %get3A_200] {strides = array<i32>} : memref<128x256xf32, #tpu.memory_space<vmem>>, vector<16xf32>,
      %get3A_202 = arith.index_cast %scan3A_193 : i32 to index
      %get3A_203 = arith.constant 48 : index
      %get3A_204 = tpu.vector_load %arg5[%get3A_202, %get3A_203] {strides = array<i32>} : memref<128x256xf32, #tpu.memory_space<vmem>>, vector<16xf32>,
      %get3A_205 = arith.index_cast %scan3A_193 : i32 to index
      %get3A_206 = arith.constant 64 : index
      %get3A_207 = tpu.vector_load %arg5[%get3A_205, %get3A_206] {strides = array<i32>} : memref<128x256xf32, #tpu.memory_space<vmem>>, vector<16xf32>,
      %get3A_208 = arith.index_cast %scan3A_193 : i32 to index
      %get3A_209 = arith.constant 80 : index
      %get3A_210 = tpu.vector_load %arg5[%get3A_208, %get3A_209] {strides = array<i32>} : memref<128x256xf32, #tpu.memory_space<vmem>>, vector<16xf32>,
      %get3A_211 = arith.index_cast %scan3A_193 : i32 to index
      %get3A_212 = arith.constant 96 : index
      %get3A_213 = tpu.vector_load %arg5[%get3A_211, %get3A_212] {strides = array<i32>} : memref<128x256xf32, #tpu.memory_space<vmem>>, vector<16xf32>,
      %get3A_214 = arith.index_cast %scan3A_193 : i32 to index
      %get3A_215 = arith.constant 112 : index
      %get3A_216 = tpu.vector_load %arg5[%get3A_214, %get3A_215] {strides = array<i32>} : memref<128x256xf32, #tpu.memory_space<vmem>>, vector<16xf32>,
      %get3A_217 = arith.index_cast %scan3A_193 : i32 to index
      %get3A_218 = arith.constant 128 : index
      %get3A_219 = tpu.vector_load %arg5[%get3A_217, %get3A_218] {strides = array<i32>} : memref<128x256xf32, #tpu.memory_space<vmem>>, vector<16xf32>,
      %get3A_220 = arith.index_cast %scan3A_193 : i32 to index
      %get3A_221 = arith.constant 144 : index
      %get3A_222 = tpu.vector_load %arg5[%get3A_220, %get3A_221] {strides = array<i32>} : memref<128x256xf32, #tpu.memory_space<vmem>>, vector<16xf32>,
      %get3A_223 = arith.index_cast %scan3A_193 : i32 to index
      %get3A_224 = arith.constant 160 : index
      %get3A_225 = tpu.vector_load %arg5[%get3A_223, %get3A_224] {strides = array<i32>} : memref<128x256xf32, #tpu.memory_space<vmem>>, vector<16xf32>,
      %get3A_226 = arith.index_cast %scan3A_193 : i32 to index
      %get3A_227 = arith.constant 176 : index
      %get3A_228 = tpu.vector_load %arg5[%get3A_226, %get3A_227] {strides = array<i32>} : memref<128x256xf32, #tpu.memory_space<vmem>>, vector<16xf32>,
      %get3A_229 = arith.index_cast %scan3A_193 : i32 to index
      %get3A_230 = arith.constant 192 : index
      %get3A_231 = tpu.vector_load %arg5[%get3A_229, %get3A_230] {strides = array<i32>} : memref<128x256xf32, #tpu.memory_space<vmem>>, vector<16xf32>,
      %get3A_232 = arith.index_cast %scan3A_193 : i32 to index
      %get3A_233 = arith.constant 208 : index
      %get3A_234 = tpu.vector_load %arg5[%get3A_232, %get3A_233] {strides = array<i32>} : memref<128x256xf32, #tpu.memory_space<vmem>>, vector<16xf32>,
      %get3A_235 = arith.index_cast %scan3A_193 : i32 to index
      %get3A_236 = arith.constant 224 : index
      %get3A_237 = tpu.vector_load %arg5[%get3A_235, %get3A_236] {strides = array<i32>} : memref<128x256xf32, #tpu.memory_space<vmem>>, vector<16xf32>,
      %get3A_238 = arith.index_cast %scan3A_193 : i32 to index
      %get3A_239 = arith.constant 240 : index
      %get3A_240 = tpu.vector_load %arg5[%get3A_238, %get3A_239] {strides = array<i32>} : memref<128x256xf32, #tpu.memory_space<vmem>>, vector<16xf32>,
      %convert_element_type3A = arith.fptosi %get3A_195 : vector<16xf32> to vector<16xi32>
      %convert_element_type3A_241 = arith.fptosi %get3A_198 : vector<16xf32> to vector<16xi32>
      %convert_element_type3A_242 = arith.fptosi %get3A_201 : vector<16xf32> to vector<16xi32>
      %convert_element_type3A_243 = arith.fptosi %get3A_204 : vector<16xf32> to vector<16xi32>
      %convert_element_type3A_244 = arith.fptosi %get3A_207 : vector<16xf32> to vector<16xi32>
      %convert_element_type3A_245 = arith.fptosi %get3A_210 : vector<16xf32> to vector<16xi32>
      %convert_element_type3A_246 = arith.fptosi %get3A_213 : vector<16xf32> to vector<16xi32>
      %convert_element_type3A_247 = arith.fptosi %get3A_216 : vector<16xf32> to vector<16xi32>
      %convert_element_type3A_248 = arith.fptosi %get3A_219 : vector<16xf32> to vector<16xi32>
      %convert_element_type3A_249 = arith.fptosi %get3A_222 : vector<16xf32> to vector<16xi32>
      %convert_element_type3A_250 = arith.fptosi %get3A_225 : vector<16xf32> to vector<16xi32>
      %convert_element_type3A_251 = arith.fptosi %get3A_228 : vector<16xf32> to vector<16xi32>
      %convert_element_type3A_252 = arith.fptosi %get3A_231 : vector<16xf32> to vector<16xi32>
      %convert_element_type3A_253 = arith.fptosi %get3A_234 : vector<16xf32> to vector<16xi32>
      %convert_element_type3A_254 = arith.fptosi %get3A_237 : vector<16xf32> to vector<16xi32>
      %convert_element_type3A_255 = arith.fptosi %get3A_240 : vector<16xf32> to vector<16xi32>
      tpu.vector_store_idx %arg6[%iota3A, %convert_element_type3A], %broadcast_in_dim3A_3 {add = true} : memref<16x256xf32, #tpu.memory_space<vmem>>[vector<16xi32>, vector<16xi32>], vector<16xf32>,
      tpu.vector_store_idx %arg6[%iota3A, %convert_element_type3A_241], %broadcast_in_dim3A_3 {add = true} : memref<16x256xf32, #tpu.memory_space<vmem>>[vector<16xi32>, vector<16xi32>], vector<16xf32>,
      tpu.vector_store_idx %arg6[%iota3A, %convert_element_type3A_242], %broadcast_in_dim3A_3 {add = true} : memref<16x256xf32, #tpu.memory_space<vmem>>[vector<16xi32>, vector<16xi32>], vector<16xf32>,
      tpu.vector_store_idx %arg6[%iota3A, %convert_element_type3A_243], %broadcast_in_dim3A_3 {add = true} : memref<16x256xf32, #tpu.memory_space<vmem>>[vector<16xi32>, vector<16xi32>], vector<16xf32>,
      tpu.vector_store_idx %arg6[%iota3A, %convert_element_type3A_244], %broadcast_in_dim3A_3 {add = true} : memref<16x256xf32, #tpu.memory_space<vmem>>[vector<16xi32>, vector<16xi32>], vector<16xf32>,
      tpu.vector_store_idx %arg6[%iota3A, %convert_element_type3A_245], %broadcast_in_dim3A_3 {add = true} : memref<16x256xf32, #tpu.memory_space<vmem>>[vector<16xi32>, vector<16xi32>], vector<16xf32>,
      tpu.vector_store_idx %arg6[%iota3A, %convert_element_type3A_246], %broadcast_in_dim3A_3 {add = true} : memref<16x256xf32, #tpu.memory_space<vmem>>[vector<16xi32>, vector<16xi32>], vector<16xf32>,
      tpu.vector_store_idx %arg6[%iota3A, %convert_element_type3A_247], %broadcast_in_dim3A_3 {add = true} : memref<16x256xf32, #tpu.memory_space<vmem>>[vector<16xi32>, vector<16xi32>], vector<16xf32>,
      tpu.vector_store_idx %arg6[%iota3A, %convert_element_type3A_248], %broadcast_in_dim3A_3 {add = true} : memref<16x256xf32, #tpu.memory_space<vmem>>[vector<16xi32>, vector<16xi32>], vector<16xf32>,
      tpu.vector_store_idx %arg6[%iota3A, %convert_element_type3A_249], %broadcast_in_dim3A_3 {add = true} : memref<16x256xf32, #tpu.memory_space<vmem>>[vector<16xi32>, vector<16xi32>], vector<16xf32>,
      tpu.vector_store_idx %arg6[%iota3A, %convert_element_type3A_250], %broadcast_in_dim3A_3 {add = true} : memref<16x256xf32, #tpu.memory_space<vmem>>[vector<16xi32>, vector<16xi32>], vector<16xf32>,
      tpu.vector_store_idx %arg6[%iota3A, %convert_element_type3A_251], %broadcast_in_dim3A_3 {add = true} : memref<16x256xf32, #tpu.memory_space<vmem>>[vector<16xi32>, vector<16xi32>], vector<16xf32>,
      tpu.vector_store_idx %arg6[%iota3A, %convert_element_type3A_252], %broadcast_in_dim3A_3 {add = true} : memref<16x256xf32, #tpu.memory_space<vmem>>[vector<16xi32>, vector<16xi32>], vector<16xf32>,
      tpu.vector_store_idx %arg6[%iota3A, %convert_element_type3A_253], %broadcast_in_dim3A_3 {add = true} : memref<16x256xf32, #tpu.memory_space<vmem>>[vector<16xi32>, vector<16xi32>], vector<16xf32>,
      tpu.vector_store_idx %arg6[%iota3A, %convert_element_type3A_254], %broadcast_in_dim3A_3 {add = true} : memref<16x256xf32, #tpu.memory_space<vmem>>[vector<16xi32>, vector<16xi32>], vector<16xf32>,
      tpu.vector_store_idx %arg6[%iota3A, %convert_element_type3A_255], %broadcast_in_dim3A_3 {add = true} : memref<16x256xf32, #tpu.memory_space<vmem>>[vector<16xi32>, vector<16xi32>], vector<16xf32>,
      %scan3A_256 = arith.constant 1 : i32
      %scan3A_257 = arith.addi %scan3A_193, %scan3A_256 : i32
      %get3A_258 = arith.index_cast %scan3A_257 : i32 to index
      %get3A_259 = arith.constant 0 : index
      %get3A_260 = tpu.vector_load %arg5[%get3A_258, %get3A_259] {strides = array<i32>} : memref<128x256xf32, #tpu.memory_space<vmem>>, vector<16xf32>,
      %get3A_261 = arith.index_cast %scan3A_257 : i32 to index
      %get3A_262 = arith.constant 16 : index
      %get3A_263 = tpu.vector_load %arg5[%get3A_261, %get3A_262] {strides = array<i32>} : memref<128x256xf32, #tpu.memory_space<vmem>>, vector<16xf32>,
      %get3A_264 = arith.index_cast %scan3A_257 : i32 to index
      %get3A_265 = arith.constant 32 : index
      %get3A_266 = tpu.vector_load %arg5[%get3A_264, %get3A_265] {strides = array<i32>} : memref<128x256xf32, #tpu.memory_space<vmem>>, vector<16xf32>,
      %get3A_267 = arith.index_cast %scan3A_257 : i32 to index
      %get3A_268 = arith.constant 48 : index
      %get3A_269 = tpu.vector_load %arg5[%get3A_267, %get3A_268] {strides = array<i32>} : memref<128x256xf32, #tpu.memory_space<vmem>>, vector<16xf32>,
      %get3A_270 = arith.index_cast %scan3A_257 : i32 to index
      %get3A_271 = arith.constant 64 : index
      %get3A_272 = tpu.vector_load %arg5[%get3A_270, %get3A_271] {strides = array<i32>} : memref<128x256xf32, #tpu.memory_space<vmem>>, vector<16xf32>,
      %get3A_273 = arith.index_cast %scan3A_257 : i32 to index
      %get3A_274 = arith.constant 80 : index
      %get3A_275 = tpu.vector_load %arg5[%get3A_273, %get3A_274] {strides = array<i32>} : memref<128x256xf32, #tpu.memory_space<vmem>>, vector<16xf32>,
      %get3A_276 = arith.index_cast %scan3A_257 : i32 to index
      %get3A_277 = arith.constant 96 : index
      %get3A_278 = tpu.vector_load %arg5[%get3A_276, %get3A_277] {strides = array<i32>} : memref<128x256xf32, #tpu.memory_space<vmem>>, vector<16xf32>,
      %get3A_279 = arith.index_cast %scan3A_257 : i32 to index
      %get3A_280 = arith.constant 112 : index
      %get3A_281 = tpu.vector_load %arg5[%get3A_279, %get3A_280] {strides = array<i32>} : memref<128x256xf32, #tpu.memory_space<vmem>>, vector<16xf32>,
      %get3A_282 = arith.index_cast %scan3A_257 : i32 to index
      %get3A_283 = arith.constant 128 : index
      %get3A_284 = tpu.vector_load %arg5[%get3A_282, %get3A_283] {strides = array<i32>} : memref<128x256xf32, #tpu.memory_space<vmem>>, vector<16xf32>,
      %get3A_285 = arith.index_cast %scan3A_257 : i32 to index
      %get3A_286 = arith.constant 144 : index
      %get3A_287 = tpu.vector_load %arg5[%get3A_285, %get3A_286] {strides = array<i32>} : memref<128x256xf32, #tpu.memory_space<vmem>>, vector<16xf32>,
      %get3A_288 = arith.index_cast %scan3A_257 : i32 to index
      %get3A_289 = arith.constant 160 : index
      %get3A_290 = tpu.vector_load %arg5[%get3A_288, %get3A_289] {strides = array<i32>} : memref<128x256xf32, #tpu.memory_space<vmem>>, vector<16xf32>,
      %get3A_291 = arith.index_cast %scan3A_257 : i32 to index
      %get3A_292 = arith.constant 176 : index
      %get3A_293 = tpu.vector_load %arg5[%get3A_291, %get3A_292] {strides = array<i32>} : memref<128x256xf32, #tpu.memory_space<vmem>>, vector<16xf32>,
      %get3A_294 = arith.index_cast %scan3A_257 : i32 to index
      %get3A_295 = arith.constant 192 : index
      %get3A_296 = tpu.vector_load %arg5[%get3A_294, %get3A_295] {strides = array<i32>} : memref<128x256xf32, #tpu.memory_space<vmem>>, vector<16xf32>,
      %get3A_297 = arith.index_cast %scan3A_257 : i32 to index
      %get3A_298 = arith.constant 208 : index
      %get3A_299 = tpu.vector_load %arg5[%get3A_297, %get3A_298] {strides = array<i32>} : memref<128x256xf32, #tpu.memory_space<vmem>>, vector<16xf32>,
      %get3A_300 = arith.index_cast %scan3A_257 : i32 to index
      %get3A_301 = arith.constant 224 : index
      %get3A_302 = tpu.vector_load %arg5[%get3A_300, %get3A_301] {strides = array<i32>} : memref<128x256xf32, #tpu.memory_space<vmem>>, vector<16xf32>,
      %get3A_303 = arith.index_cast %scan3A_257 : i32 to index
      %get3A_304 = arith.constant 240 : index
      %get3A_305 = tpu.vector_load %arg5[%get3A_303, %get3A_304] {strides = array<i32>} : memref<128x256xf32, #tpu.memory_space<vmem>>, vector<16xf32>,
      %convert_element_type3A_306 = arith.fptosi %get3A_260 : vector<16xf32> to vector<16xi32>
      %convert_element_type3A_307 = arith.fptosi %get3A_263 : vector<16xf32> to vector<16xi32>
      %convert_element_type3A_308 = arith.fptosi %get3A_266 : vector<16xf32> to vector<16xi32>
      %convert_element_type3A_309 = arith.fptosi %get3A_269 : vector<16xf32> to vector<16xi32>
      %convert_element_type3A_310 = arith.fptosi %get3A_272 : vector<16xf32> to vector<16xi32>
      %convert_element_type3A_311 = arith.fptosi %get3A_275 : vector<16xf32> to vector<16xi32>
      %convert_element_type3A_312 = arith.fptosi %get3A_278 : vector<16xf32> to vector<16xi32>
      %convert_element_type3A_313 = arith.fptosi %get3A_281 : vector<16xf32> to vector<16xi32>
      %convert_element_type3A_314 = arith.fptosi %get3A_284 : vector<16xf32> to vector<16xi32>
      %convert_element_type3A_315 = arith.fptosi %get3A_287 : vector<16xf32> to vector<16xi32>
      %convert_element_type3A_316 = arith.fptosi %get3A_290 : vector<16xf32> to vector<16xi32>
      %convert_element_type3A_317 = arith.fptosi %get3A_293 : vector<16xf32> to vector<16xi32>
      %convert_element_type3A_318 = arith.fptosi %get3A_296 : vector<16xf32> to vector<16xi32>
      %convert_element_type3A_319 = arith.fptosi %get3A_299 : vector<16xf32> to vector<16xi32>
      %convert_element_type3A_320 = arith.fptosi %get3A_302 : vector<16xf32> to vector<16xi32>
      %convert_element_type3A_321 = arith.fptosi %get3A_305 : vector<16xf32> to vector<16xi32>
      tpu.vector_store_idx %arg6[%iota3A, %convert_element_type3A_306], %broadcast_in_dim3A_3 {add = true} : memref<16x256xf32, #tpu.memory_space<vmem>>[vector<16xi32>, vector<16xi32>], vector<16xf32>,
      tpu.vector_store_idx %arg6[%iota3A, %convert_element_type3A_307], %broadcast_in_dim3A_3 {add = true} : memref<16x256xf32, #tpu.memory_space<vmem>>[vector<16xi32>, vector<16xi32>], vector<16xf32>,
      tpu.vector_store_idx %arg6[%iota3A, %convert_element_type3A_308], %broadcast_in_dim3A_3 {add = true} : memref<16x256xf32, #tpu.memory_space<vmem>>[vector<16xi32>, vector<16xi32>], vector<16xf32>,
      tpu.vector_store_idx %arg6[%iota3A, %convert_element_type3A_309], %broadcast_in_dim3A_3 {add = true} : memref<16x256xf32, #tpu.memory_space<vmem>>[vector<16xi32>, vector<16xi32>], vector<16xf32>,
      tpu.vector_store_idx %arg6[%iota3A, %convert_element_type3A_310], %broadcast_in_dim3A_3 {add = true} : memref<16x256xf32, #tpu.memory_space<vmem>>[vector<16xi32>, vector<16xi32>], vector<16xf32>,
      tpu.vector_store_idx %arg6[%iota3A, %convert_element_type3A_311], %broadcast_in_dim3A_3 {add = true} : memref<16x256xf32, #tpu.memory_space<vmem>>[vector<16xi32>, vector<16xi32>], vector<16xf32>,
      tpu.vector_store_idx %arg6[%iota3A, %convert_element_type3A_312], %broadcast_in_dim3A_3 {add = true} : memref<16x256xf32, #tpu.memory_space<vmem>>[vector<16xi32>, vector<16xi32>], vector<16xf32>,
      tpu.vector_store_idx %arg6[%iota3A, %convert_element_type3A_313], %broadcast_in_dim3A_3 {add = true} : memref<16x256xf32, #tpu.memory_space<vmem>>[vector<16xi32>, vector<16xi32>], vector<16xf32>,
      tpu.vector_store_idx %arg6[%iota3A, %convert_element_type3A_314], %broadcast_in_dim3A_3 {add = true} : memref<16x256xf32, #tpu.memory_space<vmem>>[vector<16xi32>, vector<16xi32>], vector<16xf32>,
      tpu.vector_store_idx %arg6[%iota3A, %convert_element_type3A_315], %broadcast_in_dim3A_3 {add = true} : memref<16x256xf32, #tpu.memory_space<vmem>>[vector<16xi32>, vector<16xi32>], vector<16xf32>,
      tpu.vector_store_idx %arg6[%iota3A, %convert_element_type3A_316], %broadcast_in_dim3A_3 {add = true} : memref<16x256xf32, #tpu.memory_space<vmem>>[vector<16xi32>, vector<16xi32>], vector<16xf32>,
      tpu.vector_store_idx %arg6[%iota3A, %convert_element_type3A_317], %broadcast_in_dim3A_3 {add = true} : memref<16x256xf32, #tpu.memory_space<vmem>>[vector<16xi32>, vector<16xi32>], vector<16xf32>,
      tpu.vector_store_idx %arg6[%iota3A, %convert_element_type3A_318], %broadcast_in_dim3A_3 {add = true} : memref<16x256xf32, #tpu.memory_space<vmem>>[vector<16xi32>, vector<16xi32>], vector<16xf32>,
      tpu.vector_store_idx %arg6[%iota3A, %convert_element_type3A_319], %broadcast_in_dim3A_3 {add = true} : memref<16x256xf32, #tpu.memory_space<vmem>>[vector<16xi32>, vector<16xi32>], vector<16xf32>,
      tpu.vector_store_idx %arg6[%iota3A, %convert_element_type3A_320], %broadcast_in_dim3A_3 {add = true} : memref<16x256xf32, #tpu.memory_space<vmem>>[vector<16xi32>, vector<16xi32>], vector<16xf32>,
      tpu.vector_store_idx %arg6[%iota3A, %convert_element_type3A_321], %broadcast_in_dim3A_3 {add = true} : memref<16x256xf32, #tpu.memory_space<vmem>>[vector<16xi32>, vector<16xi32>], vector<16xf32>,
    }
    %scan3A_133 = arith.constant 128 : i32
    %add3A_134 = arith.constant 1152 : i32
    %add3A_135 = arith.addi %mul3A_2, %add3A_134 : i32
    %dma_start3A_136 = arith.constant 0 : i32
    %dma_start3A_137 = tpu.memref_slice %arg2[%add3A_135, %dma_start3A_136] : memref<49152x256xf32, #tpu.memory_space<hbm>> -> memref<128x256xf32, #tpu.memory_space<hbm>>
    %dma_start3A_138 = arith.constant 0 : i32
    %dma_start3A_139 = tpu.memref_slice %arg2[%add3A_135, %dma_start3A_138] : memref<49152x256xf32, #tpu.memory_space<hbm>> -> memref<128x256xf32, #tpu.memory_space<hbm>>
    tpu.enqueue_dma source(%dma_start3A_139 : memref<128x256xf32, #tpu.memory_space<hbm>>) target(%arg5 : memref<128x256xf32, #tpu.memory_space<vmem>>) target_semaphore(%arg9 : memref<!tpu.dma_semaphore, #tpu.memory_space<semaphore_mem>>)
    %dma_wait3A_140 = arith.constant 0 : i32
    %dma_wait3A_141 = tpu.memref_slice %arg2[%add3A_120, %dma_wait3A_140] : memref<49152x256xf32, #tpu.memory_space<hbm>> -> memref<128x256xf32, #tpu.memory_space<hbm>>
    %dma_wait3A_142 = arith.constant 0 : i32
    %dma_wait3A_143 = tpu.memref_slice %arg2[%add3A_120, %dma_wait3A_142] : memref<49152x256xf32, #tpu.memory_space<hbm>> -> memref<128x256xf32, #tpu.memory_space<hbm>>
    tpu.wait_dma2 semaphore(%arg8 : memref<!tpu.dma_semaphore, #tpu.memory_space<semaphore_mem>>) src(%dma_wait3A_143 : memref<128x256xf32, #tpu.memory_space<hbm>>) dst(%arg4 : memref<128x256xf32, #tpu.memory_space<vmem>>)
    %scan3A_144 = arith.constant 0 : i32
    %scan3A_145 = arith.constant 128 : i32
    %scan3A_146 = arith.addi %scan3A_144, %scan3A_145 : i32
    %scan3A_147 = arith.constant 2 : i32
    scf.for %scan3A_193 = %scan3A_144 to %scan3A_146 step %scan3A_147  : i32 {
      %get3A = arith.index_cast %scan3A_193 : i32 to index
      %get3A_194 = arith.constant 0 : index
      %get3A_195 = tpu.vector_load %arg4[%get3A, %get3A_194] {strides = array<i32>} : memref<128x256xf32, #tpu.memory_space<vmem>>, vector<16xf32>,
      %get3A_196 = arith.index_cast %scan3A_193 : i32 to index
      %get3A_197 = arith.constant 16 : index
      %get3A_198 = tpu.vector_load %arg4[%get3A_196, %get3A_197] {strides = array<i32>} : memref<128x256xf32, #tpu.memory_space<vmem>>, vector<16xf32>,
      %get3A_199 = arith.index_cast %scan3A_193 : i32 to index
      %get3A_200 = arith.constant 32 : index
      %get3A_201 = tpu.vector_load %arg4[%get3A_199, %get3A_200] {strides = array<i32>} : memref<128x256xf32, #tpu.memory_space<vmem>>, vector<16xf32>,
      %get3A_202 = arith.index_cast %scan3A_193 : i32 to index
      %get3A_203 = arith.constant 48 : index
      %get3A_204 = tpu.vector_load %arg4[%get3A_202, %get3A_203] {strides = array<i32>} : memref<128x256xf32, #tpu.memory_space<vmem>>, vector<16xf32>,
      %get3A_205 = arith.index_cast %scan3A_193 : i32 to index
      %get3A_206 = arith.constant 64 : index
      %get3A_207 = tpu.vector_load %arg4[%get3A_205, %get3A_206] {strides = array<i32>} : memref<128x256xf32, #tpu.memory_space<vmem>>, vector<16xf32>,
      %get3A_208 = arith.index_cast %scan3A_193 : i32 to index
      %get3A_209 = arith.constant 80 : index
      %get3A_210 = tpu.vector_load %arg4[%get3A_208, %get3A_209] {strides = array<i32>} : memref<128x256xf32, #tpu.memory_space<vmem>>, vector<16xf32>,
      %get3A_211 = arith.index_cast %scan3A_193 : i32 to index
      %get3A_212 = arith.constant 96 : index
      %get3A_213 = tpu.vector_load %arg4[%get3A_211, %get3A_212] {strides = array<i32>} : memref<128x256xf32, #tpu.memory_space<vmem>>, vector<16xf32>,
      %get3A_214 = arith.index_cast %scan3A_193 : i32 to index
      %get3A_215 = arith.constant 112 : index
      %get3A_216 = tpu.vector_load %arg4[%get3A_214, %get3A_215] {strides = array<i32>} : memref<128x256xf32, #tpu.memory_space<vmem>>, vector<16xf32>,
      %get3A_217 = arith.index_cast %scan3A_193 : i32 to index
      %get3A_218 = arith.constant 128 : index
      %get3A_219 = tpu.vector_load %arg4[%get3A_217, %get3A_218] {strides = array<i32>} : memref<128x256xf32, #tpu.memory_space<vmem>>, vector<16xf32>,
      %get3A_220 = arith.index_cast %scan3A_193 : i32 to index
      %get3A_221 = arith.constant 144 : index
      %get3A_222 = tpu.vector_load %arg4[%get3A_220, %get3A_221] {strides = array<i32>} : memref<128x256xf32, #tpu.memory_space<vmem>>, vector<16xf32>,
      %get3A_223 = arith.index_cast %scan3A_193 : i32 to index
      %get3A_224 = arith.constant 160 : index
      %get3A_225 = tpu.vector_load %arg4[%get3A_223, %get3A_224] {strides = array<i32>} : memref<128x256xf32, #tpu.memory_space<vmem>>, vector<16xf32>,
      %get3A_226 = arith.index_cast %scan3A_193 : i32 to index
      %get3A_227 = arith.constant 176 : index
      %get3A_228 = tpu.vector_load %arg4[%get3A_226, %get3A_227] {strides = array<i32>} : memref<128x256xf32, #tpu.memory_space<vmem>>, vector<16xf32>,
      %get3A_229 = arith.index_cast %scan3A_193 : i32 to index
      %get3A_230 = arith.constant 192 : index
      %get3A_231 = tpu.vector_load %arg4[%get3A_229, %get3A_230] {strides = array<i32>} : memref<128x256xf32, #tpu.memory_space<vmem>>, vector<16xf32>,
      %get3A_232 = arith.index_cast %scan3A_193 : i32 to index
      %get3A_233 = arith.constant 208 : index
      %get3A_234 = tpu.vector_load %arg4[%get3A_232, %get3A_233] {strides = array<i32>} : memref<128x256xf32, #tpu.memory_space<vmem>>, vector<16xf32>,
      %get3A_235 = arith.index_cast %scan3A_193 : i32 to index
      %get3A_236 = arith.constant 224 : index
      %get3A_237 = tpu.vector_load %arg4[%get3A_235, %get3A_236] {strides = array<i32>} : memref<128x256xf32, #tpu.memory_space<vmem>>, vector<16xf32>,
      %get3A_238 = arith.index_cast %scan3A_193 : i32 to index
      %get3A_239 = arith.constant 240 : index
      %get3A_240 = tpu.vector_load %arg4[%get3A_238, %get3A_239] {strides = array<i32>} : memref<128x256xf32, #tpu.memory_space<vmem>>, vector<16xf32>,
      %convert_element_type3A = arith.fptosi %get3A_195 : vector<16xf32> to vector<16xi32>
      %convert_element_type3A_241 = arith.fptosi %get3A_198 : vector<16xf32> to vector<16xi32>
      %convert_element_type3A_242 = arith.fptosi %get3A_201 : vector<16xf32> to vector<16xi32>
      %convert_element_type3A_243 = arith.fptosi %get3A_204 : vector<16xf32> to vector<16xi32>
      %convert_element_type3A_244 = arith.fptosi %get3A_207 : vector<16xf32> to vector<16xi32>
      %convert_element_type3A_245 = arith.fptosi %get3A_210 : vector<16xf32> to vector<16xi32>
      %convert_element_type3A_246 = arith.fptosi %get3A_213 : vector<16xf32> to vector<16xi32>
      %convert_element_type3A_247 = arith.fptosi %get3A_216 : vector<16xf32> to vector<16xi32>
      %convert_element_type3A_248 = arith.fptosi %get3A_219 : vector<16xf32> to vector<16xi32>
      %convert_element_type3A_249 = arith.fptosi %get3A_222 : vector<16xf32> to vector<16xi32>
      %convert_element_type3A_250 = arith.fptosi %get3A_225 : vector<16xf32> to vector<16xi32>
      %convert_element_type3A_251 = arith.fptosi %get3A_228 : vector<16xf32> to vector<16xi32>
      %convert_element_type3A_252 = arith.fptosi %get3A_231 : vector<16xf32> to vector<16xi32>
      %convert_element_type3A_253 = arith.fptosi %get3A_234 : vector<16xf32> to vector<16xi32>
      %convert_element_type3A_254 = arith.fptosi %get3A_237 : vector<16xf32> to vector<16xi32>
      %convert_element_type3A_255 = arith.fptosi %get3A_240 : vector<16xf32> to vector<16xi32>
      tpu.vector_store_idx %arg6[%iota3A, %convert_element_type3A], %broadcast_in_dim3A_3 {add = true} : memref<16x256xf32, #tpu.memory_space<vmem>>[vector<16xi32>, vector<16xi32>], vector<16xf32>,
      tpu.vector_store_idx %arg6[%iota3A, %convert_element_type3A_241], %broadcast_in_dim3A_3 {add = true} : memref<16x256xf32, #tpu.memory_space<vmem>>[vector<16xi32>, vector<16xi32>], vector<16xf32>,
      tpu.vector_store_idx %arg6[%iota3A, %convert_element_type3A_242], %broadcast_in_dim3A_3 {add = true} : memref<16x256xf32, #tpu.memory_space<vmem>>[vector<16xi32>, vector<16xi32>], vector<16xf32>,
      tpu.vector_store_idx %arg6[%iota3A, %convert_element_type3A_243], %broadcast_in_dim3A_3 {add = true} : memref<16x256xf32, #tpu.memory_space<vmem>>[vector<16xi32>, vector<16xi32>], vector<16xf32>,
      tpu.vector_store_idx %arg6[%iota3A, %convert_element_type3A_244], %broadcast_in_dim3A_3 {add = true} : memref<16x256xf32, #tpu.memory_space<vmem>>[vector<16xi32>, vector<16xi32>], vector<16xf32>,
      tpu.vector_store_idx %arg6[%iota3A, %convert_element_type3A_245], %broadcast_in_dim3A_3 {add = true} : memref<16x256xf32, #tpu.memory_space<vmem>>[vector<16xi32>, vector<16xi32>], vector<16xf32>,
      tpu.vector_store_idx %arg6[%iota3A, %convert_element_type3A_246], %broadcast_in_dim3A_3 {add = true} : memref<16x256xf32, #tpu.memory_space<vmem>>[vector<16xi32>, vector<16xi32>], vector<16xf32>,
      tpu.vector_store_idx %arg6[%iota3A, %convert_element_type3A_247], %broadcast_in_dim3A_3 {add = true} : memref<16x256xf32, #tpu.memory_space<vmem>>[vector<16xi32>, vector<16xi32>], vector<16xf32>,
      tpu.vector_store_idx %arg6[%iota3A, %convert_element_type3A_248], %broadcast_in_dim3A_3 {add = true} : memref<16x256xf32, #tpu.memory_space<vmem>>[vector<16xi32>, vector<16xi32>], vector<16xf32>,
      tpu.vector_store_idx %arg6[%iota3A, %convert_element_type3A_249], %broadcast_in_dim3A_3 {add = true} : memref<16x256xf32, #tpu.memory_space<vmem>>[vector<16xi32>, vector<16xi32>], vector<16xf32>,
      tpu.vector_store_idx %arg6[%iota3A, %convert_element_type3A_250], %broadcast_in_dim3A_3 {add = true} : memref<16x256xf32, #tpu.memory_space<vmem>>[vector<16xi32>, vector<16xi32>], vector<16xf32>,
      tpu.vector_store_idx %arg6[%iota3A, %convert_element_type3A_251], %broadcast_in_dim3A_3 {add = true} : memref<16x256xf32, #tpu.memory_space<vmem>>[vector<16xi32>, vector<16xi32>], vector<16xf32>,
      tpu.vector_store_idx %arg6[%iota3A, %convert_element_type3A_252], %broadcast_in_dim3A_3 {add = true} : memref<16x256xf32, #tpu.memory_space<vmem>>[vector<16xi32>, vector<16xi32>], vector<16xf32>,
      tpu.vector_store_idx %arg6[%iota3A, %convert_element_type3A_253], %broadcast_in_dim3A_3 {add = true} : memref<16x256xf32, #tpu.memory_space<vmem>>[vector<16xi32>, vector<16xi32>], vector<16xf32>,
      tpu.vector_store_idx %arg6[%iota3A, %convert_element_type3A_254], %broadcast_in_dim3A_3 {add = true} : memref<16x256xf32, #tpu.memory_space<vmem>>[vector<16xi32>, vector<16xi32>], vector<16xf32>,
      tpu.vector_store_idx %arg6[%iota3A, %convert_element_type3A_255], %broadcast_in_dim3A_3 {add = true} : memref<16x256xf32, #tpu.memory_space<vmem>>[vector<16xi32>, vector<16xi32>], vector<16xf32>,
      %scan3A_256 = arith.constant 1 : i32
      %scan3A_257 = arith.addi %scan3A_193, %scan3A_256 : i32
      %get3A_258 = arith.index_cast %scan3A_257 : i32 to index
      %get3A_259 = arith.constant 0 : index
      %get3A_260 = tpu.vector_load %arg4[%get3A_258, %get3A_259] {strides = array<i32>} : memref<128x256xf32, #tpu.memory_space<vmem>>, vector<16xf32>,
      %get3A_261 = arith.index_cast %scan3A_257 : i32 to index
      %get3A_262 = arith.constant 16 : index
      %get3A_263 = tpu.vector_load %arg4[%get3A_261, %get3A_262] {strides = array<i32>} : memref<128x256xf32, #tpu.memory_space<vmem>>, vector<16xf32>,
      %get3A_264 = arith.index_cast %scan3A_257 : i32 to index
      %get3A_265 = arith.constant 32 : index
      %get3A_266 = tpu.vector_load %arg4[%get3A_264, %get3A_265] {strides = array<i32>} : memref<128x256xf32, #tpu.memory_space<vmem>>, vector<16xf32>,
      %get3A_267 = arith.index_cast %scan3A_257 : i32 to index
      %get3A_268 = arith.constant 48 : index
      %get3A_269 = tpu.vector_load %arg4[%get3A_267, %get3A_268] {strides = array<i32>} : memref<128x256xf32, #tpu.memory_space<vmem>>, vector<16xf32>,
      %get3A_270 = arith.index_cast %scan3A_257 : i32 to index
      %get3A_271 = arith.constant 64 : index
      %get3A_272 = tpu.vector_load %arg4[%get3A_270, %get3A_271] {strides = array<i32>} : memref<128x256xf32, #tpu.memory_space<vmem>>, vector<16xf32>,
      %get3A_273 = arith.index_cast %scan3A_257 : i32 to index
      %get3A_274 = arith.constant 80 : index
      %get3A_275 = tpu.vector_load %arg4[%get3A_273, %get3A_274] {strides = array<i32>} : memref<128x256xf32, #tpu.memory_space<vmem>>, vector<16xf32>,
      %get3A_276 = arith.index_cast %scan3A_257 : i32 to index
      %get3A_277 = arith.constant 96 : index
      %get3A_278 = tpu.vector_load %arg4[%get3A_276, %get3A_277] {strides = array<i32>} : memref<128x256xf32, #tpu.memory_space<vmem>>, vector<16xf32>,
      %get3A_279 = arith.index_cast %scan3A_257 : i32 to index
      %get3A_280 = arith.constant 112 : index
      %get3A_281 = tpu.vector_load %arg4[%get3A_279, %get3A_280] {strides = array<i32>} : memref<128x256xf32, #tpu.memory_space<vmem>>, vector<16xf32>,
      %get3A_282 = arith.index_cast %scan3A_257 : i32 to index
      %get3A_283 = arith.constant 128 : index
      %get3A_284 = tpu.vector_load %arg4[%get3A_282, %get3A_283] {strides = array<i32>} : memref<128x256xf32, #tpu.memory_space<vmem>>, vector<16xf32>,
      %get3A_285 = arith.index_cast %scan3A_257 : i32 to index
      %get3A_286 = arith.constant 144 : index
      %get3A_287 = tpu.vector_load %arg4[%get3A_285, %get3A_286] {strides = array<i32>} : memref<128x256xf32, #tpu.memory_space<vmem>>, vector<16xf32>,
      %get3A_288 = arith.index_cast %scan3A_257 : i32 to index
      %get3A_289 = arith.constant 160 : index
      %get3A_290 = tpu.vector_load %arg4[%get3A_288, %get3A_289] {strides = array<i32>} : memref<128x256xf32, #tpu.memory_space<vmem>>, vector<16xf32>,
      %get3A_291 = arith.index_cast %scan3A_257 : i32 to index
      %get3A_292 = arith.constant 176 : index
      %get3A_293 = tpu.vector_load %arg4[%get3A_291, %get3A_292] {strides = array<i32>} : memref<128x256xf32, #tpu.memory_space<vmem>>, vector<16xf32>,
      %get3A_294 = arith.index_cast %scan3A_257 : i32 to index
      %get3A_295 = arith.constant 192 : index
      %get3A_296 = tpu.vector_load %arg4[%get3A_294, %get3A_295] {strides = array<i32>} : memref<128x256xf32, #tpu.memory_space<vmem>>, vector<16xf32>,
      %get3A_297 = arith.index_cast %scan3A_257 : i32 to index
      %get3A_298 = arith.constant 208 : index
      %get3A_299 = tpu.vector_load %arg4[%get3A_297, %get3A_298] {strides = array<i32>} : memref<128x256xf32, #tpu.memory_space<vmem>>, vector<16xf32>,
      %get3A_300 = arith.index_cast %scan3A_257 : i32 to index
      %get3A_301 = arith.constant 224 : index
      %get3A_302 = tpu.vector_load %arg4[%get3A_300, %get3A_301] {strides = array<i32>} : memref<128x256xf32, #tpu.memory_space<vmem>>, vector<16xf32>,
      %get3A_303 = arith.index_cast %scan3A_257 : i32 to index
      %get3A_304 = arith.constant 240 : index
      %get3A_305 = tpu.vector_load %arg4[%get3A_303, %get3A_304] {strides = array<i32>} : memref<128x256xf32, #tpu.memory_space<vmem>>, vector<16xf32>,
      %convert_element_type3A_306 = arith.fptosi %get3A_260 : vector<16xf32> to vector<16xi32>
      %convert_element_type3A_307 = arith.fptosi %get3A_263 : vector<16xf32> to vector<16xi32>
      %convert_element_type3A_308 = arith.fptosi %get3A_266 : vector<16xf32> to vector<16xi32>
      %convert_element_type3A_309 = arith.fptosi %get3A_269 : vector<16xf32> to vector<16xi32>
      %convert_element_type3A_310 = arith.fptosi %get3A_272 : vector<16xf32> to vector<16xi32>
      %convert_element_type3A_311 = arith.fptosi %get3A_275 : vector<16xf32> to vector<16xi32>
      %convert_element_type3A_312 = arith.fptosi %get3A_278 : vector<16xf32> to vector<16xi32>
      %convert_element_type3A_313 = arith.fptosi %get3A_281 : vector<16xf32> to vector<16xi32>
      %convert_element_type3A_314 = arith.fptosi %get3A_284 : vector<16xf32> to vector<16xi32>
      %convert_element_type3A_315 = arith.fptosi %get3A_287 : vector<16xf32> to vector<16xi32>
      %convert_element_type3A_316 = arith.fptosi %get3A_290 : vector<16xf32> to vector<16xi32>
      %convert_element_type3A_317 = arith.fptosi %get3A_293 : vector<16xf32> to vector<16xi32>
      %convert_element_type3A_318 = arith.fptosi %get3A_296 : vector<16xf32> to vector<16xi32>
      %convert_element_type3A_319 = arith.fptosi %get3A_299 : vector<16xf32> to vector<16xi32>
      %convert_element_type3A_320 = arith.fptosi %get3A_302 : vector<16xf32> to vector<16xi32>
      %convert_element_type3A_321 = arith.fptosi %get3A_305 : vector<16xf32> to vector<16xi32>
      tpu.vector_store_idx %arg6[%iota3A, %convert_element_type3A_306], %broadcast_in_dim3A_3 {add = true} : memref<16x256xf32, #tpu.memory_space<vmem>>[vector<16xi32>, vector<16xi32>], vector<16xf32>,
      tpu.vector_store_idx %arg6[%iota3A, %convert_element_type3A_307], %broadcast_in_dim3A_3 {add = true} : memref<16x256xf32, #tpu.memory_space<vmem>>[vector<16xi32>, vector<16xi32>], vector<16xf32>,
      tpu.vector_store_idx %arg6[%iota3A, %convert_element_type3A_308], %broadcast_in_dim3A_3 {add = true} : memref<16x256xf32, #tpu.memory_space<vmem>>[vector<16xi32>, vector<16xi32>], vector<16xf32>,
      tpu.vector_store_idx %arg6[%iota3A, %convert_element_type3A_309], %broadcast_in_dim3A_3 {add = true} : memref<16x256xf32, #tpu.memory_space<vmem>>[vector<16xi32>, vector<16xi32>], vector<16xf32>,
      tpu.vector_store_idx %arg6[%iota3A, %convert_element_type3A_310], %broadcast_in_dim3A_3 {add = true} : memref<16x256xf32, #tpu.memory_space<vmem>>[vector<16xi32>, vector<16xi32>], vector<16xf32>,
      tpu.vector_store_idx %arg6[%iota3A, %convert_element_type3A_311], %broadcast_in_dim3A_3 {add = true} : memref<16x256xf32, #tpu.memory_space<vmem>>[vector<16xi32>, vector<16xi32>], vector<16xf32>,
      tpu.vector_store_idx %arg6[%iota3A, %convert_element_type3A_312], %broadcast_in_dim3A_3 {add = true} : memref<16x256xf32, #tpu.memory_space<vmem>>[vector<16xi32>, vector<16xi32>], vector<16xf32>,
      tpu.vector_store_idx %arg6[%iota3A, %convert_element_type3A_313], %broadcast_in_dim3A_3 {add = true} : memref<16x256xf32, #tpu.memory_space<vmem>>[vector<16xi32>, vector<16xi32>], vector<16xf32>,
      tpu.vector_store_idx %arg6[%iota3A, %convert_element_type3A_314], %broadcast_in_dim3A_3 {add = true} : memref<16x256xf32, #tpu.memory_space<vmem>>[vector<16xi32>, vector<16xi32>], vector<16xf32>,
      tpu.vector_store_idx %arg6[%iota3A, %convert_element_type3A_315], %broadcast_in_dim3A_3 {add = true} : memref<16x256xf32, #tpu.memory_space<vmem>>[vector<16xi32>, vector<16xi32>], vector<16xf32>,
      tpu.vector_store_idx %arg6[%iota3A, %convert_element_type3A_316], %broadcast_in_dim3A_3 {add = true} : memref<16x256xf32, #tpu.memory_space<vmem>>[vector<16xi32>, vector<16xi32>], vector<16xf32>,
      tpu.vector_store_idx %arg6[%iota3A, %convert_element_type3A_317], %broadcast_in_dim3A_3 {add = true} : memref<16x256xf32, #tpu.memory_space<vmem>>[vector<16xi32>, vector<16xi32>], vector<16xf32>,
      tpu.vector_store_idx %arg6[%iota3A, %convert_element_type3A_318], %broadcast_in_dim3A_3 {add = true} : memref<16x256xf32, #tpu.memory_space<vmem>>[vector<16xi32>, vector<16xi32>], vector<16xf32>,
      tpu.vector_store_idx %arg6[%iota3A, %convert_element_type3A_319], %broadcast_in_dim3A_3 {add = true} : memref<16x256xf32, #tpu.memory_space<vmem>>[vector<16xi32>, vector<16xi32>], vector<16xf32>,
      tpu.vector_store_idx %arg6[%iota3A, %convert_element_type3A_320], %broadcast_in_dim3A_3 {add = true} : memref<16x256xf32, #tpu.memory_space<vmem>>[vector<16xi32>, vector<16xi32>], vector<16xf32>,
      tpu.vector_store_idx %arg6[%iota3A, %convert_element_type3A_321], %broadcast_in_dim3A_3 {add = true} : memref<16x256xf32, #tpu.memory_space<vmem>>[vector<16xi32>, vector<16xi32>], vector<16xf32>,
    }
    %scan3A_148 = arith.constant 128 : i32
    %add3A_149 = arith.constant 1280 : i32
    %add3A_150 = arith.addi %mul3A_2, %add3A_149 : i32
    %dma_start3A_151 = arith.constant 0 : i32
    %dma_start3A_152 = tpu.memref_slice %arg2[%add3A_150, %dma_start3A_151] : memref<49152x256xf32, #tpu.memory_space<hbm>> -> memref<128x256xf32, #tpu.memory_space<hbm>>
    %dma_start3A_153 = arith.constant 0 : i32
    %dma_start3A_154 = tpu.memref_slice %arg2[%add3A_150, %dma_start3A_153] : memref<49152x256xf32, #tpu.memory_space<hbm>> -> memref<128x256xf32, #tpu.memory_space<hbm>>
    tpu.enqueue_dma source(%dma_start3A_154 : memref<128x256xf32, #tpu.memory_space<hbm>>) target(%arg4 : memref<128x256xf32, #tpu.memory_space<vmem>>) target_semaphore(%arg8 : memref<!tpu.dma_semaphore, #tpu.memory_space<semaphore_mem>>)
    %dma_wait3A_155 = arith.constant 0 : i32
    %dma_wait3A_156 = tpu.memref_slice %arg2[%add3A_135, %dma_wait3A_155] : memref<49152x256xf32, #tpu.memory_space<hbm>> -> memref<128x256xf32, #tpu.memory_space<hbm>>
    %dma_wait3A_157 = arith.constant 0 : i32
    %dma_wait3A_158 = tpu.memref_slice %arg2[%add3A_135, %dma_wait3A_157] : memref<49152x256xf32, #tpu.memory_space<hbm>> -> memref<128x256xf32, #tpu.memory_space<hbm>>
    tpu.wait_dma2 semaphore(%arg9 : memref<!tpu.dma_semaphore, #tpu.memory_space<semaphore_mem>>) src(%dma_wait3A_158 : memref<128x256xf32, #tpu.memory_space<hbm>>) dst(%arg5 : memref<128x256xf32, #tpu.memory_space<vmem>>)
    %scan3A_159 = arith.constant 0 : i32
    %scan3A_160 = arith.constant 128 : i32
    %scan3A_161 = arith.addi %scan3A_159, %scan3A_160 : i32
    %scan3A_162 = arith.constant 2 : i32
    scf.for %scan3A_193 = %scan3A_159 to %scan3A_161 step %scan3A_162  : i32 {
      %get3A = arith.index_cast %scan3A_193 : i32 to index
      %get3A_194 = arith.constant 0 : index
      %get3A_195 = tpu.vector_load %arg5[%get3A, %get3A_194] {strides = array<i32>} : memref<128x256xf32, #tpu.memory_space<vmem>>, vector<16xf32>,
      %get3A_196 = arith.index_cast %scan3A_193 : i32 to index
      %get3A_197 = arith.constant 16 : index
      %get3A_198 = tpu.vector_load %arg5[%get3A_196, %get3A_197] {strides = array<i32>} : memref<128x256xf32, #tpu.memory_space<vmem>>, vector<16xf32>,
      %get3A_199 = arith.index_cast %scan3A_193 : i32 to index
      %get3A_200 = arith.constant 32 : index
      %get3A_201 = tpu.vector_load %arg5[%get3A_199, %get3A_200] {strides = array<i32>} : memref<128x256xf32, #tpu.memory_space<vmem>>, vector<16xf32>,
      %get3A_202 = arith.index_cast %scan3A_193 : i32 to index
      %get3A_203 = arith.constant 48 : index
      %get3A_204 = tpu.vector_load %arg5[%get3A_202, %get3A_203] {strides = array<i32>} : memref<128x256xf32, #tpu.memory_space<vmem>>, vector<16xf32>,
      %get3A_205 = arith.index_cast %scan3A_193 : i32 to index
      %get3A_206 = arith.constant 64 : index
      %get3A_207 = tpu.vector_load %arg5[%get3A_205, %get3A_206] {strides = array<i32>} : memref<128x256xf32, #tpu.memory_space<vmem>>, vector<16xf32>,
      %get3A_208 = arith.index_cast %scan3A_193 : i32 to index
      %get3A_209 = arith.constant 80 : index
      %get3A_210 = tpu.vector_load %arg5[%get3A_208, %get3A_209] {strides = array<i32>} : memref<128x256xf32, #tpu.memory_space<vmem>>, vector<16xf32>,
      %get3A_211 = arith.index_cast %scan3A_193 : i32 to index
      %get3A_212 = arith.constant 96 : index
      %get3A_213 = tpu.vector_load %arg5[%get3A_211, %get3A_212] {strides = array<i32>} : memref<128x256xf32, #tpu.memory_space<vmem>>, vector<16xf32>,
      %get3A_214 = arith.index_cast %scan3A_193 : i32 to index
      %get3A_215 = arith.constant 112 : index
      %get3A_216 = tpu.vector_load %arg5[%get3A_214, %get3A_215] {strides = array<i32>} : memref<128x256xf32, #tpu.memory_space<vmem>>, vector<16xf32>,
      %get3A_217 = arith.index_cast %scan3A_193 : i32 to index
      %get3A_218 = arith.constant 128 : index
      %get3A_219 = tpu.vector_load %arg5[%get3A_217, %get3A_218] {strides = array<i32>} : memref<128x256xf32, #tpu.memory_space<vmem>>, vector<16xf32>,
      %get3A_220 = arith.index_cast %scan3A_193 : i32 to index
      %get3A_221 = arith.constant 144 : index
      %get3A_222 = tpu.vector_load %arg5[%get3A_220, %get3A_221] {strides = array<i32>} : memref<128x256xf32, #tpu.memory_space<vmem>>, vector<16xf32>,
      %get3A_223 = arith.index_cast %scan3A_193 : i32 to index
      %get3A_224 = arith.constant 160 : index
      %get3A_225 = tpu.vector_load %arg5[%get3A_223, %get3A_224] {strides = array<i32>} : memref<128x256xf32, #tpu.memory_space<vmem>>, vector<16xf32>,
      %get3A_226 = arith.index_cast %scan3A_193 : i32 to index
      %get3A_227 = arith.constant 176 : index
      %get3A_228 = tpu.vector_load %arg5[%get3A_226, %get3A_227] {strides = array<i32>} : memref<128x256xf32, #tpu.memory_space<vmem>>, vector<16xf32>,
      %get3A_229 = arith.index_cast %scan3A_193 : i32 to index
      %get3A_230 = arith.constant 192 : index
      %get3A_231 = tpu.vector_load %arg5[%get3A_229, %get3A_230] {strides = array<i32>} : memref<128x256xf32, #tpu.memory_space<vmem>>, vector<16xf32>,
      %get3A_232 = arith.index_cast %scan3A_193 : i32 to index
      %get3A_233 = arith.constant 208 : index
      %get3A_234 = tpu.vector_load %arg5[%get3A_232, %get3A_233] {strides = array<i32>} : memref<128x256xf32, #tpu.memory_space<vmem>>, vector<16xf32>,
      %get3A_235 = arith.index_cast %scan3A_193 : i32 to index
      %get3A_236 = arith.constant 224 : index
      %get3A_237 = tpu.vector_load %arg5[%get3A_235, %get3A_236] {strides = array<i32>} : memref<128x256xf32, #tpu.memory_space<vmem>>, vector<16xf32>,
      %get3A_238 = arith.index_cast %scan3A_193 : i32 to index
      %get3A_239 = arith.constant 240 : index
      %get3A_240 = tpu.vector_load %arg5[%get3A_238, %get3A_239] {strides = array<i32>} : memref<128x256xf32, #tpu.memory_space<vmem>>, vector<16xf32>,
      %convert_element_type3A = arith.fptosi %get3A_195 : vector<16xf32> to vector<16xi32>
      %convert_element_type3A_241 = arith.fptosi %get3A_198 : vector<16xf32> to vector<16xi32>
      %convert_element_type3A_242 = arith.fptosi %get3A_201 : vector<16xf32> to vector<16xi32>
      %convert_element_type3A_243 = arith.fptosi %get3A_204 : vector<16xf32> to vector<16xi32>
      %convert_element_type3A_244 = arith.fptosi %get3A_207 : vector<16xf32> to vector<16xi32>
      %convert_element_type3A_245 = arith.fptosi %get3A_210 : vector<16xf32> to vector<16xi32>
      %convert_element_type3A_246 = arith.fptosi %get3A_213 : vector<16xf32> to vector<16xi32>
      %convert_element_type3A_247 = arith.fptosi %get3A_216 : vector<16xf32> to vector<16xi32>
      %convert_element_type3A_248 = arith.fptosi %get3A_219 : vector<16xf32> to vector<16xi32>
      %convert_element_type3A_249 = arith.fptosi %get3A_222 : vector<16xf32> to vector<16xi32>
      %convert_element_type3A_250 = arith.fptosi %get3A_225 : vector<16xf32> to vector<16xi32>
      %convert_element_type3A_251 = arith.fptosi %get3A_228 : vector<16xf32> to vector<16xi32>
      %convert_element_type3A_252 = arith.fptosi %get3A_231 : vector<16xf32> to vector<16xi32>
      %convert_element_type3A_253 = arith.fptosi %get3A_234 : vector<16xf32> to vector<16xi32>
      %convert_element_type3A_254 = arith.fptosi %get3A_237 : vector<16xf32> to vector<16xi32>
      %convert_element_type3A_255 = arith.fptosi %get3A_240 : vector<16xf32> to vector<16xi32>
      tpu.vector_store_idx %arg6[%iota3A, %convert_element_type3A], %broadcast_in_dim3A_3 {add = true} : memref<16x256xf32, #tpu.memory_space<vmem>>[vector<16xi32>, vector<16xi32>], vector<16xf32>,
      tpu.vector_store_idx %arg6[%iota3A, %convert_element_type3A_241], %broadcast_in_dim3A_3 {add = true} : memref<16x256xf32, #tpu.memory_space<vmem>>[vector<16xi32>, vector<16xi32>], vector<16xf32>,
      tpu.vector_store_idx %arg6[%iota3A, %convert_element_type3A_242], %broadcast_in_dim3A_3 {add = true} : memref<16x256xf32, #tpu.memory_space<vmem>>[vector<16xi32>, vector<16xi32>], vector<16xf32>,
      tpu.vector_store_idx %arg6[%iota3A, %convert_element_type3A_243], %broadcast_in_dim3A_3 {add = true} : memref<16x256xf32, #tpu.memory_space<vmem>>[vector<16xi32>, vector<16xi32>], vector<16xf32>,
      tpu.vector_store_idx %arg6[%iota3A, %convert_element_type3A_244], %broadcast_in_dim3A_3 {add = true} : memref<16x256xf32, #tpu.memory_space<vmem>>[vector<16xi32>, vector<16xi32>], vector<16xf32>,
      tpu.vector_store_idx %arg6[%iota3A, %convert_element_type3A_245], %broadcast_in_dim3A_3 {add = true} : memref<16x256xf32, #tpu.memory_space<vmem>>[vector<16xi32>, vector<16xi32>], vector<16xf32>,
      tpu.vector_store_idx %arg6[%iota3A, %convert_element_type3A_246], %broadcast_in_dim3A_3 {add = true} : memref<16x256xf32, #tpu.memory_space<vmem>>[vector<16xi32>, vector<16xi32>], vector<16xf32>,
      tpu.vector_store_idx %arg6[%iota3A, %convert_element_type3A_247], %broadcast_in_dim3A_3 {add = true} : memref<16x256xf32, #tpu.memory_space<vmem>>[vector<16xi32>, vector<16xi32>], vector<16xf32>,
      tpu.vector_store_idx %arg6[%iota3A, %convert_element_type3A_248], %broadcast_in_dim3A_3 {add = true} : memref<16x256xf32, #tpu.memory_space<vmem>>[vector<16xi32>, vector<16xi32>], vector<16xf32>,
      tpu.vector_store_idx %arg6[%iota3A, %convert_element_type3A_249], %broadcast_in_dim3A_3 {add = true} : memref<16x256xf32, #tpu.memory_space<vmem>>[vector<16xi32>, vector<16xi32>], vector<16xf32>,
      tpu.vector_store_idx %arg6[%iota3A, %convert_element_type3A_250], %broadcast_in_dim3A_3 {add = true} : memref<16x256xf32, #tpu.memory_space<vmem>>[vector<16xi32>, vector<16xi32>], vector<16xf32>,
      tpu.vector_store_idx %arg6[%iota3A, %convert_element_type3A_251], %broadcast_in_dim3A_3 {add = true} : memref<16x256xf32, #tpu.memory_space<vmem>>[vector<16xi32>, vector<16xi32>], vector<16xf32>,
      tpu.vector_store_idx %arg6[%iota3A, %convert_element_type3A_252], %broadcast_in_dim3A_3 {add = true} : memref<16x256xf32, #tpu.memory_space<vmem>>[vector<16xi32>, vector<16xi32>], vector<16xf32>,
      tpu.vector_store_idx %arg6[%iota3A, %convert_element_type3A_253], %broadcast_in_dim3A_3 {add = true} : memref<16x256xf32, #tpu.memory_space<vmem>>[vector<16xi32>, vector<16xi32>], vector<16xf32>,
      tpu.vector_store_idx %arg6[%iota3A, %convert_element_type3A_254], %broadcast_in_dim3A_3 {add = true} : memref<16x256xf32, #tpu.memory_space<vmem>>[vector<16xi32>, vector<16xi32>], vector<16xf32>,
      tpu.vector_store_idx %arg6[%iota3A, %convert_element_type3A_255], %broadcast_in_dim3A_3 {add = true} : memref<16x256xf32, #tpu.memory_space<vmem>>[vector<16xi32>, vector<16xi32>], vector<16xf32>,
      %scan3A_256 = arith.constant 1 : i32
      %scan3A_257 = arith.addi %scan3A_193, %scan3A_256 : i32
      %get3A_258 = arith.index_cast %scan3A_257 : i32 to index
      %get3A_259 = arith.constant 0 : index
      %get3A_260 = tpu.vector_load %arg5[%get3A_258, %get3A_259] {strides = array<i32>} : memref<128x256xf32, #tpu.memory_space<vmem>>, vector<16xf32>,
      %get3A_261 = arith.index_cast %scan3A_257 : i32 to index
      %get3A_262 = arith.constant 16 : index
      %get3A_263 = tpu.vector_load %arg5[%get3A_261, %get3A_262] {strides = array<i32>} : memref<128x256xf32, #tpu.memory_space<vmem>>, vector<16xf32>,
      %get3A_264 = arith.index_cast %scan3A_257 : i32 to index
      %get3A_265 = arith.constant 32 : index
      %get3A_266 = tpu.vector_load %arg5[%get3A_264, %get3A_265] {strides = array<i32>} : memref<128x256xf32, #tpu.memory_space<vmem>>, vector<16xf32>,
      %get3A_267 = arith.index_cast %scan3A_257 : i32 to index
      %get3A_268 = arith.constant 48 : index
      %get3A_269 = tpu.vector_load %arg5[%get3A_267, %get3A_268] {strides = array<i32>} : memref<128x256xf32, #tpu.memory_space<vmem>>, vector<16xf32>,
      %get3A_270 = arith.index_cast %scan3A_257 : i32 to index
      %get3A_271 = arith.constant 64 : index
      %get3A_272 = tpu.vector_load %arg5[%get3A_270, %get3A_271] {strides = array<i32>} : memref<128x256xf32, #tpu.memory_space<vmem>>, vector<16xf32>,
      %get3A_273 = arith.index_cast %scan3A_257 : i32 to index
      %get3A_274 = arith.constant 80 : index
      %get3A_275 = tpu.vector_load %arg5[%get3A_273, %get3A_274] {strides = array<i32>} : memref<128x256xf32, #tpu.memory_space<vmem>>, vector<16xf32>,
      %get3A_276 = arith.index_cast %scan3A_257 : i32 to index
      %get3A_277 = arith.constant 96 : index
      %get3A_278 = tpu.vector_load %arg5[%get3A_276, %get3A_277] {strides = array<i32>} : memref<128x256xf32, #tpu.memory_space<vmem>>, vector<16xf32>,
      %get3A_279 = arith.index_cast %scan3A_257 : i32 to index
      %get3A_280 = arith.constant 112 : index
      %get3A_281 = tpu.vector_load %arg5[%get3A_279, %get3A_280] {strides = array<i32>} : memref<128x256xf32, #tpu.memory_space<vmem>>, vector<16xf32>,
      %get3A_282 = arith.index_cast %scan3A_257 : i32 to index
      %get3A_283 = arith.constant 128 : index
      %get3A_284 = tpu.vector_load %arg5[%get3A_282, %get3A_283] {strides = array<i32>} : memref<128x256xf32, #tpu.memory_space<vmem>>, vector<16xf32>,
      %get3A_285 = arith.index_cast %scan3A_257 : i32 to index
      %get3A_286 = arith.constant 144 : index
      %get3A_287 = tpu.vector_load %arg5[%get3A_285, %get3A_286] {strides = array<i32>} : memref<128x256xf32, #tpu.memory_space<vmem>>, vector<16xf32>,
      %get3A_288 = arith.index_cast %scan3A_257 : i32 to index
      %get3A_289 = arith.constant 160 : index
      %get3A_290 = tpu.vector_load %arg5[%get3A_288, %get3A_289] {strides = array<i32>} : memref<128x256xf32, #tpu.memory_space<vmem>>, vector<16xf32>,
      %get3A_291 = arith.index_cast %scan3A_257 : i32 to index
      %get3A_292 = arith.constant 176 : index
      %get3A_293 = tpu.vector_load %arg5[%get3A_291, %get3A_292] {strides = array<i32>} : memref<128x256xf32, #tpu.memory_space<vmem>>, vector<16xf32>,
      %get3A_294 = arith.index_cast %scan3A_257 : i32 to index
      %get3A_295 = arith.constant 192 : index
      %get3A_296 = tpu.vector_load %arg5[%get3A_294, %get3A_295] {strides = array<i32>} : memref<128x256xf32, #tpu.memory_space<vmem>>, vector<16xf32>,
      %get3A_297 = arith.index_cast %scan3A_257 : i32 to index
      %get3A_298 = arith.constant 208 : index
      %get3A_299 = tpu.vector_load %arg5[%get3A_297, %get3A_298] {strides = array<i32>} : memref<128x256xf32, #tpu.memory_space<vmem>>, vector<16xf32>,
      %get3A_300 = arith.index_cast %scan3A_257 : i32 to index
      %get3A_301 = arith.constant 224 : index
      %get3A_302 = tpu.vector_load %arg5[%get3A_300, %get3A_301] {strides = array<i32>} : memref<128x256xf32, #tpu.memory_space<vmem>>, vector<16xf32>,
      %get3A_303 = arith.index_cast %scan3A_257 : i32 to index
      %get3A_304 = arith.constant 240 : index
      %get3A_305 = tpu.vector_load %arg5[%get3A_303, %get3A_304] {strides = array<i32>} : memref<128x256xf32, #tpu.memory_space<vmem>>, vector<16xf32>,
      %convert_element_type3A_306 = arith.fptosi %get3A_260 : vector<16xf32> to vector<16xi32>
      %convert_element_type3A_307 = arith.fptosi %get3A_263 : vector<16xf32> to vector<16xi32>
      %convert_element_type3A_308 = arith.fptosi %get3A_266 : vector<16xf32> to vector<16xi32>
      %convert_element_type3A_309 = arith.fptosi %get3A_269 : vector<16xf32> to vector<16xi32>
      %convert_element_type3A_310 = arith.fptosi %get3A_272 : vector<16xf32> to vector<16xi32>
      %convert_element_type3A_311 = arith.fptosi %get3A_275 : vector<16xf32> to vector<16xi32>
      %convert_element_type3A_312 = arith.fptosi %get3A_278 : vector<16xf32> to vector<16xi32>
      %convert_element_type3A_313 = arith.fptosi %get3A_281 : vector<16xf32> to vector<16xi32>
      %convert_element_type3A_314 = arith.fptosi %get3A_284 : vector<16xf32> to vector<16xi32>
      %convert_element_type3A_315 = arith.fptosi %get3A_287 : vector<16xf32> to vector<16xi32>
      %convert_element_type3A_316 = arith.fptosi %get3A_290 : vector<16xf32> to vector<16xi32>
      %convert_element_type3A_317 = arith.fptosi %get3A_293 : vector<16xf32> to vector<16xi32>
      %convert_element_type3A_318 = arith.fptosi %get3A_296 : vector<16xf32> to vector<16xi32>
      %convert_element_type3A_319 = arith.fptosi %get3A_299 : vector<16xf32> to vector<16xi32>
      %convert_element_type3A_320 = arith.fptosi %get3A_302 : vector<16xf32> to vector<16xi32>
      %convert_element_type3A_321 = arith.fptosi %get3A_305 : vector<16xf32> to vector<16xi32>
      tpu.vector_store_idx %arg6[%iota3A, %convert_element_type3A_306], %broadcast_in_dim3A_3 {add = true} : memref<16x256xf32, #tpu.memory_space<vmem>>[vector<16xi32>, vector<16xi32>], vector<16xf32>,
      tpu.vector_store_idx %arg6[%iota3A, %convert_element_type3A_307], %broadcast_in_dim3A_3 {add = true} : memref<16x256xf32, #tpu.memory_space<vmem>>[vector<16xi32>, vector<16xi32>], vector<16xf32>,
      tpu.vector_store_idx %arg6[%iota3A, %convert_element_type3A_308], %broadcast_in_dim3A_3 {add = true} : memref<16x256xf32, #tpu.memory_space<vmem>>[vector<16xi32>, vector<16xi32>], vector<16xf32>,
      tpu.vector_store_idx %arg6[%iota3A, %convert_element_type3A_309], %broadcast_in_dim3A_3 {add = true} : memref<16x256xf32, #tpu.memory_space<vmem>>[vector<16xi32>, vector<16xi32>], vector<16xf32>,
      tpu.vector_store_idx %arg6[%iota3A, %convert_element_type3A_310], %broadcast_in_dim3A_3 {add = true} : memref<16x256xf32, #tpu.memory_space<vmem>>[vector<16xi32>, vector<16xi32>], vector<16xf32>,
      tpu.vector_store_idx %arg6[%iota3A, %convert_element_type3A_311], %broadcast_in_dim3A_3 {add = true} : memref<16x256xf32, #tpu.memory_space<vmem>>[vector<16xi32>, vector<16xi32>], vector<16xf32>,
      tpu.vector_store_idx %arg6[%iota3A, %convert_element_type3A_312], %broadcast_in_dim3A_3 {add = true} : memref<16x256xf32, #tpu.memory_space<vmem>>[vector<16xi32>, vector<16xi32>], vector<16xf32>,
      tpu.vector_store_idx %arg6[%iota3A, %convert_element_type3A_313], %broadcast_in_dim3A_3 {add = true} : memref<16x256xf32, #tpu.memory_space<vmem>>[vector<16xi32>, vector<16xi32>], vector<16xf32>,
      tpu.vector_store_idx %arg6[%iota3A, %convert_element_type3A_314], %broadcast_in_dim3A_3 {add = true} : memref<16x256xf32, #tpu.memory_space<vmem>>[vector<16xi32>, vector<16xi32>], vector<16xf32>,
      tpu.vector_store_idx %arg6[%iota3A, %convert_element_type3A_315], %broadcast_in_dim3A_3 {add = true} : memref<16x256xf32, #tpu.memory_space<vmem>>[vector<16xi32>, vector<16xi32>], vector<16xf32>,
      tpu.vector_store_idx %arg6[%iota3A, %convert_element_type3A_316], %broadcast_in_dim3A_3 {add = true} : memref<16x256xf32, #tpu.memory_space<vmem>>[vector<16xi32>, vector<16xi32>], vector<16xf32>,
      tpu.vector_store_idx %arg6[%iota3A, %convert_element_type3A_317], %broadcast_in_dim3A_3 {add = true} : memref<16x256xf32, #tpu.memory_space<vmem>>[vector<16xi32>, vector<16xi32>], vector<16xf32>,
      tpu.vector_store_idx %arg6[%iota3A, %convert_element_type3A_318], %broadcast_in_dim3A_3 {add = true} : memref<16x256xf32, #tpu.memory_space<vmem>>[vector<16xi32>, vector<16xi32>], vector<16xf32>,
      tpu.vector_store_idx %arg6[%iota3A, %convert_element_type3A_319], %broadcast_in_dim3A_3 {add = true} : memref<16x256xf32, #tpu.memory_space<vmem>>[vector<16xi32>, vector<16xi32>], vector<16xf32>,
      tpu.vector_store_idx %arg6[%iota3A, %convert_element_type3A_320], %broadcast_in_dim3A_3 {add = true} : memref<16x256xf32, #tpu.memory_space<vmem>>[vector<16xi32>, vector<16xi32>], vector<16xf32>,
      tpu.vector_store_idx %arg6[%iota3A, %convert_element_type3A_321], %broadcast_in_dim3A_3 {add = true} : memref<16x256xf32, #tpu.memory_space<vmem>>[vector<16xi32>, vector<16xi32>], vector<16xf32>,
    }
    %scan3A_163 = arith.constant 128 : i32
    %add3A_164 = arith.constant 1408 : i32
    %add3A_165 = arith.addi %mul3A_2, %add3A_164 : i32
    %dma_start3A_166 = arith.constant 0 : i32
    %dma_start3A_167 = tpu.memref_slice %arg2[%add3A_165, %dma_start3A_166] : memref<49152x256xf32, #tpu.memory_space<hbm>> -> memref<128x256xf32, #tpu.memory_space<hbm>>
    %dma_start3A_168 = arith.constant 0 : i32
    %dma_start3A_169 = tpu.memref_slice %arg2[%add3A_165, %dma_start3A_168] : memref<49152x256xf32, #tpu.memory_space<hbm>> -> memref<128x256xf32, #tpu.memory_space<hbm>>
    tpu.enqueue_dma source(%dma_start3A_169 : memref<128x256xf32, #tpu.memory_space<hbm>>) target(%arg5 : memref<128x256xf32, #tpu.memory_space<vmem>>) target_semaphore(%arg9 : memref<!tpu.dma_semaphore, #tpu.memory_space<semaphore_mem>>)
    %dma_wait3A_170 = arith.constant 0 : i32
    %dma_wait3A_171 = tpu.memref_slice %arg2[%add3A_150, %dma_wait3A_170] : memref<49152x256xf32, #tpu.memory_space<hbm>> -> memref<128x256xf32, #tpu.memory_space<hbm>>
    %dma_wait3A_172 = arith.constant 0 : i32
    %dma_wait3A_173 = tpu.memref_slice %arg2[%add3A_150, %dma_wait3A_172] : memref<49152x256xf32, #tpu.memory_space<hbm>> -> memref<128x256xf32, #tpu.memory_space<hbm>>
    tpu.wait_dma2 semaphore(%arg8 : memref<!tpu.dma_semaphore, #tpu.memory_space<semaphore_mem>>) src(%dma_wait3A_173 : memref<128x256xf32, #tpu.memory_space<hbm>>) dst(%arg4 : memref<128x256xf32, #tpu.memory_space<vmem>>)
    %scan3A_174 = arith.constant 0 : i32
    %scan3A_175 = arith.constant 128 : i32
    %scan3A_176 = arith.addi %scan3A_174, %scan3A_175 : i32
    %scan3A_177 = arith.constant 2 : i32
    scf.for %scan3A_193 = %scan3A_174 to %scan3A_176 step %scan3A_177  : i32 {
      %get3A = arith.index_cast %scan3A_193 : i32 to index
      %get3A_194 = arith.constant 0 : index
      %get3A_195 = tpu.vector_load %arg4[%get3A, %get3A_194] {strides = array<i32>} : memref<128x256xf32, #tpu.memory_space<vmem>>, vector<16xf32>,
      %get3A_196 = arith.index_cast %scan3A_193 : i32 to index
      %get3A_197 = arith.constant 16 : index
      %get3A_198 = tpu.vector_load %arg4[%get3A_196, %get3A_197] {strides = array<i32>} : memref<128x256xf32, #tpu.memory_space<vmem>>, vector<16xf32>,
      %get3A_199 = arith.index_cast %scan3A_193 : i32 to index
      %get3A_200 = arith.constant 32 : index
      %get3A_201 = tpu.vector_load %arg4[%get3A_199, %get3A_200] {strides = array<i32>} : memref<128x256xf32, #tpu.memory_space<vmem>>, vector<16xf32>,
      %get3A_202 = arith.index_cast %scan3A_193 : i32 to index
      %get3A_203 = arith.constant 48 : index
      %get3A_204 = tpu.vector_load %arg4[%get3A_202, %get3A_203] {strides = array<i32>} : memref<128x256xf32, #tpu.memory_space<vmem>>, vector<16xf32>,
      %get3A_205 = arith.index_cast %scan3A_193 : i32 to index
      %get3A_206 = arith.constant 64 : index
      %get3A_207 = tpu.vector_load %arg4[%get3A_205, %get3A_206] {strides = array<i32>} : memref<128x256xf32, #tpu.memory_space<vmem>>, vector<16xf32>,
      %get3A_208 = arith.index_cast %scan3A_193 : i32 to index
      %get3A_209 = arith.constant 80 : index
      %get3A_210 = tpu.vector_load %arg4[%get3A_208, %get3A_209] {strides = array<i32>} : memref<128x256xf32, #tpu.memory_space<vmem>>, vector<16xf32>,
      %get3A_211 = arith.index_cast %scan3A_193 : i32 to index
      %get3A_212 = arith.constant 96 : index
      %get3A_213 = tpu.vector_load %arg4[%get3A_211, %get3A_212] {strides = array<i32>} : memref<128x256xf32, #tpu.memory_space<vmem>>, vector<16xf32>,
      %get3A_214 = arith.index_cast %scan3A_193 : i32 to index
      %get3A_215 = arith.constant 112 : index
      %get3A_216 = tpu.vector_load %arg4[%get3A_214, %get3A_215] {strides = array<i32>} : memref<128x256xf32, #tpu.memory_space<vmem>>, vector<16xf32>,
      %get3A_217 = arith.index_cast %scan3A_193 : i32 to index
      %get3A_218 = arith.constant 128 : index
      %get3A_219 = tpu.vector_load %arg4[%get3A_217, %get3A_218] {strides = array<i32>} : memref<128x256xf32, #tpu.memory_space<vmem>>, vector<16xf32>,
      %get3A_220 = arith.index_cast %scan3A_193 : i32 to index
      %get3A_221 = arith.constant 144 : index
      %get3A_222 = tpu.vector_load %arg4[%get3A_220, %get3A_221] {strides = array<i32>} : memref<128x256xf32, #tpu.memory_space<vmem>>, vector<16xf32>,
      %get3A_223 = arith.index_cast %scan3A_193 : i32 to index
      %get3A_224 = arith.constant 160 : index
      %get3A_225 = tpu.vector_load %arg4[%get3A_223, %get3A_224] {strides = array<i32>} : memref<128x256xf32, #tpu.memory_space<vmem>>, vector<16xf32>,
      %get3A_226 = arith.index_cast %scan3A_193 : i32 to index
      %get3A_227 = arith.constant 176 : index
      %get3A_228 = tpu.vector_load %arg4[%get3A_226, %get3A_227] {strides = array<i32>} : memref<128x256xf32, #tpu.memory_space<vmem>>, vector<16xf32>,
      %get3A_229 = arith.index_cast %scan3A_193 : i32 to index
      %get3A_230 = arith.constant 192 : index
      %get3A_231 = tpu.vector_load %arg4[%get3A_229, %get3A_230] {strides = array<i32>} : memref<128x256xf32, #tpu.memory_space<vmem>>, vector<16xf32>,
      %get3A_232 = arith.index_cast %scan3A_193 : i32 to index
      %get3A_233 = arith.constant 208 : index
      %get3A_234 = tpu.vector_load %arg4[%get3A_232, %get3A_233] {strides = array<i32>} : memref<128x256xf32, #tpu.memory_space<vmem>>, vector<16xf32>,
      %get3A_235 = arith.index_cast %scan3A_193 : i32 to index
      %get3A_236 = arith.constant 224 : index
      %get3A_237 = tpu.vector_load %arg4[%get3A_235, %get3A_236] {strides = array<i32>} : memref<128x256xf32, #tpu.memory_space<vmem>>, vector<16xf32>,
      %get3A_238 = arith.index_cast %scan3A_193 : i32 to index
      %get3A_239 = arith.constant 240 : index
      %get3A_240 = tpu.vector_load %arg4[%get3A_238, %get3A_239] {strides = array<i32>} : memref<128x256xf32, #tpu.memory_space<vmem>>, vector<16xf32>,
      %convert_element_type3A = arith.fptosi %get3A_195 : vector<16xf32> to vector<16xi32>
      %convert_element_type3A_241 = arith.fptosi %get3A_198 : vector<16xf32> to vector<16xi32>
      %convert_element_type3A_242 = arith.fptosi %get3A_201 : vector<16xf32> to vector<16xi32>
      %convert_element_type3A_243 = arith.fptosi %get3A_204 : vector<16xf32> to vector<16xi32>
      %convert_element_type3A_244 = arith.fptosi %get3A_207 : vector<16xf32> to vector<16xi32>
      %convert_element_type3A_245 = arith.fptosi %get3A_210 : vector<16xf32> to vector<16xi32>
      %convert_element_type3A_246 = arith.fptosi %get3A_213 : vector<16xf32> to vector<16xi32>
      %convert_element_type3A_247 = arith.fptosi %get3A_216 : vector<16xf32> to vector<16xi32>
      %convert_element_type3A_248 = arith.fptosi %get3A_219 : vector<16xf32> to vector<16xi32>
      %convert_element_type3A_249 = arith.fptosi %get3A_222 : vector<16xf32> to vector<16xi32>
      %convert_element_type3A_250 = arith.fptosi %get3A_225 : vector<16xf32> to vector<16xi32>
      %convert_element_type3A_251 = arith.fptosi %get3A_228 : vector<16xf32> to vector<16xi32>
      %convert_element_type3A_252 = arith.fptosi %get3A_231 : vector<16xf32> to vector<16xi32>
      %convert_element_type3A_253 = arith.fptosi %get3A_234 : vector<16xf32> to vector<16xi32>
      %convert_element_type3A_254 = arith.fptosi %get3A_237 : vector<16xf32> to vector<16xi32>
      %convert_element_type3A_255 = arith.fptosi %get3A_240 : vector<16xf32> to vector<16xi32>
      tpu.vector_store_idx %arg6[%iota3A, %convert_element_type3A], %broadcast_in_dim3A_3 {add = true} : memref<16x256xf32, #tpu.memory_space<vmem>>[vector<16xi32>, vector<16xi32>], vector<16xf32>,
      tpu.vector_store_idx %arg6[%iota3A, %convert_element_type3A_241], %broadcast_in_dim3A_3 {add = true} : memref<16x256xf32, #tpu.memory_space<vmem>>[vector<16xi32>, vector<16xi32>], vector<16xf32>,
      tpu.vector_store_idx %arg6[%iota3A, %convert_element_type3A_242], %broadcast_in_dim3A_3 {add = true} : memref<16x256xf32, #tpu.memory_space<vmem>>[vector<16xi32>, vector<16xi32>], vector<16xf32>,
      tpu.vector_store_idx %arg6[%iota3A, %convert_element_type3A_243], %broadcast_in_dim3A_3 {add = true} : memref<16x256xf32, #tpu.memory_space<vmem>>[vector<16xi32>, vector<16xi32>], vector<16xf32>,
      tpu.vector_store_idx %arg6[%iota3A, %convert_element_type3A_244], %broadcast_in_dim3A_3 {add = true} : memref<16x256xf32, #tpu.memory_space<vmem>>[vector<16xi32>, vector<16xi32>], vector<16xf32>,
      tpu.vector_store_idx %arg6[%iota3A, %convert_element_type3A_245], %broadcast_in_dim3A_3 {add = true} : memref<16x256xf32, #tpu.memory_space<vmem>>[vector<16xi32>, vector<16xi32>], vector<16xf32>,
      tpu.vector_store_idx %arg6[%iota3A, %convert_element_type3A_246], %broadcast_in_dim3A_3 {add = true} : memref<16x256xf32, #tpu.memory_space<vmem>>[vector<16xi32>, vector<16xi32>], vector<16xf32>,
      tpu.vector_store_idx %arg6[%iota3A, %convert_element_type3A_247], %broadcast_in_dim3A_3 {add = true} : memref<16x256xf32, #tpu.memory_space<vmem>>[vector<16xi32>, vector<16xi32>], vector<16xf32>,
      tpu.vector_store_idx %arg6[%iota3A, %convert_element_type3A_248], %broadcast_in_dim3A_3 {add = true} : memref<16x256xf32, #tpu.memory_space<vmem>>[vector<16xi32>, vector<16xi32>], vector<16xf32>,
      tpu.vector_store_idx %arg6[%iota3A, %convert_element_type3A_249], %broadcast_in_dim3A_3 {add = true} : memref<16x256xf32, #tpu.memory_space<vmem>>[vector<16xi32>, vector<16xi32>], vector<16xf32>,
      tpu.vector_store_idx %arg6[%iota3A, %convert_element_type3A_250], %broadcast_in_dim3A_3 {add = true} : memref<16x256xf32, #tpu.memory_space<vmem>>[vector<16xi32>, vector<16xi32>], vector<16xf32>,
      tpu.vector_store_idx %arg6[%iota3A, %convert_element_type3A_251], %broadcast_in_dim3A_3 {add = true} : memref<16x256xf32, #tpu.memory_space<vmem>>[vector<16xi32>, vector<16xi32>], vector<16xf32>,
      tpu.vector_store_idx %arg6[%iota3A, %convert_element_type3A_252], %broadcast_in_dim3A_3 {add = true} : memref<16x256xf32, #tpu.memory_space<vmem>>[vector<16xi32>, vector<16xi32>], vector<16xf32>,
      tpu.vector_store_idx %arg6[%iota3A, %convert_element_type3A_253], %broadcast_in_dim3A_3 {add = true} : memref<16x256xf32, #tpu.memory_space<vmem>>[vector<16xi32>, vector<16xi32>], vector<16xf32>,
      tpu.vector_store_idx %arg6[%iota3A, %convert_element_type3A_254], %broadcast_in_dim3A_3 {add = true} : memref<16x256xf32, #tpu.memory_space<vmem>>[vector<16xi32>, vector<16xi32>], vector<16xf32>,
      tpu.vector_store_idx %arg6[%iota3A, %convert_element_type3A_255], %broadcast_in_dim3A_3 {add = true} : memref<16x256xf32, #tpu.memory_space<vmem>>[vector<16xi32>, vector<16xi32>], vector<16xf32>,
      %scan3A_256 = arith.constant 1 : i32
      %scan3A_257 = arith.addi %scan3A_193, %scan3A_256 : i32
      %get3A_258 = arith.index_cast %scan3A_257 : i32 to index
      %get3A_259 = arith.constant 0 : index
      %get3A_260 = tpu.vector_load %arg4[%get3A_258, %get3A_259] {strides = array<i32>} : memref<128x256xf32, #tpu.memory_space<vmem>>, vector<16xf32>,
      %get3A_261 = arith.index_cast %scan3A_257 : i32 to index
      %get3A_262 = arith.constant 16 : index
      %get3A_263 = tpu.vector_load %arg4[%get3A_261, %get3A_262] {strides = array<i32>} : memref<128x256xf32, #tpu.memory_space<vmem>>, vector<16xf32>,
      %get3A_264 = arith.index_cast %scan3A_257 : i32 to index
      %get3A_265 = arith.constant 32 : index
      %get3A_266 = tpu.vector_load %arg4[%get3A_264, %get3A_265] {strides = array<i32>} : memref<128x256xf32, #tpu.memory_space<vmem>>, vector<16xf32>,
      %get3A_267 = arith.index_cast %scan3A_257 : i32 to index
      %get3A_268 = arith.constant 48 : index
      %get3A_269 = tpu.vector_load %arg4[%get3A_267, %get3A_268] {strides = array<i32>} : memref<128x256xf32, #tpu.memory_space<vmem>>, vector<16xf32>,
      %get3A_270 = arith.index_cast %scan3A_257 : i32 to index
      %get3A_271 = arith.constant 64 : index
      %get3A_272 = tpu.vector_load %arg4[%get3A_270, %get3A_271] {strides = array<i32>} : memref<128x256xf32, #tpu.memory_space<vmem>>, vector<16xf32>,
      %get3A_273 = arith.index_cast %scan3A_257 : i32 to index
      %get3A_274 = arith.constant 80 : index
      %get3A_275 = tpu.vector_load %arg4[%get3A_273, %get3A_274] {strides = array<i32>} : memref<128x256xf32, #tpu.memory_space<vmem>>, vector<16xf32>,
      %get3A_276 = arith.index_cast %scan3A_257 : i32 to index
      %get3A_277 = arith.constant 96 : index
      %get3A_278 = tpu.vector_load %arg4[%get3A_276, %get3A_277] {strides = array<i32>} : memref<128x256xf32, #tpu.memory_space<vmem>>, vector<16xf32>,
      %get3A_279 = arith.index_cast %scan3A_257 : i32 to index
      %get3A_280 = arith.constant 112 : index
      %get3A_281 = tpu.vector_load %arg4[%get3A_279, %get3A_280] {strides = array<i32>} : memref<128x256xf32, #tpu.memory_space<vmem>>, vector<16xf32>,
      %get3A_282 = arith.index_cast %scan3A_257 : i32 to index
      %get3A_283 = arith.constant 128 : index
      %get3A_284 = tpu.vector_load %arg4[%get3A_282, %get3A_283] {strides = array<i32>} : memref<128x256xf32, #tpu.memory_space<vmem>>, vector<16xf32>,
      %get3A_285 = arith.index_cast %scan3A_257 : i32 to index
      %get3A_286 = arith.constant 144 : index
      %get3A_287 = tpu.vector_load %arg4[%get3A_285, %get3A_286] {strides = array<i32>} : memref<128x256xf32, #tpu.memory_space<vmem>>, vector<16xf32>,
      %get3A_288 = arith.index_cast %scan3A_257 : i32 to index
      %get3A_289 = arith.constant 160 : index
      %get3A_290 = tpu.vector_load %arg4[%get3A_288, %get3A_289] {strides = array<i32>} : memref<128x256xf32, #tpu.memory_space<vmem>>, vector<16xf32>,
      %get3A_291 = arith.index_cast %scan3A_257 : i32 to index
      %get3A_292 = arith.constant 176 : index
      %get3A_293 = tpu.vector_load %arg4[%get3A_291, %get3A_292] {strides = array<i32>} : memref<128x256xf32, #tpu.memory_space<vmem>>, vector<16xf32>,
      %get3A_294 = arith.index_cast %scan3A_257 : i32 to index
      %get3A_295 = arith.constant 192 : index
      %get3A_296 = tpu.vector_load %arg4[%get3A_294, %get3A_295] {strides = array<i32>} : memref<128x256xf32, #tpu.memory_space<vmem>>, vector<16xf32>,
      %get3A_297 = arith.index_cast %scan3A_257 : i32 to index
      %get3A_298 = arith.constant 208 : index
      %get3A_299 = tpu.vector_load %arg4[%get3A_297, %get3A_298] {strides = array<i32>} : memref<128x256xf32, #tpu.memory_space<vmem>>, vector<16xf32>,
      %get3A_300 = arith.index_cast %scan3A_257 : i32 to index
      %get3A_301 = arith.constant 224 : index
      %get3A_302 = tpu.vector_load %arg4[%get3A_300, %get3A_301] {strides = array<i32>} : memref<128x256xf32, #tpu.memory_space<vmem>>, vector<16xf32>,
      %get3A_303 = arith.index_cast %scan3A_257 : i32 to index
      %get3A_304 = arith.constant 240 : index
      %get3A_305 = tpu.vector_load %arg4[%get3A_303, %get3A_304] {strides = array<i32>} : memref<128x256xf32, #tpu.memory_space<vmem>>, vector<16xf32>,
      %convert_element_type3A_306 = arith.fptosi %get3A_260 : vector<16xf32> to vector<16xi32>
      %convert_element_type3A_307 = arith.fptosi %get3A_263 : vector<16xf32> to vector<16xi32>
      %convert_element_type3A_308 = arith.fptosi %get3A_266 : vector<16xf32> to vector<16xi32>
      %convert_element_type3A_309 = arith.fptosi %get3A_269 : vector<16xf32> to vector<16xi32>
      %convert_element_type3A_310 = arith.fptosi %get3A_272 : vector<16xf32> to vector<16xi32>
      %convert_element_type3A_311 = arith.fptosi %get3A_275 : vector<16xf32> to vector<16xi32>
      %convert_element_type3A_312 = arith.fptosi %get3A_278 : vector<16xf32> to vector<16xi32>
      %convert_element_type3A_313 = arith.fptosi %get3A_281 : vector<16xf32> to vector<16xi32>
      %convert_element_type3A_314 = arith.fptosi %get3A_284 : vector<16xf32> to vector<16xi32>
      %convert_element_type3A_315 = arith.fptosi %get3A_287 : vector<16xf32> to vector<16xi32>
      %convert_element_type3A_316 = arith.fptosi %get3A_290 : vector<16xf32> to vector<16xi32>
      %convert_element_type3A_317 = arith.fptosi %get3A_293 : vector<16xf32> to vector<16xi32>
      %convert_element_type3A_318 = arith.fptosi %get3A_296 : vector<16xf32> to vector<16xi32>
      %convert_element_type3A_319 = arith.fptosi %get3A_299 : vector<16xf32> to vector<16xi32>
      %convert_element_type3A_320 = arith.fptosi %get3A_302 : vector<16xf32> to vector<16xi32>
      %convert_element_type3A_321 = arith.fptosi %get3A_305 : vector<16xf32> to vector<16xi32>
      tpu.vector_store_idx %arg6[%iota3A, %convert_element_type3A_306], %broadcast_in_dim3A_3 {add = true} : memref<16x256xf32, #tpu.memory_space<vmem>>[vector<16xi32>, vector<16xi32>], vector<16xf32>,
      tpu.vector_store_idx %arg6[%iota3A, %convert_element_type3A_307], %broadcast_in_dim3A_3 {add = true} : memref<16x256xf32, #tpu.memory_space<vmem>>[vector<16xi32>, vector<16xi32>], vector<16xf32>,
      tpu.vector_store_idx %arg6[%iota3A, %convert_element_type3A_308], %broadcast_in_dim3A_3 {add = true} : memref<16x256xf32, #tpu.memory_space<vmem>>[vector<16xi32>, vector<16xi32>], vector<16xf32>,
      tpu.vector_store_idx %arg6[%iota3A, %convert_element_type3A_309], %broadcast_in_dim3A_3 {add = true} : memref<16x256xf32, #tpu.memory_space<vmem>>[vector<16xi32>, vector<16xi32>], vector<16xf32>,
      tpu.vector_store_idx %arg6[%iota3A, %convert_element_type3A_310], %broadcast_in_dim3A_3 {add = true} : memref<16x256xf32, #tpu.memory_space<vmem>>[vector<16xi32>, vector<16xi32>], vector<16xf32>,
      tpu.vector_store_idx %arg6[%iota3A, %convert_element_type3A_311], %broadcast_in_dim3A_3 {add = true} : memref<16x256xf32, #tpu.memory_space<vmem>>[vector<16xi32>, vector<16xi32>], vector<16xf32>,
      tpu.vector_store_idx %arg6[%iota3A, %convert_element_type3A_312], %broadcast_in_dim3A_3 {add = true} : memref<16x256xf32, #tpu.memory_space<vmem>>[vector<16xi32>, vector<16xi32>], vector<16xf32>,
      tpu.vector_store_idx %arg6[%iota3A, %convert_element_type3A_313], %broadcast_in_dim3A_3 {add = true} : memref<16x256xf32, #tpu.memory_space<vmem>>[vector<16xi32>, vector<16xi32>], vector<16xf32>,
      tpu.vector_store_idx %arg6[%iota3A, %convert_element_type3A_314], %broadcast_in_dim3A_3 {add = true} : memref<16x256xf32, #tpu.memory_space<vmem>>[vector<16xi32>, vector<16xi32>], vector<16xf32>,
      tpu.vector_store_idx %arg6[%iota3A, %convert_element_type3A_315], %broadcast_in_dim3A_3 {add = true} : memref<16x256xf32, #tpu.memory_space<vmem>>[vector<16xi32>, vector<16xi32>], vector<16xf32>,
      tpu.vector_store_idx %arg6[%iota3A, %convert_element_type3A_316], %broadcast_in_dim3A_3 {add = true} : memref<16x256xf32, #tpu.memory_space<vmem>>[vector<16xi32>, vector<16xi32>], vector<16xf32>,
      tpu.vector_store_idx %arg6[%iota3A, %convert_element_type3A_317], %broadcast_in_dim3A_3 {add = true} : memref<16x256xf32, #tpu.memory_space<vmem>>[vector<16xi32>, vector<16xi32>], vector<16xf32>,
      tpu.vector_store_idx %arg6[%iota3A, %convert_element_type3A_318], %broadcast_in_dim3A_3 {add = true} : memref<16x256xf32, #tpu.memory_space<vmem>>[vector<16xi32>, vector<16xi32>], vector<16xf32>,
      tpu.vector_store_idx %arg6[%iota3A, %convert_element_type3A_319], %broadcast_in_dim3A_3 {add = true} : memref<16x256xf32, #tpu.memory_space<vmem>>[vector<16xi32>, vector<16xi32>], vector<16xf32>,
      tpu.vector_store_idx %arg6[%iota3A, %convert_element_type3A_320], %broadcast_in_dim3A_3 {add = true} : memref<16x256xf32, #tpu.memory_space<vmem>>[vector<16xi32>, vector<16xi32>], vector<16xf32>,
      tpu.vector_store_idx %arg6[%iota3A, %convert_element_type3A_321], %broadcast_in_dim3A_3 {add = true} : memref<16x256xf32, #tpu.memory_space<vmem>>[vector<16xi32>, vector<16xi32>], vector<16xf32>,
    }
    %scan3A_178 = arith.constant 128 : i32
    %dma_wait3A_179 = arith.constant 0 : i32
    %dma_wait3A_180 = tpu.memref_slice %arg2[%add3A_165, %dma_wait3A_179] : memref<49152x256xf32, #tpu.memory_space<hbm>> -> memref<128x256xf32, #tpu.memory_space<hbm>>
    %dma_wait3A_181 = arith.constant 0 : i32
    %dma_wait3A_182 = tpu.memref_slice %arg2[%add3A_165, %dma_wait3A_181] : memref<49152x256xf32, #tpu.memory_space<hbm>> -> memref<128x256xf32, #tpu.memory_space<hbm>>
    tpu.wait_dma2 semaphore(%arg9 : memref<!tpu.dma_semaphore, #tpu.memory_space<semaphore_mem>>) src(%dma_wait3A_182 : memref<128x256xf32, #tpu.memory_space<hbm>>) dst(%arg5 : memref<128x256xf32, #tpu.memory_space<vmem>>)
    %scan3A_183 = arith.constant 0 : i32
    %scan3A_184 = arith.constant 128 : i32
    %scan3A_185 = arith.addi %scan3A_183, %scan3A_184 : i32
    %scan3A_186 = arith.constant 2 : i32
    scf.for %scan3A_193 = %scan3A_183 to %scan3A_185 step %scan3A_186  : i32 {
      %get3A = arith.index_cast %scan3A_193 : i32 to index
      %get3A_194 = arith.constant 0 : index
      %get3A_195 = tpu.vector_load %arg5[%get3A, %get3A_194] {strides = array<i32>} : memref<128x256xf32, #tpu.memory_space<vmem>>, vector<16xf32>,
      %get3A_196 = arith.index_cast %scan3A_193 : i32 to index
      %get3A_197 = arith.constant 16 : index
      %get3A_198 = tpu.vector_load %arg5[%get3A_196, %get3A_197] {strides = array<i32>} : memref<128x256xf32, #tpu.memory_space<vmem>>, vector<16xf32>,
      %get3A_199 = arith.index_cast %scan3A_193 : i32 to index
      %get3A_200 = arith.constant 32 : index
      %get3A_201 = tpu.vector_load %arg5[%get3A_199, %get3A_200] {strides = array<i32>} : memref<128x256xf32, #tpu.memory_space<vmem>>, vector<16xf32>,
      %get3A_202 = arith.index_cast %scan3A_193 : i32 to index
      %get3A_203 = arith.constant 48 : index
      %get3A_204 = tpu.vector_load %arg5[%get3A_202, %get3A_203] {strides = array<i32>} : memref<128x256xf32, #tpu.memory_space<vmem>>, vector<16xf32>,
      %get3A_205 = arith.index_cast %scan3A_193 : i32 to index
      %get3A_206 = arith.constant 64 : index
      %get3A_207 = tpu.vector_load %arg5[%get3A_205, %get3A_206] {strides = array<i32>} : memref<128x256xf32, #tpu.memory_space<vmem>>, vector<16xf32>,
      %get3A_208 = arith.index_cast %scan3A_193 : i32 to index
      %get3A_209 = arith.constant 80 : index
      %get3A_210 = tpu.vector_load %arg5[%get3A_208, %get3A_209] {strides = array<i32>} : memref<128x256xf32, #tpu.memory_space<vmem>>, vector<16xf32>,
      %get3A_211 = arith.index_cast %scan3A_193 : i32 to index
      %get3A_212 = arith.constant 96 : index
      %get3A_213 = tpu.vector_load %arg5[%get3A_211, %get3A_212] {strides = array<i32>} : memref<128x256xf32, #tpu.memory_space<vmem>>, vector<16xf32>,
      %get3A_214 = arith.index_cast %scan3A_193 : i32 to index
      %get3A_215 = arith.constant 112 : index
      %get3A_216 = tpu.vector_load %arg5[%get3A_214, %get3A_215] {strides = array<i32>} : memref<128x256xf32, #tpu.memory_space<vmem>>, vector<16xf32>,
      %get3A_217 = arith.index_cast %scan3A_193 : i32 to index
      %get3A_218 = arith.constant 128 : index
      %get3A_219 = tpu.vector_load %arg5[%get3A_217, %get3A_218] {strides = array<i32>} : memref<128x256xf32, #tpu.memory_space<vmem>>, vector<16xf32>,
      %get3A_220 = arith.index_cast %scan3A_193 : i32 to index
      %get3A_221 = arith.constant 144 : index
      %get3A_222 = tpu.vector_load %arg5[%get3A_220, %get3A_221] {strides = array<i32>} : memref<128x256xf32, #tpu.memory_space<vmem>>, vector<16xf32>,
      %get3A_223 = arith.index_cast %scan3A_193 : i32 to index
      %get3A_224 = arith.constant 160 : index
      %get3A_225 = tpu.vector_load %arg5[%get3A_223, %get3A_224] {strides = array<i32>} : memref<128x256xf32, #tpu.memory_space<vmem>>, vector<16xf32>,
      %get3A_226 = arith.index_cast %scan3A_193 : i32 to index
      %get3A_227 = arith.constant 176 : index
      %get3A_228 = tpu.vector_load %arg5[%get3A_226, %get3A_227] {strides = array<i32>} : memref<128x256xf32, #tpu.memory_space<vmem>>, vector<16xf32>,
      %get3A_229 = arith.index_cast %scan3A_193 : i32 to index
      %get3A_230 = arith.constant 192 : index
      %get3A_231 = tpu.vector_load %arg5[%get3A_229, %get3A_230] {strides = array<i32>} : memref<128x256xf32, #tpu.memory_space<vmem>>, vector<16xf32>,
      %get3A_232 = arith.index_cast %scan3A_193 : i32 to index
      %get3A_233 = arith.constant 208 : index
      %get3A_234 = tpu.vector_load %arg5[%get3A_232, %get3A_233] {strides = array<i32>} : memref<128x256xf32, #tpu.memory_space<vmem>>, vector<16xf32>,
      %get3A_235 = arith.index_cast %scan3A_193 : i32 to index
      %get3A_236 = arith.constant 224 : index
      %get3A_237 = tpu.vector_load %arg5[%get3A_235, %get3A_236] {strides = array<i32>} : memref<128x256xf32, #tpu.memory_space<vmem>>, vector<16xf32>,
      %get3A_238 = arith.index_cast %scan3A_193 : i32 to index
      %get3A_239 = arith.constant 240 : index
      %get3A_240 = tpu.vector_load %arg5[%get3A_238, %get3A_239] {strides = array<i32>} : memref<128x256xf32, #tpu.memory_space<vmem>>, vector<16xf32>,
      %convert_element_type3A = arith.fptosi %get3A_195 : vector<16xf32> to vector<16xi32>
      %convert_element_type3A_241 = arith.fptosi %get3A_198 : vector<16xf32> to vector<16xi32>
      %convert_element_type3A_242 = arith.fptosi %get3A_201 : vector<16xf32> to vector<16xi32>
      %convert_element_type3A_243 = arith.fptosi %get3A_204 : vector<16xf32> to vector<16xi32>
      %convert_element_type3A_244 = arith.fptosi %get3A_207 : vector<16xf32> to vector<16xi32>
      %convert_element_type3A_245 = arith.fptosi %get3A_210 : vector<16xf32> to vector<16xi32>
      %convert_element_type3A_246 = arith.fptosi %get3A_213 : vector<16xf32> to vector<16xi32>
      %convert_element_type3A_247 = arith.fptosi %get3A_216 : vector<16xf32> to vector<16xi32>
      %convert_element_type3A_248 = arith.fptosi %get3A_219 : vector<16xf32> to vector<16xi32>
      %convert_element_type3A_249 = arith.fptosi %get3A_222 : vector<16xf32> to vector<16xi32>
      %convert_element_type3A_250 = arith.fptosi %get3A_225 : vector<16xf32> to vector<16xi32>
      %convert_element_type3A_251 = arith.fptosi %get3A_228 : vector<16xf32> to vector<16xi32>
      %convert_element_type3A_252 = arith.fptosi %get3A_231 : vector<16xf32> to vector<16xi32>
      %convert_element_type3A_253 = arith.fptosi %get3A_234 : vector<16xf32> to vector<16xi32>
      %convert_element_type3A_254 = arith.fptosi %get3A_237 : vector<16xf32> to vector<16xi32>
      %convert_element_type3A_255 = arith.fptosi %get3A_240 : vector<16xf32> to vector<16xi32>
      tpu.vector_store_idx %arg6[%iota3A, %convert_element_type3A], %broadcast_in_dim3A_3 {add = true} : memref<16x256xf32, #tpu.memory_space<vmem>>[vector<16xi32>, vector<16xi32>], vector<16xf32>,
      tpu.vector_store_idx %arg6[%iota3A, %convert_element_type3A_241], %broadcast_in_dim3A_3 {add = true} : memref<16x256xf32, #tpu.memory_space<vmem>>[vector<16xi32>, vector<16xi32>], vector<16xf32>,
      tpu.vector_store_idx %arg6[%iota3A, %convert_element_type3A_242], %broadcast_in_dim3A_3 {add = true} : memref<16x256xf32, #tpu.memory_space<vmem>>[vector<16xi32>, vector<16xi32>], vector<16xf32>,
      tpu.vector_store_idx %arg6[%iota3A, %convert_element_type3A_243], %broadcast_in_dim3A_3 {add = true} : memref<16x256xf32, #tpu.memory_space<vmem>>[vector<16xi32>, vector<16xi32>], vector<16xf32>,
      tpu.vector_store_idx %arg6[%iota3A, %convert_element_type3A_244], %broadcast_in_dim3A_3 {add = true} : memref<16x256xf32, #tpu.memory_space<vmem>>[vector<16xi32>, vector<16xi32>], vector<16xf32>,
      tpu.vector_store_idx %arg6[%iota3A, %convert_element_type3A_245], %broadcast_in_dim3A_3 {add = true} : memref<16x256xf32, #tpu.memory_space<vmem>>[vector<16xi32>, vector<16xi32>], vector<16xf32>,
      tpu.vector_store_idx %arg6[%iota3A, %convert_element_type3A_246], %broadcast_in_dim3A_3 {add = true} : memref<16x256xf32, #tpu.memory_space<vmem>>[vector<16xi32>, vector<16xi32>], vector<16xf32>,
      tpu.vector_store_idx %arg6[%iota3A, %convert_element_type3A_247], %broadcast_in_dim3A_3 {add = true} : memref<16x256xf32, #tpu.memory_space<vmem>>[vector<16xi32>, vector<16xi32>], vector<16xf32>,
      tpu.vector_store_idx %arg6[%iota3A, %convert_element_type3A_248], %broadcast_in_dim3A_3 {add = true} : memref<16x256xf32, #tpu.memory_space<vmem>>[vector<16xi32>, vector<16xi32>], vector<16xf32>,
      tpu.vector_store_idx %arg6[%iota3A, %convert_element_type3A_249], %broadcast_in_dim3A_3 {add = true} : memref<16x256xf32, #tpu.memory_space<vmem>>[vector<16xi32>, vector<16xi32>], vector<16xf32>,
      tpu.vector_store_idx %arg6[%iota3A, %convert_element_type3A_250], %broadcast_in_dim3A_3 {add = true} : memref<16x256xf32, #tpu.memory_space<vmem>>[vector<16xi32>, vector<16xi32>], vector<16xf32>,
      tpu.vector_store_idx %arg6[%iota3A, %convert_element_type3A_251], %broadcast_in_dim3A_3 {add = true} : memref<16x256xf32, #tpu.memory_space<vmem>>[vector<16xi32>, vector<16xi32>], vector<16xf32>,
      tpu.vector_store_idx %arg6[%iota3A, %convert_element_type3A_252], %broadcast_in_dim3A_3 {add = true} : memref<16x256xf32, #tpu.memory_space<vmem>>[vector<16xi32>, vector<16xi32>], vector<16xf32>,
      tpu.vector_store_idx %arg6[%iota3A, %convert_element_type3A_253], %broadcast_in_dim3A_3 {add = true} : memref<16x256xf32, #tpu.memory_space<vmem>>[vector<16xi32>, vector<16xi32>], vector<16xf32>,
      tpu.vector_store_idx %arg6[%iota3A, %convert_element_type3A_254], %broadcast_in_dim3A_3 {add = true} : memref<16x256xf32, #tpu.memory_space<vmem>>[vector<16xi32>, vector<16xi32>], vector<16xf32>,
      tpu.vector_store_idx %arg6[%iota3A, %convert_element_type3A_255], %broadcast_in_dim3A_3 {add = true} : memref<16x256xf32, #tpu.memory_space<vmem>>[vector<16xi32>, vector<16xi32>], vector<16xf32>,
      %scan3A_256 = arith.constant 1 : i32
      %scan3A_257 = arith.addi %scan3A_193, %scan3A_256 : i32
      %get3A_258 = arith.index_cast %scan3A_257 : i32 to index
      %get3A_259 = arith.constant 0 : index
      %get3A_260 = tpu.vector_load %arg5[%get3A_258, %get3A_259] {strides = array<i32>} : memref<128x256xf32, #tpu.memory_space<vmem>>, vector<16xf32>,
      %get3A_261 = arith.index_cast %scan3A_257 : i32 to index
      %get3A_262 = arith.constant 16 : index
      %get3A_263 = tpu.vector_load %arg5[%get3A_261, %get3A_262] {strides = array<i32>} : memref<128x256xf32, #tpu.memory_space<vmem>>, vector<16xf32>,
      %get3A_264 = arith.index_cast %scan3A_257 : i32 to index
      %get3A_265 = arith.constant 32 : index
      %get3A_266 = tpu.vector_load %arg5[%get3A_264, %get3A_265] {strides = array<i32>} : memref<128x256xf32, #tpu.memory_space<vmem>>, vector<16xf32>,
      %get3A_267 = arith.index_cast %scan3A_257 : i32 to index
      %get3A_268 = arith.constant 48 : index
      %get3A_269 = tpu.vector_load %arg5[%get3A_267, %get3A_268] {strides = array<i32>} : memref<128x256xf32, #tpu.memory_space<vmem>>, vector<16xf32>,
      %get3A_270 = arith.index_cast %scan3A_257 : i32 to index
      %get3A_271 = arith.constant 64 : index
      %get3A_272 = tpu.vector_load %arg5[%get3A_270, %get3A_271] {strides = array<i32>} : memref<128x256xf32, #tpu.memory_space<vmem>>, vector<16xf32>,
      %get3A_273 = arith.index_cast %scan3A_257 : i32 to index
      %get3A_274 = arith.constant 80 : index
      %get3A_275 = tpu.vector_load %arg5[%get3A_273, %get3A_274] {strides = array<i32>} : memref<128x256xf32, #tpu.memory_space<vmem>>, vector<16xf32>,
      %get3A_276 = arith.index_cast %scan3A_257 : i32 to index
      %get3A_277 = arith.constant 96 : index
      %get3A_278 = tpu.vector_load %arg5[%get3A_276, %get3A_277] {strides = array<i32>} : memref<128x256xf32, #tpu.memory_space<vmem>>, vector<16xf32>,
      %get3A_279 = arith.index_cast %scan3A_257 : i32 to index
      %get3A_280 = arith.constant 112 : index
      %get3A_281 = tpu.vector_load %arg5[%get3A_279, %get3A_280] {strides = array<i32>} : memref<128x256xf32, #tpu.memory_space<vmem>>, vector<16xf32>,
      %get3A_282 = arith.index_cast %scan3A_257 : i32 to index
      %get3A_283 = arith.constant 128 : index
      %get3A_284 = tpu.vector_load %arg5[%get3A_282, %get3A_283] {strides = array<i32>} : memref<128x256xf32, #tpu.memory_space<vmem>>, vector<16xf32>,
      %get3A_285 = arith.index_cast %scan3A_257 : i32 to index
      %get3A_286 = arith.constant 144 : index
      %get3A_287 = tpu.vector_load %arg5[%get3A_285, %get3A_286] {strides = array<i32>} : memref<128x256xf32, #tpu.memory_space<vmem>>, vector<16xf32>,
      %get3A_288 = arith.index_cast %scan3A_257 : i32 to index
      %get3A_289 = arith.constant 160 : index
      %get3A_290 = tpu.vector_load %arg5[%get3A_288, %get3A_289] {strides = array<i32>} : memref<128x256xf32, #tpu.memory_space<vmem>>, vector<16xf32>,
      %get3A_291 = arith.index_cast %scan3A_257 : i32 to index
      %get3A_292 = arith.constant 176 : index
      %get3A_293 = tpu.vector_load %arg5[%get3A_291, %get3A_292] {strides = array<i32>} : memref<128x256xf32, #tpu.memory_space<vmem>>, vector<16xf32>,
      %get3A_294 = arith.index_cast %scan3A_257 : i32 to index
      %get3A_295 = arith.constant 192 : index
      %get3A_296 = tpu.vector_load %arg5[%get3A_294, %get3A_295] {strides = array<i32>} : memref<128x256xf32, #tpu.memory_space<vmem>>, vector<16xf32>,
      %get3A_297 = arith.index_cast %scan3A_257 : i32 to index
      %get3A_298 = arith.constant 208 : index
      %get3A_299 = tpu.vector_load %arg5[%get3A_297, %get3A_298] {strides = array<i32>} : memref<128x256xf32, #tpu.memory_space<vmem>>, vector<16xf32>,
      %get3A_300 = arith.index_cast %scan3A_257 : i32 to index
      %get3A_301 = arith.constant 224 : index
      %get3A_302 = tpu.vector_load %arg5[%get3A_300, %get3A_301] {strides = array<i32>} : memref<128x256xf32, #tpu.memory_space<vmem>>, vector<16xf32>,
      %get3A_303 = arith.index_cast %scan3A_257 : i32 to index
      %get3A_304 = arith.constant 240 : index
      %get3A_305 = tpu.vector_load %arg5[%get3A_303, %get3A_304] {strides = array<i32>} : memref<128x256xf32, #tpu.memory_space<vmem>>, vector<16xf32>,
      %convert_element_type3A_306 = arith.fptosi %get3A_260 : vector<16xf32> to vector<16xi32>
      %convert_element_type3A_307 = arith.fptosi %get3A_263 : vector<16xf32> to vector<16xi32>
      %convert_element_type3A_308 = arith.fptosi %get3A_266 : vector<16xf32> to vector<16xi32>
      %convert_element_type3A_309 = arith.fptosi %get3A_269 : vector<16xf32> to vector<16xi32>
      %convert_element_type3A_310 = arith.fptosi %get3A_272 : vector<16xf32> to vector<16xi32>
      %convert_element_type3A_311 = arith.fptosi %get3A_275 : vector<16xf32> to vector<16xi32>
      %convert_element_type3A_312 = arith.fptosi %get3A_278 : vector<16xf32> to vector<16xi32>
      %convert_element_type3A_313 = arith.fptosi %get3A_281 : vector<16xf32> to vector<16xi32>
      %convert_element_type3A_314 = arith.fptosi %get3A_284 : vector<16xf32> to vector<16xi32>
      %convert_element_type3A_315 = arith.fptosi %get3A_287 : vector<16xf32> to vector<16xi32>
      %convert_element_type3A_316 = arith.fptosi %get3A_290 : vector<16xf32> to vector<16xi32>
      %convert_element_type3A_317 = arith.fptosi %get3A_293 : vector<16xf32> to vector<16xi32>
      %convert_element_type3A_318 = arith.fptosi %get3A_296 : vector<16xf32> to vector<16xi32>
      %convert_element_type3A_319 = arith.fptosi %get3A_299 : vector<16xf32> to vector<16xi32>
      %convert_element_type3A_320 = arith.fptosi %get3A_302 : vector<16xf32> to vector<16xi32>
      %convert_element_type3A_321 = arith.fptosi %get3A_305 : vector<16xf32> to vector<16xi32>
      tpu.vector_store_idx %arg6[%iota3A, %convert_element_type3A_306], %broadcast_in_dim3A_3 {add = true} : memref<16x256xf32, #tpu.memory_space<vmem>>[vector<16xi32>, vector<16xi32>], vector<16xf32>,
      tpu.vector_store_idx %arg6[%iota3A, %convert_element_type3A_307], %broadcast_in_dim3A_3 {add = true} : memref<16x256xf32, #tpu.memory_space<vmem>>[vector<16xi32>, vector<16xi32>], vector<16xf32>,
      tpu.vector_store_idx %arg6[%iota3A, %convert_element_type3A_308], %broadcast_in_dim3A_3 {add = true} : memref<16x256xf32, #tpu.memory_space<vmem>>[vector<16xi32>, vector<16xi32>], vector<16xf32>,
      tpu.vector_store_idx %arg6[%iota3A, %convert_element_type3A_309], %broadcast_in_dim3A_3 {add = true} : memref<16x256xf32, #tpu.memory_space<vmem>>[vector<16xi32>, vector<16xi32>], vector<16xf32>,
      tpu.vector_store_idx %arg6[%iota3A, %convert_element_type3A_310], %broadcast_in_dim3A_3 {add = true} : memref<16x256xf32, #tpu.memory_space<vmem>>[vector<16xi32>, vector<16xi32>], vector<16xf32>,
      tpu.vector_store_idx %arg6[%iota3A, %convert_element_type3A_311], %broadcast_in_dim3A_3 {add = true} : memref<16x256xf32, #tpu.memory_space<vmem>>[vector<16xi32>, vector<16xi32>], vector<16xf32>,
      tpu.vector_store_idx %arg6[%iota3A, %convert_element_type3A_312], %broadcast_in_dim3A_3 {add = true} : memref<16x256xf32, #tpu.memory_space<vmem>>[vector<16xi32>, vector<16xi32>], vector<16xf32>,
      tpu.vector_store_idx %arg6[%iota3A, %convert_element_type3A_313], %broadcast_in_dim3A_3 {add = true} : memref<16x256xf32, #tpu.memory_space<vmem>>[vector<16xi32>, vector<16xi32>], vector<16xf32>,
      tpu.vector_store_idx %arg6[%iota3A, %convert_element_type3A_314], %broadcast_in_dim3A_3 {add = true} : memref<16x256xf32, #tpu.memory_space<vmem>>[vector<16xi32>, vector<16xi32>], vector<16xf32>,
      tpu.vector_store_idx %arg6[%iota3A, %convert_element_type3A_315], %broadcast_in_dim3A_3 {add = true} : memref<16x256xf32, #tpu.memory_space<vmem>>[vector<16xi32>, vector<16xi32>], vector<16xf32>,
      tpu.vector_store_idx %arg6[%iota3A, %convert_element_type3A_316], %broadcast_in_dim3A_3 {add = true} : memref<16x256xf32, #tpu.memory_space<vmem>>[vector<16xi32>, vector<16xi32>], vector<16xf32>,
      tpu.vector_store_idx %arg6[%iota3A, %convert_element_type3A_317], %broadcast_in_dim3A_3 {add = true} : memref<16x256xf32, #tpu.memory_space<vmem>>[vector<16xi32>, vector<16xi32>], vector<16xf32>,
      tpu.vector_store_idx %arg6[%iota3A, %convert_element_type3A_318], %broadcast_in_dim3A_3 {add = true} : memref<16x256xf32, #tpu.memory_space<vmem>>[vector<16xi32>, vector<16xi32>], vector<16xf32>,
      tpu.vector_store_idx %arg6[%iota3A, %convert_element_type3A_319], %broadcast_in_dim3A_3 {add = true} : memref<16x256xf32, #tpu.memory_space<vmem>>[vector<16xi32>, vector<16xi32>], vector<16xf32>,
      tpu.vector_store_idx %arg6[%iota3A, %convert_element_type3A_320], %broadcast_in_dim3A_3 {add = true} : memref<16x256xf32, #tpu.memory_space<vmem>>[vector<16xi32>, vector<16xi32>], vector<16xf32>,
      tpu.vector_store_idx %arg6[%iota3A, %convert_element_type3A_321], %broadcast_in_dim3A_3 {add = true} : memref<16x256xf32, #tpu.memory_space<vmem>>[vector<16xi32>, vector<16xi32>], vector<16xf32>,
    }
    %scan3A_187 = arith.constant 128 : i32
    %scan3A_188 = arith.constant 0 : i32
    %scan3A_189 = arith.constant 16 : i32
    %scan3A_190 = arith.addi %scan3A_188, %scan3A_189 : i32
    %scan3A_191 = arith.constant 1 : i32
    scf.for %scan3A_193 = %scan3A_188 to %scan3A_190 step %scan3A_191  : i32 {
      %mul3A_194 = arith.constant 16 : i32
      %mul3A_195 = arith.muli %scan3A_193, %mul3A_194 : i32
      %get3A = arith.constant 0 : i32
      %get3A_196 = arith.index_cast %get3A : i32 to index
      %get3A_197 = arith.index_cast %mul3A_195 : i32 to index
      %get3A_198 = tpu.vector_load %arg6[%get3A_196, %get3A_197] {strides = array<i32>} : memref<16x256xf32, #tpu.memory_space<vmem>>, vector<16xf32>,
      %mul3A_199 = arith.constant 16 : i32
      %mul3A_200 = arith.muli %scan3A_193, %mul3A_199 : i32
      %get3A_201 = arith.constant 1 : i32
      %get3A_202 = arith.index_cast %get3A_201 : i32 to index
      %get3A_203 = arith.index_cast %mul3A_200 : i32 to index
      %get3A_204 = tpu.vector_load %arg6[%get3A_202, %get3A_203] {strides = array<i32>} : memref<16x256xf32, #tpu.memory_space<vmem>>, vector<16xf32>,
      %add3A_205 = arith.addf %get3A_198, %get3A_204 : vector<16xf32>
      %mul3A_206 = arith.constant 16 : i32
      %mul3A_207 = arith.muli %scan3A_193, %mul3A_206 : i32
      %get3A_208 = arith.constant 2 : i32
      %get3A_209 = arith.index_cast %get3A_208 : i32 to index
      %get3A_210 = arith.index_cast %mul3A_207 : i32 to index
      %get3A_211 = tpu.vector_load %arg6[%get3A_209, %get3A_210] {strides = array<i32>} : memref<16x256xf32, #tpu.memory_space<vmem>>, vector<16xf32>,
      %add3A_212 = arith.addf %add3A_205, %get3A_211 : vector<16xf32>
      %mul3A_213 = arith.constant 16 : i32
      %mul3A_214 = arith.muli %scan3A_193, %mul3A_213 : i32
      %get3A_215 = arith.constant 3 : i32
      %get3A_216 = arith.index_cast %get3A_215 : i32 to index
      %get3A_217 = arith.index_cast %mul3A_214 : i32 to index
      %get3A_218 = tpu.vector_load %arg6[%get3A_216, %get3A_217] {strides = array<i32>} : memref<16x256xf32, #tpu.memory_space<vmem>>, vector<16xf32>,
      %add3A_219 = arith.addf %add3A_212, %get3A_218 : vector<16xf32>
      %mul3A_220 = arith.constant 16 : i32
      %mul3A_221 = arith.muli %scan3A_193, %mul3A_220 : i32
      %get3A_222 = arith.constant 4 : i32
      %get3A_223 = arith.index_cast %get3A_222 : i32 to index
      %get3A_224 = arith.index_cast %mul3A_221 : i32 to index
      %get3A_225 = tpu.vector_load %arg6[%get3A_223, %get3A_224] {strides = array<i32>} : memref<16x256xf32, #tpu.memory_space<vmem>>, vector<16xf32>,
      %add3A_226 = arith.addf %add3A_219, %get3A_225 : vector<16xf32>
      %mul3A_227 = arith.constant 16 : i32
      %mul3A_228 = arith.muli %scan3A_193, %mul3A_227 : i32
      %get3A_229 = arith.constant 5 : i32
      %get3A_230 = arith.index_cast %get3A_229 : i32 to index
      %get3A_231 = arith.index_cast %mul3A_228 : i32 to index
      %get3A_232 = tpu.vector_load %arg6[%get3A_230, %get3A_231] {strides = array<i32>} : memref<16x256xf32, #tpu.memory_space<vmem>>, vector<16xf32>,
      %add3A_233 = arith.addf %add3A_226, %get3A_232 : vector<16xf32>
      %mul3A_234 = arith.constant 16 : i32
      %mul3A_235 = arith.muli %scan3A_193, %mul3A_234 : i32
      %get3A_236 = arith.constant 6 : i32
      %get3A_237 = arith.index_cast %get3A_236 : i32 to index
      %get3A_238 = arith.index_cast %mul3A_235 : i32 to index
      %get3A_239 = tpu.vector_load %arg6[%get3A_237, %get3A_238] {strides = array<i32>} : memref<16x256xf32, #tpu.memory_space<vmem>>, vector<16xf32>,
      %add3A_240 = arith.addf %add3A_233, %get3A_239 : vector<16xf32>
      %mul3A_241 = arith.constant 16 : i32
      %mul3A_242 = arith.muli %scan3A_193, %mul3A_241 : i32
      %get3A_243 = arith.constant 7 : i32
      %get3A_244 = arith.index_cast %get3A_243 : i32 to index
      %get3A_245 = arith.index_cast %mul3A_242 : i32 to index
      %get3A_246 = tpu.vector_load %arg6[%get3A_244, %get3A_245] {strides = array<i32>} : memref<16x256xf32, #tpu.memory_space<vmem>>, vector<16xf32>,
      %add3A_247 = arith.addf %add3A_240, %get3A_246 : vector<16xf32>
      %mul3A_248 = arith.constant 16 : i32
      %mul3A_249 = arith.muli %scan3A_193, %mul3A_248 : i32
      %get3A_250 = arith.constant 8 : i32
      %get3A_251 = arith.index_cast %get3A_250 : i32 to index
      %get3A_252 = arith.index_cast %mul3A_249 : i32 to index
      %get3A_253 = tpu.vector_load %arg6[%get3A_251, %get3A_252] {strides = array<i32>} : memref<16x256xf32, #tpu.memory_space<vmem>>, vector<16xf32>,
      %add3A_254 = arith.addf %add3A_247, %get3A_253 : vector<16xf32>
      %mul3A_255 = arith.constant 16 : i32
      %mul3A_256 = arith.muli %scan3A_193, %mul3A_255 : i32
      %get3A_257 = arith.constant 9 : i32
      %get3A_258 = arith.index_cast %get3A_257 : i32 to index
      %get3A_259 = arith.index_cast %mul3A_256 : i32 to index
      %get3A_260 = tpu.vector_load %arg6[%get3A_258, %get3A_259] {strides = array<i32>} : memref<16x256xf32, #tpu.memory_space<vmem>>, vector<16xf32>,
      %add3A_261 = arith.addf %add3A_254, %get3A_260 : vector<16xf32>
      %mul3A_262 = arith.constant 16 : i32
      %mul3A_263 = arith.muli %scan3A_193, %mul3A_262 : i32
      %get3A_264 = arith.constant 10 : i32
      %get3A_265 = arith.index_cast %get3A_264 : i32 to index
      %get3A_266 = arith.index_cast %mul3A_263 : i32 to index
      %get3A_267 = tpu.vector_load %arg6[%get3A_265, %get3A_266] {strides = array<i32>} : memref<16x256xf32, #tpu.memory_space<vmem>>, vector<16xf32>,
      %add3A_268 = arith.addf %add3A_261, %get3A_267 : vector<16xf32>
      %mul3A_269 = arith.constant 16 : i32
      %mul3A_270 = arith.muli %scan3A_193, %mul3A_269 : i32
      %get3A_271 = arith.constant 11 : i32
      %get3A_272 = arith.index_cast %get3A_271 : i32 to index
      %get3A_273 = arith.index_cast %mul3A_270 : i32 to index
      %get3A_274 = tpu.vector_load %arg6[%get3A_272, %get3A_273] {strides = array<i32>} : memref<16x256xf32, #tpu.memory_space<vmem>>, vector<16xf32>,
      %add3A_275 = arith.addf %add3A_268, %get3A_274 : vector<16xf32>
      %mul3A_276 = arith.constant 16 : i32
      %mul3A_277 = arith.muli %scan3A_193, %mul3A_276 : i32
      %get3A_278 = arith.constant 12 : i32
      %get3A_279 = arith.index_cast %get3A_278 : i32 to index
      %get3A_280 = arith.index_cast %mul3A_277 : i32 to index
      %get3A_281 = tpu.vector_load %arg6[%get3A_279, %get3A_280] {strides = array<i32>} : memref<16x256xf32, #tpu.memory_space<vmem>>, vector<16xf32>,
      %add3A_282 = arith.addf %add3A_275, %get3A_281 : vector<16xf32>
      %mul3A_283 = arith.constant 16 : i32
      %mul3A_284 = arith.muli %scan3A_193, %mul3A_283 : i32
      %get3A_285 = arith.constant 13 : i32
      %get3A_286 = arith.index_cast %get3A_285 : i32 to index
      %get3A_287 = arith.index_cast %mul3A_284 : i32 to index
      %get3A_288 = tpu.vector_load %arg6[%get3A_286, %get3A_287] {strides = array<i32>} : memref<16x256xf32, #tpu.memory_space<vmem>>, vector<16xf32>,
      %add3A_289 = arith.addf %add3A_282, %get3A_288 : vector<16xf32>
      %mul3A_290 = arith.constant 16 : i32
      %mul3A_291 = arith.muli %scan3A_193, %mul3A_290 : i32
      %get3A_292 = arith.constant 14 : i32
      %get3A_293 = arith.index_cast %get3A_292 : i32 to index
      %get3A_294 = arith.index_cast %mul3A_291 : i32 to index
      %get3A_295 = tpu.vector_load %arg6[%get3A_293, %get3A_294] {strides = array<i32>} : memref<16x256xf32, #tpu.memory_space<vmem>>, vector<16xf32>,
      %add3A_296 = arith.addf %add3A_289, %get3A_295 : vector<16xf32>
      %mul3A_297 = arith.constant 16 : i32
      %mul3A_298 = arith.muli %scan3A_193, %mul3A_297 : i32
      %get3A_299 = arith.constant 15 : i32
      %get3A_300 = arith.index_cast %get3A_299 : i32 to index
      %get3A_301 = arith.index_cast %mul3A_298 : i32 to index
      %get3A_302 = tpu.vector_load %arg6[%get3A_300, %get3A_301] {strides = array<i32>} : memref<16x256xf32, #tpu.memory_space<vmem>>, vector<16xf32>,
      %add3A_303 = arith.addf %add3A_296, %get3A_302 : vector<16xf32>
      %mul3A_304 = arith.constant 16 : i32
      %mul3A_305 = arith.muli %scan3A_193, %mul3A_304 : i32
      %swap3A = arith.index_cast %mul3A_305 : i32 to index
      %swap3A_306 = tpu.vector_load %arg7[%swap3A] {strides = array<i32>} : memref<256xf32, #tpu.memory_space<vmem>>, vector<16xf32>,
      tpu.vector_store %arg7[%swap3A], %add3A_303 {strides = array<i32>} : memref<256xf32, #tpu.memory_space<vmem>>, vector<16xf32>,
    }
    %scan3A_192 = arith.constant 16 : i32
    "tpu.region"() ({
      %run_scoped3A = tpu.sem_alloc : memref<!tpu.dma_semaphore, #tpu.memory_space<semaphore_mem>>
      %dma_start3A_193 = arith.constant 0 : i32
      %dma_start3A_194 = tpu.memref_slice %arg3[%add3A, %dma_start3A_193] : memref<32x256xf32, #tpu.memory_space<hbm>> -> memref<1x256xf32, #tpu.memory_space<hbm>>
      %dma_start3A_195 = tpu.memref_squeeze %dma_start3A_194 : memref<1x256xf32, #tpu.memory_space<hbm>> -> memref<256xf32, #tpu.memory_space<hbm>>
      %dma_start3A_196 = arith.constant 0 : i32
      %dma_start3A_197 = tpu.memref_slice %arg3[%add3A, %dma_start3A_196] : memref<32x256xf32, #tpu.memory_space<hbm>> -> memref<1x256xf32, #tpu.memory_space<hbm>>
      %dma_start3A_198 = tpu.memref_squeeze %dma_start3A_197 : memref<1x256xf32, #tpu.memory_space<hbm>> -> memref<256xf32, #tpu.memory_space<hbm>>
      tpu.enqueue_dma source(%arg7 : memref<256xf32, #tpu.memory_space<vmem>>) target(%dma_start3A_198 : memref<256xf32, #tpu.memory_space<hbm>>) target_semaphore(%run_scoped3A : memref<!tpu.dma_semaphore, #tpu.memory_space<semaphore_mem>>)
      %dma_wait3A_199 = arith.constant 0 : i32
      %dma_wait3A_200 = tpu.memref_slice %arg3[%add3A, %dma_wait3A_199] : memref<32x256xf32, #tpu.memory_space<hbm>> -> memref<1x256xf32, #tpu.memory_space<hbm>>
      %dma_wait3A_201 = tpu.memref_squeeze %dma_wait3A_200 : memref<1x256xf32, #tpu.memory_space<hbm>> -> memref<256xf32, #tpu.memory_space<hbm>>
      %dma_wait3A_202 = arith.constant 0 : i32
      %dma_wait3A_203 = tpu.memref_slice %arg3[%add3A, %dma_wait3A_202] : memref<32x256xf32, #tpu.memory_space<hbm>> -> memref<1x256xf32, #tpu.memory_space<hbm>>
      %dma_wait3A_204 = tpu.memref_squeeze %dma_wait3A_203 : memref<1x256xf32, #tpu.memory_space<hbm>> -> memref<256xf32, #tpu.memory_space<hbm>>
      tpu.wait_dma2 semaphore(%run_scoped3A : memref<!tpu.dma_semaphore, #tpu.memory_space<semaphore_mem>>) src(%arg7 : memref<256xf32, #tpu.memory_space<vmem>>) dst(%dma_wait3A_204 : memref<256xf32, #tpu.memory_space<hbm>>)
      tpu.yield
    }) : () -> ()
    return
  }
}

module attributes {stable_mosaic.version = 14 : i64} {
  func.func @_ssum_body(%arg0: i32, %arg1: memref<2048x256xf32, #tpu.memory_space<vmem>>, %arg2: memref<2048x256xf32, #tpu.memory_space<vmem>>, %arg3: memref<1x256xf32, #tpu.memory_space<vmem>>) attributes {dimension_semantics = [#tpu.dimension_semantics<arbitrary>], iteration_bounds = array<i64: 24>, scalar_prefetch = 0 : i64, scratch_operands = 0 : i64, tpu.core_type = #tpu.core_type<tc>, window_params = [{transform_indices = @transform_0, window_bounds = array<i64: 2048, 256>}, {transform_indices = @transform_1, window_bounds = array<i64: 2048, 256>}, {pipeline_mode = #tpu.pipeline_mode<synchronous>, transform_indices = @transform_2, window_bounds = array<i64: 1, 256>}]} {
    %get3A = arith.constant 0 : index
    %get3A_0 = arith.constant 0 : index
    %get3A_1 = vector.load %arg1[%get3A, %get3A_0] : memref<2048x256xf32, #tpu.memory_space<vmem>>, vector<2048x256xf32>
    %get3A_2 = arith.constant 0 : index
    %get3A_3 = arith.constant 0 : index
    %get3A_4 = vector.load %arg2[%get3A_2, %get3A_3] : memref<2048x256xf32, #tpu.memory_space<vmem>>, vector<2048x256xf32>
    %sub3A = arith.subf %get3A_1, %get3A_4 : vector<2048x256xf32>
    %mul3A = arith.mulf %sub3A, %sub3A : vector<2048x256xf32>
    %reduce_sum3A = arith.constant dense<0.000000e+00> : vector<256xf32>
    %reduce_sum3A_5 = vector.multi_reduction <add>, %mul3A, %reduce_sum3A [0] : vector<2048x256xf32> to vector<256xf32>
    %broadcast_in_dim3A = vector.shape_cast %reduce_sum3A_5 : vector<256xf32> to vector<1x256xf32>
    %eq3A = arith.constant 0 : i32
    %eq3A_6 = arith.cmpi eq, %arg0, %eq3A : i32
    %convert_element_type3A = arith.extui %eq3A_6 : i1 to i32
    %cond3A = arith.constant 0 : i32
    %cond3A_7 = arith.cmpi ne, %convert_element_type3A, %cond3A : i32
    scf.if %cond3A_7 {
      %broadcast_in_dim3A_13 = arith.constant 0.000000e+00 : f32
      %broadcast_in_dim3A_14 = vector.broadcast %broadcast_in_dim3A_13 : f32 to vector<1x256xf32>
      %swap3A_15 = arith.constant 0 : index
      %swap3A_16 = arith.constant 0 : index
      %swap3A_17 = vector.load %arg3[%swap3A_15, %swap3A_16] : memref<1x256xf32, #tpu.memory_space<vmem>>, vector<1x256xf32>
      tpu.vector_store %arg3[%swap3A_15, %swap3A_16], %broadcast_in_dim3A_14 {strides = array<i32>} : memref<1x256xf32, #tpu.memory_space<vmem>>, vector<1x256xf32>,
    } else {
    }
    %get3A_8 = arith.constant 0 : index
    %get3A_9 = arith.constant 0 : index
    %get3A_10 = vector.load %arg3[%get3A_8, %get3A_9] : memref<1x256xf32, #tpu.memory_space<vmem>>, vector<1x256xf32>
    %add3A = arith.addf %get3A_10, %broadcast_in_dim3A : vector<1x256xf32>
    %swap3A = arith.constant 0 : index
    %swap3A_11 = arith.constant 0 : index
    %swap3A_12 = vector.load %arg3[%swap3A, %swap3A_11] : memref<1x256xf32, #tpu.memory_space<vmem>>, vector<1x256xf32>
    tpu.vector_store %arg3[%swap3A, %swap3A_11], %add3A {strides = array<i32>} : memref<1x256xf32, #tpu.memory_space<vmem>>, vector<1x256xf32>,
    return
  }
  func.func @transform_0(%arg0: i32) -> (i32, i32) {
    %c0_i32 = arith.constant 0 : i32
    %c0_i32_0 = arith.constant 0 : i32
    return %arg0, %c0_i32 : i32, i32
  }
  func.func @transform_1(%arg0: i32) -> (i32, i32) {
    %c0_i32 = arith.constant 0 : i32
    %c0_i32_0 = arith.constant 0 : i32
    return %arg0, %c0_i32 : i32, i32
  }
  func.func @transform_2(%arg0: i32) -> (i32, i32) {
    %c0_i32 = arith.constant 0 : i32
    %c0_i32_0 = arith.constant 0 : i32
    %c0_i32_1 = arith.constant 0 : i32
    return %c0_i32, %c0_i32_0 : i32, i32
  }
}

module attributes {stable_mosaic.version = 14 : i64} {
  func.func @_combine_body(%arg0: memref<32x256xf32, #tpu.memory_space<vmem>>, %arg1: memref<1x256xf32, #tpu.memory_space<vmem>>, %arg2: memref<1x1xf32, #tpu.memory_space<vmem>>) attributes {dimension_semantics = [], scalar_prefetch = 0 : i64, scratch_operands = 0 : i64, tpu.core_type = #tpu.core_type<tc>} {
    %get3A = arith.constant 0 : index
    %get3A_0 = arith.constant 0 : index
    %get3A_1 = vector.load %arg0[%get3A, %get3A_0] : memref<32x256xf32, #tpu.memory_space<vmem>>, vector<32x256xf32>
    %reduce_sum3A = arith.constant dense<0.000000e+00> : vector<256xf32>
    %reduce_sum3A_2 = vector.multi_reduction <add>, %get3A_1, %reduce_sum3A [0] : vector<32x256xf32> to vector<256xf32>
    %broadcast_in_dim3A = vector.shape_cast %reduce_sum3A_2 : vector<256xf32> to vector<1x256xf32>
    %div3A = arith.constant 0x4B400000 : f32
    %div3A_3 = vector.broadcast %div3A : f32 to vector<1x256xf32>
    %div3A_4 = arith.divf %broadcast_in_dim3A, %div3A_3 : vector<1x256xf32>
    %add3A = arith.constant 9.99999996E-13 : f32
    %add3A_5 = vector.broadcast %add3A : f32 to vector<1x256xf32>
    %add3A_6 = arith.addf %div3A_4, %add3A_5 : vector<1x256xf32>
    %div3A_7 = arith.constant 5.000000e-02 : f32
    %div3A_8 = vector.broadcast %div3A_7 : f32 to vector<1x256xf32>
    %div3A_9 = arith.divf %div3A_8, %add3A_6 : vector<1x256xf32>
    %get3A_10 = arith.constant 0 : index
    %get3A_11 = arith.constant 0 : index
    %get3A_12 = vector.load %arg1[%get3A_10, %get3A_11] : memref<1x256xf32, #tpu.memory_space<vmem>>, vector<1x256xf32>
    %mul3A = arith.mulf %div3A_9, %get3A_12 : vector<1x256xf32>
    %reduce_sum3A_13 = vector.shape_cast %mul3A : vector<1x256xf32> to vector<1x1x256xf32>
    %reduce_sum3A_14 = arith.constant dense<0.000000e+00> : vector<1xf32>
    %reduce_sum3A_15 = vector.multi_reduction <add>, %reduce_sum3A_13, %reduce_sum3A_14 [1, 2] : vector<1x1x256xf32> to vector<1xf32>
    %reduce_sum3A_16 = vector.shape_cast %reduce_sum3A_15 : vector<1xf32> to vector<1x1x1xf32>
    %reduce_sum3A_17 = vector.extract %reduce_sum3A_16[0, 0, 0] : f32 from vector<1x1x1xf32>
    %div3A_18 = arith.constant 0x4B400000 : f32
    %div3A_19 = arith.divf %reduce_sum3A_17, %div3A_18 : f32
    %reshape3A = vector.broadcast %div3A_19 : f32 to vector<1x1xf32>
    %swap3A = arith.constant 0 : index
    %swap3A_20 = arith.constant 0 : index
    %swap3A_21 = vector.load %arg2[%swap3A, %swap3A_20] : memref<1x1xf32, #tpu.memory_space<vmem>>, vector<1x1xf32>
    tpu.vector_store %arg2[%swap3A, %swap3A_20], %reshape3A {strides = array<i32>} : memref<1x1xf32, #tpu.memory_space<vmem>>, vector<1x1xf32>,
    return
  }
}

</mosaic_0001>

<sc_bundles>
// kernel: kernel.5.cloned.1.call-start
scs
__scs_entry_jumppad:
0x0: {  	(pc) =	sbr.rel $0x88, $3  }
0x1: {  	(tag) =	ssettag $0x0;
	lr =	simm.s32 $0x1  }
0x2: {  	[smem:$0x3F9F] =	sst lr;
	_ =	strace $0xD0000000  }
0x3: {  	_ = 	snop  }
0x4: {  	_ = 	snop  }
0x5: {  	_ = 	snop  }
0x6: {  	_ = 	snop  }
0x7: {  	_ = 	snop  }
__scs_overlays_trampoline_lowered:
0x8: {  	[smem:$0x3FAE] =	sst s0  }
0x9: {  	[smem:$0x3FAF] =	sst s1  }
0xa: {  	[smem:$0x3FB0] =	sst s2  }
0xb: {  	[smem:$0x3FB1] =	sst s3  }
0xc: {  	[smem:$0x3FB2] =	sst s4  }
0xd: {  	[smem:$0x3FB3] =	sst s5  }
0xe: {  	[smem:$0x3FB4] =	sst s6  }
0xf: {  	[smem:$0x3FB5] =	sst s7  }
0x10: {  	[smem:$0x3FB6] =	sst s8  }
0x11: {  	[smem:$0x3FB7] =	sst s9;
	s0 =	simm.s32 @!p0 $0x0  }
0x12: {  	s1 =	sld [smem:$0x3F9D];
	s0 =	simm.s32 @p0 $0x1  }
0x13: {  	[smem:$0x3FB8] =	sst s0;
	s0 =	simm.s32 @!p1 $0x0  }
0x14: {  	s2 =	sld [smem:$0x3F9C];
	s0 =	simm.s32 @p1 $0x1  }
0x15: {  	[smem:$0x3FB9] =	sst s0;
	s0 =	simm.s32 @!p2 $0x0  }
0x16: {  	s3 =	sld [smem:$0x3FDB];
	s0 =	simm.s32 @p2 $0x1  }
0x17: {  	s4 =	simm.s32 $0x1BF5;
	[smem:$0x3FBB] =	sst s0  }
0x18: {  	s0 =	sld [smem:$0x3F9E];
	_ =	swait.ge [sflag:s4], $0x0  }
0x19: {  	s7 =	sld [smem:$0x3F9F]  }
0x1a: {  	s8 =	sadd.s32 $0xFFFFE003, lr  }
0x1b: {  	s9 =	sadd.s32 $0xFFFFFEF7, lr;
	s5 =	simm.s32 $0xFFFFFFFF;
	p2 =	slt.u32 s8, $0xFFFFF086  }
0x1c: {  	p1 =	slt.u32 s9, $0xF7A;
	s5 =	simm.s32 @!p2 $0x0  }
0x1d: {  	s5 =	simm.s32 @p1 $0x1;
	p0 =	seq.s32 s7, s2  }
0x1e: {  	s7 =	smul.u32 @!p0 $0xF7A, s2;
	p2 =	seq.s32 @!p0 s5, $0x0  }
0x1f: {  	s9 =	smul.u32 $0xF7A, s1;
	s8 =	simm.s32 @!p0 $0x1BF5;
	p2 =	por !p2, p0  }
0x20: {  	[sflag:s8] =	ssyncset.s32 @!p0 $0xFFFFF086;
	s6 =	sadd.s32 @!p0 s3, s7;
	s7 =	simm.s32 @!p0 $0x108  }
0x21: {  	s3 =	sadd.s32 s3, s9;
	s6 =	sadd.s32 @!p0 $0x88, s6;
	s7 =	simm.s32 @p2 $0x1082  }
0x22: {  	[simem:s7], [sflag:s8] =	dma.local @!p0 [hbm:s6], $0xF7A  }
0x23: {  	s9 =	sor.u32 $0xD0000000, s2;
	s6 =	simm.s32 $0x108;
	_ =	swait.ge @!p0 [sflag:s8], $0x0  }
0x24: {  	s3 =	sadd.s32 $0x88, s3;
	s6 =	simm.s32 @!p1 $0x1082;
	[sflag:s4] =	ssyncset.s32 $0xFFFFF086  }
0x25: {  	[simem:s6], [sflag:s4] =	dma.local [hbm:s3], $0xF7A  }
0x26: {  	[smem:$0x3F9F] =	sst s1;
	(tag) =	ssettag s2;
	_ =	strace s9  }
0x27: {  	s1 =	sld [smem:$0x3FAF]  }
0x28: {  	s2 =	sld [smem:$0x3FB0]  }
0x29: {  	s4 =	sld [smem:$0x3FB2]  }
0x2a: {  	p0 =	seq.s32 s5, $0x0;
	s5 =	sld [smem:$0x3FB3]  }
0x2b: {  	s6 =	sld [smem:$0x3FB4]  }
0x2c: {  	s7 =	sld [smem:$0x3FB5]  }
0x2d: {  	s3 =	simm.s32 $0x108;
	s8 =	sld [smem:$0x3FB6]  }
0x2e: {  	s3 =	simm.s32 @!p0 $0x1082;
	s9 =	sld [smem:$0x3FB7]  }
0x2f: {  	lr =	sadd.s32 s0, s3;
	s0 =	sld [smem:$0x3FAE]  }
0x30: {  	s3 =	sld [smem:$0x3FB1]  }
0x31: {  	[smem:$0x3FBA] =	sst s10  }
0x32: {  	s10 =	sld [smem:$0x3FB8];
	_ =	sdelay $0x3  }
0x33: {  	p0 =	seq.s32 s10, $0x1;
	s10 =	sld [smem:$0x3FBA];
	_ =	sdelay $0x3  }
0x34: {  	[smem:$0x3FBA] =	sst s10  }
0x35: {  	s10 =	sld [smem:$0x3FB9];
	_ =	sdelay $0x3  }
0x36: {  	p1 =	seq.s32 s10, $0x1;
	s10 =	sld [smem:$0x3FBA];
	_ =	sdelay $0x3  }
0x37: {  	[smem:$0x3FBA] =	sst s10  }
0x38: {  	s10 =	sld [smem:$0x3FBB]  }
0x39: {  	_ = 	snop;
	(pc) =	sbr.ind lr, $3  }
0x3a: {  	_ = 	snop  }
0x3b: {  	_ = 	snop  }
0x3c: {  	p2 =	seq.s32 s10, $0x1;
	s10 =	sld [smem:$0x3FBA]  }
0x3d: {  	_ =	shalt  }
0x3e: {  	_ =	shalt  }
0x3f: {  	_ =	shalt  }
0x40: {  	_ =	shalt  }
0x41: {  	_ =	shalt  }
0x42: {  	_ =	shalt  }
0x43: {  	_ =	shalt  }
0x44: {  	_ =	shalt  }
0x45: {  	_ =	shalt  }
0x46: {  	_ =	shalt  }
0x47: {  	_ =	shalt  }
0x48: {  	_ =	shalt  }
0x49: {  	_ =	shalt  }
0x4a: {  	_ =	shalt  }
0x4b: {  	_ =	shalt  }
0x4c: {  	_ =	shalt  }
0x4d: {  	_ =	shalt  }
0x4e: {  	_ =	shalt  }
0x4f: {  	_ =	shalt  }
0x50: {  	_ =	shalt  }
0x51: {  	_ =	shalt  }
0x52: {  	_ =	shalt  }
0x53: {  	_ =	shalt  }
0x54: {  	_ =	shalt  }
0x55: {  	_ =	shalt  }
0x56: {  	_ =	shalt  }
0x57: {  	_ =	shalt  }
0x58: {  	_ =	shalt  }
0x59: {  	_ =	shalt  }
0x5a: {  	_ =	shalt  }
0x5b: {  	_ =	shalt  }
0x5c: {  	_ =	shalt  }
0x5d: {  	_ =	shalt  }
0x5e: {  	_ =	shalt  }
0x5f: {  	_ =	shalt  }
0x60: {  	_ =	shalt  }
0x61: {  	_ =	shalt  }
0x62: {  	_ =	shalt  }
0x63: {  	_ =	shalt  }
0x64: {  	_ =	shalt  }
0x65: {  	_ =	shalt  }
0x66: {  	_ =	shalt  }
0x67: {  	_ =	shalt  }
0x68: {  	_ =	shalt  }
0x69: {  	_ =	shalt  }
0x6a: {  	_ =	shalt  }
0x6b: {  	_ =	shalt  }
0x6c: {  	_ =	shalt  }
0x6d: {  	_ =	shalt  }
0x6e: {  	_ =	shalt  }
0x6f: {  	_ =	shalt  }
0x70: {  	_ =	shalt  }
0x71: {  	_ =	shalt  }
0x72: {  	_ =	shalt  }
0x73: {  	_ =	shalt  }
0x74: {  	_ =	shalt  }
0x75: {  	_ =	shalt  }
0x76: {  	_ =	shalt  }
0x77: {  	_ =	shalt  }
0x78: {  	_ =	shalt  }
0x79: {  	_ =	shalt  }
0x7a: {  	_ =	shalt  }
0x7b: {  	_ =	shalt  }
0x7c: {  	_ =	shalt  }
0x7d: {  	_ =	shalt  }
0x7e: {  	_ =	shalt  }
0x7f: {  	_ =	shalt  }
0x80: {  	_ =	shalt  }
0x81: {  	_ =	shalt  }
0x82: {  	_ =	shalt  }
0x83: {  	_ =	shalt  }
0x84: {  	_ =	shalt  }
0x85: {  	_ =	shalt  }
0x86: {  	_ =	shalt  }
0x87: {  	_ =	shalt  }
.Lfunc_end0:
.L_simem_size_0:
called_computation_lowered:
.L_overlay_start_0:
0x88: {  	s2 =	sld [smem:$0x3FD9]  }
0x89: {  	s3 =	sld [smem:$0x3FFE];
	_ =	sdelay $0x1  }
0x8a: {  	s1 =	srdreg.scid  }
0x8b: {  	s0 =	sand.u32 $0x1, s1  }
0x8c: {  	s17 =	sshll.u32 s0, $0xA;
	s2 =	sadd.s32 s3, s2  }
0x8d: {  	s2 =	sadd.s32 s2, s17  }
0x8e: {  	[smem:$0x3FC6] =	sst s2  }
0x8f: {  	_ = 	snop  }
0x90: {  	s2 =	sld [smem:$0x3FC8];
	(tm) =	ssettm $0x1  }
0x91: {  	s18 =	sld [smem:$0x3FFB];
	_ =	sdelay $0x3  }
0x92: {  	_ =	strace s18  }
0x93: {  	s3 =	sld [smem:$0x3FFC];
	_ =	sdelay $0x3  }
0x94: {  	_ =	strace s3  }
0x95: {  	s3 =	sld [smem:$0x3FFD];
	_ =	sdelay $0x3  }
0x96: {  	_ =	strace s3  }
0x97: {  	_ =	strace $0x8FFFFFFF  }
0x98: {  	s19 =	sld [smem:$0x3FDB];
	_ =	sdelay $0x1  }
0x99: {  	s4 =	simm.s32 $_scs_section_size  }
0x9a: {  	s5 =	simm.s32 $_size__tile_overlayer_lowered;
	s6 =	simm.s32 $_tile_overlayer_lowered  }
0x9b: {  	s22 =	simm.s32 $0x1BFF;
	s21 =	sshll.u32 s6, $0x1;
	s3 =	sadd.s32 s4, s19  }
0x9c: {  	s7 =	simm.s32 $0x0;
	s20 =	sshll.u32 s5, $0x1;
	s5 =	sadd.s32 s21, s3  }
0x9d: {  	[timem:s7], [sflag:s22] =	dma.local [hbm:s5], s20  }
0x9e: {  	_ =	swait.ge [sflag:s22], s20  }
0x9f: {  	s4 =	ssub.s32 $0x0, s20;
	[sflag:s22] =	ssyncset.done $0x0  }
0xa0: {  	[sflag:s22] =	ssyncadd.s32 s4;
	_ =	sdelay $0x1  }
0xa1: {  	s23 =	simm.s32 $0x1B8B  }
0xa2: {  	_ =	swait.ge [sflag:s23], $0x1  }
0xa3: {  	[sflag:s23] =	ssyncset.done $0x0  }
0xa4: {  	s25 =	simm.s32 $0x1B8E;
	s24 =	sld [smem:$0x3FFE];
	[sflag:s23] =	ssyncadd.s32 $0xFFFFFFFF  }
0xa5: {  	s26 =	simm.s32 $execute0_lowered;
	[smem:$0x3FD2] =	sst s25  }
0xa6: {  	s5 =	sshll.u32 s26, $0x1;
	_ =	strace $0x80000046;
	[dreg:$0x1] =	wrdreg $0xFFFFFFFF  }
0xa7: {  	s28 =	simm.s32 $_size_execute0_lowered;
	s3 =	sadd.s32 s3, s5;
	[dreg:$0x0] =	wrdreg $0x0  }
0xa8: {  	s5 =	sshll.u32 s28, $0x1;
	[dreg:$0x2] =	wrdreg s3  }
0xa9: {  	[dreg:$0x3] =	wrdreg s5  }
0xaa: {  	[dreg:$0x4] =	wrdreg $0xC0  }
0xab: {  	_ =	task [dreg:s7], $0x5FFFF  }
0xac: {  	[dreg:$0x1] =	wrdreg $0xFFFFFFFF  }
0xad: {  	[dreg:$0x0] =	wrdreg $0x60  }
0xae: {  	[dreg:$0x2] =	wrdreg s2  }
0xaf: {  	[dreg:$0x3] =	wrdreg s24  }
0xb0: {  	[dreg:$0x4] =	wrdreg $0x9  }
0xb1: {  	_ =	task.clear_ibuf [dreg:s7], $0x5FFFF;
	_ =	strace $0x90000046  }
0xb2: {  	s29 =	simm.s32 $0x9;
	_ =	strace $0x80000048  }
0xb3: {  	_ =	swait.ge [sflag:s29], $0x1  }
0xb4: {  	[sflag:s29] =	ssyncadd.s32 $0xFFFFFFFF  }
0xb5: {  	_ =	strace $0x90000048  }
0xb6: {  	_ =	sfence  }
0xb7: {  	s30 =	sld [smem:$0x0];
	_ =	sdelay $0x2  }
0xb8: {  	s31 =	sshll.u32 s1, $0xD;
	s1 =	sshrl.u32 s1, $0x2  }
0xb9: {  	s3 =	sand.u32 $0x4000, s31;
	s1 =	sadd.s32 s1, s30  }
0xba: {  	s0 =	sor.u32 s3, s0;
	s1 =	sshll.u32 s1, $0x11  }
0xbb: {  	s0 =	sor.u32 s1, s0  }
0xbc: {  	s0 =	sadd.s32 $0x8F2B, s0  }
0xbd: {  	[sflag:s0] =	ssyncadd.remote.s32 $0x1  }
0xbe: {  	_ =	sfence.sel $0xFFFF  }
0xbf: {  	[dreg:$0x0] =	wrdreg $0xFFFFFFFF;
	(pc) =	sbr.abs _section_cstart, $3  }
0xc0: {  	[dreg:$0x1] =	wrdreg $0xFFFFFFFF  }
0xc1: {  	_ =	task.clear_ibuf [dreg:s7], $0x2FFFF;
	_ =	strace $0x9FFFFFFF  }
0xc2: {  	(tm) =	ssettm $0x7FFFFFFF  }
0xc3: {  	_ =	shalt  }
tec
execute0_lowered:
.L_overlay_start_1:
0x0: {  	(tag) =	ssettag $0x1  }
0x1: {  	s5 =	rddreg [dreg:$0x0];
	s0 =	stileid.u32;
	v0 =	vimm.s32 $0xB80;
	vm0 =	vcmask $0x300  }
0x2: {  	s1 =	srdreg.scid;
	s3 =	rddreg [dreg:$0x1];
	vm14 =	vcmask $0x704;
	v0 =	vsel vm0, $0x0, v0  }
0x3: {  	vm15 =	vcmask $0xB08;
	s18 =	simm.s32 $0x1;
	s19 =	simm.s32 $0x10000;
	s20 =	simm.s32 $0x2;
	v0 =	vsel vm14, $0x80, v0  }
0x4: {  	vm4 =	vcmask $0xF0C;
	s21 =	simm.s32 $0x80;
	s22 =	simm.s32 $0x400;
	s23 =	simm.s32 $0x11000;
	v0 =	vsel vm15, $0x100, v0  }
0x5: {  	vm5 =	vcmask $0x1310;
	s24 =	simm.s32 $0x3;
	s4 =	sand.u32 $0x1, s1;
	s2 =	sshll.u32 s0, $0x1;
	v0 =	vsel vm4, $0x180, v0  }
0x6: {  	vm6 =	vcmask $0x1714;
	s25 =	simm.s32 $0x0;
	s6 =	sshll.u32 s0, $0x6;
	s10 =	sor.u32 s4, s2;
	v0 =	vsel vm5, $0x200, v0  }
0x7: {  	vm7 =	vcmask $0x1B18;
	s2 =	simm.s32 $0x0;
	s6 =	sand.u32 $0x300, s6;
	s7 =	smul.u32 $0xC000, s10;
	v0 =	vsel vm6, $0x280, v0  }
0x8: {  	vm8 =	vcmask $0x1F1C;
	s4 =	ssub.s32 $0x2, s4;
	[smem:$0x7FF] =	sst s2;
	s8 =	smul.u32 $0x60000, s10;
	v0 =	vsel vm7, $0x300, v0  }
0x9: {  	vm9 =	vcmask $0x2320;
	s14 =	sadd.s32 s6, s3;
	s30 =	sshrl.u32 s4, $0x1;
	s12 =	sshll.u32 s10, $0x4;
	v0 =	vsel vm8, $0x380, v0  }
0xa: {  	vm10 =	vcmask $0x2724;
	_ =	strace $0x80000047;
	s16 =	ssub.s32 s4, s30;
	s17 =	sand.u32 $0x70, s12;
	v0 =	vsel vm9, $0x800, v0  }
0xb: {  	vm11 =	vcmask $0x2B28;
	s3 =	sadd.s32 s5, s7;
	s31 =	sshrl.u32 s8, $0x3;
	s17 =	sadd.s32 s17, s14;
	v0 =	vsel vm10, $0x880, v0  }
0xc: {  	vm12 =	vcmask $0x2F2C;
	s16 =	smax.u32 s16, $0x1;
	s4 =	sadd.s32 $0x1000, s3;
	s15 =	sadd.s32 s5, s31;
	v0 =	vsel vm11, $0x900, v0  }
0xd: {  	vm13 =	vcmask $0x3330;
	s5 =	sadd.s32 $0x2000, s3;
	s6 =	sadd.s32 $0x3000, s3;
	s7 =	sadd.s32 $0x4000, s15;
	v0 =	vsel vm12, $0x980, v0  }
0xe: {  	vm14 =	vcmask $0x3734;
	s8 =	sadd.s32 $0x5000, s15;
	s9 =	sadd.s32 $0x6000, s15;
	s10 =	sadd.s32 $0x7000, s15;
	v0 =	vsel vm13, $0xA00, v0  }
0xf: {  	vm15 =	vcmask $0x3B38;
	s11 =	sadd.s32 $0x8000, s15;
	s12 =	sadd.s32 $0x9000, s15;
	s13 =	sadd.s32 $0xA000, s15;
	v1 =	vsel vm14, $0xA80, v0  }
0x10: {  	v2 =	vimm.f32 $1.000000000e+00;
	s14 =	sadd.s32 $0xB000, s15;
	s15 =	sadd.s32 $0x600, s17;
	s17 =	simm.s32 $0x8000;
	v0 =	vimm.f32 $0.0e+00;
	v1 =	vsel vm15, $0xB00, v1  }
.LBB2_1:
0x11: {  	s26 =	simm.s32 $0x0  }
0x12: {  	s28 =	sand.u32 $0x400, s2;
	s29 =	simm.s32 $0x0;
	s26 =	sand.u32 $0x800, s26  }
0x13: {  	s29 =	sand.u32 $0x380, s29;
	s26 =	sor.u32 s28, s26  }
0x14: {  	s28 =	sand.u32 $0x70, s2;
	s26 =	sor.u32 s29, s26  }
0x15: {  	s28 =	sor.u32 s28, s26  }
0x16: {  	s29 =	simm.s32 $0x0;
	s26 =	simm.s32 $0x1;
	[tilespmem:s28+$0x10000] =	vst v0;
	s28 =	simm.s32 $0x80  }
.LBB2_2:
0x17: {  	s30 =	sshll.u32 s26, $0x4;
	p0 =	sne.s32 s26, $0xFF  }
0x18: {  	s31 =	smov.u32 s26;
	s26 =	sadd.s32 $0x1, s26;
	s1 =	sand.u32 $0x400, s28  }
.Ltmp0:
0x19: {  	s30 =	sand.u32 $0x800, s30;
	s31 =	sshll.u32 s31, $0x3;
	(pc) =	sbr.rel @p0 .LBB2_2-.Ltmp0, $4  }
0x1a: {  	s29 =	sadd.s32 $0x10, s29;
	s31 =	sand.u32 $0x380, s31;
	s1 =	sor.u32 s1, s30  }
0x1b: {  	s30 =	sand.u32 $0x70, s29;
	s1 =	sor.u32 s31, s1  }
0x1c: {  	s1 =	sor.u32 s30, s1  }
0x1d: {  	s28 =	sadd.s32 $0x80, s28;
	[tilespmem:s1+$0x10000] =	vst v0  }
0x1e: {  	s26 =	simm.s32 $0x0  }
0x1f: {  	[tilespmem:s26], [sflag:$0x1] =	stream.linear.gather [hbm4b:s3+s26], $0x8000, $0x38;
	[tilespmem:$0x11100] =	vst v63  }
0x20: {  	_ = 	snop  }
0x21: {  	[tilespmem:s17], [sflag:$0x2] =	stream.linear.gather [hbm4b:s4+s26], $0x8000, $0x38;
	[tilespmem:$0x11100] =	vst v63  }
0x22: {  	_ =	swait.ge [sflag:s18], $0x8000  }
0x23: {  	[sflag:s18] =	ssyncset.done $0x0  }
0x24: {  	s28 =	simm.s32 $0xFFFFFFFE;
	s29 =	simm.s32 $0x0;
	[sflag:s18] =	ssyncadd.s32 $0xFFFF8000  }
.LBB2_4:
0x25: {  	s1 =	sand.u32 $0x7800, s26;
	s30 =	sand.u32 $0x300, s29  }
0x26: {  	s30 =	sor.u32 s30, s1  }
0x27: {  	v3 =	vld [tilespmem:s30+$0x0]  }
0x28: {  	v4 =	vld [tilespmem:s30+$0x10]  }
0x29: {  	v5 =	vld [tilespmem:s30+$0x20]  }
0x2a: {  	v6 =	vld [tilespmem:s30+$0x30]  }
0x2b: {  	v7 =	vld [tilespmem:s30+$0x40]  }
0x2c: {  	v8 =	vld [tilespmem:s30+$0x50]  }
0x2d: {  	v9 =	vld [tilespmem:s30+$0x60]  }
0x2e: {  	v10 =	vld [tilespmem:s30+$0x70]  }
0x2f: {  	v11 =	vld [tilespmem:s30+$0x400]  }
0x30: {  	v12 =	vld [tilespmem:s30+$0x410]  }
0x31: {  	v13 =	vld [tilespmem:s30+$0x420]  }
0x32: {  	v14 =	vld [tilespmem:s30+$0x430]  }
0x33: {  	v15 =	vld [tilespmem:s30+$0x440];
	v3 =	vtrunc.f32 v3  }
0x34: {  	v16 =	vld [tilespmem:s30+$0x450];
	v4 =	vtrunc.f32 v4;
	v5 =	vtrunc.f32 v5  }
0x35: {  	v17 =	vld [tilespmem:s30+$0x460];
	v6 =	vtrunc.f32 v6;
	v7 =	vtrunc.f32 v7  }
0x36: {  	v18 =	vld [tilespmem:s30+$0x470];
	v8 =	vtrunc.f32 v8;
	v9 =	vtrunc.f32 v9  }
0x37: {  	v10 =	vtrunc.f32 v10;
	v11 =	vtrunc.f32 v11  }
0x38: {  	v12 =	vtrunc.f32 v12;
	v13 =	vtrunc.f32 v13  }
0x39: {  	v14 =	vtrunc.f32 v14;
	v15 =	vtrunc.f32 v15  }
0x3a: {  	v16 =	vtrunc.f32 v16;
	v17 =	vtrunc.f32 v17  }
0x3b: {  	v18 =	vtrunc.f32 v18;
	v3 =	vcvt.f32.s32 v3  }
0x3c: {  	v4 =	vcvt.f32.s32 v4;
	v5 =	vcvt.f32.s32 v5  }
0x3d: {  	v6 =	vcvt.f32.s32 v6;
	v7 =	vcvt.f32.s32 v7  }
0x3e: {  	v8 =	vcvt.f32.s32 v8;
	v9 =	vcvt.f32.s32 v9  }
0x3f: {  	v10 =	vcvt.f32.s32 v10;
	v11 =	vcvt.f32.s32 v11  }
0x40: {  	v12 =	vcvt.f32.s32 v12;
	v13 =	vcvt.f32.s32 v13  }
0x41: {  	v14 =	vcvt.f32.s32 v14;
	v15 =	vcvt.f32.s32 v15  }
0x42: {  	v16 =	vcvt.f32.s32 v16;
	v17 =	vcvt.f32.s32 v17  }
0x43: {  	v18 =	vcvt.f32.s32 v18;
	v19 =	vand.u32 $0x7F, v3;
	v3 =	vshll.u32 v3, $0x3  }
0x44: {  	v20 =	vshll.u32 v4, $0x3;
	v4 =	vand.u32 $0x7F, v4;
	v41 =	vshll.u32 v5, $0x3  }
0x45: {  	v5 =	vand.u32 $0x7F, v5;
	v42 =	vshll.u32 v6, $0x3;
	v6 =	vand.u32 $0x7F, v6  }
0x46: {  	v44 =	vshll.u32 v7, $0x3;
	v7 =	vand.u32 $0x7F, v7;
	v45 =	vshll.u32 v8, $0x3  }
0x47: {  	v8 =	vand.u32 $0x7F, v8;
	v47 =	vand.u32 $0x7F, v9;
	v9 =	vshll.u32 v9, $0x3  }
0x48: {  	v48 =	vshll.u32 v10, $0x3;
	v10 =	vand.u32 $0x7F, v10;
	v49 =	vshll.u32 v11, $0x3  }
0x49: {  	v11 =	vand.u32 $0x7F, v11;
	v50 =	vshll.u32 v12, $0x3;
	v51 =	vand.u32 $0x7F, v12  }
0x4a: {  	v54 =	vshll.u32 v13, $0x3;
	v55 =	vand.u32 $0x7F, v13;
	v56 =	vshll.u32 v14, $0x3  }
0x4b: {  	v57 =	vand.u32 $0x7F, v14;
	v59 =	vand.u32 $0x7F, v15;
	v60 =	vshll.u32 v15, $0x3  }
0x4c: {  	v61 =	vshll.u32 v16, $0x3;
	v63 =	vand.u32 $0x7F, v16;
	v15 =	vshll.u32 v17, $0x3  }
0x4d: {  	v16 =	vand.u32 $0x7F, v17;
	v3 =	vand.u32 $0xFFFFFC00, v3;
	v20 =	vand.u32 $0xFFFFFC00, v20  }
0x4e: {  	v43 =	vand.u32 $0xFFFFFC00, v42;
	v46 =	vand.u32 $0xFFFFFC00, v45;
	v3 =	vor.u32 v19, v3  }
0x4f: {  	v4 =	vor.u32 v4, v20;
	v19 =	vand.u32 $0xFFFFFC00, v41;
	v3 =	vadd.s32 v1, v3  }
0x50: {  	v9 =	vand.u32 $0xFFFFFC00, v9;
	v4 =	vadd.s32 v1, v4;
	v5 =	vor.u32 v5, v19  }
0x51: {  	v6 =	vor.u32 v6, v43;
	v19 =	vand.u32 $0xFFFFFC00, v44;
	v5 =	vadd.s32 v1, v5  }
0x52: {  	v52 =	vand.u32 $0xFFFFFC00, v50;
	v6 =	vadd.s32 v1, v6;
	v7 =	vor.u32 v7, v19  }
0x53: {  	v8 =	vor.u32 v8, v46;
	v9 =	vor.u32 v47, v9;
	v7 =	vadd.s32 v1, v7  }
0x54: {  	v20 =	vand.u32 $0xFFFFFC00, v48;
	v53 =	vor.u32 v51, v52;
	v8 =	vadd.s32 v1, v8;
	[tilespmem:v3+s19+$0x0] =	vst.idx.add.f32.msk $0xffff, v2  }
0x55: {  	v10 =	vor.u32 v10, v20;
	v9 =	vadd.s32 v1, v9;
	v19 =	vand.u32 $0xFFFFFC00, v49;
	[tilespmem:v4+s19+$0x0] =	vst.idx.add.f32.msk $0xffff, v2  }
0x56: {  	v12 =	vand.u32 $0xFFFFFC00, v61;
	v10 =	vadd.s32 v1, v10;
	v3 =	vor.u32 v11, v19;
	[tilespmem:v5+s19+$0x0] =	vst.idx.add.f32.msk $0xffff, v2  }
0x57: {  	v14 =	vor.u32 v63, v12;
	v11 =	vand.u32 $0xFFFFFC00, v54;
	v3 =	vadd.s32 v1, v3;
	[tilespmem:v6+s19+$0x0] =	vst.idx.add.f32.msk $0xffff, v2  }
0x58: {  	v58 =	vand.u32 $0xFFFFFC00, v56;
	v4 =	vadd.s32 v1, v53;
	v5 =	vor.u32 v55, v11;
	[tilespmem:v7+s19+$0x0] =	vst.idx.add.f32.msk $0xffff, v2  }
0x59: {  	v62 =	vand.u32 $0xFFFFFC00, v60;
	v5 =	vadd.s32 v1, v5;
	v6 =	vor.u32 v57, v58;
	[tilespmem:v8+s19+$0x0] =	vst.idx.add.f32.msk $0xffff, v2  }
0x5a: {  	v17 =	vshll.u32 v18, $0x3;
	v6 =	vadd.s32 v1, v6;
	v7 =	vor.u32 v59, v62;
	[tilespmem:v9+s19+$0x0] =	vst.idx.add.f32.msk $0xffff, v2  }
0x5b: {  	v20 =	vand.u32 $0xFFFFFC00, v17;
	v7 =	vadd.s32 v1, v7;
	v9 =	vand.u32 $0xFFFFFC00, v15;
	[tilespmem:v10+s19+$0x0] =	vst.idx.add.f32.msk $0xffff, v2  }
0x5c: {  	v19 =	vand.u32 $0x7F, v18;
	v8 =	vadd.s32 v1, v14;
	[tilespmem:v3+s19+$0x0] =	vst.idx.add.f32.msk $0xffff, v2;
	v3 =	vor.u32 v16, v9  }
0x5d: {  	v21 =	vor.u32 v19, v20;
	[tilespmem:v4+s19+$0x0] =	vst.idx.add.f32.msk $0xffff, v2;
	v3 =	vadd.s32 v1, v3  }
0x5e: {  	v4 =	vadd.s32 v1, v21;
	[tilespmem:v5+s19+$0x0] =	vst.idx.add.f32.msk $0xffff, v2  }
0x5f: {  	[tilespmem:v6+s19+$0x0] =	vst.idx.add.f32.msk $0xffff, v2  }
0x60: {  	[tilespmem:v7+s19+$0x0] =	vst.idx.add.f32.msk $0xffff, v2  }
0x61: {  	[tilespmem:v8+s19+$0x0] =	vst.idx.add.f32.msk $0xffff, v2  }
0x62: {  	[tilespmem:v3+s19+$0x0] =	vst.idx.add.f32.msk $0xffff, v2  }
0x63: {  	[tilespmem:v4+s19+$0x0] =	vst.idx.add.f32.msk $0xffff, v2  }
0x64: {  	v3 =	vld [tilespmem:s30+$0x80]  }
0x65: {  	v4 =	vld [tilespmem:s30+$0x90]  }
0x66: {  	v5 =	vld [tilespmem:s30+$0xA0]  }
0x67: {  	v6 =	vld [tilespmem:s30+$0xB0]  }
0x68: {  	v7 =	vld [tilespmem:s30+$0xC0]  }
0x69: {  	v8 =	vld [tilespmem:s30+$0xD0]  }
0x6a: {  	v22 =	vld [tilespmem:s30+$0xE0]  }
0x6b: {  	v23 =	vld [tilespmem:s30+$0xF0]  }
0x6c: {  	v24 =	vld [tilespmem:s30+$0x480]  }
0x6d: {  	v25 =	vld [tilespmem:s30+$0x490]  }
0x6e: {  	v26 =	vld [tilespmem:s30+$0x4A0]  }
0x6f: {  	v27 =	vld [tilespmem:s30+$0x4B0]  }
0x70: {  	v28 =	vld [tilespmem:s30+$0x4C0];
	v3 =	vtrunc.f32 v3  }
0x71: {  	v29 =	vld [tilespmem:s30+$0x4D0];
	v4 =	vtrunc.f32 v4;
	v5 =	vtrunc.f32 v5  }
0x72: {  	v30 =	vld [tilespmem:s30+$0x4E0];
	v6 =	vtrunc.f32 v6;
	v7 =	vtrunc.f32 v7  }
0x73: {  	v31 =	vld [tilespmem:s30+$0x4F0];
	v8 =	vtrunc.f32 v8;
	v9 =	vtrunc.f32 v22  }
0x74: {  	v10 =	vtrunc.f32 v23;
	v11 =	vtrunc.f32 v24  }
0x75: {  	v12 =	vtrunc.f32 v25;
	v13 =	vtrunc.f32 v26  }
0x76: {  	v14 =	vtrunc.f32 v27;
	v15 =	vtrunc.f32 v28  }
0x77: {  	v16 =	vtrunc.f32 v29;
	v17 =	vtrunc.f32 v30  }
0x78: {  	v18 =	vtrunc.f32 v31;
	v3 =	vcvt.f32.s32 v3  }
0x79: {  	v4 =	vcvt.f32.s32 v4;
	v5 =	vcvt.f32.s32 v5  }
0x7a: {  	v6 =	vcvt.f32.s32 v6;
	v7 =	vcvt.f32.s32 v7  }
0x7b: {  	v8 =	vcvt.f32.s32 v8;
	v9 =	vcvt.f32.s32 v9  }
0x7c: {  	v10 =	vcvt.f32.s32 v10;
	v11 =	vcvt.f32.s32 v11  }
0x7d: {  	v12 =	vcvt.f32.s32 v12;
	v13 =	vcvt.f32.s32 v13  }
0x7e: {  	v14 =	vcvt.f32.s32 v14;
	v15 =	vcvt.f32.s32 v15  }
0x7f: {  	v16 =	vcvt.f32.s32 v16;
	v17 =	vcvt.f32.s32 v17  }
0x80: {  	v18 =	vcvt.f32.s32 v18;
	v32 =	vand.u32 $0x7F, v3;
	v3 =	vshll.u32 v3, $0x3  }
0x81: {  	v33 =	vshll.u32 v4, $0x3;
	v4 =	vand.u32 $0x7F, v4;
	v34 =	vshll.u32 v5, $0x3  }
0x82: {  	v5 =	vand.u32 $0x7F, v5;
	v35 =	vshll.u32 v6, $0x3;
	v6 =	vand.u32 $0x7F, v6  }
0x83: {  	v37 =	vshll.u32 v7, $0x3;
	v7 =	vand.u32 $0x7F, v7;
	v38 =	vshll.u32 v8, $0x3  }
0x84: {  	v8 =	vand.u32 $0x7F, v8;
	v40 =	vand.u32 $0x7F, v9;
	v9 =	vshll.u32 v9, $0x3  }
0x85: {  	v41 =	vshll.u32 v10, $0x3;
	v10 =	vand.u32 $0x7F, v10;
	v42 =	vshll.u32 v11, $0x3  }
0x86: {  	v11 =	vand.u32 $0x7F, v11;
	v43 =	vshll.u32 v12, $0x3;
	v44 =	vand.u32 $0x7F, v12  }
0x87: {  	v47 =	vshll.u32 v13, $0x3;
	v48 =	vand.u32 $0x7F, v13;
	v49 =	vshll.u32 v14, $0x3  }
0x88: {  	v50 =	vand.u32 $0x7F, v14;
	v52 =	vand.u32 $0x7F, v15;
	v53 =	vshll.u32 v15, $0x3  }
0x89: {  	v54 =	vshll.u32 v16, $0x3;
	v56 =	vand.u32 $0x7F, v16;
	v58 =	vshll.u32 v17, $0x3  }
0x8a: {  	v59 =	vand.u32 $0x7F, v17;
	v60 =	vshll.u32 v18, $0x3;
	v3 =	vand.u32 $0xFFFFFC00, v3  }
0x8b: {  	v61 =	vand.u32 $0x7F, v18;
	v20 =	vand.u32 $0xFFFFFC00, v33;
	v3 =	vor.u32 v32, v3  }
0x8c: {  	v19 =	vand.u32 $0xFFFFFC00, v34;
	v4 =	vor.u32 v4, v20;
	v3 =	vadd.s32 v1, v3  }
0x8d: {  	v36 =	vand.u32 $0xFFFFFC00, v35;
	v5 =	vor.u32 v5, v19;
	v4 =	vadd.s32 v1, v4  }
0x8e: {  	v6 =	vor.u32 v6, v36;
	v19 =	vand.u32 $0xFFFFFC00, v37;
	v5 =	vadd.s32 v1, v5  }
0x8f: {  	v39 =	vand.u32 $0xFFFFFC00, v38;
	v7 =	vor.u32 v7, v19;
	v6 =	vadd.s32 v1, v6  }
0x90: {  	v9 =	vand.u32 $0xFFFFFC00, v9;
	v8 =	vor.u32 v8, v39;
	v7 =	vadd.s32 v1, v7  }
0x91: {  	v20 =	vand.u32 $0xFFFFFC00, v41;
	v9 =	vor.u32 v40, v9;
	v8 =	vadd.s32 v1, v8;
	[tilespmem:v3+s19+$0x0] =	vst.idx.add.f32.msk $0xffff, v2  }
0x92: {  	v10 =	vor.u32 v10, v20;
	v9 =	vadd.s32 v1, v9;
	v19 =	vand.u32 $0xFFFFFC00, v42;
	[tilespmem:v4+s19+$0x0] =	vst.idx.add.f32.msk $0xffff, v2  }
0x93: {  	v45 =	vand.u32 $0xFFFFFC00, v43;
	v10 =	vadd.s32 v1, v10;
	v3 =	vor.u32 v11, v19;
	[tilespmem:v5+s19+$0x0] =	vst.idx.add.f32.msk $0xffff, v2  }
0x94: {  	v46 =	vor.u32 v44, v45;
	v11 =	vand.u32 $0xFFFFFC00, v47;
	v3 =	vadd.s32 v1, v3;
	[tilespmem:v6+s19+$0x0] =	vst.idx.add.f32.msk $0xffff, v2  }
0x95: {  	v51 =	vand.u32 $0xFFFFFC00, v49;
	v4 =	vadd.s32 v1, v46;
	v5 =	vor.u32 v48, v11;
	[tilespmem:v7+s19+$0x0] =	vst.idx.add.f32.msk $0xffff, v2  }
0x96: {  	v55 =	vand.u32 $0xFFFFFC00, v53;
	v5 =	vadd.s32 v1, v5;
	v6 =	vor.u32 v50, v51;
	[tilespmem:v8+s19+$0x0] =	vst.idx.add.f32.msk $0xffff, v2  }
0x97: {  	v12 =	vand.u32 $0xFFFFFC00, v54;
	v6 =	vadd.s32 v1, v6;
	v7 =	vor.u32 v52, v55;
	[tilespmem:v9+s19+$0x0] =	vst.idx.add.f32.msk $0xffff, v2  }
0x98: {  	v57 =	vor.u32 v56, v12;
	v7 =	vadd.s32 v1, v7;
	v9 =	vand.u32 $0xFFFFFC00, v58;
	[tilespmem:v10+s19+$0x0] =	vst.idx.add.f32.msk $0xffff, v2  }
0x99: {  	v62 =	vand.u32 $0xFFFFFC00, v60;
	v8 =	vadd.s32 v1, v57;
	[tilespmem:v3+s19+$0x0] =	vst.idx.add.f32.msk $0xffff, v2;
	v3 =	vor.u32 v59, v9  }
0x9a: {  	s28 =	sadd.s32 $0x2, s28;
	v63 =	vor.u32 v61, v62;
	[tilespmem:v4+s19+$0x0] =	vst.idx.add.f32.msk $0xffff, v2;
	v3 =	vadd.s32 v1, v3  }
0x9b: {  	p0 =	slt.u32 s28, $0x7E;
	v4 =	vadd.s32 v1, v63;
	[tilespmem:v5+s19+$0x0] =	vst.idx.add.f32.msk $0xffff, v2  }
.Ltmp1:
0x9c: {  	[tilespmem:v6+s19+$0x0] =	vst.idx.add.f32.msk $0xffff, v2;
	(pc) =	sbr.rel @p0 .LBB2_4-.Ltmp1, $4  }
0x9d: {  	[tilespmem:v7+s19+$0x0] =	vst.idx.add.f32.msk $0xffff, v2  }
0x9e: {  	[tilespmem:v8+s19+$0x0] =	vst.idx.add.f32.msk $0xffff, v2  }
0x9f: {  	[tilespmem:v3+s19+$0x0] =	vst.idx.add.f32.msk $0xffff, v2  }
0xa0: {  	s29 =	sadd.s32 $0x100, s29;
	s26 =	sadd.s32 $0x200, s26;
	[tilespmem:v4+s19+$0x0] =	vst.idx.add.f32.msk $0xffff, v2  }
0xa1: {  	s26 =	simm.s32 $0x0  }
0xa2: {  	[tilespmem:s26], [sflag:$0x1] =	stream.linear.gather [hbm4b:s5+s26], $0x8000, $0x38;
	[tilespmem:$0x11100] =	vst v63  }
0xa3: {  	_ =	swait.ge [sflag:s20], $0x8000  }
0xa4: {  	[sflag:s20] =	ssyncset.done $0x0  }
0xa5: {  	s28 =	simm.s32 $0xFFFFFFFE;
	s29 =	simm.s32 $0x0;
	[sflag:s20] =	ssyncadd.s32 $0xFFFF8000  }
.LBB2_6:
0xa6: {  	s1 =	sand.u32 $0x7800, s26;
	s30 =	sand.u32 $0x300, s29  }
0xa7: {  	s30 =	sor.u32 s30, s1  }
0xa8: {  	v3 =	vld [tilespmem:s30+$0x8000]  }
0xa9: {  	v4 =	vld [tilespmem:s30+$0x8010]  }
0xaa: {  	v5 =	vld [tilespmem:s30+$0x8020]  }
0xab: {  	v6 =	vld [tilespmem:s30+$0x8030]  }
0xac: {  	v7 =	vld [tilespmem:s30+$0x8040]  }
0xad: {  	v8 =	vld [tilespmem:s30+$0x8050]  }
0xae: {  	v9 =	vld [tilespmem:s30+$0x8060]  }
0xaf: {  	v10 =	vld [tilespmem:s30+$0x8070]  }
0xb0: {  	v11 =	vld [tilespmem:s30+$0x8400]  }
0xb1: {  	v12 =	vld [tilespmem:s30+$0x8410]  }
0xb2: {  	v13 =	vld [tilespmem:s30+$0x8420]  }
0xb3: {  	v14 =	vld [tilespmem:s30+$0x8430]  }
0xb4: {  	v15 =	vld [tilespmem:s30+$0x8440];
	v3 =	vtrunc.f32 v3  }
0xb5: {  	v16 =	vld [tilespmem:s30+$0x8450];
	v4 =	vtrunc.f32 v4;
	v5 =	vtrunc.f32 v5  }
0xb6: {  	v17 =	vld [tilespmem:s30+$0x8460];
	v6 =	vtrunc.f32 v6;
	v7 =	vtrunc.f32 v7  }
0xb7: {  	v18 =	vld [tilespmem:s30+$0x8470];
	v8 =	vtrunc.f32 v8;
	v9 =	vtrunc.f32 v9  }
0xb8: {  	v10 =	vtrunc.f32 v10;
	v11 =	vtrunc.f32 v11  }
0xb9: {  	v12 =	vtrunc.f32 v12;
	v13 =	vtrunc.f32 v13  }
0xba: {  	v14 =	vtrunc.f32 v14;
	v15 =	vtrunc.f32 v15  }
0xbb: {  	v16 =	vtrunc.f32 v16;
	v17 =	vtrunc.f32 v17  }
0xbc: {  	v18 =	vtrunc.f32 v18;
	v3 =	vcvt.f32.s32 v3  }
0xbd: {  	v4 =	vcvt.f32.s32 v4;
	v5 =	vcvt.f32.s32 v5  }
0xbe: {  	v6 =	vcvt.f32.s32 v6;
	v7 =	vcvt.f32.s32 v7  }
0xbf: {  	v8 =	vcvt.f32.s32 v8;
	v9 =	vcvt.f32.s32 v9  }
0xc0: {  	v10 =	vcvt.f32.s32 v10;
	v11 =	vcvt.f32.s32 v11  }
0xc1: {  	v12 =	vcvt.f32.s32 v12;
	v13 =	vcvt.f32.s32 v13  }
0xc2: {  	v14 =	vcvt.f32.s32 v14;
	v15 =	vcvt.f32.s32 v15  }
0xc3: {  	v16 =	vcvt.f32.s32 v16;
	v17 =	vcvt.f32.s32 v17  }
0xc4: {  	v18 =	vcvt.f32.s32 v18;
	v19 =	vand.u32 $0x7F, v3;
	v3 =	vshll.u32 v3, $0x3  }
0xc5: {  	v20 =	vshll.u32 v4, $0x3;
	v4 =	vand.u32 $0x7F, v4;
	v41 =	vshll.u32 v5, $0x3  }
0xc6: {  	v5 =	vand.u32 $0x7F, v5;
	v42 =	vshll.u32 v6, $0x3;
	v6 =	vand.u32 $0x7F, v6  }
0xc7: {  	v44 =	vshll.u32 v7, $0x3;
	v7 =	vand.u32 $0x7F, v7;
	v45 =	vshll.u32 v8, $0x3  }
0xc8: {  	v8 =	vand.u32 $0x7F, v8;
	v47 =	vand.u32 $0x7F, v9;
	v9 =	vshll.u32 v9, $0x3  }
0xc9: {  	v48 =	vshll.u32 v10, $0x3;
	v10 =	vand.u32 $0x7F, v10;
	v49 =	vshll.u32 v11, $0x3  }
0xca: {  	v11 =	vand.u32 $0x7F, v11;
	v50 =	vshll.u32 v12, $0x3;
	v51 =	vand.u32 $0x7F, v12  }
0xcb: {  	v54 =	vshll.u32 v13, $0x3;
	v55 =	vand.u32 $0x7F, v13;
	v56 =	vshll.u32 v14, $0x3  }
0xcc: {  	v57 =	vand.u32 $0x7F, v14;
	v59 =	vand.u32 $0x7F, v15;
	v60 =	vshll.u32 v15, $0x3  }
0xcd: {  	v61 =	vshll.u32 v16, $0x3;
	v63 =	vand.u32 $0x7F, v16;
	v15 =	vshll.u32 v17, $0x3  }
0xce: {  	v16 =	vand.u32 $0x7F, v17;
	v3 =	vand.u32 $0xFFFFFC00, v3;
	v20 =	vand.u32 $0xFFFFFC00, v20  }
0xcf: {  	v43 =	vand.u32 $0xFFFFFC00, v42;
	v46 =	vand.u32 $0xFFFFFC00, v45;
	v3 =	vor.u32 v19, v3  }
0xd0: {  	v4 =	vor.u32 v4, v20;
	v19 =	vand.u32 $0xFFFFFC00, v41;
	v3 =	vadd.s32 v1, v3  }
0xd1: {  	v9 =	vand.u32 $0xFFFFFC00, v9;
	v4 =	vadd.s32 v1, v4;
	v5 =	vor.u32 v5, v19  }
0xd2: {  	v6 =	vor.u32 v6, v43;
	v19 =	vand.u32 $0xFFFFFC00, v44;
	v5 =	vadd.s32 v1, v5  }
0xd3: {  	v52 =	vand.u32 $0xFFFFFC00, v50;
	v6 =	vadd.s32 v1, v6;
	v7 =	vor.u32 v7, v19  }
0xd4: {  	v8 =	vor.u32 v8, v46;
	v9 =	vor.u32 v47, v9;
	v7 =	vadd.s32 v1, v7  }
0xd5: {  	v20 =	vand.u32 $0xFFFFFC00, v48;
	v53 =	vor.u32 v51, v52;
	v8 =	vadd.s32 v1, v8;
	[tilespmem:v3+s19+$0x0] =	vst.idx.add.f32.msk $0xffff, v2  }
0xd6: {  	v10 =	vor.u32 v10, v20;
	v9 =	vadd.s32 v1, v9;
	v19 =	vand.u32 $0xFFFFFC00, v49;
	[tilespmem:v4+s19+$0x0] =	vst.idx.add.f32.msk $0xffff, v2  }
0xd7: {  	v12 =	vand.u32 $0xFFFFFC00, v61;
	v10 =	vadd.s32 v1, v10;
	v3 =	vor.u32 v11, v19;
	[tilespmem:v5+s19+$0x0] =	vst.idx.add.f32.msk $0xffff, v2  }
0xd8: {  	v14 =	vor.u32 v63, v12;
	v11 =	vand.u32 $0xFFFFFC00, v54;
	v3 =	vadd.s32 v1, v3;
	[tilespmem:v6+s19+$0x0] =	vst.idx.add.f32.msk $0xffff, v2  }
0xd9: {  	v58 =	vand.u32 $0xFFFFFC00, v56;
	v4 =	vadd.s32 v1, v53;
	v5 =	vor.u32 v55, v11;
	[tilespmem:v7+s19+$0x0] =	vst.idx.add.f32.msk $0xffff, v2  }
0xda: {  	v62 =	vand.u32 $0xFFFFFC00, v60;
	v5 =	vadd.s32 v1, v5;
	v6 =	vor.u32 v57, v58;
	[tilespmem:v8+s19+$0x0] =	vst.idx.add.f32.msk $0xffff, v2  }
0xdb: {  	v17 =	vshll.u32 v18, $0x3;
	v6 =	vadd.s32 v1, v6;
	v7 =	vor.u32 v59, v62;
	[tilespmem:v9+s19+$0x0] =	vst.idx.add.f32.msk $0xffff, v2  }
0xdc: {  	v20 =	vand.u32 $0xFFFFFC00, v17;
	v7 =	vadd.s32 v1, v7;
	v9 =	vand.u32 $0xFFFFFC00, v15;
	[tilespmem:v10+s19+$0x0] =	vst.idx.add.f32.msk $0xffff, v2  }
0xdd: {  	v19 =	vand.u32 $0x7F, v18;
	v8 =	vadd.s32 v1, v14;
	[tilespmem:v3+s19+$0x0] =	vst.idx.add.f32.msk $0xffff, v2;
	v3 =	vor.u32 v16, v9  }
0xde: {  	v21 =	vor.u32 v19, v20;
	[tilespmem:v4+s19+$0x0] =	vst.idx.add.f32.msk $0xffff, v2;
	v3 =	vadd.s32 v1, v3  }
0xdf: {  	v4 =	vadd.s32 v1, v21;
	[tilespmem:v5+s19+$0x0] =	vst.idx.add.f32.msk $0xffff, v2  }
0xe0: {  	[tilespmem:v6+s19+$0x0] =	vst.idx.add.f32.msk $0xffff, v2  }
0xe1: {  	[tilespmem:v7+s19+$0x0] =	vst.idx.add.f32.msk $0xffff, v2  }
0xe2: {  	[tilespmem:v8+s19+$0x0] =	vst.idx.add.f32.msk $0xffff, v2  }
0xe3: {  	[tilespmem:v3+s19+$0x0] =	vst.idx.add.f32.msk $0xffff, v2  }
0xe4: {  	[tilespmem:v4+s19+$0x0] =	vst.idx.add.f32.msk $0xffff, v2  }
0xe5: {  	v3 =	vld [tilespmem:s30+$0x8080]  }
0xe6: {  	v4 =	vld [tilespmem:s30+$0x8090]  }
0xe7: {  	v5 =	vld [tilespmem:s30+$0x80A0]  }
0xe8: {  	v6 =	vld [tilespmem:s30+$0x80B0]  }
0xe9: {  	v7 =	vld [tilespmem:s30+$0x80C0]  }
0xea: {  	v8 =	vld [tilespmem:s30+$0x80D0]  }
0xeb: {  	v22 =	vld [tilespmem:s30+$0x80E0]  }
0xec: {  	v23 =	vld [tilespmem:s30+$0x80F0]  }
0xed: {  	v24 =	vld [tilespmem:s30+$0x8480]  }
0xee: {  	v25 =	vld [tilespmem:s30+$0x8490]  }
0xef: {  	v26 =	vld [tilespmem:s30+$0x84A0]  }
0xf0: {  	v27 =	vld [tilespmem:s30+$0x84B0]  }
0xf1: {  	v28 =	vld [tilespmem:s30+$0x84C0];
	v3 =	vtrunc.f32 v3  }
0xf2: {  	v29 =	vld [tilespmem:s30+$0x84D0];
	v4 =	vtrunc.f32 v4;
	v5 =	vtrunc.f32 v5  }
0xf3: {  	v30 =	vld [tilespmem:s30+$0x84E0];
	v6 =	vtrunc.f32 v6;
	v7 =	vtrunc.f32 v7  }
0xf4: {  	v31 =	vld [tilespmem:s30+$0x84F0];
	v8 =	vtrunc.f32 v8;
	v9 =	vtrunc.f32 v22  }
0xf5: {  	v10 =	vtrunc.f32 v23;
	v11 =	vtrunc.f32 v24  }
0xf6: {  	v12 =	vtrunc.f32 v25;
	v13 =	vtrunc.f32 v26  }
0xf7: {  	v14 =	vtrunc.f32 v27;
	v15 =	vtrunc.f32 v28  }
0xf8: {  	v16 =	vtrunc.f32 v29;
	v17 =	vtrunc.f32 v30  }
0xf9: {  	v18 =	vtrunc.f32 v31;
	v3 =	vcvt.f32.s32 v3  }
0xfa: {  	v4 =	vcvt.f32.s32 v4;
	v5 =	vcvt.f32.s32 v5  }
0xfb: {  	v6 =	vcvt.f32.s32 v6;
	v7 =	vcvt.f32.s32 v7  }
0xfc: {  	v8 =	vcvt.f32.s32 v8;
	v9 =	vcvt.f32.s32 v9  }
0xfd: {  	v10 =	vcvt.f32.s32 v10;
	v11 =	vcvt.f32.s32 v11  }
0xfe: {  	v12 =	vcvt.f32.s32 v12;
	v13 =	vcvt.f32.s32 v13  }
0xff: {  	v14 =	vcvt.f32.s32 v14;
	v15 =	vcvt.f32.s32 v15  }
0x100: {  	v16 =	vcvt.f32.s32 v16;
	v17 =	vcvt.f32.s32 v17  }
0x101: {  	v18 =	vcvt.f32.s32 v18;
	v32 =	vand.u32 $0x7F, v3;
	v3 =	vshll.u32 v3, $0x3  }
0x102: {  	v33 =	vshll.u32 v4, $0x3;
	v4 =	vand.u32 $0x7F, v4;
	v34 =	vshll.u32 v5, $0x3  }
0x103: {  	v5 =	vand.u32 $0x7F, v5;
	v35 =	vshll.u32 v6, $0x3;
	v6 =	vand.u32 $0x7F, v6  }
0x104: {  	v37 =	vshll.u32 v7, $0x3;
	v7 =	vand.u32 $0x7F, v7;
	v38 =	vshll.u32 v8, $0x3  }
0x105: {  	v8 =	vand.u32 $0x7F, v8;
	v40 =	vand.u32 $0x7F, v9;
	v9 =	vshll.u32 v9, $0x3  }
0x106: {  	v41 =	vshll.u32 v10, $0x3;
	v10 =	vand.u32 $0x7F, v10;
	v42 =	vshll.u32 v11, $0x3  }
0x107: {  	v11 =	vand.u32 $0x7F, v11;
	v43 =	vshll.u32 v12, $0x3;
	v44 =	vand.u32 $0x7F, v12  }
0x108: {  	v47 =	vshll.u32 v13, $0x3;
	v48 =	vand.u32 $0x7F, v13;
	v49 =	vshll.u32 v14, $0x3  }
0x109: {  	v50 =	vand.u32 $0x7F, v14;
	v52 =	vand.u32 $0x7F, v15;
	v53 =	vshll.u32 v15, $0x3  }
0x10a: {  	v54 =	vshll.u32 v16, $0x3;
	v56 =	vand.u32 $0x7F, v16;
	v58 =	vshll.u32 v17, $0x3  }
0x10b: {  	v59 =	vand.u32 $0x7F, v17;
	v60 =	vshll.u32 v18, $0x3;
	v3 =	vand.u32 $0xFFFFFC00, v3  }
0x10c: {  	v61 =	vand.u32 $0x7F, v18;
	v20 =	vand.u32 $0xFFFFFC00, v33;
	v3 =	vor.u32 v32, v3  }
0x10d: {  	v19 =	vand.u32 $0xFFFFFC00, v34;
	v4 =	vor.u32 v4, v20;
	v3 =	vadd.s32 v1, v3  }
0x10e: {  	v36 =	vand.u32 $0xFFFFFC00, v35;
	v5 =	vor.u32 v5, v19;
	v4 =	vadd.s32 v1, v4  }
0x10f: {  	v6 =	vor.u32 v6, v36;
	v19 =	vand.u32 $0xFFFFFC00, v37;
	v5 =	vadd.s32 v1, v5  }
0x110: {  	v39 =	vand.u32 $0xFFFFFC00, v38;
	v7 =	vor.u32 v7, v19;
	v6 =	vadd.s32 v1, v6  }
0x111: {  	v9 =	vand.u32 $0xFFFFFC00, v9;
	v8 =	vor.u32 v8, v39;
	v7 =	vadd.s32 v1, v7  }
0x112: {  	v20 =	vand.u32 $0xFFFFFC00, v41;
	v9 =	vor.u32 v40, v9;
	v8 =	vadd.s32 v1, v8;
	[tilespmem:v3+s19+$0x0] =	vst.idx.add.f32.msk $0xffff, v2  }
0x113: {  	v10 =	vor.u32 v10, v20;
	v9 =	vadd.s32 v1, v9;
	v19 =	vand.u32 $0xFFFFFC00, v42;
	[tilespmem:v4+s19+$0x0] =	vst.idx.add.f32.msk $0xffff, v2  }
0x114: {  	v45 =	vand.u32 $0xFFFFFC00, v43;
	v10 =	vadd.s32 v1, v10;
	v3 =	vor.u32 v11, v19;
	[tilespmem:v5+s19+$0x0] =	vst.idx.add.f32.msk $0xffff, v2  }
0x115: {  	v46 =	vor.u32 v44, v45;
	v11 =	vand.u32 $0xFFFFFC00, v47;
	v3 =	vadd.s32 v1, v3;
	[tilespmem:v6+s19+$0x0] =	vst.idx.add.f32.msk $0xffff, v2  }
0x116: {  	v51 =	vand.u32 $0xFFFFFC00, v49;
	v4 =	vadd.s32 v1, v46;
	v5 =	vor.u32 v48, v11;
	[tilespmem:v7+s19+$0x0] =	vst.idx.add.f32.msk $0xffff, v2  }
0x117: {  	v55 =	vand.u32 $0xFFFFFC00, v53;
	v5 =	vadd.s32 v1, v5;
	v6 =	vor.u32 v50, v51;
	[tilespmem:v8+s19+$0x0] =	vst.idx.add.f32.msk $0xffff, v2  }
0x118: {  	v12 =	vand.u32 $0xFFFFFC00, v54;
	v6 =	vadd.s32 v1, v6;
	v7 =	vor.u32 v52, v55;
	[tilespmem:v9+s19+$0x0] =	vst.idx.add.f32.msk $0xffff, v2  }
0x119: {  	v57 =	vor.u32 v56, v12;
	v7 =	vadd.s32 v1, v7;
	v9 =	vand.u32 $0xFFFFFC00, v58;
	[tilespmem:v10+s19+$0x0] =	vst.idx.add.f32.msk $0xffff, v2  }
0x11a: {  	v62 =	vand.u32 $0xFFFFFC00, v60;
	v8 =	vadd.s32 v1, v57;
	[tilespmem:v3+s19+$0x0] =	vst.idx.add.f32.msk $0xffff, v2;
	v3 =	vor.u32 v59, v9  }
0x11b: {  	s28 =	sadd.s32 $0x2, s28;
	v63 =	vor.u32 v61, v62;
	[tilespmem:v4+s19+$0x0] =	vst.idx.add.f32.msk $0xffff, v2;
	v3 =	vadd.s32 v1, v3  }
0x11c: {  	p0 =	slt.u32 s28, $0x7E;
	v4 =	vadd.s32 v1, v63;
	[tilespmem:v5+s19+$0x0] =	vst.idx.add.f32.msk $0xffff, v2  }
.Ltmp2:
0x11d: {  	[tilespmem:v6+s19+$0x0] =	vst.idx.add.f32.msk $0xffff, v2;
	(pc) =	sbr.rel @p0 .LBB2_6-.Ltmp2, $4  }
0x11e: {  	[tilespmem:v7+s19+$0x0] =	vst.idx.add.f32.msk $0xffff, v2  }
0x11f: {  	[tilespmem:v8+s19+$0x0] =	vst.idx.add.f32.msk $0xffff, v2  }
0x120: {  	[tilespmem:v3+s19+$0x0] =	vst.idx.add.f32.msk $0xffff, v2  }
0x121: {  	s29 =	sadd.s32 $0x100, s29;
	s26 =	sadd.s32 $0x200, s26;
	[tilespmem:v4+s19+$0x0] =	vst.idx.add.f32.msk $0xffff, v2  }
0x122: {  	s26 =	simm.s32 $0x0  }
0x123: {  	[tilespmem:s17], [sflag:$0x2] =	stream.linear.gather [hbm4b:s6+s26], $0x8000, $0x38;
	[tilespmem:$0x11100] =	vst v63  }
0x124: {  	_ =	swait.ge [sflag:s18], $0x8000  }
0x125: {  	[sflag:s18] =	ssyncset.done $0x0  }
0x126: {  	s28 =	simm.s32 $0xFFFFFFFE;
	s29 =	simm.s32 $0x0;
	[sflag:s18] =	ssyncadd.s32 $0xFFFF8000  }
.LBB2_8:
0x127: {  	s1 =	sand.u32 $0x7800, s26;
	s30 =	sand.u32 $0x300, s29  }
0x128: {  	s30 =	sor.u32 s30, s1  }
0x129: {  	v3 =	vld [tilespmem:s30+$0x0]  }
0x12a: {  	v4 =	vld [tilespmem:s30+$0x10]  }
0x12b: {  	v5 =	vld [tilespmem:s30+$0x20]  }
0x12c: {  	v6 =	vld [tilespmem:s30+$0x30]  }
0x12d: {  	v7 =	vld [tilespmem:s30+$0x40]  }
0x12e: {  	v8 =	vld [tilespmem:s30+$0x50]  }
0x12f: {  	v9 =	vld [tilespmem:s30+$0x60]  }
0x130: {  	v10 =	vld [tilespmem:s30+$0x70]  }
0x131: {  	v11 =	vld [tilespmem:s30+$0x400]  }
0x132: {  	v12 =	vld [tilespmem:s30+$0x410]  }
0x133: {  	v13 =	vld [tilespmem:s30+$0x420]  }
0x134: {  	v14 =	vld [tilespmem:s30+$0x430]  }
0x135: {  	v15 =	vld [tilespmem:s30+$0x440];
	v3 =	vtrunc.f32 v3  }
0x136: {  	v16 =	vld [tilespmem:s30+$0x450];
	v4 =	vtrunc.f32 v4;
	v5 =	vtrunc.f32 v5  }
0x137: {  	v17 =	vld [tilespmem:s30+$0x460];
	v6 =	vtrunc.f32 v6;
	v7 =	vtrunc.f32 v7  }
0x138: {  	v18 =	vld [tilespmem:s30+$0x470];
	v8 =	vtrunc.f32 v8;
	v9 =	vtrunc.f32 v9  }
0x139: {  	v10 =	vtrunc.f32 v10;
	v11 =	vtrunc.f32 v11  }
0x13a: {  	v12 =	vtrunc.f32 v12;
	v13 =	vtrunc.f32 v13  }
0x13b: {  	v14 =	vtrunc.f32 v14;
	v15 =	vtrunc.f32 v15  }
0x13c: {  	v16 =	vtrunc.f32 v16;
	v17 =	vtrunc.f32 v17  }
0x13d: {  	v18 =	vtrunc.f32 v18;
	v3 =	vcvt.f32.s32 v3  }
0x13e: {  	v4 =	vcvt.f32.s32 v4;
	v5 =	vcvt.f32.s32 v5  }
0x13f: {  	v6 =	vcvt.f32.s32 v6;
	v7 =	vcvt.f32.s32 v7  }
0x140: {  	v8 =	vcvt.f32.s32 v8;
	v9 =	vcvt.f32.s32 v9  }
0x141: {  	v10 =	vcvt.f32.s32 v10;
	v11 =	vcvt.f32.s32 v11  }
0x142: {  	v12 =	vcvt.f32.s32 v12;
	v13 =	vcvt.f32.s32 v13  }
0x143: {  	v14 =	vcvt.f32.s32 v14;
	v15 =	vcvt.f32.s32 v15  }
0x144: {  	v16 =	vcvt.f32.s32 v16;
	v17 =	vcvt.f32.s32 v17  }
0x145: {  	v18 =	vcvt.f32.s32 v18;
	v19 =	vand.u32 $0x7F, v3;
	v3 =	vshll.u32 v3, $0x3  }
0x146: {  	v20 =	vshll.u32 v4, $0x3;
	v4 =	vand.u32 $0x7F, v4;
	v41 =	vshll.u32 v5, $0x3  }
0x147: {  	v5 =	vand.u32 $0x7F, v5;
	v42 =	vshll.u32 v6, $0x3;
	v6 =	vand.u32 $0x7F, v6  }
0x148: {  	v44 =	vshll.u32 v7, $0x3;
	v7 =	vand.u32 $0x7F, v7;
	v45 =	vshll.u32 v8, $0x3  }
0x149: {  	v8 =	vand.u32 $0x7F, v8;
	v47 =	vand.u32 $0x7F, v9;
	v9 =	vshll.u32 v9, $0x3  }
0x14a: {  	v48 =	vshll.u32 v10, $0x3;
	v10 =	vand.u32 $0x7F, v10;
	v49 =	vshll.u32 v11, $0x3  }
0x14b: {  	v11 =	vand.u32 $0x7F, v11;
	v50 =	vshll.u32 v12, $0x3;
	v51 =	vand.u32 $0x7F, v12  }
0x14c: {  	v54 =	vshll.u32 v13, $0x3;
	v55 =	vand.u32 $0x7F, v13;
	v56 =	vshll.u32 v14, $0x3  }
0x14d: {  	v57 =	vand.u32 $0x7F, v14;
	v59 =	vand.u32 $0x7F, v15;
	v60 =	vshll.u32 v15, $0x3  }
0x14e: {  	v61 =	vshll.u32 v16, $0x3;
	v63 =	vand.u32 $0x7F, v16;
	v15 =	vshll.u32 v17, $0x3  }
0x14f: {  	v16 =	vand.u32 $0x7F, v17;
	v3 =	vand.u32 $0xFFFFFC00, v3;
	v20 =	vand.u32 $0xFFFFFC00, v20  }
0x150: {  	v43 =	vand.u32 $0xFFFFFC00, v42;
	v46 =	vand.u32 $0xFFFFFC00, v45;
	v3 =	vor.u32 v19, v3  }
0x151: {  	v4 =	vor.u32 v4, v20;
	v19 =	vand.u32 $0xFFFFFC00, v41;
	v3 =	vadd.s32 v1, v3  }
0x152: {  	v9 =	vand.u32 $0xFFFFFC00, v9;
	v4 =	vadd.s32 v1, v4;
	v5 =	vor.u32 v5, v19  }
0x153: {  	v6 =	vor.u32 v6, v43;
	v19 =	vand.u32 $0xFFFFFC00, v44;
	v5 =	vadd.s32 v1, v5  }
0x154: {  	v52 =	vand.u32 $0xFFFFFC00, v50;
	v6 =	vadd.s32 v1, v6;
	v7 =	vor.u32 v7, v19  }
0x155: {  	v8 =	vor.u32 v8, v46;
	v9 =	vor.u32 v47, v9;
	v7 =	vadd.s32 v1, v7  }
0x156: {  	v20 =	vand.u32 $0xFFFFFC00, v48;
	v53 =	vor.u32 v51, v52;
	v8 =	vadd.s32 v1, v8;
	[tilespmem:v3+s19+$0x0] =	vst.idx.add.f32.msk $0xffff, v2  }
0x157: {  	v10 =	vor.u32 v10, v20;
	v9 =	vadd.s32 v1, v9;
	v19 =	vand.u32 $0xFFFFFC00, v49;
	[tilespmem:v4+s19+$0x0] =	vst.idx.add.f32.msk $0xffff, v2  }
0x158: {  	v12 =	vand.u32 $0xFFFFFC00, v61;
	v10 =	vadd.s32 v1, v10;
	v3 =	vor.u32 v11, v19;
	[tilespmem:v5+s19+$0x0] =	vst.idx.add.f32.msk $0xffff, v2  }
0x159: {  	v14 =	vor.u32 v63, v12;
	v11 =	vand.u32 $0xFFFFFC00, v54;
	v3 =	vadd.s32 v1, v3;
	[tilespmem:v6+s19+$0x0] =	vst.idx.add.f32.msk $0xffff, v2  }
0x15a: {  	v58 =	vand.u32 $0xFFFFFC00, v56;
	v4 =	vadd.s32 v1, v53;
	v5 =	vor.u32 v55, v11;
	[tilespmem:v7+s19+$0x0] =	vst.idx.add.f32.msk $0xffff, v2  }
0x15b: {  	v62 =	vand.u32 $0xFFFFFC00, v60;
	v5 =	vadd.s32 v1, v5;
	v6 =	vor.u32 v57, v58;
	[tilespmem:v8+s19+$0x0] =	vst.idx.add.f32.msk $0xffff, v2  }
0x15c: {  	v17 =	vshll.u32 v18, $0x3;
	v6 =	vadd.s32 v1, v6;
	v7 =	vor.u32 v59, v62;
	[tilespmem:v9+s19+$0x0] =	vst.idx.add.f32.msk $0xffff, v2  }
0x15d: {  	v20 =	vand.u32 $0xFFFFFC00, v17;
	v7 =	vadd.s32 v1, v7;
	v9 =	vand.u32 $0xFFFFFC00, v15;
	[tilespmem:v10+s19+$0x0] =	vst.idx.add.f32.msk $0xffff, v2  }
0x15e: {  	v19 =	vand.u32 $0x7F, v18;
	v8 =	vadd.s32 v1, v14;
	[tilespmem:v3+s19+$0x0] =	vst.idx.add.f32.msk $0xffff, v2;
	v3 =	vor.u32 v16, v9  }
0x15f: {  	v21 =	vor.u32 v19, v20;
	[tilespmem:v4+s19+$0x0] =	vst.idx.add.f32.msk $0xffff, v2;
	v3 =	vadd.s32 v1, v3  }
0x160: {  	v4 =	vadd.s32 v1, v21;
	[tilespmem:v5+s19+$0x0] =	vst.idx.add.f32.msk $0xffff, v2  }
0x161: {  	[tilespmem:v6+s19+$0x0] =	vst.idx.add.f32.msk $0xffff, v2  }
0x162: {  	[tilespmem:v7+s19+$0x0] =	vst.idx.add.f32.msk $0xffff, v2  }
0x163: {  	[tilespmem:v8+s19+$0x0] =	vst.idx.add.f32.msk $0xffff, v2  }
0x164: {  	[tilespmem:v3+s19+$0x0] =	vst.idx.add.f32.msk $0xffff, v2  }
0x165: {  	[tilespmem:v4+s19+$0x0] =	vst.idx.add.f32.msk $0xffff, v2  }
0x166: {  	v3 =	vld [tilespmem:s30+$0x80]  }
0x167: {  	v4 =	vld [tilespmem:s30+$0x90]  }
0x168: {  	v5 =	vld [tilespmem:s30+$0xA0]  }
0x169: {  	v6 =	vld [tilespmem:s30+$0xB0]  }
0x16a: {  	v7 =	vld [tilespmem:s30+$0xC0]  }
0x16b: {  	v8 =	vld [tilespmem:s30+$0xD0]  }
0x16c: {  	v22 =	vld [tilespmem:s30+$0xE0]  }
0x16d: {  	v23 =	vld [tilespmem:s30+$0xF0]  }
0x16e: {  	v24 =	vld [tilespmem:s30+$0x480]  }
0x16f: {  	v25 =	vld [tilespmem:s30+$0x490]  }
0x170: {  	v26 =	vld [tilespmem:s30+$0x4A0]  }
0x171: {  	v27 =	vld [tilespmem:s30+$0x4B0]  }
0x172: {  	v28 =	vld [tilespmem:s30+$0x4C0];
	v3 =	vtrunc.f32 v3  }
0x173: {  	v29 =	vld [tilespmem:s30+$0x4D0];
	v4 =	vtrunc.f32 v4;
	v5 =	vtrunc.f32 v5  }
0x174: {  	v30 =	vld [tilespmem:s30+$0x4E0];
	v6 =	vtrunc.f32 v6;
	v7 =	vtrunc.f32 v7  }
0x175: {  	v31 =	vld [tilespmem:s30+$0x4F0];
	v8 =	vtrunc.f32 v8;
	v9 =	vtrunc.f32 v22  }
0x176: {  	v10 =	vtrunc.f32 v23;
	v11 =	vtrunc.f32 v24  }
0x177: {  	v12 =	vtrunc.f32 v25;
	v13 =	vtrunc.f32 v26  }
0x178: {  	v14 =	vtrunc.f32 v27;
	v15 =	vtrunc.f32 v28  }
0x179: {  	v16 =	vtrunc.f32 v29;
	v17 =	vtrunc.f32 v30  }
0x17a: {  	v18 =	vtrunc.f32 v31;
	v3 =	vcvt.f32.s32 v3  }
0x17b: {  	v4 =	vcvt.f32.s32 v4;
	v5 =	vcvt.f32.s32 v5  }
0x17c: {  	v6 =	vcvt.f32.s32 v6;
	v7 =	vcvt.f32.s32 v7  }
0x17d: {  	v8 =	vcvt.f32.s32 v8;
	v9 =	vcvt.f32.s32 v9  }
0x17e: {  	v10 =	vcvt.f32.s32 v10;
	v11 =	vcvt.f32.s32 v11  }
0x17f: {  	v12 =	vcvt.f32.s32 v12;
	v13 =	vcvt.f32.s32 v13  }
0x180: {  	v14 =	vcvt.f32.s32 v14;
	v15 =	vcvt.f32.s32 v15  }
0x181: {  	v16 =	vcvt.f32.s32 v16;
	v17 =	vcvt.f32.s32 v17  }
0x182: {  	v18 =	vcvt.f32.s32 v18;
	v32 =	vand.u32 $0x7F, v3;
	v3 =	vshll.u32 v3, $0x3  }
0x183: {  	v33 =	vshll.u32 v4, $0x3;
	v4 =	vand.u32 $0x7F, v4;
	v34 =	vshll.u32 v5, $0x3  }
0x184: {  	v5 =	vand.u32 $0x7F, v5;
	v35 =	vshll.u32 v6, $0x3;
	v6 =	vand.u32 $0x7F, v6  }
0x185: {  	v37 =	vshll.u32 v7, $0x3;
	v7 =	vand.u32 $0x7F, v7;
	v38 =	vshll.u32 v8, $0x3  }
0x186: {  	v8 =	vand.u32 $0x7F, v8;
	v40 =	vand.u32 $0x7F, v9;
	v9 =	vshll.u32 v9, $0x3  }
0x187: {  	v41 =	vshll.u32 v10, $0x3;
	v10 =	vand.u32 $0x7F, v10;
	v42 =	vshll.u32 v11, $0x3  }
0x188: {  	v11 =	vand.u32 $0x7F, v11;
	v43 =	vshll.u32 v12, $0x3;
	v44 =	vand.u32 $0x7F, v12  }
0x189: {  	v47 =	vshll.u32 v13, $0x3;
	v48 =	vand.u32 $0x7F, v13;
	v49 =	vshll.u32 v14, $0x3  }
0x18a: {  	v50 =	vand.u32 $0x7F, v14;
	v52 =	vand.u32 $0x7F, v15;
	v53 =	vshll.u32 v15, $0x3  }
0x18b: {  	v54 =	vshll.u32 v16, $0x3;
	v56 =	vand.u32 $0x7F, v16;
	v58 =	vshll.u32 v17, $0x3  }
0x18c: {  	v59 =	vand.u32 $0x7F, v17;
	v60 =	vshll.u32 v18, $0x3;
	v3 =	vand.u32 $0xFFFFFC00, v3  }
0x18d: {  	v61 =	vand.u32 $0x7F, v18;
	v20 =	vand.u32 $0xFFFFFC00, v33;
	v3 =	vor.u32 v32, v3  }
0x18e: {  	v19 =	vand.u32 $0xFFFFFC00, v34;
	v4 =	vor.u32 v4, v20;
	v3 =	vadd.s32 v1, v3  }
0x18f: {  	v36 =	vand.u32 $0xFFFFFC00, v35;
	v5 =	vor.u32 v5, v19;
	v4 =	vadd.s32 v1, v4  }
0x190: {  	v6 =	vor.u32 v6, v36;
	v19 =	vand.u32 $0xFFFFFC00, v37;
	v5 =	vadd.s32 v1, v5  }
0x191: {  	v39 =	vand.u32 $0xFFFFFC00, v38;
	v7 =	vor.u32 v7, v19;
	v6 =	vadd.s32 v1, v6  }
0x192: {  	v9 =	vand.u32 $0xFFFFFC00, v9;
	v8 =	vor.u32 v8, v39;
	v7 =	vadd.s32 v1, v7  }
0x193: {  	v20 =	vand.u32 $0xFFFFFC00, v41;
	v9 =	vor.u32 v40, v9;
	v8 =	vadd.s32 v1, v8;
	[tilespmem:v3+s19+$0x0] =	vst.idx.add.f32.msk $0xffff, v2  }
0x194: {  	v10 =	vor.u32 v10, v20;
	v9 =	vadd.s32 v1, v9;
	v19 =	vand.u32 $0xFFFFFC00, v42;
	[tilespmem:v4+s19+$0x0] =	vst.idx.add.f32.msk $0xffff, v2  }
0x195: {  	v45 =	vand.u32 $0xFFFFFC00, v43;
	v10 =	vadd.s32 v1, v10;
	v3 =	vor.u32 v11, v19;
	[tilespmem:v5+s19+$0x0] =	vst.idx.add.f32.msk $0xffff, v2  }
0x196: {  	v46 =	vor.u32 v44, v45;
	v11 =	vand.u32 $0xFFFFFC00, v47;
	v3 =	vadd.s32 v1, v3;
	[tilespmem:v6+s19+$0x0] =	vst.idx.add.f32.msk $0xffff, v2  }
0x197: {  	v51 =	vand.u32 $0xFFFFFC00, v49;
	v4 =	vadd.s32 v1, v46;
	v5 =	vor.u32 v48, v11;
	[tilespmem:v7+s19+$0x0] =	vst.idx.add.f32.msk $0xffff, v2  }
0x198: {  	v55 =	vand.u32 $0xFFFFFC00, v53;
	v5 =	vadd.s32 v1, v5;
	v6 =	vor.u32 v50, v51;
	[tilespmem:v8+s19+$0x0] =	vst.idx.add.f32.msk $0xffff, v2  }
0x199: {  	v12 =	vand.u32 $0xFFFFFC00, v54;
	v6 =	vadd.s32 v1, v6;
	v7 =	vor.u32 v52, v55;
	[tilespmem:v9+s19+$0x0] =	vst.idx.add.f32.msk $0xffff, v2  }
0x19a: {  	v57 =	vor.u32 v56, v12;
	v7 =	vadd.s32 v1, v7;
	v9 =	vand.u32 $0xFFFFFC00, v58;
	[tilespmem:v10+s19+$0x0] =	vst.idx.add.f32.msk $0xffff, v2  }
0x19b: {  	v62 =	vand.u32 $0xFFFFFC00, v60;
	v8 =	vadd.s32 v1, v57;
	[tilespmem:v3+s19+$0x0] =	vst.idx.add.f32.msk $0xffff, v2;
	v3 =	vor.u32 v59, v9  }
0x19c: {  	s28 =	sadd.s32 $0x2, s28;
	v63 =	vor.u32 v61, v62;
	[tilespmem:v4+s19+$0x0] =	vst.idx.add.f32.msk $0xffff, v2;
	v3 =	vadd.s32 v1, v3  }
0x19d: {  	p0 =	slt.u32 s28, $0x7E;
	v4 =	vadd.s32 v1, v63;
	[tilespmem:v5+s19+$0x0] =	vst.idx.add.f32.msk $0xffff, v2  }
.Ltmp3:
0x19e: {  	[tilespmem:v6+s19+$0x0] =	vst.idx.add.f32.msk $0xffff, v2;
	(pc) =	sbr.rel @p0 .LBB2_8-.Ltmp3, $4  }
0x19f: {  	[tilespmem:v7+s19+$0x0] =	vst.idx.add.f32.msk $0xffff, v2  }
0x1a0: {  	[tilespmem:v8+s19+$0x0] =	vst.idx.add.f32.msk $0xffff, v2  }
0x1a1: {  	[tilespmem:v3+s19+$0x0] =	vst.idx.add.f32.msk $0xffff, v2  }
0x1a2: {  	s29 =	sadd.s32 $0x100, s29;
	s26 =	sadd.s32 $0x200, s26;
	[tilespmem:v4+s19+$0x0] =	vst.idx.add.f32.msk $0xffff, v2  }
0x1a3: {  	s26 =	simm.s32 $0x0  }
0x1a4: {  	[tilespmem:s26], [sflag:$0x1] =	stream.linear.gather [hbm4b:s7+s26], $0x8000, $0x38;
	[tilespmem:$0x11100] =	vst v63  }
0x1a5: {  	_ =	swait.ge [sflag:s20], $0x8000  }
0x1a6: {  	[sflag:s20] =	ssyncset.done $0x0  }
0x1a7: {  	s28 =	simm.s32 $0xFFFFFFFE;
	s29 =	simm.s32 $0x0;
	[sflag:s20] =	ssyncadd.s32 $0xFFFF8000  }
.LBB2_10:
0x1a8: {  	s1 =	sand.u32 $0x7800, s26;
	s30 =	sand.u32 $0x300, s29  }
0x1a9: {  	s30 =	sor.u32 s30, s1  }
0x1aa: {  	v3 =	vld [tilespmem:s30+$0x8000]  }
0x1ab: {  	v4 =	vld [tilespmem:s30+$0x8010]  }
0x1ac: {  	v5 =	vld [tilespmem:s30+$0x8020]  }
0x1ad: {  	v6 =	vld [tilespmem:s30+$0x8030]  }
0x1ae: {  	v7 =	vld [tilespmem:s30+$0x8040]  }
0x1af: {  	v8 =	vld [tilespmem:s30+$0x8050]  }
0x1b0: {  	v9 =	vld [tilespmem:s30+$0x8060]  }
0x1b1: {  	v10 =	vld [tilespmem:s30+$0x8070]  }
0x1b2: {  	v11 =	vld [tilespmem:s30+$0x8400]  }
0x1b3: {  	v12 =	vld [tilespmem:s30+$0x8410]  }
0x1b4: {  	v13 =	vld [tilespmem:s30+$0x8420]  }
0x1b5: {  	v14 =	vld [tilespmem:s30+$0x8430]  }
0x1b6: {  	v15 =	vld [tilespmem:s30+$0x8440];
	v3 =	vtrunc.f32 v3  }
0x1b7: {  	v16 =	vld [tilespmem:s30+$0x8450];
	v4 =	vtrunc.f32 v4;
	v5 =	vtrunc.f32 v5  }
0x1b8: {  	v17 =	vld [tilespmem:s30+$0x8460];
	v6 =	vtrunc.f32 v6;
	v7 =	vtrunc.f32 v7  }
0x1b9: {  	v18 =	vld [tilespmem:s30+$0x8470];
	v8 =	vtrunc.f32 v8;
	v9 =	vtrunc.f32 v9  }
0x1ba: {  	v10 =	vtrunc.f32 v10;
	v11 =	vtrunc.f32 v11  }
0x1bb: {  	v12 =	vtrunc.f32 v12;
	v13 =	vtrunc.f32 v13  }
0x1bc: {  	v14 =	vtrunc.f32 v14;
	v15 =	vtrunc.f32 v15  }
0x1bd: {  	v16 =	vtrunc.f32 v16;
	v17 =	vtrunc.f32 v17  }
0x1be: {  	v18 =	vtrunc.f32 v18;
	v3 =	vcvt.f32.s32 v3  }
0x1bf: {  	v4 =	vcvt.f32.s32 v4;
	v5 =	vcvt.f32.s32 v5  }
0x1c0: {  	v6 =	vcvt.f32.s32 v6;
	v7 =	vcvt.f32.s32 v7  }
0x1c1: {  	v8 =	vcvt.f32.s32 v8;
	v9 =	vcvt.f32.s32 v9  }
0x1c2: {  	v10 =	vcvt.f32.s32 v10;
	v11 =	vcvt.f32.s32 v11  }
0x1c3: {  	v12 =	vcvt.f32.s32 v12;
	v13 =	vcvt.f32.s32 v13  }
0x1c4: {  	v14 =	vcvt.f32.s32 v14;
	v15 =	vcvt.f32.s32 v15  }
0x1c5: {  	v16 =	vcvt.f32.s32 v16;
	v17 =	vcvt.f32.s32 v17  }
0x1c6: {  	v18 =	vcvt.f32.s32 v18;
	v19 =	vand.u32 $0x7F, v3;
	v3 =	vshll.u32 v3, $0x3  }
0x1c7: {  	v20 =	vshll.u32 v4, $0x3;
	v4 =	vand.u32 $0x7F, v4;
	v41 =	vshll.u32 v5, $0x3  }
0x1c8: {  	v5 =	vand.u32 $0x7F, v5;
	v42 =	vshll.u32 v6, $0x3;
	v6 =	vand.u32 $0x7F, v6  }
0x1c9: {  	v44 =	vshll.u32 v7, $0x3;
	v7 =	vand.u32 $0x7F, v7;
	v45 =	vshll.u32 v8, $0x3  }
0x1ca: {  	v8 =	vand.u32 $0x7F, v8;
	v47 =	vand.u32 $0x7F, v9;
	v9 =	vshll.u32 v9, $0x3  }
0x1cb: {  	v48 =	vshll.u32 v10, $0x3;
	v10 =	vand.u32 $0x7F, v10;
	v49 =	vshll.u32 v11, $0x3  }
0x1cc: {  	v11 =	vand.u32 $0x7F, v11;
	v50 =	vshll.u32 v12, $0x3;
	v51 =	vand.u32 $0x7F, v12  }
0x1cd: {  	v54 =	vshll.u32 v13, $0x3;
	v55 =	vand.u32 $0x7F, v13;
	v56 =	vshll.u32 v14, $0x3  }
0x1ce: {  	v57 =	vand.u32 $0x7F, v14;
	v59 =	vand.u32 $0x7F, v15;
	v60 =	vshll.u32 v15, $0x3  }
0x1cf: {  	v61 =	vshll.u32 v16, $0x3;
	v63 =	vand.u32 $0x7F, v16;
	v15 =	vshll.u32 v17, $0x3  }
0x1d0: {  	v16 =	vand.u32 $0x7F, v17;
	v3 =	vand.u32 $0xFFFFFC00, v3;
	v20 =	vand.u32 $0xFFFFFC00, v20  }
0x1d1: {  	v43 =	vand.u32 $0xFFFFFC00, v42;
	v46 =	vand.u32 $0xFFFFFC00, v45;
	v3 =	vor.u32 v19, v3  }
0x1d2: {  	v4 =	vor.u32 v4, v20;
	v19 =	vand.u32 $0xFFFFFC00, v41;
	v3 =	vadd.s32 v1, v3  }
0x1d3: {  	v9 =	vand.u32 $0xFFFFFC00, v9;
	v4 =	vadd.s32 v1, v4;
	v5 =	vor.u32 v5, v19  }
0x1d4: {  	v6 =	vor.u32 v6, v43;
	v19 =	vand.u32 $0xFFFFFC00, v44;
	v5 =	vadd.s32 v1, v5  }
0x1d5: {  	v52 =	vand.u32 $0xFFFFFC00, v50;
	v6 =	vadd.s32 v1, v6;
	v7 =	vor.u32 v7, v19  }
0x1d6: {  	v8 =	vor.u32 v8, v46;
	v9 =	vor.u32 v47, v9;
	v7 =	vadd.s32 v1, v7  }
0x1d7: {  	v20 =	vand.u32 $0xFFFFFC00, v48;
	v53 =	vor.u32 v51, v52;
	v8 =	vadd.s32 v1, v8;
	[tilespmem:v3+s19+$0x0] =	vst.idx.add.f32.msk $0xffff, v2  }
0x1d8: {  	v10 =	vor.u32 v10, v20;
	v9 =	vadd.s32 v1, v9;
	v19 =	vand.u32 $0xFFFFFC00, v49;
	[tilespmem:v4+s19+$0x0] =	vst.idx.add.f32.msk $0xffff, v2  }
0x1d9: {  	v12 =	vand.u32 $0xFFFFFC00, v61;
	v10 =	vadd.s32 v1, v10;
	v3 =	vor.u32 v11, v19;
	[tilespmem:v5+s19+$0x0] =	vst.idx.add.f32.msk $0xffff, v2  }
0x1da: {  	v14 =	vor.u32 v63, v12;
	v11 =	vand.u32 $0xFFFFFC00, v54;
	v3 =	vadd.s32 v1, v3;
	[tilespmem:v6+s19+$0x0] =	vst.idx.add.f32.msk $0xffff, v2  }
0x1db: {  	v58 =	vand.u32 $0xFFFFFC00, v56;
	v4 =	vadd.s32 v1, v53;
	v5 =	vor.u32 v55, v11;
	[tilespmem:v7+s19+$0x0] =	vst.idx.add.f32.msk $0xffff, v2  }
0x1dc: {  	v62 =	vand.u32 $0xFFFFFC00, v60;
	v5 =	vadd.s32 v1, v5;
	v6 =	vor.u32 v57, v58;
	[tilespmem:v8+s19+$0x0] =	vst.idx.add.f32.msk $0xffff, v2  }
0x1dd: {  	v17 =	vshll.u32 v18, $0x3;
	v6 =	vadd.s32 v1, v6;
	v7 =	vor.u32 v59, v62;
	[tilespmem:v9+s19+$0x0] =	vst.idx.add.f32.msk $0xffff, v2  }
0x1de: {  	v20 =	vand.u32 $0xFFFFFC00, v17;
	v7 =	vadd.s32 v1, v7;
	v9 =	vand.u32 $0xFFFFFC00, v15;
	[tilespmem:v10+s19+$0x0] =	vst.idx.add.f32.msk $0xffff, v2  }
0x1df: {  	v19 =	vand.u32 $0x7F, v18;
	v8 =	vadd.s32 v1, v14;
	[tilespmem:v3+s19+$0x0] =	vst.idx.add.f32.msk $0xffff, v2;
	v3 =	vor.u32 v16, v9  }
0x1e0: {  	v21 =	vor.u32 v19, v20;
	[tilespmem:v4+s19+$0x0] =	vst.idx.add.f32.msk $0xffff, v2;
	v3 =	vadd.s32 v1, v3  }
0x1e1: {  	v4 =	vadd.s32 v1, v21;
	[tilespmem:v5+s19+$0x0] =	vst.idx.add.f32.msk $0xffff, v2  }
0x1e2: {  	[tilespmem:v6+s19+$0x0] =	vst.idx.add.f32.msk $0xffff, v2  }
0x1e3: {  	[tilespmem:v7+s19+$0x0] =	vst.idx.add.f32.msk $0xffff, v2  }
0x1e4: {  	[tilespmem:v8+s19+$0x0] =	vst.idx.add.f32.msk $0xffff, v2  }
0x1e5: {  	[tilespmem:v3+s19+$0x0] =	vst.idx.add.f32.msk $0xffff, v2  }
0x1e6: {  	[tilespmem:v4+s19+$0x0] =	vst.idx.add.f32.msk $0xffff, v2  }
0x1e7: {  	v3 =	vld [tilespmem:s30+$0x8080]  }
0x1e8: {  	v4 =	vld [tilespmem:s30+$0x8090]  }
0x1e9: {  	v5 =	vld [tilespmem:s30+$0x80A0]  }
0x1ea: {  	v6 =	vld [tilespmem:s30+$0x80B0]  }
0x1eb: {  	v7 =	vld [tilespmem:s30+$0x80C0]  }
0x1ec: {  	v8 =	vld [tilespmem:s30+$0x80D0]  }
0x1ed: {  	v22 =	vld [tilespmem:s30+$0x80E0]  }
0x1ee: {  	v23 =	vld [tilespmem:s30+$0x80F0]  }
0x1ef: {  	v24 =	vld [tilespmem:s30+$0x8480]  }
0x1f0: {  	v25 =	vld [tilespmem:s30+$0x8490]  }
0x1f1: {  	v26 =	vld [tilespmem:s30+$0x84A0]  }
0x1f2: {  	v27 =	vld [tilespmem:s30+$0x84B0]  }
0x1f3: {  	v28 =	vld [tilespmem:s30+$0x84C0];
	v3 =	vtrunc.f32 v3  }
0x1f4: {  	v29 =	vld [tilespmem:s30+$0x84D0];
	v4 =	vtrunc.f32 v4;
	v5 =	vtrunc.f32 v5  }
0x1f5: {  	v30 =	vld [tilespmem:s30+$0x84E0];
	v6 =	vtrunc.f32 v6;
	v7 =	vtrunc.f32 v7  }
0x1f6: {  	v31 =	vld [tilespmem:s30+$0x84F0];
	v8 =	vtrunc.f32 v8;
	v9 =	vtrunc.f32 v22  }
0x1f7: {  	v10 =	vtrunc.f32 v23;
	v11 =	vtrunc.f32 v24  }
0x1f8: {  	v12 =	vtrunc.f32 v25;
	v13 =	vtrunc.f32 v26  }
0x1f9: {  	v14 =	vtrunc.f32 v27;
	v15 =	vtrunc.f32 v28  }
0x1fa: {  	v16 =	vtrunc.f32 v29;
	v17 =	vtrunc.f32 v30  }
0x1fb: {  	v18 =	vtrunc.f32 v31;
	v3 =	vcvt.f32.s32 v3  }
0x1fc: {  	v4 =	vcvt.f32.s32 v4;
	v5 =	vcvt.f32.s32 v5  }
0x1fd: {  	v6 =	vcvt.f32.s32 v6;
	v7 =	vcvt.f32.s32 v7  }
0x1fe: {  	v8 =	vcvt.f32.s32 v8;
	v9 =	vcvt.f32.s32 v9  }
0x1ff: {  	v10 =	vcvt.f32.s32 v10;
	v11 =	vcvt.f32.s32 v11  }
0x200: {  	v12 =	vcvt.f32.s32 v12;
	v13 =	vcvt.f32.s32 v13  }
0x201: {  	v14 =	vcvt.f32.s32 v14;
	v15 =	vcvt.f32.s32 v15  }
0x202: {  	v16 =	vcvt.f32.s32 v16;
	v17 =	vcvt.f32.s32 v17  }
0x203: {  	v18 =	vcvt.f32.s32 v18;
	v32 =	vand.u32 $0x7F, v3;
	v3 =	vshll.u32 v3, $0x3  }
0x204: {  	v33 =	vshll.u32 v4, $0x3;
	v4 =	vand.u32 $0x7F, v4;
	v34 =	vshll.u32 v5, $0x3  }
0x205: {  	v5 =	vand.u32 $0x7F, v5;
	v35 =	vshll.u32 v6, $0x3;
	v6 =	vand.u32 $0x7F, v6  }
0x206: {  	v37 =	vshll.u32 v7, $0x3;
	v7 =	vand.u32 $0x7F, v7;
	v38 =	vshll.u32 v8, $0x3  }
0x207: {  	v8 =	vand.u32 $0x7F, v8;
	v40 =	vand.u32 $0x7F, v9;
	v9 =	vshll.u32 v9, $0x3  }
0x208: {  	v41 =	vshll.u32 v10, $0x3;
	v10 =	vand.u32 $0x7F, v10;
	v42 =	vshll.u32 v11, $0x3  }
0x209: {  	v11 =	vand.u32 $0x7F, v11;
	v43 =	vshll.u32 v12, $0x3;
	v44 =	vand.u32 $0x7F, v12  }
0x20a: {  	v47 =	vshll.u32 v13, $0x3;
	v48 =	vand.u32 $0x7F, v13;
	v49 =	vshll.u32 v14, $0x3  }
0x20b: {  	v50 =	vand.u32 $0x7F, v14;
	v52 =	vand.u32 $0x7F, v15;
	v53 =	vshll.u32 v15, $0x3  }
0x20c: {  	v54 =	vshll.u32 v16, $0x3;
	v56 =	vand.u32 $0x7F, v16;
	v58 =	vshll.u32 v17, $0x3  }
0x20d: {  	v59 =	vand.u32 $0x7F, v17;
	v60 =	vshll.u32 v18, $0x3;
	v3 =	vand.u32 $0xFFFFFC00, v3  }
0x20e: {  	v61 =	vand.u32 $0x7F, v18;
	v20 =	vand.u32 $0xFFFFFC00, v33;
	v3 =	vor.u32 v32, v3  }
0x20f: {  	v19 =	vand.u32 $0xFFFFFC00, v34;
	v4 =	vor.u32 v4, v20;
	v3 =	vadd.s32 v1, v3  }
0x210: {  	v36 =	vand.u32 $0xFFFFFC00, v35;
	v5 =	vor.u32 v5, v19;
	v4 =	vadd.s32 v1, v4  }
0x211: {  	v6 =	vor.u32 v6, v36;
	v19 =	vand.u32 $0xFFFFFC00, v37;
	v5 =	vadd.s32 v1, v5  }
0x212: {  	v39 =	vand.u32 $0xFFFFFC00, v38;
	v7 =	vor.u32 v7, v19;
	v6 =	vadd.s32 v1, v6  }
0x213: {  	v9 =	vand.u32 $0xFFFFFC00, v9;
	v8 =	vor.u32 v8, v39;
	v7 =	vadd.s32 v1, v7  }
0x214: {  	v20 =	vand.u32 $0xFFFFFC00, v41;
	v9 =	vor.u32 v40, v9;
	v8 =	vadd.s32 v1, v8;
	[tilespmem:v3+s19+$0x0] =	vst.idx.add.f32.msk $0xffff, v2  }
0x215: {  	v10 =	vor.u32 v10, v20;
	v9 =	vadd.s32 v1, v9;
	v19 =	vand.u32 $0xFFFFFC00, v42;
	[tilespmem:v4+s19+$0x0] =	vst.idx.add.f32.msk $0xffff, v2  }
0x216: {  	v45 =	vand.u32 $0xFFFFFC00, v43;
	v10 =	vadd.s32 v1, v10;
	v3 =	vor.u32 v11, v19;
	[tilespmem:v5+s19+$0x0] =	vst.idx.add.f32.msk $0xffff, v2  }
0x217: {  	v46 =	vor.u32 v44, v45;
	v11 =	vand.u32 $0xFFFFFC00, v47;
	v3 =	vadd.s32 v1, v3;
	[tilespmem:v6+s19+$0x0] =	vst.idx.add.f32.msk $0xffff, v2  }
0x218: {  	v51 =	vand.u32 $0xFFFFFC00, v49;
	v4 =	vadd.s32 v1, v46;
	v5 =	vor.u32 v48, v11;
	[tilespmem:v7+s19+$0x0] =	vst.idx.add.f32.msk $0xffff, v2  }
0x219: {  	v55 =	vand.u32 $0xFFFFFC00, v53;
	v5 =	vadd.s32 v1, v5;
	v6 =	vor.u32 v50, v51;
	[tilespmem:v8+s19+$0x0] =	vst.idx.add.f32.msk $0xffff, v2  }
0x21a: {  	v12 =	vand.u32 $0xFFFFFC00, v54;
	v6 =	vadd.s32 v1, v6;
	v7 =	vor.u32 v52, v55;
	[tilespmem:v9+s19+$0x0] =	vst.idx.add.f32.msk $0xffff, v2  }
0x21b: {  	v57 =	vor.u32 v56, v12;
	v7 =	vadd.s32 v1, v7;
	v9 =	vand.u32 $0xFFFFFC00, v58;
	[tilespmem:v10+s19+$0x0] =	vst.idx.add.f32.msk $0xffff, v2  }
0x21c: {  	v62 =	vand.u32 $0xFFFFFC00, v60;
	v8 =	vadd.s32 v1, v57;
	[tilespmem:v3+s19+$0x0] =	vst.idx.add.f32.msk $0xffff, v2;
	v3 =	vor.u32 v59, v9  }
0x21d: {  	s28 =	sadd.s32 $0x2, s28;
	v63 =	vor.u32 v61, v62;
	[tilespmem:v4+s19+$0x0] =	vst.idx.add.f32.msk $0xffff, v2;
	v3 =	vadd.s32 v1, v3  }
0x21e: {  	p0 =	slt.u32 s28, $0x7E;
	v4 =	vadd.s32 v1, v63;
	[tilespmem:v5+s19+$0x0] =	vst.idx.add.f32.msk $0xffff, v2  }
.Ltmp4:
0x21f: {  	[tilespmem:v6+s19+$0x0] =	vst.idx.add.f32.msk $0xffff, v2;
	(pc) =	sbr.rel @p0 .LBB2_10-.Ltmp4, $4  }
0x220: {  	[tilespmem:v7+s19+$0x0] =	vst.idx.add.f32.msk $0xffff, v2  }
0x221: {  	[tilespmem:v8+s19+$0x0] =	vst.idx.add.f32.msk $0xffff, v2  }
0x222: {  	[tilespmem:v3+s19+$0x0] =	vst.idx.add.f32.msk $0xffff, v2  }
0x223: {  	s29 =	sadd.s32 $0x100, s29;
	s26 =	sadd.s32 $0x200, s26;
	[tilespmem:v4+s19+$0x0] =	vst.idx.add.f32.msk $0xffff, v2  }
0x224: {  	s26 =	simm.s32 $0x0  }
0x225: {  	[tilespmem:s17], [sflag:$0x2] =	stream.linear.gather [hbm4b:s8+s26], $0x8000, $0x38;
	[tilespmem:$0x11100] =	vst v63  }
0x226: {  	_ =	swait.ge [sflag:s18], $0x8000  }
0x227: {  	[sflag:s18] =	ssyncset.done $0x0  }
0x228: {  	s28 =	simm.s32 $0xFFFFFFFE;
	s29 =	simm.s32 $0x0;
	[sflag:s18] =	ssyncadd.s32 $0xFFFF8000  }
.LBB2_12:
0x229: {  	s1 =	sand.u32 $0x7800, s26;
	s30 =	sand.u32 $0x300, s29  }
0x22a: {  	s30 =	sor.u32 s30, s1  }
0x22b: {  	v3 =	vld [tilespmem:s30+$0x0]  }
0x22c: {  	v4 =	vld [tilespmem:s30+$0x10]  }
0x22d: {  	v5 =	vld [tilespmem:s30+$0x20]  }
0x22e: {  	v6 =	vld [tilespmem:s30+$0x30]  }
0x22f: {  	v7 =	vld [tilespmem:s30+$0x40]  }
0x230: {  	v8 =	vld [tilespmem:s30+$0x50]  }
0x231: {  	v9 =	vld [tilespmem:s30+$0x60]  }
0x232: {  	v10 =	vld [tilespmem:s30+$0x70]  }
0x233: {  	v11 =	vld [tilespmem:s30+$0x400]  }
0x234: {  	v12 =	vld [tilespmem:s30+$0x410]  }
0x235: {  	v13 =	vld [tilespmem:s30+$0x420]  }
0x236: {  	v14 =	vld [tilespmem:s30+$0x430]  }
0x237: {  	v15 =	vld [tilespmem:s30+$0x440];
	v3 =	vtrunc.f32 v3  }
0x238: {  	v16 =	vld [tilespmem:s30+$0x450];
	v4 =	vtrunc.f32 v4;
	v5 =	vtrunc.f32 v5  }
0x239: {  	v17 =	vld [tilespmem:s30+$0x460];
	v6 =	vtrunc.f32 v6;
	v7 =	vtrunc.f32 v7  }
0x23a: {  	v18 =	vld [tilespmem:s30+$0x470];
	v8 =	vtrunc.f32 v8;
	v9 =	vtrunc.f32 v9  }
0x23b: {  	v10 =	vtrunc.f32 v10;
	v11 =	vtrunc.f32 v11  }
0x23c: {  	v12 =	vtrunc.f32 v12;
	v13 =	vtrunc.f32 v13  }
0x23d: {  	v14 =	vtrunc.f32 v14;
	v15 =	vtrunc.f32 v15  }
0x23e: {  	v16 =	vtrunc.f32 v16;
	v17 =	vtrunc.f32 v17  }
0x23f: {  	v18 =	vtrunc.f32 v18;
	v3 =	vcvt.f32.s32 v3  }
0x240: {  	v4 =	vcvt.f32.s32 v4;
	v5 =	vcvt.f32.s32 v5  }
0x241: {  	v6 =	vcvt.f32.s32 v6;
	v7 =	vcvt.f32.s32 v7  }
0x242: {  	v8 =	vcvt.f32.s32 v8;
	v9 =	vcvt.f32.s32 v9  }
0x243: {  	v10 =	vcvt.f32.s32 v10;
	v11 =	vcvt.f32.s32 v11  }
0x244: {  	v12 =	vcvt.f32.s32 v12;
	v13 =	vcvt.f32.s32 v13  }
0x245: {  	v14 =	vcvt.f32.s32 v14;
	v15 =	vcvt.f32.s32 v15  }
0x246: {  	v16 =	vcvt.f32.s32 v16;
	v17 =	vcvt.f32.s32 v17  }
0x247: {  	v18 =	vcvt.f32.s32 v18;
	v19 =	vand.u32 $0x7F, v3;
	v3 =	vshll.u32 v3, $0x3  }
0x248: {  	v20 =	vshll.u32 v4, $0x3;
	v4 =	vand.u32 $0x7F, v4;
	v41 =	vshll.u32 v5, $0x3  }
0x249: {  	v5 =	vand.u32 $0x7F, v5;
	v42 =	vshll.u32 v6, $0x3;
	v6 =	vand.u32 $0x7F, v6  }
0x24a: {  	v44 =	vshll.u32 v7, $0x3;
	v7 =	vand.u32 $0x7F, v7;
	v45 =	vshll.u32 v8, $0x3  }
0x24b: {  	v8 =	vand.u32 $0x7F, v8;
	v47 =	vand.u32 $0x7F, v9;
	v9 =	vshll.u32 v9, $0x3  }
0x24c: {  	v48 =	vshll.u32 v10, $0x3;
	v10 =	vand.u32 $0x7F, v10;
	v49 =	vshll.u32 v11, $0x3  }
0x24d: {  	v11 =	vand.u32 $0x7F, v11;
	v50 =	vshll.u32 v12, $0x3;
	v51 =	vand.u32 $0x7F, v12  }
0x24e: {  	v54 =	vshll.u32 v13, $0x3;
	v55 =	vand.u32 $0x7F, v13;
	v56 =	vshll.u32 v14, $0x3  }
0x24f: {  	v57 =	vand.u32 $0x7F, v14;
	v59 =	vand.u32 $0x7F, v15;
	v60 =	vshll.u32 v15, $0x3  }
0x250: {  	v61 =	vshll.u32 v16, $0x3;
	v63 =	vand.u32 $0x7F, v16;
	v15 =	vshll.u32 v17, $0x3  }
0x251: {  	v16 =	vand.u32 $0x7F, v17;
	v3 =	vand.u32 $0xFFFFFC00, v3;
	v20 =	vand.u32 $0xFFFFFC00, v20  }
0x252: {  	v43 =	vand.u32 $0xFFFFFC00, v42;
	v46 =	vand.u32 $0xFFFFFC00, v45;
	v3 =	vor.u32 v19, v3  }
0x253: {  	v4 =	vor.u32 v4, v20;
	v19 =	vand.u32 $0xFFFFFC00, v41;
	v3 =	vadd.s32 v1, v3  }
0x254: {  	v9 =	vand.u32 $0xFFFFFC00, v9;
	v4 =	vadd.s32 v1, v4;
	v5 =	vor.u32 v5, v19  }
0x255: {  	v6 =	vor.u32 v6, v43;
	v19 =	vand.u32 $0xFFFFFC00, v44;
	v5 =	vadd.s32 v1, v5  }
0x256: {  	v52 =	vand.u32 $0xFFFFFC00, v50;
	v6 =	vadd.s32 v1, v6;
	v7 =	vor.u32 v7, v19  }
0x257: {  	v8 =	vor.u32 v8, v46;
	v9 =	vor.u32 v47, v9;
	v7 =	vadd.s32 v1, v7  }
0x258: {  	v20 =	vand.u32 $0xFFFFFC00, v48;
	v53 =	vor.u32 v51, v52;
	v8 =	vadd.s32 v1, v8;
	[tilespmem:v3+s19+$0x0] =	vst.idx.add.f32.msk $0xffff, v2  }
0x259: {  	v10 =	vor.u32 v10, v20;
	v9 =	vadd.s32 v1, v9;
	v19 =	vand.u32 $0xFFFFFC00, v49;
	[tilespmem:v4+s19+$0x0] =	vst.idx.add.f32.msk $0xffff, v2  }
0x25a: {  	v12 =	vand.u32 $0xFFFFFC00, v61;
	v10 =	vadd.s32 v1, v10;
	v3 =	vor.u32 v11, v19;
	[tilespmem:v5+s19+$0x0] =	vst.idx.add.f32.msk $0xffff, v2  }
0x25b: {  	v14 =	vor.u32 v63, v12;
	v11 =	vand.u32 $0xFFFFFC00, v54;
	v3 =	vadd.s32 v1, v3;
	[tilespmem:v6+s19+$0x0] =	vst.idx.add.f32.msk $0xffff, v2  }
0x25c: {  	v58 =	vand.u32 $0xFFFFFC00, v56;
	v4 =	vadd.s32 v1, v53;
	v5 =	vor.u32 v55, v11;
	[tilespmem:v7+s19+$0x0] =	vst.idx.add.f32.msk $0xffff, v2  }
0x25d: {  	v62 =	vand.u32 $0xFFFFFC00, v60;
	v5 =	vadd.s32 v1, v5;
	v6 =	vor.u32 v57, v58;
	[tilespmem:v8+s19+$0x0] =	vst.idx.add.f32.msk $0xffff, v2  }
0x25e: {  	v17 =	vshll.u32 v18, $0x3;
	v6 =	vadd.s32 v1, v6;
	v7 =	vor.u32 v59, v62;
	[tilespmem:v9+s19+$0x0] =	vst.idx.add.f32.msk $0xffff, v2  }
0x25f: {  	v20 =	vand.u32 $0xFFFFFC00, v17;
	v7 =	vadd.s32 v1, v7;
	v9 =	vand.u32 $0xFFFFFC00, v15;
	[tilespmem:v10+s19+$0x0] =	vst.idx.add.f32.msk $0xffff, v2  }
0x260: {  	v19 =	vand.u32 $0x7F, v18;
	v8 =	vadd.s32 v1, v14;
	[tilespmem:v3+s19+$0x0] =	vst.idx.add.f32.msk $0xffff, v2;
	v3 =	vor.u32 v16, v9  }
0x261: {  	v21 =	vor.u32 v19, v20;
	[tilespmem:v4+s19+$0x0] =	vst.idx.add.f32.msk $0xffff, v2;
	v3 =	vadd.s32 v1, v3  }
0x262: {  	v4 =	vadd.s32 v1, v21;
	[tilespmem:v5+s19+$0x0] =	vst.idx.add.f32.msk $0xffff, v2  }
0x263: {  	[tilespmem:v6+s19+$0x0] =	vst.idx.add.f32.msk $0xffff, v2  }
0x264: {  	[tilespmem:v7+s19+$0x0] =	vst.idx.add.f32.msk $0xffff, v2  }
0x265: {  	[tilespmem:v8+s19+$0x0] =	vst.idx.add.f32.msk $0xffff, v2  }
0x266: {  	[tilespmem:v3+s19+$0x0] =	vst.idx.add.f32.msk $0xffff, v2  }
0x267: {  	[tilespmem:v4+s19+$0x0] =	vst.idx.add.f32.msk $0xffff, v2  }
0x268: {  	v3 =	vld [tilespmem:s30+$0x80]  }
0x269: {  	v4 =	vld [tilespmem:s30+$0x90]  }
0x26a: {  	v5 =	vld [tilespmem:s30+$0xA0]  }
0x26b: {  	v6 =	vld [tilespmem:s30+$0xB0]  }
0x26c: {  	v7 =	vld [tilespmem:s30+$0xC0]  }
0x26d: {  	v8 =	vld [tilespmem:s30+$0xD0]  }
0x26e: {  	v22 =	vld [tilespmem:s30+$0xE0]  }
0x26f: {  	v23 =	vld [tilespmem:s30+$0xF0]  }
0x270: {  	v24 =	vld [tilespmem:s30+$0x480]  }
0x271: {  	v25 =	vld [tilespmem:s30+$0x490]  }
0x272: {  	v26 =	vld [tilespmem:s30+$0x4A0]  }
0x273: {  	v27 =	vld [tilespmem:s30+$0x4B0]  }
0x274: {  	v28 =	vld [tilespmem:s30+$0x4C0];
	v3 =	vtrunc.f32 v3  }
0x275: {  	v29 =	vld [tilespmem:s30+$0x4D0];
	v4 =	vtrunc.f32 v4;
	v5 =	vtrunc.f32 v5  }
0x276: {  	v30 =	vld [tilespmem:s30+$0x4E0];
	v6 =	vtrunc.f32 v6;
	v7 =	vtrunc.f32 v7  }
0x277: {  	v31 =	vld [tilespmem:s30+$0x4F0];
	v8 =	vtrunc.f32 v8;
	v9 =	vtrunc.f32 v22  }
0x278: {  	v10 =	vtrunc.f32 v23;
	v11 =	vtrunc.f32 v24  }
0x279: {  	v12 =	vtrunc.f32 v25;
	v13 =	vtrunc.f32 v26  }
0x27a: {  	v14 =	vtrunc.f32 v27;
	v15 =	vtrunc.f32 v28  }
0x27b: {  	v16 =	vtrunc.f32 v29;
	v17 =	vtrunc.f32 v30  }
0x27c: {  	v18 =	vtrunc.f32 v31;
	v3 =	vcvt.f32.s32 v3  }
0x27d: {  	v4 =	vcvt.f32.s32 v4;
	v5 =	vcvt.f32.s32 v5  }
0x27e: {  	v6 =	vcvt.f32.s32 v6;
	v7 =	vcvt.f32.s32 v7  }
0x27f: {  	v8 =	vcvt.f32.s32 v8;
	v9 =	vcvt.f32.s32 v9  }
0x280: {  	v10 =	vcvt.f32.s32 v10;
	v11 =	vcvt.f32.s32 v11  }
0x281: {  	v12 =	vcvt.f32.s32 v12;
	v13 =	vcvt.f32.s32 v13  }
0x282: {  	v14 =	vcvt.f32.s32 v14;
	v15 =	vcvt.f32.s32 v15  }
0x283: {  	v16 =	vcvt.f32.s32 v16;
	v17 =	vcvt.f32.s32 v17  }
0x284: {  	v18 =	vcvt.f32.s32 v18;
	v32 =	vand.u32 $0x7F, v3;
	v3 =	vshll.u32 v3, $0x3  }
0x285: {  	v33 =	vshll.u32 v4, $0x3;
	v4 =	vand.u32 $0x7F, v4;
	v34 =	vshll.u32 v5, $0x3  }
0x286: {  	v5 =	vand.u32 $0x7F, v5;
	v35 =	vshll.u32 v6, $0x3;
	v6 =	vand.u32 $0x7F, v6  }
0x287: {  	v37 =	vshll.u32 v7, $0x3;
	v7 =	vand.u32 $0x7F, v7;
	v38 =	vshll.u32 v8, $0x3  }
0x288: {  	v8 =	vand.u32 $0x7F, v8;
	v40 =	vand.u32 $0x7F, v9;
	v9 =	vshll.u32 v9, $0x3  }
0x289: {  	v41 =	vshll.u32 v10, $0x3;
	v10 =	vand.u32 $0x7F, v10;
	v42 =	vshll.u32 v11, $0x3  }
0x28a: {  	v11 =	vand.u32 $0x7F, v11;
	v43 =	vshll.u32 v12, $0x3;
	v44 =	vand.u32 $0x7F, v12  }
0x28b: {  	v47 =	vshll.u32 v13, $0x3;
	v48 =	vand.u32 $0x7F, v13;
	v49 =	vshll.u32 v14, $0x3  }
0x28c: {  	v50 =	vand.u32 $0x7F, v14;
	v52 =	vand.u32 $0x7F, v15;
	v53 =	vshll.u32 v15, $0x3  }
0x28d: {  	v54 =	vshll.u32 v16, $0x3;
	v56 =	vand.u32 $0x7F, v16;
	v58 =	vshll.u32 v17, $0x3  }
0x28e: {  	v59 =	vand.u32 $0x7F, v17;
	v60 =	vshll.u32 v18, $0x3;
	v3 =	vand.u32 $0xFFFFFC00, v3  }
0x28f: {  	v61 =	vand.u32 $0x7F, v18;
	v20 =	vand.u32 $0xFFFFFC00, v33;
	v3 =	vor.u32 v32, v3  }
0x290: {  	v19 =	vand.u32 $0xFFFFFC00, v34;
	v4 =	vor.u32 v4, v20;
	v3 =	vadd.s32 v1, v3  }
0x291: {  	v36 =	vand.u32 $0xFFFFFC00, v35;
	v5 =	vor.u32 v5, v19;
	v4 =	vadd.s32 v1, v4  }
0x292: {  	v6 =	vor.u32 v6, v36;
	v19 =	vand.u32 $0xFFFFFC00, v37;
	v5 =	vadd.s32 v1, v5  }
0x293: {  	v39 =	vand.u32 $0xFFFFFC00, v38;
	v7 =	vor.u32 v7, v19;
	v6 =	vadd.s32 v1, v6  }
0x294: {  	v9 =	vand.u32 $0xFFFFFC00, v9;
	v8 =	vor.u32 v8, v39;
	v7 =	vadd.s32 v1, v7  }
0x295: {  	v20 =	vand.u32 $0xFFFFFC00, v41;
	v9 =	vor.u32 v40, v9;
	v8 =	vadd.s32 v1, v8;
	[tilespmem:v3+s19+$0x0] =	vst.idx.add.f32.msk $0xffff, v2  }
0x296: {  	v10 =	vor.u32 v10, v20;
	v9 =	vadd.s32 v1, v9;
	v19 =	vand.u32 $0xFFFFFC00, v42;
	[tilespmem:v4+s19+$0x0] =	vst.idx.add.f32.msk $0xffff, v2  }
0x297: {  	v45 =	vand.u32 $0xFFFFFC00, v43;
	v10 =	vadd.s32 v1, v10;
	v3 =	vor.u32 v11, v19;
	[tilespmem:v5+s19+$0x0] =	vst.idx.add.f32.msk $0xffff, v2  }
0x298: {  	v46 =	vor.u32 v44, v45;
	v11 =	vand.u32 $0xFFFFFC00, v47;
	v3 =	vadd.s32 v1, v3;
	[tilespmem:v6+s19+$0x0] =	vst.idx.add.f32.msk $0xffff, v2  }
0x299: {  	v51 =	vand.u32 $0xFFFFFC00, v49;
	v4 =	vadd.s32 v1, v46;
	v5 =	vor.u32 v48, v11;
	[tilespmem:v7+s19+$0x0] =	vst.idx.add.f32.msk $0xffff, v2  }
0x29a: {  	v55 =	vand.u32 $0xFFFFFC00, v53;
	v5 =	vadd.s32 v1, v5;
	v6 =	vor.u32 v50, v51;
	[tilespmem:v8+s19+$0x0] =	vst.idx.add.f32.msk $0xffff, v2  }
0x29b: {  	v12 =	vand.u32 $0xFFFFFC00, v54;
	v6 =	vadd.s32 v1, v6;
	v7 =	vor.u32 v52, v55;
	[tilespmem:v9+s19+$0x0] =	vst.idx.add.f32.msk $0xffff, v2  }
0x29c: {  	v57 =	vor.u32 v56, v12;
	v7 =	vadd.s32 v1, v7;
	v9 =	vand.u32 $0xFFFFFC00, v58;
	[tilespmem:v10+s19+$0x0] =	vst.idx.add.f32.msk $0xffff, v2  }
0x29d: {  	v62 =	vand.u32 $0xFFFFFC00, v60;
	v8 =	vadd.s32 v1, v57;
	[tilespmem:v3+s19+$0x0] =	vst.idx.add.f32.msk $0xffff, v2;
	v3 =	vor.u32 v59, v9  }
0x29e: {  	s28 =	sadd.s32 $0x2, s28;
	v63 =	vor.u32 v61, v62;
	[tilespmem:v4+s19+$0x0] =	vst.idx.add.f32.msk $0xffff, v2;
	v3 =	vadd.s32 v1, v3  }
0x29f: {  	p0 =	slt.u32 s28, $0x7E;
	v4 =	vadd.s32 v1, v63;
	[tilespmem:v5+s19+$0x0] =	vst.idx.add.f32.msk $0xffff, v2  }
.Ltmp5:
0x2a0: {  	[tilespmem:v6+s19+$0x0] =	vst.idx.add.f32.msk $0xffff, v2;
	(pc) =	sbr.rel @p0 .LBB2_12-.Ltmp5, $4  }
0x2a1: {  	[tilespmem:v7+s19+$0x0] =	vst.idx.add.f32.msk $0xffff, v2  }
0x2a2: {  	[tilespmem:v8+s19+$0x0] =	vst.idx.add.f32.msk $0xffff, v2  }
0x2a3: {  	[tilespmem:v3+s19+$0x0] =	vst.idx.add.f32.msk $0xffff, v2  }
0x2a4: {  	s29 =	sadd.s32 $0x100, s29;
	s26 =	sadd.s32 $0x200, s26;
	[tilespmem:v4+s19+$0x0] =	vst.idx.add.f32.msk $0xffff, v2  }
0x2a5: {  	s26 =	simm.s32 $0x0  }
0x2a6: {  	[tilespmem:s26], [sflag:$0x1] =	stream.linear.gather [hbm4b:s9+s26], $0x8000, $0x38;
	[tilespmem:$0x11100] =	vst v63  }
0x2a7: {  	_ =	swait.ge [sflag:s20], $0x8000  }
0x2a8: {  	[sflag:s20] =	ssyncset.done $0x0  }
0x2a9: {  	s28 =	simm.s32 $0xFFFFFFFE;
	s29 =	simm.s32 $0x0;
	[sflag:s20] =	ssyncadd.s32 $0xFFFF8000  }
.LBB2_14:
0x2aa: {  	s1 =	sand.u32 $0x7800, s26;
	s30 =	sand.u32 $0x300, s29  }
0x2ab: {  	s30 =	sor.u32 s30, s1  }
0x2ac: {  	v3 =	vld [tilespmem:s30+$0x8000]  }
0x2ad: {  	v4 =	vld [tilespmem:s30+$0x8010]  }
0x2ae: {  	v5 =	vld [tilespmem:s30+$0x8020]  }
0x2af: {  	v6 =	vld [tilespmem:s30+$0x8030]  }
0x2b0: {  	v7 =	vld [tilespmem:s30+$0x8040]  }
0x2b1: {  	v8 =	vld [tilespmem:s30+$0x8050]  }
0x2b2: {  	v9 =	vld [tilespmem:s30+$0x8060]  }
0x2b3: {  	v10 =	vld [tilespmem:s30+$0x8070]  }
0x2b4: {  	v11 =	vld [tilespmem:s30+$0x8400]  }
0x2b5: {  	v12 =	vld [tilespmem:s30+$0x8410]  }
0x2b6: {  	v13 =	vld [tilespmem:s30+$0x8420]  }
0x2b7: {  	v14 =	vld [tilespmem:s30+$0x8430]  }
0x2b8: {  	v15 =	vld [tilespmem:s30+$0x8440];
	v3 =	vtrunc.f32 v3  }
0x2b9: {  	v16 =	vld [tilespmem:s30+$0x8450];
	v4 =	vtrunc.f32 v4;
	v5 =	vtrunc.f32 v5  }
0x2ba: {  	v17 =	vld [tilespmem:s30+$0x8460];
	v6 =	vtrunc.f32 v6;
	v7 =	vtrunc.f32 v7  }
0x2bb: {  	v18 =	vld [tilespmem:s30+$0x8470];
	v8 =	vtrunc.f32 v8;
	v9 =	vtrunc.f32 v9  }
0x2bc: {  	v10 =	vtrunc.f32 v10;
	v11 =	vtrunc.f32 v11  }
0x2bd: {  	v12 =	vtrunc.f32 v12;
	v13 =	vtrunc.f32 v13  }
0x2be: {  	v14 =	vtrunc.f32 v14;
	v15 =	vtrunc.f32 v15  }
0x2bf: {  	v16 =	vtrunc.f32 v16;
	v17 =	vtrunc.f32 v17  }
0x2c0: {  	v18 =	vtrunc.f32 v18;
	v3 =	vcvt.f32.s32 v3  }
0x2c1: {  	v4 =	vcvt.f32.s32 v4;
	v5 =	vcvt.f32.s32 v5  }
0x2c2: {  	v6 =	vcvt.f32.s32 v6;
	v7 =	vcvt.f32.s32 v7  }
0x2c3: {  	v8 =	vcvt.f32.s32 v8;
	v9 =	vcvt.f32.s32 v9  }
0x2c4: {  	v10 =	vcvt.f32.s32 v10;
	v11 =	vcvt.f32.s32 v11  }
0x2c5: {  	v12 =	vcvt.f32.s32 v12;
	v13 =	vcvt.f32.s32 v13  }
0x2c6: {  	v14 =	vcvt.f32.s32 v14;
	v15 =	vcvt.f32.s32 v15  }
0x2c7: {  	v16 =	vcvt.f32.s32 v16;
	v17 =	vcvt.f32.s32 v17  }
0x2c8: {  	v18 =	vcvt.f32.s32 v18;
	v19 =	vand.u32 $0x7F, v3;
	v3 =	vshll.u32 v3, $0x3  }
0x2c9: {  	v20 =	vshll.u32 v4, $0x3;
	v4 =	vand.u32 $0x7F, v4;
	v41 =	vshll.u32 v5, $0x3  }
0x2ca: {  	v5 =	vand.u32 $0x7F, v5;
	v42 =	vshll.u32 v6, $0x3;
	v6 =	vand.u32 $0x7F, v6  }
0x2cb: {  	v44 =	vshll.u32 v7, $0x3;
	v7 =	vand.u32 $0x7F, v7;
	v45 =	vshll.u32 v8, $0x3  }
0x2cc: {  	v8 =	vand.u32 $0x7F, v8;
	v47 =	vand.u32 $0x7F, v9;
	v9 =	vshll.u32 v9, $0x3  }
0x2cd: {  	v48 =	vshll.u32 v10, $0x3;
	v10 =	vand.u32 $0x7F, v10;
	v49 =	vshll.u32 v11, $0x3  }
0x2ce: {  	v11 =	vand.u32 $0x7F, v11;
	v50 =	vshll.u32 v12, $0x3;
	v51 =	vand.u32 $0x7F, v12  }
0x2cf: {  	v54 =	vshll.u32 v13, $0x3;
	v55 =	vand.u32 $0x7F, v13;
	v56 =	vshll.u32 v14, $0x3  }
0x2d0: {  	v57 =	vand.u32 $0x7F, v14;
	v59 =	vand.u32 $0x7F, v15;
	v60 =	vshll.u32 v15, $0x3  }
0x2d1: {  	v61 =	vshll.u32 v16, $0x3;
	v63 =	vand.u32 $0x7F, v16;
	v15 =	vshll.u32 v17, $0x3  }
0x2d2: {  	v16 =	vand.u32 $0x7F, v17;
	v3 =	vand.u32 $0xFFFFFC00, v3;
	v20 =	vand.u32 $0xFFFFFC00, v20  }
0x2d3: {  	v43 =	vand.u32 $0xFFFFFC00, v42;
	v46 =	vand.u32 $0xFFFFFC00, v45;
	v3 =	vor.u32 v19, v3  }
0x2d4: {  	v4 =	vor.u32 v4, v20;
	v19 =	vand.u32 $0xFFFFFC00, v41;
	v3 =	vadd.s32 v1, v3  }
0x2d5: {  	v9 =	vand.u32 $0xFFFFFC00, v9;
	v4 =	vadd.s32 v1, v4;
	v5 =	vor.u32 v5, v19  }
0x2d6: {  	v6 =	vor.u32 v6, v43;
	v19 =	vand.u32 $0xFFFFFC00, v44;
	v5 =	vadd.s32 v1, v5  }
0x2d7: {  	v52 =	vand.u32 $0xFFFFFC00, v50;
	v6 =	vadd.s32 v1, v6;
	v7 =	vor.u32 v7, v19  }
0x2d8: {  	v8 =	vor.u32 v8, v46;
	v9 =	vor.u32 v47, v9;
	v7 =	vadd.s32 v1, v7  }
0x2d9: {  	v20 =	vand.u32 $0xFFFFFC00, v48;
	v53 =	vor.u32 v51, v52;
	v8 =	vadd.s32 v1, v8;
	[tilespmem:v3+s19+$0x0] =	vst.idx.add.f32.msk $0xffff, v2  }
0x2da: {  	v10 =	vor.u32 v10, v20;
	v9 =	vadd.s32 v1, v9;
	v19 =	vand.u32 $0xFFFFFC00, v49;
	[tilespmem:v4+s19+$0x0] =	vst.idx.add.f32.msk $0xffff, v2  }
0x2db: {  	v12 =	vand.u32 $0xFFFFFC00, v61;
	v10 =	vadd.s32 v1, v10;
	v3 =	vor.u32 v11, v19;
	[tilespmem:v5+s19+$0x0] =	vst.idx.add.f32.msk $0xffff, v2  }
0x2dc: {  	v14 =	vor.u32 v63, v12;
	v11 =	vand.u32 $0xFFFFFC00, v54;
	v3 =	vadd.s32 v1, v3;
	[tilespmem:v6+s19+$0x0] =	vst.idx.add.f32.msk $0xffff, v2  }
0x2dd: {  	v58 =	vand.u32 $0xFFFFFC00, v56;
	v4 =	vadd.s32 v1, v53;
	v5 =	vor.u32 v55, v11;
	[tilespmem:v7+s19+$0x0] =	vst.idx.add.f32.msk $0xffff, v2  }
0x2de: {  	v62 =	vand.u32 $0xFFFFFC00, v60;
	v5 =	vadd.s32 v1, v5;
	v6 =	vor.u32 v57, v58;
	[tilespmem:v8+s19+$0x0] =	vst.idx.add.f32.msk $0xffff, v2  }
0x2df: {  	v17 =	vshll.u32 v18, $0x3;
	v6 =	vadd.s32 v1, v6;
	v7 =	vor.u32 v59, v62;
	[tilespmem:v9+s19+$0x0] =	vst.idx.add.f32.msk $0xffff, v2  }
0x2e0: {  	v20 =	vand.u32 $0xFFFFFC00, v17;
	v7 =	vadd.s32 v1, v7;
	v9 =	vand.u32 $0xFFFFFC00, v15;
	[tilespmem:v10+s19+$0x0] =	vst.idx.add.f32.msk $0xffff, v2  }
0x2e1: {  	v19 =	vand.u32 $0x7F, v18;
	v8 =	vadd.s32 v1, v14;
	[tilespmem:v3+s19+$0x0] =	vst.idx.add.f32.msk $0xffff, v2;
	v3 =	vor.u32 v16, v9  }
0x2e2: {  	v21 =	vor.u32 v19, v20;
	[tilespmem:v4+s19+$0x0] =	vst.idx.add.f32.msk $0xffff, v2;
	v3 =	vadd.s32 v1, v3  }
0x2e3: {  	v4 =	vadd.s32 v1, v21;
	[tilespmem:v5+s19+$0x0] =	vst.idx.add.f32.msk $0xffff, v2  }
0x2e4: {  	[tilespmem:v6+s19+$0x0] =	vst.idx.add.f32.msk $0xffff, v2  }
0x2e5: {  	[tilespmem:v7+s19+$0x0] =	vst.idx.add.f32.msk $0xffff, v2  }
0x2e6: {  	[tilespmem:v8+s19+$0x0] =	vst.idx.add.f32.msk $0xffff, v2  }
0x2e7: {  	[tilespmem:v3+s19+$0x0] =	vst.idx.add.f32.msk $0xffff, v2  }
0x2e8: {  	[tilespmem:v4+s19+$0x0] =	vst.idx.add.f32.msk $0xffff, v2  }
0x2e9: {  	v3 =	vld [tilespmem:s30+$0x8080]  }
0x2ea: {  	v4 =	vld [tilespmem:s30+$0x8090]  }
0x2eb: {  	v5 =	vld [tilespmem:s30+$0x80A0]  }
0x2ec: {  	v6 =	vld [tilespmem:s30+$0x80B0]  }
0x2ed: {  	v7 =	vld [tilespmem:s30+$0x80C0]  }
0x2ee: {  	v8 =	vld [tilespmem:s30+$0x80D0]  }
0x2ef: {  	v22 =	vld [tilespmem:s30+$0x80E0]  }
0x2f0: {  	v23 =	vld [tilespmem:s30+$0x80F0]  }
0x2f1: {  	v24 =	vld [tilespmem:s30+$0x8480]  }
0x2f2: {  	v25 =	vld [tilespmem:s30+$0x8490]  }
0x2f3: {  	v26 =	vld [tilespmem:s30+$0x84A0]  }
0x2f4: {  	v27 =	vld [tilespmem:s30+$0x84B0]  }
0x2f5: {  	v28 =	vld [tilespmem:s30+$0x84C0];
	v3 =	vtrunc.f32 v3  }
0x2f6: {  	v29 =	vld [tilespmem:s30+$0x84D0];
	v4 =	vtrunc.f32 v4;
	v5 =	vtrunc.f32 v5  }
0x2f7: {  	v30 =	vld [tilespmem:s30+$0x84E0];
	v6 =	vtrunc.f32 v6;
	v7 =	vtrunc.f32 v7  }
0x2f8: {  	v31 =	vld [tilespmem:s30+$0x84F0];
	v8 =	vtrunc.f32 v8;
	v9 =	vtrunc.f32 v22  }
0x2f9: {  	v10 =	vtrunc.f32 v23;
	v11 =	vtrunc.f32 v24  }
0x2fa: {  	v12 =	vtrunc.f32 v25;
	v13 =	vtrunc.f32 v26  }
0x2fb: {  	v14 =	vtrunc.f32 v27;
	v15 =	vtrunc.f32 v28  }
0x2fc: {  	v16 =	vtrunc.f32 v29;
	v17 =	vtrunc.f32 v30  }
0x2fd: {  	v18 =	vtrunc.f32 v31;
	v3 =	vcvt.f32.s32 v3  }
0x2fe: {  	v4 =	vcvt.f32.s32 v4;
	v5 =	vcvt.f32.s32 v5  }
0x2ff: {  	v6 =	vcvt.f32.s32 v6;
	v7 =	vcvt.f32.s32 v7  }
0x300: {  	v8 =	vcvt.f32.s32 v8;
	v9 =	vcvt.f32.s32 v9  }
0x301: {  	v10 =	vcvt.f32.s32 v10;
	v11 =	vcvt.f32.s32 v11  }
0x302: {  	v12 =	vcvt.f32.s32 v12;
	v13 =	vcvt.f32.s32 v13  }
0x303: {  	v14 =	vcvt.f32.s32 v14;
	v15 =	vcvt.f32.s32 v15  }
0x304: {  	v16 =	vcvt.f32.s32 v16;
	v17 =	vcvt.f32.s32 v17  }
0x305: {  	v18 =	vcvt.f32.s32 v18;
	v32 =	vand.u32 $0x7F, v3;
	v3 =	vshll.u32 v3, $0x3  }
0x306: {  	v33 =	vshll.u32 v4, $0x3;
	v4 =	vand.u32 $0x7F, v4;
	v34 =	vshll.u32 v5, $0x3  }
0x307: {  	v5 =	vand.u32 $0x7F, v5;
	v35 =	vshll.u32 v6, $0x3;
	v6 =	vand.u32 $0x7F, v6  }
0x308: {  	v37 =	vshll.u32 v7, $0x3;
	v7 =	vand.u32 $0x7F, v7;
	v38 =	vshll.u32 v8, $0x3  }
0x309: {  	v8 =	vand.u32 $0x7F, v8;
	v40 =	vand.u32 $0x7F, v9;
	v9 =	vshll.u32 v9, $0x3  }
0x30a: {  	v41 =	vshll.u32 v10, $0x3;
	v10 =	vand.u32 $0x7F, v10;
	v42 =	vshll.u32 v11, $0x3  }
0x30b: {  	v11 =	vand.u32 $0x7F, v11;
	v43 =	vshll.u32 v12, $0x3;
	v44 =	vand.u32 $0x7F, v12  }
0x30c: {  	v47 =	vshll.u32 v13, $0x3;
	v48 =	vand.u32 $0x7F, v13;
	v49 =	vshll.u32 v14, $0x3  }
0x30d: {  	v50 =	vand.u32 $0x7F, v14;
	v52 =	vand.u32 $0x7F, v15;
	v53 =	vshll.u32 v15, $0x3  }
0x30e: {  	v54 =	vshll.u32 v16, $0x3;
	v56 =	vand.u32 $0x7F, v16;
	v58 =	vshll.u32 v17, $0x3  }
0x30f: {  	v59 =	vand.u32 $0x7F, v17;
	v60 =	vshll.u32 v18, $0x3;
	v3 =	vand.u32 $0xFFFFFC00, v3  }
0x310: {  	v61 =	vand.u32 $0x7F, v18;
	v20 =	vand.u32 $0xFFFFFC00, v33;
	v3 =	vor.u32 v32, v3  }
0x311: {  	v19 =	vand.u32 $0xFFFFFC00, v34;
	v4 =	vor.u32 v4, v20;
	v3 =	vadd.s32 v1, v3  }
0x312: {  	v36 =	vand.u32 $0xFFFFFC00, v35;
	v5 =	vor.u32 v5, v19;
	v4 =	vadd.s32 v1, v4  }
0x313: {  	v6 =	vor.u32 v6, v36;
	v19 =	vand.u32 $0xFFFFFC00, v37;
	v5 =	vadd.s32 v1, v5  }
0x314: {  	v39 =	vand.u32 $0xFFFFFC00, v38;
	v7 =	vor.u32 v7, v19;
	v6 =	vadd.s32 v1, v6  }
0x315: {  	v9 =	vand.u32 $0xFFFFFC00, v9;
	v8 =	vor.u32 v8, v39;
	v7 =	vadd.s32 v1, v7  }
0x316: {  	v20 =	vand.u32 $0xFFFFFC00, v41;
	v9 =	vor.u32 v40, v9;
	v8 =	vadd.s32 v1, v8;
	[tilespmem:v3+s19+$0x0] =	vst.idx.add.f32.msk $0xffff, v2  }
0x317: {  	v10 =	vor.u32 v10, v20;
	v9 =	vadd.s32 v1, v9;
	v19 =	vand.u32 $0xFFFFFC00, v42;
	[tilespmem:v4+s19+$0x0] =	vst.idx.add.f32.msk $0xffff, v2  }
0x318: {  	v45 =	vand.u32 $0xFFFFFC00, v43;
	v10 =	vadd.s32 v1, v10;
	v3 =	vor.u32 v11, v19;
	[tilespmem:v5+s19+$0x0] =	vst.idx.add.f32.msk $0xffff, v2  }
0x319: {  	v46 =	vor.u32 v44, v45;
	v11 =	vand.u32 $0xFFFFFC00, v47;
	v3 =	vadd.s32 v1, v3;
	[tilespmem:v6+s19+$0x0] =	vst.idx.add.f32.msk $0xffff, v2  }
0x31a: {  	v51 =	vand.u32 $0xFFFFFC00, v49;
	v4 =	vadd.s32 v1, v46;
	v5 =	vor.u32 v48, v11;
	[tilespmem:v7+s19+$0x0] =	vst.idx.add.f32.msk $0xffff, v2  }
0x31b: {  	v55 =	vand.u32 $0xFFFFFC00, v53;
	v5 =	vadd.s32 v1, v5;
	v6 =	vor.u32 v50, v51;
	[tilespmem:v8+s19+$0x0] =	vst.idx.add.f32.msk $0xffff, v2  }
0x31c: {  	v12 =	vand.u32 $0xFFFFFC00, v54;
	v6 =	vadd.s32 v1, v6;
	v7 =	vor.u32 v52, v55;
	[tilespmem:v9+s19+$0x0] =	vst.idx.add.f32.msk $0xffff, v2  }
0x31d: {  	v57 =	vor.u32 v56, v12;
	v7 =	vadd.s32 v1, v7;
	v9 =	vand.u32 $0xFFFFFC00, v58;
	[tilespmem:v10+s19+$0x0] =	vst.idx.add.f32.msk $0xffff, v2  }
0x31e: {  	v62 =	vand.u32 $0xFFFFFC00, v60;
	v8 =	vadd.s32 v1, v57;
	[tilespmem:v3+s19+$0x0] =	vst.idx.add.f32.msk $0xffff, v2;
	v3 =	vor.u32 v59, v9  }
0x31f: {  	s28 =	sadd.s32 $0x2, s28;
	v63 =	vor.u32 v61, v62;
	[tilespmem:v4+s19+$0x0] =	vst.idx.add.f32.msk $0xffff, v2;
	v3 =	vadd.s32 v1, v3  }
0x320: {  	p0 =	slt.u32 s28, $0x7E;
	v4 =	vadd.s32 v1, v63;
	[tilespmem:v5+s19+$0x0] =	vst.idx.add.f32.msk $0xffff, v2  }
.Ltmp6:
0x321: {  	[tilespmem:v6+s19+$0x0] =	vst.idx.add.f32.msk $0xffff, v2;
	(pc) =	sbr.rel @p0 .LBB2_14-.Ltmp6, $4  }
0x322: {  	[tilespmem:v7+s19+$0x0] =	vst.idx.add.f32.msk $0xffff, v2  }
0x323: {  	[tilespmem:v8+s19+$0x0] =	vst.idx.add.f32.msk $0xffff, v2  }
0x324: {  	[tilespmem:v3+s19+$0x0] =	vst.idx.add.f32.msk $0xffff, v2  }
0x325: {  	s29 =	sadd.s32 $0x100, s29;
	s26 =	sadd.s32 $0x200, s26;
	[tilespmem:v4+s19+$0x0] =	vst.idx.add.f32.msk $0xffff, v2  }
0x326: {  	s26 =	simm.s32 $0x0  }
0x327: {  	[tilespmem:s17], [sflag:$0x2] =	stream.linear.gather [hbm4b:s10+s26], $0x8000, $0x38;
	[tilespmem:$0x11100] =	vst v63  }
0x328: {  	_ =	swait.ge [sflag:s18], $0x8000  }
0x329: {  	[sflag:s18] =	ssyncset.done $0x0  }
0x32a: {  	s28 =	simm.s32 $0xFFFFFFFE;
	s29 =	simm.s32 $0x0;
	[sflag:s18] =	ssyncadd.s32 $0xFFFF8000  }
.LBB2_16:
0x32b: {  	s1 =	sand.u32 $0x7800, s26;
	s30 =	sand.u32 $0x300, s29  }
0x32c: {  	s30 =	sor.u32 s30, s1  }
0x32d: {  	v3 =	vld [tilespmem:s30+$0x0]  }
0x32e: {  	v4 =	vld [tilespmem:s30+$0x10]  }
0x32f: {  	v5 =	vld [tilespmem:s30+$0x20]  }
0x330: {  	v6 =	vld [tilespmem:s30+$0x30]  }
0x331: {  	v7 =	vld [tilespmem:s30+$0x40]  }
0x332: {  	v8 =	vld [tilespmem:s30+$0x50]  }
0x333: {  	v9 =	vld [tilespmem:s30+$0x60]  }
0x334: {  	v10 =	vld [tilespmem:s30+$0x70]  }
0x335: {  	v11 =	vld [tilespmem:s30+$0x400]  }
0x336: {  	v12 =	vld [tilespmem:s30+$0x410]  }
0x337: {  	v13 =	vld [tilespmem:s30+$0x420]  }
0x338: {  	v14 =	vld [tilespmem:s30+$0x430]  }
0x339: {  	v15 =	vld [tilespmem:s30+$0x440];
	v3 =	vtrunc.f32 v3  }
0x33a: {  	v16 =	vld [tilespmem:s30+$0x450];
	v4 =	vtrunc.f32 v4;
	v5 =	vtrunc.f32 v5  }
0x33b: {  	v17 =	vld [tilespmem:s30+$0x460];
	v6 =	vtrunc.f32 v6;
	v7 =	vtrunc.f32 v7  }
0x33c: {  	v18 =	vld [tilespmem:s30+$0x470];
	v8 =	vtrunc.f32 v8;
	v9 =	vtrunc.f32 v9  }
0x33d: {  	v10 =	vtrunc.f32 v10;
	v11 =	vtrunc.f32 v11  }
0x33e: {  	v12 =	vtrunc.f32 v12;
	v13 =	vtrunc.f32 v13  }
0x33f: {  	v14 =	vtrunc.f32 v14;
	v15 =	vtrunc.f32 v15  }
0x340: {  	v16 =	vtrunc.f32 v16;
	v17 =	vtrunc.f32 v17  }
0x341: {  	v18 =	vtrunc.f32 v18;
	v3 =	vcvt.f32.s32 v3  }
0x342: {  	v4 =	vcvt.f32.s32 v4;
	v5 =	vcvt.f32.s32 v5  }
0x343: {  	v6 =	vcvt.f32.s32 v6;
	v7 =	vcvt.f32.s32 v7  }
0x344: {  	v8 =	vcvt.f32.s32 v8;
	v9 =	vcvt.f32.s32 v9  }
0x345: {  	v10 =	vcvt.f32.s32 v10;
	v11 =	vcvt.f32.s32 v11  }
0x346: {  	v12 =	vcvt.f32.s32 v12;
	v13 =	vcvt.f32.s32 v13  }
0x347: {  	v14 =	vcvt.f32.s32 v14;
	v15 =	vcvt.f32.s32 v15  }
0x348: {  	v16 =	vcvt.f32.s32 v16;
	v17 =	vcvt.f32.s32 v17  }
0x349: {  	v18 =	vcvt.f32.s32 v18;
	v19 =	vand.u32 $0x7F, v3;
	v3 =	vshll.u32 v3, $0x3  }
0x34a: {  	v20 =	vshll.u32 v4, $0x3;
	v4 =	vand.u32 $0x7F, v4;
	v41 =	vshll.u32 v5, $0x3  }
0x34b: {  	v5 =	vand.u32 $0x7F, v5;
	v42 =	vshll.u32 v6, $0x3;
	v6 =	vand.u32 $0x7F, v6  }
0x34c: {  	v44 =	vshll.u32 v7, $0x3;
	v7 =	vand.u32 $0x7F, v7;
	v45 =	vshll.u32 v8, $0x3  }
0x34d: {  	v8 =	vand.u32 $0x7F, v8;
	v47 =	vand.u32 $0x7F, v9;
	v9 =	vshll.u32 v9, $0x3  }
0x34e: {  	v48 =	vshll.u32 v10, $0x3;
	v10 =	vand.u32 $0x7F, v10;
	v49 =	vshll.u32 v11, $0x3  }
0x34f: {  	v11 =	vand.u32 $0x7F, v11;
	v50 =	vshll.u32 v12, $0x3;
	v51 =	vand.u32 $0x7F, v12  }
0x350: {  	v54 =	vshll.u32 v13, $0x3;
	v55 =	vand.u32 $0x7F, v13;
	v56 =	vshll.u32 v14, $0x3  }
0x351: {  	v57 =	vand.u32 $0x7F, v14;
	v59 =	vand.u32 $0x7F, v15;
	v60 =	vshll.u32 v15, $0x3  }
0x352: {  	v61 =	vshll.u32 v16, $0x3;
	v63 =	vand.u32 $0x7F, v16;
	v15 =	vshll.u32 v17, $0x3  }
0x353: {  	v16 =	vand.u32 $0x7F, v17;
	v3 =	vand.u32 $0xFFFFFC00, v3;
	v20 =	vand.u32 $0xFFFFFC00, v20  }
0x354: {  	v43 =	vand.u32 $0xFFFFFC00, v42;
	v46 =	vand.u32 $0xFFFFFC00, v45;
	v3 =	vor.u32 v19, v3  }
0x355: {  	v4 =	vor.u32 v4, v20;
	v19 =	vand.u32 $0xFFFFFC00, v41;
	v3 =	vadd.s32 v1, v3  }
0x356: {  	v9 =	vand.u32 $0xFFFFFC00, v9;
	v4 =	vadd.s32 v1, v4;
	v5 =	vor.u32 v5, v19  }
0x357: {  	v6 =	vor.u32 v6, v43;
	v19 =	vand.u32 $0xFFFFFC00, v44;
	v5 =	vadd.s32 v1, v5  }
0x358: {  	v52 =	vand.u32 $0xFFFFFC00, v50;
	v6 =	vadd.s32 v1, v6;
	v7 =	vor.u32 v7, v19  }
0x359: {  	v8 =	vor.u32 v8, v46;
	v9 =	vor.u32 v47, v9;
	v7 =	vadd.s32 v1, v7  }
0x35a: {  	v20 =	vand.u32 $0xFFFFFC00, v48;
	v53 =	vor.u32 v51, v52;
	v8 =	vadd.s32 v1, v8;
	[tilespmem:v3+s19+$0x0] =	vst.idx.add.f32.msk $0xffff, v2  }
0x35b: {  	v10 =	vor.u32 v10, v20;
	v9 =	vadd.s32 v1, v9;
	v19 =	vand.u32 $0xFFFFFC00, v49;
	[tilespmem:v4+s19+$0x0] =	vst.idx.add.f32.msk $0xffff, v2  }
0x35c: {  	v12 =	vand.u32 $0xFFFFFC00, v61;
	v10 =	vadd.s32 v1, v10;
	v3 =	vor.u32 v11, v19;
	[tilespmem:v5+s19+$0x0] =	vst.idx.add.f32.msk $0xffff, v2  }
0x35d: {  	v14 =	vor.u32 v63, v12;
	v11 =	vand.u32 $0xFFFFFC00, v54;
	v3 =	vadd.s32 v1, v3;
	[tilespmem:v6+s19+$0x0] =	vst.idx.add.f32.msk $0xffff, v2  }
0x35e: {  	v58 =	vand.u32 $0xFFFFFC00, v56;
	v4 =	vadd.s32 v1, v53;
	v5 =	vor.u32 v55, v11;
	[tilespmem:v7+s19+$0x0] =	vst.idx.add.f32.msk $0xffff, v2  }
0x35f: {  	v62 =	vand.u32 $0xFFFFFC00, v60;
	v5 =	vadd.s32 v1, v5;
	v6 =	vor.u32 v57, v58;
	[tilespmem:v8+s19+$0x0] =	vst.idx.add.f32.msk $0xffff, v2  }
0x360: {  	v17 =	vshll.u32 v18, $0x3;
	v6 =	vadd.s32 v1, v6;
	v7 =	vor.u32 v59, v62;
	[tilespmem:v9+s19+$0x0] =	vst.idx.add.f32.msk $0xffff, v2  }
0x361: {  	v20 =	vand.u32 $0xFFFFFC00, v17;
	v7 =	vadd.s32 v1, v7;
	v9 =	vand.u32 $0xFFFFFC00, v15;
	[tilespmem:v10+s19+$0x0] =	vst.idx.add.f32.msk $0xffff, v2  }
0x362: {  	v19 =	vand.u32 $0x7F, v18;
	v8 =	vadd.s32 v1, v14;
	[tilespmem:v3+s19+$0x0] =	vst.idx.add.f32.msk $0xffff, v2;
	v3 =	vor.u32 v16, v9  }
0x363: {  	v21 =	vor.u32 v19, v20;
	[tilespmem:v4+s19+$0x0] =	vst.idx.add.f32.msk $0xffff, v2;
	v3 =	vadd.s32 v1, v3  }
0x364: {  	v4 =	vadd.s32 v1, v21;
	[tilespmem:v5+s19+$0x0] =	vst.idx.add.f32.msk $0xffff, v2  }
0x365: {  	[tilespmem:v6+s19+$0x0] =	vst.idx.add.f32.msk $0xffff, v2  }
0x366: {  	[tilespmem:v7+s19+$0x0] =	vst.idx.add.f32.msk $0xffff, v2  }
0x367: {  	[tilespmem:v8+s19+$0x0] =	vst.idx.add.f32.msk $0xffff, v2  }
0x368: {  	[tilespmem:v3+s19+$0x0] =	vst.idx.add.f32.msk $0xffff, v2  }
0x369: {  	[tilespmem:v4+s19+$0x0] =	vst.idx.add.f32.msk $0xffff, v2  }
0x36a: {  	v3 =	vld [tilespmem:s30+$0x80]  }
0x36b: {  	v4 =	vld [tilespmem:s30+$0x90]  }
0x36c: {  	v5 =	vld [tilespmem:s30+$0xA0]  }
0x36d: {  	v6 =	vld [tilespmem:s30+$0xB0]  }
0x36e: {  	v7 =	vld [tilespmem:s30+$0xC0]  }
0x36f: {  	v8 =	vld [tilespmem:s30+$0xD0]  }
0x370: {  	v22 =	vld [tilespmem:s30+$0xE0]  }
0x371: {  	v23 =	vld [tilespmem:s30+$0xF0]  }
0x372: {  	v24 =	vld [tilespmem:s30+$0x480]  }
0x373: {  	v25 =	vld [tilespmem:s30+$0x490]  }
0x374: {  	v26 =	vld [tilespmem:s30+$0x4A0]  }
0x375: {  	v27 =	vld [tilespmem:s30+$0x4B0]  }
0x376: {  	v28 =	vld [tilespmem:s30+$0x4C0];
	v3 =	vtrunc.f32 v3  }
0x377: {  	v29 =	vld [tilespmem:s30+$0x4D0];
	v4 =	vtrunc.f32 v4;
	v5 =	vtrunc.f32 v5  }
0x378: {  	v30 =	vld [tilespmem:s30+$0x4E0];
	v6 =	vtrunc.f32 v6;
	v7 =	vtrunc.f32 v7  }
0x379: {  	v31 =	vld [tilespmem:s30+$0x4F0];
	v8 =	vtrunc.f32 v8;
	v9 =	vtrunc.f32 v22  }
0x37a: {  	v10 =	vtrunc.f32 v23;
	v11 =	vtrunc.f32 v24  }
0x37b: {  	v12 =	vtrunc.f32 v25;
	v13 =	vtrunc.f32 v26  }
0x37c: {  	v14 =	vtrunc.f32 v27;
	v15 =	vtrunc.f32 v28  }
0x37d: {  	v16 =	vtrunc.f32 v29;
	v17 =	vtrunc.f32 v30  }
0x37e: {  	v18 =	vtrunc.f32 v31;
	v3 =	vcvt.f32.s32 v3  }
0x37f: {  	v4 =	vcvt.f32.s32 v4;
	v5 =	vcvt.f32.s32 v5  }
0x380: {  	v6 =	vcvt.f32.s32 v6;
	v7 =	vcvt.f32.s32 v7  }
0x381: {  	v8 =	vcvt.f32.s32 v8;
	v9 =	vcvt.f32.s32 v9  }
0x382: {  	v10 =	vcvt.f32.s32 v10;
	v11 =	vcvt.f32.s32 v11  }
0x383: {  	v12 =	vcvt.f32.s32 v12;
	v13 =	vcvt.f32.s32 v13  }
0x384: {  	v14 =	vcvt.f32.s32 v14;
	v15 =	vcvt.f32.s32 v15  }
0x385: {  	v16 =	vcvt.f32.s32 v16;
	v17 =	vcvt.f32.s32 v17  }
0x386: {  	v18 =	vcvt.f32.s32 v18;
	v32 =	vand.u32 $0x7F, v3;
	v3 =	vshll.u32 v3, $0x3  }
0x387: {  	v33 =	vshll.u32 v4, $0x3;
	v4 =	vand.u32 $0x7F, v4;
	v34 =	vshll.u32 v5, $0x3  }
0x388: {  	v5 =	vand.u32 $0x7F, v5;
	v35 =	vshll.u32 v6, $0x3;
	v6 =	vand.u32 $0x7F, v6  }
0x389: {  	v37 =	vshll.u32 v7, $0x3;
	v7 =	vand.u32 $0x7F, v7;
	v38 =	vshll.u32 v8, $0x3  }
0x38a: {  	v8 =	vand.u32 $0x7F, v8;
	v40 =	vand.u32 $0x7F, v9;
	v9 =	vshll.u32 v9, $0x3  }
0x38b: {  	v41 =	vshll.u32 v10, $0x3;
	v10 =	vand.u32 $0x7F, v10;
	v42 =	vshll.u32 v11, $0x3  }
0x38c: {  	v11 =	vand.u32 $0x7F, v11;
	v43 =	vshll.u32 v12, $0x3;
	v44 =	vand.u32 $0x7F, v12  }
0x38d: {  	v47 =	vshll.u32 v13, $0x3;
	v48 =	vand.u32 $0x7F, v13;
	v49 =	vshll.u32 v14, $0x3  }
0x38e: {  	v50 =	vand.u32 $0x7F, v14;
	v52 =	vand.u32 $0x7F, v15;
	v53 =	vshll.u32 v15, $0x3  }
0x38f: {  	v54 =	vshll.u32 v16, $0x3;
	v56 =	vand.u32 $0x7F, v16;
	v58 =	vshll.u32 v17, $0x3  }
0x390: {  	v59 =	vand.u32 $0x7F, v17;
	v60 =	vshll.u32 v18, $0x3;
	v3 =	vand.u32 $0xFFFFFC00, v3  }
0x391: {  	v61 =	vand.u32 $0x7F, v18;
	v20 =	vand.u32 $0xFFFFFC00, v33;
	v3 =	vor.u32 v32, v3  }
0x392: {  	v19 =	vand.u32 $0xFFFFFC00, v34;
	v4 =	vor.u32 v4, v20;
	v3 =	vadd.s32 v1, v3  }
0x393: {  	v36 =	vand.u32 $0xFFFFFC00, v35;
	v5 =	vor.u32 v5, v19;
	v4 =	vadd.s32 v1, v4  }
0x394: {  	v6 =	vor.u32 v6, v36;
	v19 =	vand.u32 $0xFFFFFC00, v37;
	v5 =	vadd.s32 v1, v5  }
0x395: {  	v39 =	vand.u32 $0xFFFFFC00, v38;
	v7 =	vor.u32 v7, v19;
	v6 =	vadd.s32 v1, v6  }
0x396: {  	v9 =	vand.u32 $0xFFFFFC00, v9;
	v8 =	vor.u32 v8, v39;
	v7 =	vadd.s32 v1, v7  }
0x397: {  	v20 =	vand.u32 $0xFFFFFC00, v41;
	v9 =	vor.u32 v40, v9;
	v8 =	vadd.s32 v1, v8;
	[tilespmem:v3+s19+$0x0] =	vst.idx.add.f32.msk $0xffff, v2  }
0x398: {  	v10 =	vor.u32 v10, v20;
	v9 =	vadd.s32 v1, v9;
	v19 =	vand.u32 $0xFFFFFC00, v42;
	[tilespmem:v4+s19+$0x0] =	vst.idx.add.f32.msk $0xffff, v2  }
0x399: {  	v45 =	vand.u32 $0xFFFFFC00, v43;
	v10 =	vadd.s32 v1, v10;
	v3 =	vor.u32 v11, v19;
	[tilespmem:v5+s19+$0x0] =	vst.idx.add.f32.msk $0xffff, v2  }
0x39a: {  	v46 =	vor.u32 v44, v45;
	v11 =	vand.u32 $0xFFFFFC00, v47;
	v3 =	vadd.s32 v1, v3;
	[tilespmem:v6+s19+$0x0] =	vst.idx.add.f32.msk $0xffff, v2  }
0x39b: {  	v51 =	vand.u32 $0xFFFFFC00, v49;
	v4 =	vadd.s32 v1, v46;
	v5 =	vor.u32 v48, v11;
	[tilespmem:v7+s19+$0x0] =	vst.idx.add.f32.msk $0xffff, v2  }
0x39c: {  	v55 =	vand.u32 $0xFFFFFC00, v53;
	v5 =	vadd.s32 v1, v5;
	v6 =	vor.u32 v50, v51;
	[tilespmem:v8+s19+$0x0] =	vst.idx.add.f32.msk $0xffff, v2  }
0x39d: {  	v12 =	vand.u32 $0xFFFFFC00, v54;
	v6 =	vadd.s32 v1, v6;
	v7 =	vor.u32 v52, v55;
	[tilespmem:v9+s19+$0x0] =	vst.idx.add.f32.msk $0xffff, v2  }
0x39e: {  	v57 =	vor.u32 v56, v12;
	v7 =	vadd.s32 v1, v7;
	v9 =	vand.u32 $0xFFFFFC00, v58;
	[tilespmem:v10+s19+$0x0] =	vst.idx.add.f32.msk $0xffff, v2  }
0x39f: {  	v62 =	vand.u32 $0xFFFFFC00, v60;
	v8 =	vadd.s32 v1, v57;
	[tilespmem:v3+s19+$0x0] =	vst.idx.add.f32.msk $0xffff, v2;
	v3 =	vor.u32 v59, v9  }
0x3a0: {  	s28 =	sadd.s32 $0x2, s28;
	v63 =	vor.u32 v61, v62;
	[tilespmem:v4+s19+$0x0] =	vst.idx.add.f32.msk $0xffff, v2;
	v3 =	vadd.s32 v1, v3  }
0x3a1: {  	p0 =	slt.u32 s28, $0x7E;
	v4 =	vadd.s32 v1, v63;
	[tilespmem:v5+s19+$0x0] =	vst.idx.add.f32.msk $0xffff, v2  }
.Ltmp7:
0x3a2: {  	[tilespmem:v6+s19+$0x0] =	vst.idx.add.f32.msk $0xffff, v2;
	(pc) =	sbr.rel @p0 .LBB2_16-.Ltmp7, $4  }
0x3a3: {  	[tilespmem:v7+s19+$0x0] =	vst.idx.add.f32.msk $0xffff, v2  }
0x3a4: {  	[tilespmem:v8+s19+$0x0] =	vst.idx.add.f32.msk $0xffff, v2  }
0x3a5: {  	[tilespmem:v3+s19+$0x0] =	vst.idx.add.f32.msk $0xffff, v2  }
0x3a6: {  	s29 =	sadd.s32 $0x100, s29;
	s26 =	sadd.s32 $0x200, s26;
	[tilespmem:v4+s19+$0x0] =	vst.idx.add.f32.msk $0xffff, v2  }
0x3a7: {  	s26 =	simm.s32 $0x0  }
0x3a8: {  	[tilespmem:s26], [sflag:$0x1] =	stream.linear.gather [hbm4b:s11+s26], $0x8000, $0x38;
	[tilespmem:$0x11100] =	vst v63  }
0x3a9: {  	_ =	swait.ge [sflag:s20], $0x8000  }
0x3aa: {  	[sflag:s20] =	ssyncset.done $0x0  }
0x3ab: {  	s28 =	simm.s32 $0xFFFFFFFE;
	s29 =	simm.s32 $0x0;
	[sflag:s20] =	ssyncadd.s32 $0xFFFF8000  }
.LBB2_18:
0x3ac: {  	s1 =	sand.u32 $0x7800, s26;
	s30 =	sand.u32 $0x300, s29  }
0x3ad: {  	s30 =	sor.u32 s30, s1  }
0x3ae: {  	v3 =	vld [tilespmem:s30+$0x8000]  }
0x3af: {  	v4 =	vld [tilespmem:s30+$0x8010]  }
0x3b0: {  	v5 =	vld [tilespmem:s30+$0x8020]  }
0x3b1: {  	v6 =	vld [tilespmem:s30+$0x8030]  }
0x3b2: {  	v7 =	vld [tilespmem:s30+$0x8040]  }
0x3b3: {  	v8 =	vld [tilespmem:s30+$0x8050]  }
0x3b4: {  	v9 =	vld [tilespmem:s30+$0x8060]  }
0x3b5: {  	v10 =	vld [tilespmem:s30+$0x8070]  }
0x3b6: {  	v11 =	vld [tilespmem:s30+$0x8400]  }
0x3b7: {  	v12 =	vld [tilespmem:s30+$0x8410]  }
0x3b8: {  	v13 =	vld [tilespmem:s30+$0x8420]  }
0x3b9: {  	v14 =	vld [tilespmem:s30+$0x8430]  }
0x3ba: {  	v15 =	vld [tilespmem:s30+$0x8440];
	v3 =	vtrunc.f32 v3  }
0x3bb: {  	v16 =	vld [tilespmem:s30+$0x8450];
	v4 =	vtrunc.f32 v4;
	v5 =	vtrunc.f32 v5  }
0x3bc: {  	v17 =	vld [tilespmem:s30+$0x8460];
	v6 =	vtrunc.f32 v6;
	v7 =	vtrunc.f32 v7  }
0x3bd: {  	v18 =	vld [tilespmem:s30+$0x8470];
	v8 =	vtrunc.f32 v8;
	v9 =	vtrunc.f32 v9  }
0x3be: {  	v10 =	vtrunc.f32 v10;
	v11 =	vtrunc.f32 v11  }
0x3bf: {  	v12 =	vtrunc.f32 v12;
	v13 =	vtrunc.f32 v13  }
0x3c0: {  	v14 =	vtrunc.f32 v14;
	v15 =	vtrunc.f32 v15  }
0x3c1: {  	v16 =	vtrunc.f32 v16;
	v17 =	vtrunc.f32 v17  }
0x3c2: {  	v18 =	vtrunc.f32 v18;
	v3 =	vcvt.f32.s32 v3  }
0x3c3: {  	v4 =	vcvt.f32.s32 v4;
	v5 =	vcvt.f32.s32 v5  }
0x3c4: {  	v6 =	vcvt.f32.s32 v6;
	v7 =	vcvt.f32.s32 v7  }
0x3c5: {  	v8 =	vcvt.f32.s32 v8;
	v9 =	vcvt.f32.s32 v9  }
0x3c6: {  	v10 =	vcvt.f32.s32 v10;
	v11 =	vcvt.f32.s32 v11  }
0x3c7: {  	v12 =	vcvt.f32.s32 v12;
	v13 =	vcvt.f32.s32 v13  }
0x3c8: {  	v14 =	vcvt.f32.s32 v14;
	v15 =	vcvt.f32.s32 v15  }
0x3c9: {  	v16 =	vcvt.f32.s32 v16;
	v17 =	vcvt.f32.s32 v17  }
0x3ca: {  	v18 =	vcvt.f32.s32 v18;
	v19 =	vand.u32 $0x7F, v3;
	v3 =	vshll.u32 v3, $0x3  }
0x3cb: {  	v20 =	vshll.u32 v4, $0x3;
	v4 =	vand.u32 $0x7F, v4;
	v41 =	vshll.u32 v5, $0x3  }
0x3cc: {  	v5 =	vand.u32 $0x7F, v5;
	v42 =	vshll.u32 v6, $0x3;
	v6 =	vand.u32 $0x7F, v6  }
0x3cd: {  	v44 =	vshll.u32 v7, $0x3;
	v7 =	vand.u32 $0x7F, v7;
	v45 =	vshll.u32 v8, $0x3  }
0x3ce: {  	v8 =	vand.u32 $0x7F, v8;
	v47 =	vand.u32 $0x7F, v9;
	v9 =	vshll.u32 v9, $0x3  }
0x3cf: {  	v48 =	vshll.u32 v10, $0x3;
	v10 =	vand.u32 $0x7F, v10;
	v49 =	vshll.u32 v11, $0x3  }
0x3d0: {  	v11 =	vand.u32 $0x7F, v11;
	v50 =	vshll.u32 v12, $0x3;
	v51 =	vand.u32 $0x7F, v12  }
0x3d1: {  	v54 =	vshll.u32 v13, $0x3;
	v55 =	vand.u32 $0x7F, v13;
	v56 =	vshll.u32 v14, $0x3  }
0x3d2: {  	v57 =	vand.u32 $0x7F, v14;
	v59 =	vand.u32 $0x7F, v15;
	v60 =	vshll.u32 v15, $0x3  }
0x3d3: {  	v61 =	vshll.u32 v16, $0x3;
	v63 =	vand.u32 $0x7F, v16;
	v15 =	vshll.u32 v17, $0x3  }
0x3d4: {  	v16 =	vand.u32 $0x7F, v17;
	v3 =	vand.u32 $0xFFFFFC00, v3;
	v20 =	vand.u32 $0xFFFFFC00, v20  }
0x3d5: {  	v43 =	vand.u32 $0xFFFFFC00, v42;
	v46 =	vand.u32 $0xFFFFFC00, v45;
	v3 =	vor.u32 v19, v3  }
0x3d6: {  	v4 =	vor.u32 v4, v20;
	v19 =	vand.u32 $0xFFFFFC00, v41;
	v3 =	vadd.s32 v1, v3  }
0x3d7: {  	v9 =	vand.u32 $0xFFFFFC00, v9;
	v4 =	vadd.s32 v1, v4;
	v5 =	vor.u32 v5, v19  }
0x3d8: {  	v6 =	vor.u32 v6, v43;
	v19 =	vand.u32 $0xFFFFFC00, v44;
	v5 =	vadd.s32 v1, v5  }
0x3d9: {  	v52 =	vand.u32 $0xFFFFFC00, v50;
	v6 =	vadd.s32 v1, v6;
	v7 =	vor.u32 v7, v19  }
0x3da: {  	v8 =	vor.u32 v8, v46;
	v9 =	vor.u32 v47, v9;
	v7 =	vadd.s32 v1, v7  }
0x3db: {  	v20 =	vand.u32 $0xFFFFFC00, v48;
	v53 =	vor.u32 v51, v52;
	v8 =	vadd.s32 v1, v8;
	[tilespmem:v3+s19+$0x0] =	vst.idx.add.f32.msk $0xffff, v2  }
0x3dc: {  	v10 =	vor.u32 v10, v20;
	v9 =	vadd.s32 v1, v9;
	v19 =	vand.u32 $0xFFFFFC00, v49;
	[tilespmem:v4+s19+$0x0] =	vst.idx.add.f32.msk $0xffff, v2  }
0x3dd: {  	v12 =	vand.u32 $0xFFFFFC00, v61;
	v10 =	vadd.s32 v1, v10;
	v3 =	vor.u32 v11, v19;
	[tilespmem:v5+s19+$0x0] =	vst.idx.add.f32.msk $0xffff, v2  }
0x3de: {  	v14 =	vor.u32 v63, v12;
	v11 =	vand.u32 $0xFFFFFC00, v54;
	v3 =	vadd.s32 v1, v3;
	[tilespmem:v6+s19+$0x0] =	vst.idx.add.f32.msk $0xffff, v2  }
0x3df: {  	v58 =	vand.u32 $0xFFFFFC00, v56;
	v4 =	vadd.s32 v1, v53;
	v5 =	vor.u32 v55, v11;
	[tilespmem:v7+s19+$0x0] =	vst.idx.add.f32.msk $0xffff, v2  }
0x3e0: {  	v62 =	vand.u32 $0xFFFFFC00, v60;
	v5 =	vadd.s32 v1, v5;
	v6 =	vor.u32 v57, v58;
	[tilespmem:v8+s19+$0x0] =	vst.idx.add.f32.msk $0xffff, v2  }
0x3e1: {  	v17 =	vshll.u32 v18, $0x3;
	v6 =	vadd.s32 v1, v6;
	v7 =	vor.u32 v59, v62;
	[tilespmem:v9+s19+$0x0] =	vst.idx.add.f32.msk $0xffff, v2  }
0x3e2: {  	v20 =	vand.u32 $0xFFFFFC00, v17;
	v7 =	vadd.s32 v1, v7;
	v9 =	vand.u32 $0xFFFFFC00, v15;
	[tilespmem:v10+s19+$0x0] =	vst.idx.add.f32.msk $0xffff, v2  }
0x3e3: {  	v19 =	vand.u32 $0x7F, v18;
	v8 =	vadd.s32 v1, v14;
	[tilespmem:v3+s19+$0x0] =	vst.idx.add.f32.msk $0xffff, v2;
	v3 =	vor.u32 v16, v9  }
0x3e4: {  	v21 =	vor.u32 v19, v20;
	[tilespmem:v4+s19+$0x0] =	vst.idx.add.f32.msk $0xffff, v2;
	v3 =	vadd.s32 v1, v3  }
0x3e5: {  	v4 =	vadd.s32 v1, v21;
	[tilespmem:v5+s19+$0x0] =	vst.idx.add.f32.msk $0xffff, v2  }
0x3e6: {  	[tilespmem:v6+s19+$0x0] =	vst.idx.add.f32.msk $0xffff, v2  }
0x3e7: {  	[tilespmem:v7+s19+$0x0] =	vst.idx.add.f32.msk $0xffff, v2  }
0x3e8: {  	[tilespmem:v8+s19+$0x0] =	vst.idx.add.f32.msk $0xffff, v2  }
0x3e9: {  	[tilespmem:v3+s19+$0x0] =	vst.idx.add.f32.msk $0xffff, v2  }
0x3ea: {  	[tilespmem:v4+s19+$0x0] =	vst.idx.add.f32.msk $0xffff, v2  }
0x3eb: {  	v3 =	vld [tilespmem:s30+$0x8080]  }
0x3ec: {  	v4 =	vld [tilespmem:s30+$0x8090]  }
0x3ed: {  	v5 =	vld [tilespmem:s30+$0x80A0]  }
0x3ee: {  	v6 =	vld [tilespmem:s30+$0x80B0]  }
0x3ef: {  	v7 =	vld [tilespmem:s30+$0x80C0]  }
0x3f0: {  	v8 =	vld [tilespmem:s30+$0x80D0]  }
0x3f1: {  	v22 =	vld [tilespmem:s30+$0x80E0]  }
0x3f2: {  	v23 =	vld [tilespmem:s30+$0x80F0]  }
0x3f3: {  	v24 =	vld [tilespmem:s30+$0x8480]  }
0x3f4: {  	v25 =	vld [tilespmem:s30+$0x8490]  }
0x3f5: {  	v26 =	vld [tilespmem:s30+$0x84A0]  }
0x3f6: {  	v27 =	vld [tilespmem:s30+$0x84B0]  }
0x3f7: {  	v28 =	vld [tilespmem:s30+$0x84C0];
	v3 =	vtrunc.f32 v3  }
0x3f8: {  	v29 =	vld [tilespmem:s30+$0x84D0];
	v4 =	vtrunc.f32 v4;
	v5 =	vtrunc.f32 v5  }
0x3f9: {  	v30 =	vld [tilespmem:s30+$0x84E0];
	v6 =	vtrunc.f32 v6;
	v7 =	vtrunc.f32 v7  }
0x3fa: {  	v31 =	vld [tilespmem:s30+$0x84F0];
	v8 =	vtrunc.f32 v8;
	v9 =	vtrunc.f32 v22  }
0x3fb: {  	v10 =	vtrunc.f32 v23;
	v11 =	vtrunc.f32 v24  }
0x3fc: {  	v12 =	vtrunc.f32 v25;
	v13 =	vtrunc.f32 v26  }
0x3fd: {  	v14 =	vtrunc.f32 v27;
	v15 =	vtrunc.f32 v28  }
0x3fe: {  	v16 =	vtrunc.f32 v29;
	v17 =	vtrunc.f32 v30  }
0x3ff: {  	v18 =	vtrunc.f32 v31;
	v3 =	vcvt.f32.s32 v3  }
0x400: {  	v4 =	vcvt.f32.s32 v4;
	v5 =	vcvt.f32.s32 v5  }
0x401: {  	v6 =	vcvt.f32.s32 v6;
	v7 =	vcvt.f32.s32 v7  }
0x402: {  	v8 =	vcvt.f32.s32 v8;
	v9 =	vcvt.f32.s32 v9  }
0x403: {  	v10 =	vcvt.f32.s32 v10;
	v11 =	vcvt.f32.s32 v11  }
0x404: {  	v12 =	vcvt.f32.s32 v12;
	v13 =	vcvt.f32.s32 v13  }
0x405: {  	v14 =	vcvt.f32.s32 v14;
	v15 =	vcvt.f32.s32 v15  }
0x406: {  	v16 =	vcvt.f32.s32 v16;
	v17 =	vcvt.f32.s32 v17  }
0x407: {  	v18 =	vcvt.f32.s32 v18;
	v32 =	vand.u32 $0x7F, v3;
	v3 =	vshll.u32 v3, $0x3  }
0x408: {  	v33 =	vshll.u32 v4, $0x3;
	v4 =	vand.u32 $0x7F, v4;
	v34 =	vshll.u32 v5, $0x3  }
0x409: {  	v5 =	vand.u32 $0x7F, v5;
	v35 =	vshll.u32 v6, $0x3;
	v6 =	vand.u32 $0x7F, v6  }
0x40a: {  	v37 =	vshll.u32 v7, $0x3;
	v7 =	vand.u32 $0x7F, v7;
	v38 =	vshll.u32 v8, $0x3  }
0x40b: {  	v8 =	vand.u32 $0x7F, v8;
	v40 =	vand.u32 $0x7F, v9;
	v9 =	vshll.u32 v9, $0x3  }
0x40c: {  	v41 =	vshll.u32 v10, $0x3;
	v10 =	vand.u32 $0x7F, v10;
	v42 =	vshll.u32 v11, $0x3  }
0x40d: {  	v11 =	vand.u32 $0x7F, v11;
	v43 =	vshll.u32 v12, $0x3;
	v44 =	vand.u32 $0x7F, v12  }
0x40e: {  	v47 =	vshll.u32 v13, $0x3;
	v48 =	vand.u32 $0x7F, v13;
	v49 =	vshll.u32 v14, $0x3  }
0x40f: {  	v50 =	vand.u32 $0x7F, v14;
	v52 =	vand.u32 $0x7F, v15;
	v53 =	vshll.u32 v15, $0x3  }
0x410: {  	v54 =	vshll.u32 v16, $0x3;
	v56 =	vand.u32 $0x7F, v16;
	v58 =	vshll.u32 v17, $0x3  }
0x411: {  	v59 =	vand.u32 $0x7F, v17;
	v60 =	vshll.u32 v18, $0x3;
	v3 =	vand.u32 $0xFFFFFC00, v3  }
0x412: {  	v61 =	vand.u32 $0x7F, v18;
	v20 =	vand.u32 $0xFFFFFC00, v33;
	v3 =	vor.u32 v32, v3  }
0x413: {  	v19 =	vand.u32 $0xFFFFFC00, v34;
	v4 =	vor.u32 v4, v20;
	v3 =	vadd.s32 v1, v3  }
0x414: {  	v36 =	vand.u32 $0xFFFFFC00, v35;
	v5 =	vor.u32 v5, v19;
	v4 =	vadd.s32 v1, v4  }
0x415: {  	v6 =	vor.u32 v6, v36;
	v19 =	vand.u32 $0xFFFFFC00, v37;
	v5 =	vadd.s32 v1, v5  }
0x416: {  	v39 =	vand.u32 $0xFFFFFC00, v38;
	v7 =	vor.u32 v7, v19;
	v6 =	vadd.s32 v1, v6  }
0x417: {  	v9 =	vand.u32 $0xFFFFFC00, v9;
	v8 =	vor.u32 v8, v39;
	v7 =	vadd.s32 v1, v7  }
0x418: {  	v20 =	vand.u32 $0xFFFFFC00, v41;
	v9 =	vor.u32 v40, v9;
	v8 =	vadd.s32 v1, v8;
	[tilespmem:v3+s19+$0x0] =	vst.idx.add.f32.msk $0xffff, v2  }
0x419: {  	v10 =	vor.u32 v10, v20;
	v9 =	vadd.s32 v1, v9;
	v19 =	vand.u32 $0xFFFFFC00, v42;
	[tilespmem:v4+s19+$0x0] =	vst.idx.add.f32.msk $0xffff, v2  }
0x41a: {  	v45 =	vand.u32 $0xFFFFFC00, v43;
	v10 =	vadd.s32 v1, v10;
	v3 =	vor.u32 v11, v19;
	[tilespmem:v5+s19+$0x0] =	vst.idx.add.f32.msk $0xffff, v2  }
0x41b: {  	v46 =	vor.u32 v44, v45;
	v11 =	vand.u32 $0xFFFFFC00, v47;
	v3 =	vadd.s32 v1, v3;
	[tilespmem:v6+s19+$0x0] =	vst.idx.add.f32.msk $0xffff, v2  }
0x41c: {  	v51 =	vand.u32 $0xFFFFFC00, v49;
	v4 =	vadd.s32 v1, v46;
	v5 =	vor.u32 v48, v11;
	[tilespmem:v7+s19+$0x0] =	vst.idx.add.f32.msk $0xffff, v2  }
0x41d: {  	v55 =	vand.u32 $0xFFFFFC00, v53;
	v5 =	vadd.s32 v1, v5;
	v6 =	vor.u32 v50, v51;
	[tilespmem:v8+s19+$0x0] =	vst.idx.add.f32.msk $0xffff, v2  }
0x41e: {  	v12 =	vand.u32 $0xFFFFFC00, v54;
	v6 =	vadd.s32 v1, v6;
	v7 =	vor.u32 v52, v55;
	[tilespmem:v9+s19+$0x0] =	vst.idx.add.f32.msk $0xffff, v2  }
0x41f: {  	v57 =	vor.u32 v56, v12;
	v7 =	vadd.s32 v1, v7;
	v9 =	vand.u32 $0xFFFFFC00, v58;
	[tilespmem:v10+s19+$0x0] =	vst.idx.add.f32.msk $0xffff, v2  }
0x420: {  	v62 =	vand.u32 $0xFFFFFC00, v60;
	v8 =	vadd.s32 v1, v57;
	[tilespmem:v3+s19+$0x0] =	vst.idx.add.f32.msk $0xffff, v2;
	v3 =	vor.u32 v59, v9  }
0x421: {  	s28 =	sadd.s32 $0x2, s28;
	v63 =	vor.u32 v61, v62;
	[tilespmem:v4+s19+$0x0] =	vst.idx.add.f32.msk $0xffff, v2;
	v3 =	vadd.s32 v1, v3  }
0x422: {  	p0 =	slt.u32 s28, $0x7E;
	v4 =	vadd.s32 v1, v63;
	[tilespmem:v5+s19+$0x0] =	vst.idx.add.f32.msk $0xffff, v2  }
.Ltmp8:
0x423: {  	[tilespmem:v6+s19+$0x0] =	vst.idx.add.f32.msk $0xffff, v2;
	(pc) =	sbr.rel @p0 .LBB2_18-.Ltmp8, $4  }
0x424: {  	[tilespmem:v7+s19+$0x0] =	vst.idx.add.f32.msk $0xffff, v2  }
0x425: {  	[tilespmem:v8+s19+$0x0] =	vst.idx.add.f32.msk $0xffff, v2  }
0x426: {  	[tilespmem:v3+s19+$0x0] =	vst.idx.add.f32.msk $0xffff, v2  }
0x427: {  	s29 =	sadd.s32 $0x100, s29;
	s26 =	sadd.s32 $0x200, s26;
	[tilespmem:v4+s19+$0x0] =	vst.idx.add.f32.msk $0xffff, v2  }
0x428: {  	s26 =	simm.s32 $0x0  }
0x429: {  	[tilespmem:s17], [sflag:$0x2] =	stream.linear.gather [hbm4b:s12+s26], $0x8000, $0x38;
	[tilespmem:$0x11100] =	vst v63  }
0x42a: {  	_ =	swait.ge [sflag:s18], $0x8000  }
0x42b: {  	[sflag:s18] =	ssyncset.done $0x0  }
0x42c: {  	s28 =	simm.s32 $0xFFFFFFFE;
	s29 =	simm.s32 $0x0;
	[sflag:s18] =	ssyncadd.s32 $0xFFFF8000  }
.LBB2_20:
0x42d: {  	s1 =	sand.u32 $0x7800, s26;
	s30 =	sand.u32 $0x300, s29  }
0x42e: {  	s30 =	sor.u32 s30, s1  }
0x42f: {  	v3 =	vld [tilespmem:s30+$0x0]  }
0x430: {  	v4 =	vld [tilespmem:s30+$0x10]  }
0x431: {  	v5 =	vld [tilespmem:s30+$0x20]  }
0x432: {  	v6 =	vld [tilespmem:s30+$0x30]  }
0x433: {  	v7 =	vld [tilespmem:s30+$0x40]  }
0x434: {  	v8 =	vld [tilespmem:s30+$0x50]  }
0x435: {  	v9 =	vld [tilespmem:s30+$0x60]  }
0x436: {  	v10 =	vld [tilespmem:s30+$0x70]  }
0x437: {  	v11 =	vld [tilespmem:s30+$0x400]  }
0x438: {  	v12 =	vld [tilespmem:s30+$0x410]  }
0x439: {  	v13 =	vld [tilespmem:s30+$0x420]  }
0x43a: {  	v14 =	vld [tilespmem:s30+$0x430]  }
0x43b: {  	v15 =	vld [tilespmem:s30+$0x440];
	v3 =	vtrunc.f32 v3  }
0x43c: {  	v16 =	vld [tilespmem:s30+$0x450];
	v4 =	vtrunc.f32 v4;
	v5 =	vtrunc.f32 v5  }
0x43d: {  	v17 =	vld [tilespmem:s30+$0x460];
	v6 =	vtrunc.f32 v6;
	v7 =	vtrunc.f32 v7  }
0x43e: {  	v18 =	vld [tilespmem:s30+$0x470];
	v8 =	vtrunc.f32 v8;
	v9 =	vtrunc.f32 v9  }
0x43f: {  	v10 =	vtrunc.f32 v10;
	v11 =	vtrunc.f32 v11  }
0x440: {  	v12 =	vtrunc.f32 v12;
	v13 =	vtrunc.f32 v13  }
0x441: {  	v14 =	vtrunc.f32 v14;
	v15 =	vtrunc.f32 v15  }
0x442: {  	v16 =	vtrunc.f32 v16;
	v17 =	vtrunc.f32 v17  }
0x443: {  	v18 =	vtrunc.f32 v18;
	v3 =	vcvt.f32.s32 v3  }
0x444: {  	v4 =	vcvt.f32.s32 v4;
	v5 =	vcvt.f32.s32 v5  }
0x445: {  	v6 =	vcvt.f32.s32 v6;
	v7 =	vcvt.f32.s32 v7  }
0x446: {  	v8 =	vcvt.f32.s32 v8;
	v9 =	vcvt.f32.s32 v9  }
0x447: {  	v10 =	vcvt.f32.s32 v10;
	v11 =	vcvt.f32.s32 v11  }
0x448: {  	v12 =	vcvt.f32.s32 v12;
	v13 =	vcvt.f32.s32 v13  }
0x449: {  	v14 =	vcvt.f32.s32 v14;
	v15 =	vcvt.f32.s32 v15  }
0x44a: {  	v16 =	vcvt.f32.s32 v16;
	v17 =	vcvt.f32.s32 v17  }
0x44b: {  	v18 =	vcvt.f32.s32 v18;
	v19 =	vand.u32 $0x7F, v3;
	v3 =	vshll.u32 v3, $0x3  }
0x44c: {  	v20 =	vshll.u32 v4, $0x3;
	v4 =	vand.u32 $0x7F, v4;
	v41 =	vshll.u32 v5, $0x3  }
0x44d: {  	v5 =	vand.u32 $0x7F, v5;
	v42 =	vshll.u32 v6, $0x3;
	v6 =	vand.u32 $0x7F, v6  }
0x44e: {  	v44 =	vshll.u32 v7, $0x3;
	v7 =	vand.u32 $0x7F, v7;
	v45 =	vshll.u32 v8, $0x3  }
0x44f: {  	v8 =	vand.u32 $0x7F, v8;
	v47 =	vand.u32 $0x7F, v9;
	v9 =	vshll.u32 v9, $0x3  }
0x450: {  	v48 =	vshll.u32 v10, $0x3;
	v10 =	vand.u32 $0x7F, v10;
	v49 =	vshll.u32 v11, $0x3  }
0x451: {  	v11 =	vand.u32 $0x7F, v11;
	v50 =	vshll.u32 v12, $0x3;
	v51 =	vand.u32 $0x7F, v12  }
0x452: {  	v54 =	vshll.u32 v13, $0x3;
	v55 =	vand.u32 $0x7F, v13;
	v56 =	vshll.u32 v14, $0x3  }
0x453: {  	v57 =	vand.u32 $0x7F, v14;
	v59 =	vand.u32 $0x7F, v15;
	v60 =	vshll.u32 v15, $0x3  }
0x454: {  	v61 =	vshll.u32 v16, $0x3;
	v63 =	vand.u32 $0x7F, v16;
	v15 =	vshll.u32 v17, $0x3  }
0x455: {  	v16 =	vand.u32 $0x7F, v17;
	v3 =	vand.u32 $0xFFFFFC00, v3;
	v20 =	vand.u32 $0xFFFFFC00, v20  }
0x456: {  	v43 =	vand.u32 $0xFFFFFC00, v42;
	v46 =	vand.u32 $0xFFFFFC00, v45;
	v3 =	vor.u32 v19, v3  }
0x457: {  	v4 =	vor.u32 v4, v20;
	v19 =	vand.u32 $0xFFFFFC00, v41;
	v3 =	vadd.s32 v1, v3  }
0x458: {  	v9 =	vand.u32 $0xFFFFFC00, v9;
	v4 =	vadd.s32 v1, v4;
	v5 =	vor.u32 v5, v19  }
0x459: {  	v6 =	vor.u32 v6, v43;
	v19 =	vand.u32 $0xFFFFFC00, v44;
	v5 =	vadd.s32 v1, v5  }
0x45a: {  	v52 =	vand.u32 $0xFFFFFC00, v50;
	v6 =	vadd.s32 v1, v6;
	v7 =	vor.u32 v7, v19  }
0x45b: {  	v8 =	vor.u32 v8, v46;
	v9 =	vor.u32 v47, v9;
	v7 =	vadd.s32 v1, v7  }
0x45c: {  	v20 =	vand.u32 $0xFFFFFC00, v48;
	v53 =	vor.u32 v51, v52;
	v8 =	vadd.s32 v1, v8;
	[tilespmem:v3+s19+$0x0] =	vst.idx.add.f32.msk $0xffff, v2  }
0x45d: {  	v10 =	vor.u32 v10, v20;
	v9 =	vadd.s32 v1, v9;
	v19 =	vand.u32 $0xFFFFFC00, v49;
	[tilespmem:v4+s19+$0x0] =	vst.idx.add.f32.msk $0xffff, v2  }
0x45e: {  	v12 =	vand.u32 $0xFFFFFC00, v61;
	v10 =	vadd.s32 v1, v10;
	v3 =	vor.u32 v11, v19;
	[tilespmem:v5+s19+$0x0] =	vst.idx.add.f32.msk $0xffff, v2  }
0x45f: {  	v14 =	vor.u32 v63, v12;
	v11 =	vand.u32 $0xFFFFFC00, v54;
	v3 =	vadd.s32 v1, v3;
	[tilespmem:v6+s19+$0x0] =	vst.idx.add.f32.msk $0xffff, v2  }
0x460: {  	v58 =	vand.u32 $0xFFFFFC00, v56;
	v4 =	vadd.s32 v1, v53;
	v5 =	vor.u32 v55, v11;
	[tilespmem:v7+s19+$0x0] =	vst.idx.add.f32.msk $0xffff, v2  }
0x461: {  	v62 =	vand.u32 $0xFFFFFC00, v60;
	v5 =	vadd.s32 v1, v5;
	v6 =	vor.u32 v57, v58;
	[tilespmem:v8+s19+$0x0] =	vst.idx.add.f32.msk $0xffff, v2  }
0x462: {  	v17 =	vshll.u32 v18, $0x3;
	v6 =	vadd.s32 v1, v6;
	v7 =	vor.u32 v59, v62;
	[tilespmem:v9+s19+$0x0] =	vst.idx.add.f32.msk $0xffff, v2  }
0x463: {  	v20 =	vand.u32 $0xFFFFFC00, v17;
	v7 =	vadd.s32 v1, v7;
	v9 =	vand.u32 $0xFFFFFC00, v15;
	[tilespmem:v10+s19+$0x0] =	vst.idx.add.f32.msk $0xffff, v2  }
0x464: {  	v19 =	vand.u32 $0x7F, v18;
	v8 =	vadd.s32 v1, v14;
	[tilespmem:v3+s19+$0x0] =	vst.idx.add.f32.msk $0xffff, v2;
	v3 =	vor.u32 v16, v9  }
0x465: {  	v21 =	vor.u32 v19, v20;
	[tilespmem:v4+s19+$0x0] =	vst.idx.add.f32.msk $0xffff, v2;
	v3 =	vadd.s32 v1, v3  }
0x466: {  	v4 =	vadd.s32 v1, v21;
	[tilespmem:v5+s19+$0x0] =	vst.idx.add.f32.msk $0xffff, v2  }
0x467: {  	[tilespmem:v6+s19+$0x0] =	vst.idx.add.f32.msk $0xffff, v2  }
0x468: {  	[tilespmem:v7+s19+$0x0] =	vst.idx.add.f32.msk $0xffff, v2  }
0x469: {  	[tilespmem:v8+s19+$0x0] =	vst.idx.add.f32.msk $0xffff, v2  }
0x46a: {  	[tilespmem:v3+s19+$0x0] =	vst.idx.add.f32.msk $0xffff, v2  }
0x46b: {  	[tilespmem:v4+s19+$0x0] =	vst.idx.add.f32.msk $0xffff, v2  }
0x46c: {  	v3 =	vld [tilespmem:s30+$0x80]  }
0x46d: {  	v4 =	vld [tilespmem:s30+$0x90]  }
0x46e: {  	v5 =	vld [tilespmem:s30+$0xA0]  }
0x46f: {  	v6 =	vld [tilespmem:s30+$0xB0]  }
0x470: {  	v7 =	vld [tilespmem:s30+$0xC0]  }
0x471: {  	v8 =	vld [tilespmem:s30+$0xD0]  }
0x472: {  	v22 =	vld [tilespmem:s30+$0xE0]  }
0x473: {  	v23 =	vld [tilespmem:s30+$0xF0]  }
0x474: {  	v24 =	vld [tilespmem:s30+$0x480]  }
0x475: {  	v25 =	vld [tilespmem:s30+$0x490]  }
0x476: {  	v26 =	vld [tilespmem:s30+$0x4A0]  }
0x477: {  	v27 =	vld [tilespmem:s30+$0x4B0]  }
0x478: {  	v28 =	vld [tilespmem:s30+$0x4C0];
	v3 =	vtrunc.f32 v3  }
0x479: {  	v29 =	vld [tilespmem:s30+$0x4D0];
	v4 =	vtrunc.f32 v4;
	v5 =	vtrunc.f32 v5  }
0x47a: {  	v30 =	vld [tilespmem:s30+$0x4E0];
	v6 =	vtrunc.f32 v6;
	v7 =	vtrunc.f32 v7  }
0x47b: {  	v31 =	vld [tilespmem:s30+$0x4F0];
	v8 =	vtrunc.f32 v8;
	v9 =	vtrunc.f32 v22  }
0x47c: {  	v10 =	vtrunc.f32 v23;
	v11 =	vtrunc.f32 v24  }
0x47d: {  	v12 =	vtrunc.f32 v25;
	v13 =	vtrunc.f32 v26  }
0x47e: {  	v14 =	vtrunc.f32 v27;
	v15 =	vtrunc.f32 v28  }
0x47f: {  	v16 =	vtrunc.f32 v29;
	v17 =	vtrunc.f32 v30  }
0x480: {  	v18 =	vtrunc.f32 v31;
	v3 =	vcvt.f32.s32 v3  }
0x481: {  	v4 =	vcvt.f32.s32 v4;
	v5 =	vcvt.f32.s32 v5  }
0x482: {  	v6 =	vcvt.f32.s32 v6;
	v7 =	vcvt.f32.s32 v7  }
0x483: {  	v8 =	vcvt.f32.s32 v8;
	v9 =	vcvt.f32.s32 v9  }
0x484: {  	v10 =	vcvt.f32.s32 v10;
	v11 =	vcvt.f32.s32 v11  }
0x485: {  	v12 =	vcvt.f32.s32 v12;
	v13 =	vcvt.f32.s32 v13  }
0x486: {  	v14 =	vcvt.f32.s32 v14;
	v15 =	vcvt.f32.s32 v15  }
0x487: {  	v16 =	vcvt.f32.s32 v16;
	v17 =	vcvt.f32.s32 v17  }
0x488: {  	v18 =	vcvt.f32.s32 v18;
	v32 =	vand.u32 $0x7F, v3;
	v3 =	vshll.u32 v3, $0x3  }
0x489: {  	v33 =	vshll.u32 v4, $0x3;
	v4 =	vand.u32 $0x7F, v4;
	v34 =	vshll.u32 v5, $0x3  }
0x48a: {  	v5 =	vand.u32 $0x7F, v5;
	v35 =	vshll.u32 v6, $0x3;
	v6 =	vand.u32 $0x7F, v6  }
0x48b: {  	v37 =	vshll.u32 v7, $0x3;
	v7 =	vand.u32 $0x7F, v7;
	v38 =	vshll.u32 v8, $0x3  }
0x48c: {  	v8 =	vand.u32 $0x7F, v8;
	v40 =	vand.u32 $0x7F, v9;
	v9 =	vshll.u32 v9, $0x3  }
0x48d: {  	v41 =	vshll.u32 v10, $0x3;
	v10 =	vand.u32 $0x7F, v10;
	v42 =	vshll.u32 v11, $0x3  }
0x48e: {  	v11 =	vand.u32 $0x7F, v11;
	v43 =	vshll.u32 v12, $0x3;
	v44 =	vand.u32 $0x7F, v12  }
0x48f: {  	v47 =	vshll.u32 v13, $0x3;
	v48 =	vand.u32 $0x7F, v13;
	v49 =	vshll.u32 v14, $0x3  }
0x490: {  	v50 =	vand.u32 $0x7F, v14;
	v52 =	vand.u32 $0x7F, v15;
	v53 =	vshll.u32 v15, $0x3  }
0x491: {  	v54 =	vshll.u32 v16, $0x3;
	v56 =	vand.u32 $0x7F, v16;
	v58 =	vshll.u32 v17, $0x3  }
0x492: {  	v59 =	vand.u32 $0x7F, v17;
	v60 =	vshll.u32 v18, $0x3;
	v3 =	vand.u32 $0xFFFFFC00, v3  }
0x493: {  	v61 =	vand.u32 $0x7F, v18;
	v20 =	vand.u32 $0xFFFFFC00, v33;
	v3 =	vor.u32 v32, v3  }
0x494: {  	v19 =	vand.u32 $0xFFFFFC00, v34;
	v4 =	vor.u32 v4, v20;
	v3 =	vadd.s32 v1, v3  }
0x495: {  	v36 =	vand.u32 $0xFFFFFC00, v35;
	v5 =	vor.u32 v5, v19;
	v4 =	vadd.s32 v1, v4  }
0x496: {  	v6 =	vor.u32 v6, v36;
	v19 =	vand.u32 $0xFFFFFC00, v37;
	v5 =	vadd.s32 v1, v5  }
0x497: {  	v39 =	vand.u32 $0xFFFFFC00, v38;
	v7 =	vor.u32 v7, v19;
	v6 =	vadd.s32 v1, v6  }
0x498: {  	v9 =	vand.u32 $0xFFFFFC00, v9;
	v8 =	vor.u32 v8, v39;
	v7 =	vadd.s32 v1, v7  }
0x499: {  	v20 =	vand.u32 $0xFFFFFC00, v41;
	v9 =	vor.u32 v40, v9;
	v8 =	vadd.s32 v1, v8;
	[tilespmem:v3+s19+$0x0] =	vst.idx.add.f32.msk $0xffff, v2  }
0x49a: {  	v10 =	vor.u32 v10, v20;
	v9 =	vadd.s32 v1, v9;
	v19 =	vand.u32 $0xFFFFFC00, v42;
	[tilespmem:v4+s19+$0x0] =	vst.idx.add.f32.msk $0xffff, v2  }
0x49b: {  	v45 =	vand.u32 $0xFFFFFC00, v43;
	v10 =	vadd.s32 v1, v10;
	v3 =	vor.u32 v11, v19;
	[tilespmem:v5+s19+$0x0] =	vst.idx.add.f32.msk $0xffff, v2  }
0x49c: {  	v46 =	vor.u32 v44, v45;
	v11 =	vand.u32 $0xFFFFFC00, v47;
	v3 =	vadd.s32 v1, v3;
	[tilespmem:v6+s19+$0x0] =	vst.idx.add.f32.msk $0xffff, v2  }
0x49d: {  	v51 =	vand.u32 $0xFFFFFC00, v49;
	v4 =	vadd.s32 v1, v46;
	v5 =	vor.u32 v48, v11;
	[tilespmem:v7+s19+$0x0] =	vst.idx.add.f32.msk $0xffff, v2  }
0x49e: {  	v55 =	vand.u32 $0xFFFFFC00, v53;
	v5 =	vadd.s32 v1, v5;
	v6 =	vor.u32 v50, v51;
	[tilespmem:v8+s19+$0x0] =	vst.idx.add.f32.msk $0xffff, v2  }
0x49f: {  	v12 =	vand.u32 $0xFFFFFC00, v54;
	v6 =	vadd.s32 v1, v6;
	v7 =	vor.u32 v52, v55;
	[tilespmem:v9+s19+$0x0] =	vst.idx.add.f32.msk $0xffff, v2  }
0x4a0: {  	v57 =	vor.u32 v56, v12;
	v7 =	vadd.s32 v1, v7;
	v9 =	vand.u32 $0xFFFFFC00, v58;
	[tilespmem:v10+s19+$0x0] =	vst.idx.add.f32.msk $0xffff, v2  }
0x4a1: {  	v62 =	vand.u32 $0xFFFFFC00, v60;
	v8 =	vadd.s32 v1, v57;
	[tilespmem:v3+s19+$0x0] =	vst.idx.add.f32.msk $0xffff, v2;
	v3 =	vor.u32 v59, v9  }
0x4a2: {  	s28 =	sadd.s32 $0x2, s28;
	v63 =	vor.u32 v61, v62;
	[tilespmem:v4+s19+$0x0] =	vst.idx.add.f32.msk $0xffff, v2;
	v3 =	vadd.s32 v1, v3  }
0x4a3: {  	p0 =	slt.u32 s28, $0x7E;
	v4 =	vadd.s32 v1, v63;
	[tilespmem:v5+s19+$0x0] =	vst.idx.add.f32.msk $0xffff, v2  }
.Ltmp9:
0x4a4: {  	[tilespmem:v6+s19+$0x0] =	vst.idx.add.f32.msk $0xffff, v2;
	(pc) =	sbr.rel @p0 .LBB2_20-.Ltmp9, $4  }
0x4a5: {  	[tilespmem:v7+s19+$0x0] =	vst.idx.add.f32.msk $0xffff, v2  }
0x4a6: {  	[tilespmem:v8+s19+$0x0] =	vst.idx.add.f32.msk $0xffff, v2  }
0x4a7: {  	[tilespmem:v3+s19+$0x0] =	vst.idx.add.f32.msk $0xffff, v2  }
0x4a8: {  	s29 =	sadd.s32 $0x100, s29;
	s26 =	sadd.s32 $0x200, s26;
	[tilespmem:v4+s19+$0x0] =	vst.idx.add.f32.msk $0xffff, v2  }
0x4a9: {  	s26 =	simm.s32 $0x0  }
0x4aa: {  	[tilespmem:s26], [sflag:$0x1] =	stream.linear.gather [hbm4b:s13+s26], $0x8000, $0x38;
	[tilespmem:$0x11100] =	vst v63  }
0x4ab: {  	_ =	swait.ge [sflag:s20], $0x8000  }
0x4ac: {  	[sflag:s20] =	ssyncset.done $0x0  }
0x4ad: {  	s28 =	simm.s32 $0xFFFFFFFE;
	s29 =	simm.s32 $0x0;
	[sflag:s20] =	ssyncadd.s32 $0xFFFF8000  }
.LBB2_22:
0x4ae: {  	s1 =	sand.u32 $0x7800, s26;
	s30 =	sand.u32 $0x300, s29  }
0x4af: {  	s30 =	sor.u32 s30, s1  }
0x4b0: {  	v3 =	vld [tilespmem:s30+$0x8000]  }
0x4b1: {  	v4 =	vld [tilespmem:s30+$0x8010]  }
0x4b2: {  	v5 =	vld [tilespmem:s30+$0x8020]  }
0x4b3: {  	v6 =	vld [tilespmem:s30+$0x8030]  }
0x4b4: {  	v7 =	vld [tilespmem:s30+$0x8040]  }
0x4b5: {  	v8 =	vld [tilespmem:s30+$0x8050]  }
0x4b6: {  	v9 =	vld [tilespmem:s30+$0x8060]  }
0x4b7: {  	v10 =	vld [tilespmem:s30+$0x8070]  }
0x4b8: {  	v11 =	vld [tilespmem:s30+$0x8400]  }
0x4b9: {  	v12 =	vld [tilespmem:s30+$0x8410]  }
0x4ba: {  	v13 =	vld [tilespmem:s30+$0x8420]  }
0x4bb: {  	v14 =	vld [tilespmem:s30+$0x8430]  }
0x4bc: {  	v15 =	vld [tilespmem:s30+$0x8440];
	v3 =	vtrunc.f32 v3  }
0x4bd: {  	v16 =	vld [tilespmem:s30+$0x8450];
	v4 =	vtrunc.f32 v4;
	v5 =	vtrunc.f32 v5  }
0x4be: {  	v17 =	vld [tilespmem:s30+$0x8460];
	v6 =	vtrunc.f32 v6;
	v7 =	vtrunc.f32 v7  }
0x4bf: {  	v18 =	vld [tilespmem:s30+$0x8470];
	v8 =	vtrunc.f32 v8;
	v9 =	vtrunc.f32 v9  }
0x4c0: {  	v10 =	vtrunc.f32 v10;
	v11 =	vtrunc.f32 v11  }
0x4c1: {  	v12 =	vtrunc.f32 v12;
	v13 =	vtrunc.f32 v13  }
0x4c2: {  	v14 =	vtrunc.f32 v14;
	v15 =	vtrunc.f32 v15  }
0x4c3: {  	v16 =	vtrunc.f32 v16;
	v17 =	vtrunc.f32 v17  }
0x4c4: {  	v18 =	vtrunc.f32 v18;
	v3 =	vcvt.f32.s32 v3  }
0x4c5: {  	v4 =	vcvt.f32.s32 v4;
	v5 =	vcvt.f32.s32 v5  }
0x4c6: {  	v6 =	vcvt.f32.s32 v6;
	v7 =	vcvt.f32.s32 v7  }
0x4c7: {  	v8 =	vcvt.f32.s32 v8;
	v9 =	vcvt.f32.s32 v9  }
0x4c8: {  	v10 =	vcvt.f32.s32 v10;
	v11 =	vcvt.f32.s32 v11  }
0x4c9: {  	v12 =	vcvt.f32.s32 v12;
	v13 =	vcvt.f32.s32 v13  }
0x4ca: {  	v14 =	vcvt.f32.s32 v14;
	v15 =	vcvt.f32.s32 v15  }
0x4cb: {  	v16 =	vcvt.f32.s32 v16;
	v17 =	vcvt.f32.s32 v17  }
0x4cc: {  	v18 =	vcvt.f32.s32 v18;
	v19 =	vand.u32 $0x7F, v3;
	v3 =	vshll.u32 v3, $0x3  }
0x4cd: {  	v20 =	vshll.u32 v4, $0x3;
	v4 =	vand.u32 $0x7F, v4;
	v41 =	vshll.u32 v5, $0x3  }
0x4ce: {  	v5 =	vand.u32 $0x7F, v5;
	v42 =	vshll.u32 v6, $0x3;
	v6 =	vand.u32 $0x7F, v6  }
0x4cf: {  	v44 =	vshll.u32 v7, $0x3;
	v7 =	vand.u32 $0x7F, v7;
	v45 =	vshll.u32 v8, $0x3  }
0x4d0: {  	v8 =	vand.u32 $0x7F, v8;
	v47 =	vand.u32 $0x7F, v9;
	v9 =	vshll.u32 v9, $0x3  }
0x4d1: {  	v48 =	vshll.u32 v10, $0x3;
	v10 =	vand.u32 $0x7F, v10;
	v49 =	vshll.u32 v11, $0x3  }
0x4d2: {  	v11 =	vand.u32 $0x7F, v11;
	v50 =	vshll.u32 v12, $0x3;
	v51 =	vand.u32 $0x7F, v12  }
0x4d3: {  	v54 =	vshll.u32 v13, $0x3;
	v55 =	vand.u32 $0x7F, v13;
	v56 =	vshll.u32 v14, $0x3  }
0x4d4: {  	v57 =	vand.u32 $0x7F, v14;
	v59 =	vand.u32 $0x7F, v15;
	v60 =	vshll.u32 v15, $0x3  }
0x4d5: {  	v61 =	vshll.u32 v16, $0x3;
	v63 =	vand.u32 $0x7F, v16;
	v15 =	vshll.u32 v17, $0x3  }
0x4d6: {  	v16 =	vand.u32 $0x7F, v17;
	v3 =	vand.u32 $0xFFFFFC00, v3;
	v20 =	vand.u32 $0xFFFFFC00, v20  }
0x4d7: {  	v43 =	vand.u32 $0xFFFFFC00, v42;
	v46 =	vand.u32 $0xFFFFFC00, v45;
	v3 =	vor.u32 v19, v3  }
0x4d8: {  	v4 =	vor.u32 v4, v20;
	v19 =	vand.u32 $0xFFFFFC00, v41;
	v3 =	vadd.s32 v1, v3  }
0x4d9: {  	v9 =	vand.u32 $0xFFFFFC00, v9;
	v4 =	vadd.s32 v1, v4;
	v5 =	vor.u32 v5, v19  }
0x4da: {  	v6 =	vor.u32 v6, v43;
	v19 =	vand.u32 $0xFFFFFC00, v44;
	v5 =	vadd.s32 v1, v5  }
0x4db: {  	v52 =	vand.u32 $0xFFFFFC00, v50;
	v6 =	vadd.s32 v1, v6;
	v7 =	vor.u32 v7, v19  }
0x4dc: {  	v8 =	vor.u32 v8, v46;
	v9 =	vor.u32 v47, v9;
	v7 =	vadd.s32 v1, v7  }
0x4dd: {  	v20 =	vand.u32 $0xFFFFFC00, v48;
	v53 =	vor.u32 v51, v52;
	v8 =	vadd.s32 v1, v8;
	[tilespmem:v3+s19+$0x0] =	vst.idx.add.f32.msk $0xffff, v2  }
0x4de: {  	v10 =	vor.u32 v10, v20;
	v9 =	vadd.s32 v1, v9;
	v19 =	vand.u32 $0xFFFFFC00, v49;
	[tilespmem:v4+s19+$0x0] =	vst.idx.add.f32.msk $0xffff, v2  }
0x4df: {  	v12 =	vand.u32 $0xFFFFFC00, v61;
	v10 =	vadd.s32 v1, v10;
	v3 =	vor.u32 v11, v19;
	[tilespmem:v5+s19+$0x0] =	vst.idx.add.f32.msk $0xffff, v2  }
0x4e0: {  	v14 =	vor.u32 v63, v12;
	v11 =	vand.u32 $0xFFFFFC00, v54;
	v3 =	vadd.s32 v1, v3;
	[tilespmem:v6+s19+$0x0] =	vst.idx.add.f32.msk $0xffff, v2  }
0x4e1: {  	v58 =	vand.u32 $0xFFFFFC00, v56;
	v4 =	vadd.s32 v1, v53;
	v5 =	vor.u32 v55, v11;
	[tilespmem:v7+s19+$0x0] =	vst.idx.add.f32.msk $0xffff, v2  }
0x4e2: {  	v62 =	vand.u32 $0xFFFFFC00, v60;
	v5 =	vadd.s32 v1, v5;
	v6 =	vor.u32 v57, v58;
	[tilespmem:v8+s19+$0x0] =	vst.idx.add.f32.msk $0xffff, v2  }
0x4e3: {  	v17 =	vshll.u32 v18, $0x3;
	v6 =	vadd.s32 v1, v6;
	v7 =	vor.u32 v59, v62;
	[tilespmem:v9+s19+$0x0] =	vst.idx.add.f32.msk $0xffff, v2  }
0x4e4: {  	v20 =	vand.u32 $0xFFFFFC00, v17;
	v7 =	vadd.s32 v1, v7;
	v9 =	vand.u32 $0xFFFFFC00, v15;
	[tilespmem:v10+s19+$0x0] =	vst.idx.add.f32.msk $0xffff, v2  }
0x4e5: {  	v19 =	vand.u32 $0x7F, v18;
	v8 =	vadd.s32 v1, v14;
	[tilespmem:v3+s19+$0x0] =	vst.idx.add.f32.msk $0xffff, v2;
	v3 =	vor.u32 v16, v9  }
0x4e6: {  	v21 =	vor.u32 v19, v20;
	[tilespmem:v4+s19+$0x0] =	vst.idx.add.f32.msk $0xffff, v2;
	v3 =	vadd.s32 v1, v3  }
0x4e7: {  	v4 =	vadd.s32 v1, v21;
	[tilespmem:v5+s19+$0x0] =	vst.idx.add.f32.msk $0xffff, v2  }
0x4e8: {  	[tilespmem:v6+s19+$0x0] =	vst.idx.add.f32.msk $0xffff, v2  }
0x4e9: {  	[tilespmem:v7+s19+$0x0] =	vst.idx.add.f32.msk $0xffff, v2  }
0x4ea: {  	[tilespmem:v8+s19+$0x0] =	vst.idx.add.f32.msk $0xffff, v2  }
0x4eb: {  	[tilespmem:v3+s19+$0x0] =	vst.idx.add.f32.msk $0xffff, v2  }
0x4ec: {  	[tilespmem:v4+s19+$0x0] =	vst.idx.add.f32.msk $0xffff, v2  }
0x4ed: {  	v3 =	vld [tilespmem:s30+$0x8080]  }
0x4ee: {  	v4 =	vld [tilespmem:s30+$0x8090]  }
0x4ef: {  	v5 =	vld [tilespmem:s30+$0x80A0]  }
0x4f0: {  	v6 =	vld [tilespmem:s30+$0x80B0]  }
0x4f1: {  	v7 =	vld [tilespmem:s30+$0x80C0]  }
0x4f2: {  	v8 =	vld [tilespmem:s30+$0x80D0]  }
0x4f3: {  	v22 =	vld [tilespmem:s30+$0x80E0]  }
0x4f4: {  	v23 =	vld [tilespmem:s30+$0x80F0]  }
0x4f5: {  	v24 =	vld [tilespmem:s30+$0x8480]  }
0x4f6: {  	v25 =	vld [tilespmem:s30+$0x8490]  }
0x4f7: {  	v26 =	vld [tilespmem:s30+$0x84A0]  }
0x4f8: {  	v27 =	vld [tilespmem:s30+$0x84B0]  }
0x4f9: {  	v28 =	vld [tilespmem:s30+$0x84C0];
	v3 =	vtrunc.f32 v3  }
0x4fa: {  	v29 =	vld [tilespmem:s30+$0x84D0];
	v4 =	vtrunc.f32 v4;
	v5 =	vtrunc.f32 v5  }
0x4fb: {  	v30 =	vld [tilespmem:s30+$0x84E0];
	v6 =	vtrunc.f32 v6;
	v7 =	vtrunc.f32 v7  }
0x4fc: {  	v31 =	vld [tilespmem:s30+$0x84F0];
	v8 =	vtrunc.f32 v8;
	v9 =	vtrunc.f32 v22  }
0x4fd: {  	v10 =	vtrunc.f32 v23;
	v11 =	vtrunc.f32 v24  }
0x4fe: {  	v12 =	vtrunc.f32 v25;
	v13 =	vtrunc.f32 v26  }
0x4ff: {  	v14 =	vtrunc.f32 v27;
	v15 =	vtrunc.f32 v28  }
0x500: {  	v16 =	vtrunc.f32 v29;
	v17 =	vtrunc.f32 v30  }
0x501: {  	v18 =	vtrunc.f32 v31;
	v3 =	vcvt.f32.s32 v3  }
0x502: {  	v4 =	vcvt.f32.s32 v4;
	v5 =	vcvt.f32.s32 v5  }
0x503: {  	v6 =	vcvt.f32.s32 v6;
	v7 =	vcvt.f32.s32 v7  }
0x504: {  	v8 =	vcvt.f32.s32 v8;
	v9 =	vcvt.f32.s32 v9  }
0x505: {  	v10 =	vcvt.f32.s32 v10;
	v11 =	vcvt.f32.s32 v11  }
0x506: {  	v12 =	vcvt.f32.s32 v12;
	v13 =	vcvt.f32.s32 v13  }
0x507: {  	v14 =	vcvt.f32.s32 v14;
	v15 =	vcvt.f32.s32 v15  }
0x508: {  	v16 =	vcvt.f32.s32 v16;
	v17 =	vcvt.f32.s32 v17  }
0x509: {  	v18 =	vcvt.f32.s32 v18;
	v32 =	vand.u32 $0x7F, v3;
	v3 =	vshll.u32 v3, $0x3  }
0x50a: {  	v33 =	vshll.u32 v4, $0x3;
	v4 =	vand.u32 $0x7F, v4;
	v34 =	vshll.u32 v5, $0x3  }
0x50b: {  	v5 =	vand.u32 $0x7F, v5;
	v35 =	vshll.u32 v6, $0x3;
	v6 =	vand.u32 $0x7F, v6  }
0x50c: {  	v37 =	vshll.u32 v7, $0x3;
	v7 =	vand.u32 $0x7F, v7;
	v38 =	vshll.u32 v8, $0x3  }
0x50d: {  	v8 =	vand.u32 $0x7F, v8;
	v40 =	vand.u32 $0x7F, v9;
	v9 =	vshll.u32 v9, $0x3  }
0x50e: {  	v41 =	vshll.u32 v10, $0x3;
	v10 =	vand.u32 $0x7F, v10;
	v42 =	vshll.u32 v11, $0x3  }
0x50f: {  	v11 =	vand.u32 $0x7F, v11;
	v43 =	vshll.u32 v12, $0x3;
	v44 =	vand.u32 $0x7F, v12  }
0x510: {  	v47 =	vshll.u32 v13, $0x3;
	v48 =	vand.u32 $0x7F, v13;
	v49 =	vshll.u32 v14, $0x3  }
0x511: {  	v50 =	vand.u32 $0x7F, v14;
	v52 =	vand.u32 $0x7F, v15;
	v53 =	vshll.u32 v15, $0x3  }
0x512: {  	v54 =	vshll.u32 v16, $0x3;
	v56 =	vand.u32 $0x7F, v16;
	v58 =	vshll.u32 v17, $0x3  }
0x513: {  	v59 =	vand.u32 $0x7F, v17;
	v60 =	vshll.u32 v18, $0x3;
	v3 =	vand.u32 $0xFFFFFC00, v3  }
0x514: {  	v61 =	vand.u32 $0x7F, v18;
	v20 =	vand.u32 $0xFFFFFC00, v33;
	v3 =	vor.u32 v32, v3  }
0x515: {  	v19 =	vand.u32 $0xFFFFFC00, v34;
	v4 =	vor.u32 v4, v20;
	v3 =	vadd.s32 v1, v3  }
0x516: {  	v36 =	vand.u32 $0xFFFFFC00, v35;
	v5 =	vor.u32 v5, v19;
	v4 =	vadd.s32 v1, v4  }
0x517: {  	v6 =	vor.u32 v6, v36;
	v19 =	vand.u32 $0xFFFFFC00, v37;
	v5 =	vadd.s32 v1, v5  }
0x518: {  	v39 =	vand.u32 $0xFFFFFC00, v38;
	v7 =	vor.u32 v7, v19;
	v6 =	vadd.s32 v1, v6  }
0x519: {  	v9 =	vand.u32 $0xFFFFFC00, v9;
	v8 =	vor.u32 v8, v39;
	v7 =	vadd.s32 v1, v7  }
0x51a: {  	v20 =	vand.u32 $0xFFFFFC00, v41;
	v9 =	vor.u32 v40, v9;
	v8 =	vadd.s32 v1, v8;
	[tilespmem:v3+s19+$0x0] =	vst.idx.add.f32.msk $0xffff, v2  }
0x51b: {  	v10 =	vor.u32 v10, v20;
	v9 =	vadd.s32 v1, v9;
	v19 =	vand.u32 $0xFFFFFC00, v42;
	[tilespmem:v4+s19+$0x0] =	vst.idx.add.f32.msk $0xffff, v2  }
0x51c: {  	v45 =	vand.u32 $0xFFFFFC00, v43;
	v10 =	vadd.s32 v1, v10;
	v3 =	vor.u32 v11, v19;
	[tilespmem:v5+s19+$0x0] =	vst.idx.add.f32.msk $0xffff, v2  }
0x51d: {  	v46 =	vor.u32 v44, v45;
	v11 =	vand.u32 $0xFFFFFC00, v47;
	v3 =	vadd.s32 v1, v3;
	[tilespmem:v6+s19+$0x0] =	vst.idx.add.f32.msk $0xffff, v2  }
0x51e: {  	v51 =	vand.u32 $0xFFFFFC00, v49;
	v4 =	vadd.s32 v1, v46;
	v5 =	vor.u32 v48, v11;
	[tilespmem:v7+s19+$0x0] =	vst.idx.add.f32.msk $0xffff, v2  }
0x51f: {  	v55 =	vand.u32 $0xFFFFFC00, v53;
	v5 =	vadd.s32 v1, v5;
	v6 =	vor.u32 v50, v51;
	[tilespmem:v8+s19+$0x0] =	vst.idx.add.f32.msk $0xffff, v2  }
0x520: {  	v12 =	vand.u32 $0xFFFFFC00, v54;
	v6 =	vadd.s32 v1, v6;
	v7 =	vor.u32 v52, v55;
	[tilespmem:v9+s19+$0x0] =	vst.idx.add.f32.msk $0xffff, v2  }
0x521: {  	v57 =	vor.u32 v56, v12;
	v7 =	vadd.s32 v1, v7;
	v9 =	vand.u32 $0xFFFFFC00, v58;
	[tilespmem:v10+s19+$0x0] =	vst.idx.add.f32.msk $0xffff, v2  }
0x522: {  	v62 =	vand.u32 $0xFFFFFC00, v60;
	v8 =	vadd.s32 v1, v57;
	[tilespmem:v3+s19+$0x0] =	vst.idx.add.f32.msk $0xffff, v2;
	v3 =	vor.u32 v59, v9  }
0x523: {  	s28 =	sadd.s32 $0x2, s28;
	v63 =	vor.u32 v61, v62;
	[tilespmem:v4+s19+$0x0] =	vst.idx.add.f32.msk $0xffff, v2;
	v3 =	vadd.s32 v1, v3  }
0x524: {  	p0 =	slt.u32 s28, $0x7E;
	v4 =	vadd.s32 v1, v63;
	[tilespmem:v5+s19+$0x0] =	vst.idx.add.f32.msk $0xffff, v2  }
.Ltmp10:
0x525: {  	[tilespmem:v6+s19+$0x0] =	vst.idx.add.f32.msk $0xffff, v2;
	(pc) =	sbr.rel @p0 .LBB2_22-.Ltmp10, $4  }
0x526: {  	[tilespmem:v7+s19+$0x0] =	vst.idx.add.f32.msk $0xffff, v2  }
0x527: {  	[tilespmem:v8+s19+$0x0] =	vst.idx.add.f32.msk $0xffff, v2  }
0x528: {  	[tilespmem:v3+s19+$0x0] =	vst.idx.add.f32.msk $0xffff, v2  }
0x529: {  	s29 =	sadd.s32 $0x100, s29;
	s26 =	sadd.s32 $0x200, s26;
	[tilespmem:v4+s19+$0x0] =	vst.idx.add.f32.msk $0xffff, v2  }
0x52a: {  	s26 =	simm.s32 $0x0  }
0x52b: {  	[tilespmem:s17], [sflag:$0x2] =	stream.linear.gather [hbm4b:s14+s26], $0x8000, $0x38;
	[tilespmem:$0x11100] =	vst v63  }
0x52c: {  	_ =	swait.ge [sflag:s18], $0x8000  }
0x52d: {  	[sflag:s18] =	ssyncset.done $0x0  }
0x52e: {  	s28 =	simm.s32 $0xFFFFFFFE;
	s29 =	simm.s32 $0x0;
	[sflag:s18] =	ssyncadd.s32 $0xFFFF8000  }
.LBB2_24:
0x52f: {  	s1 =	sand.u32 $0x7800, s26;
	s30 =	sand.u32 $0x300, s29  }
0x530: {  	s30 =	sor.u32 s30, s1  }
0x531: {  	v3 =	vld [tilespmem:s30+$0x0]  }
0x532: {  	v4 =	vld [tilespmem:s30+$0x10]  }
0x533: {  	v5 =	vld [tilespmem:s30+$0x20]  }
0x534: {  	v6 =	vld [tilespmem:s30+$0x30]  }
0x535: {  	v7 =	vld [tilespmem:s30+$0x40]  }
0x536: {  	v8 =	vld [tilespmem:s30+$0x50]  }
0x537: {  	v9 =	vld [tilespmem:s30+$0x60]  }
0x538: {  	v10 =	vld [tilespmem:s30+$0x70]  }
0x539: {  	v11 =	vld [tilespmem:s30+$0x400]  }
0x53a: {  	v12 =	vld [tilespmem:s30+$0x410]  }
0x53b: {  	v13 =	vld [tilespmem:s30+$0x420]  }
0x53c: {  	v14 =	vld [tilespmem:s30+$0x430]  }
0x53d: {  	v15 =	vld [tilespmem:s30+$0x440];
	v3 =	vtrunc.f32 v3  }
0x53e: {  	v16 =	vld [tilespmem:s30+$0x450];
	v4 =	vtrunc.f32 v4;
	v5 =	vtrunc.f32 v5  }
0x53f: {  	v17 =	vld [tilespmem:s30+$0x460];
	v6 =	vtrunc.f32 v6;
	v7 =	vtrunc.f32 v7  }
0x540: {  	v18 =	vld [tilespmem:s30+$0x470];
	v8 =	vtrunc.f32 v8;
	v9 =	vtrunc.f32 v9  }
0x541: {  	v10 =	vtrunc.f32 v10;
	v11 =	vtrunc.f32 v11  }
0x542: {  	v12 =	vtrunc.f32 v12;
	v13 =	vtrunc.f32 v13  }
0x543: {  	v14 =	vtrunc.f32 v14;
	v15 =	vtrunc.f32 v15  }
0x544: {  	v16 =	vtrunc.f32 v16;
	v17 =	vtrunc.f32 v17  }
0x545: {  	v18 =	vtrunc.f32 v18;
	v3 =	vcvt.f32.s32 v3  }
0x546: {  	v4 =	vcvt.f32.s32 v4;
	v5 =	vcvt.f32.s32 v5  }
0x547: {  	v6 =	vcvt.f32.s32 v6;
	v7 =	vcvt.f32.s32 v7  }
0x548: {  	v8 =	vcvt.f32.s32 v8;
	v9 =	vcvt.f32.s32 v9  }
0x549: {  	v10 =	vcvt.f32.s32 v10;
	v11 =	vcvt.f32.s32 v11  }
0x54a: {  	v12 =	vcvt.f32.s32 v12;
	v13 =	vcvt.f32.s32 v13  }
0x54b: {  	v14 =	vcvt.f32.s32 v14;
	v15 =	vcvt.f32.s32 v15  }
0x54c: {  	v16 =	vcvt.f32.s32 v16;
	v17 =	vcvt.f32.s32 v17  }
0x54d: {  	v18 =	vcvt.f32.s32 v18;
	v19 =	vand.u32 $0x7F, v3;
	v3 =	vshll.u32 v3, $0x3  }
0x54e: {  	v20 =	vshll.u32 v4, $0x3;
	v4 =	vand.u32 $0x7F, v4;
	v41 =	vshll.u32 v5, $0x3  }
0x54f: {  	v5 =	vand.u32 $0x7F, v5;
	v42 =	vshll.u32 v6, $0x3;
	v6 =	vand.u32 $0x7F, v6  }
0x550: {  	v44 =	vshll.u32 v7, $0x3;
	v7 =	vand.u32 $0x7F, v7;
	v45 =	vshll.u32 v8, $0x3  }
0x551: {  	v8 =	vand.u32 $0x7F, v8;
	v47 =	vand.u32 $0x7F, v9;
	v9 =	vshll.u32 v9, $0x3  }
0x552: {  	v48 =	vshll.u32 v10, $0x3;
	v10 =	vand.u32 $0x7F, v10;
	v49 =	vshll.u32 v11, $0x3  }
0x553: {  	v11 =	vand.u32 $0x7F, v11;
	v50 =	vshll.u32 v12, $0x3;
	v51 =	vand.u32 $0x7F, v12  }
0x554: {  	v54 =	vshll.u32 v13, $0x3;
	v55 =	vand.u32 $0x7F, v13;
	v56 =	vshll.u32 v14, $0x3  }
0x555: {  	v57 =	vand.u32 $0x7F, v14;
	v59 =	vand.u32 $0x7F, v15;
	v60 =	vshll.u32 v15, $0x3  }
0x556: {  	v61 =	vshll.u32 v16, $0x3;
	v63 =	vand.u32 $0x7F, v16;
	v15 =	vshll.u32 v17, $0x3  }
0x557: {  	v16 =	vand.u32 $0x7F, v17;
	v3 =	vand.u32 $0xFFFFFC00, v3;
	v20 =	vand.u32 $0xFFFFFC00, v20  }
0x558: {  	v43 =	vand.u32 $0xFFFFFC00, v42;
	v46 =	vand.u32 $0xFFFFFC00, v45;
	v3 =	vor.u32 v19, v3  }
0x559: {  	v4 =	vor.u32 v4, v20;
	v19 =	vand.u32 $0xFFFFFC00, v41;
	v3 =	vadd.s32 v1, v3  }
0x55a: {  	v9 =	vand.u32 $0xFFFFFC00, v9;
	v4 =	vadd.s32 v1, v4;
	v5 =	vor.u32 v5, v19  }
0x55b: {  	v6 =	vor.u32 v6, v43;
	v19 =	vand.u32 $0xFFFFFC00, v44;
	v5 =	vadd.s32 v1, v5  }
0x55c: {  	v52 =	vand.u32 $0xFFFFFC00, v50;
	v6 =	vadd.s32 v1, v6;
	v7 =	vor.u32 v7, v19  }
0x55d: {  	v8 =	vor.u32 v8, v46;
	v9 =	vor.u32 v47, v9;
	v7 =	vadd.s32 v1, v7  }
0x55e: {  	v20 =	vand.u32 $0xFFFFFC00, v48;
	v53 =	vor.u32 v51, v52;
	v8 =	vadd.s32 v1, v8;
	[tilespmem:v3+s19+$0x0] =	vst.idx.add.f32.msk $0xffff, v2  }
0x55f: {  	v10 =	vor.u32 v10, v20;
	v9 =	vadd.s32 v1, v9;
	v19 =	vand.u32 $0xFFFFFC00, v49;
	[tilespmem:v4+s19+$0x0] =	vst.idx.add.f32.msk $0xffff, v2  }
0x560: {  	v12 =	vand.u32 $0xFFFFFC00, v61;
	v10 =	vadd.s32 v1, v10;
	v3 =	vor.u32 v11, v19;
	[tilespmem:v5+s19+$0x0] =	vst.idx.add.f32.msk $0xffff, v2  }
0x561: {  	v14 =	vor.u32 v63, v12;
	v11 =	vand.u32 $0xFFFFFC00, v54;
	v3 =	vadd.s32 v1, v3;
	[tilespmem:v6+s19+$0x0] =	vst.idx.add.f32.msk $0xffff, v2  }
0x562: {  	v58 =	vand.u32 $0xFFFFFC00, v56;
	v4 =	vadd.s32 v1, v53;
	v5 =	vor.u32 v55, v11;
	[tilespmem:v7+s19+$0x0] =	vst.idx.add.f32.msk $0xffff, v2  }
0x563: {  	v62 =	vand.u32 $0xFFFFFC00, v60;
	v5 =	vadd.s32 v1, v5;
	v6 =	vor.u32 v57, v58;
	[tilespmem:v8+s19+$0x0] =	vst.idx.add.f32.msk $0xffff, v2  }
0x564: {  	v17 =	vshll.u32 v18, $0x3;
	v6 =	vadd.s32 v1, v6;
	v7 =	vor.u32 v59, v62;
	[tilespmem:v9+s19+$0x0] =	vst.idx.add.f32.msk $0xffff, v2  }
0x565: {  	v20 =	vand.u32 $0xFFFFFC00, v17;
	v7 =	vadd.s32 v1, v7;
	v9 =	vand.u32 $0xFFFFFC00, v15;
	[tilespmem:v10+s19+$0x0] =	vst.idx.add.f32.msk $0xffff, v2  }
0x566: {  	v19 =	vand.u32 $0x7F, v18;
	v8 =	vadd.s32 v1, v14;
	[tilespmem:v3+s19+$0x0] =	vst.idx.add.f32.msk $0xffff, v2;
	v3 =	vor.u32 v16, v9  }
0x567: {  	v21 =	vor.u32 v19, v20;
	[tilespmem:v4+s19+$0x0] =	vst.idx.add.f32.msk $0xffff, v2;
	v3 =	vadd.s32 v1, v3  }
0x568: {  	v4 =	vadd.s32 v1, v21;
	[tilespmem:v5+s19+$0x0] =	vst.idx.add.f32.msk $0xffff, v2  }
0x569: {  	[tilespmem:v6+s19+$0x0] =	vst.idx.add.f32.msk $0xffff, v2  }
0x56a: {  	[tilespmem:v7+s19+$0x0] =	vst.idx.add.f32.msk $0xffff, v2  }
0x56b: {  	[tilespmem:v8+s19+$0x0] =	vst.idx.add.f32.msk $0xffff, v2  }
0x56c: {  	[tilespmem:v3+s19+$0x0] =	vst.idx.add.f32.msk $0xffff, v2  }
0x56d: {  	[tilespmem:v4+s19+$0x0] =	vst.idx.add.f32.msk $0xffff, v2  }
0x56e: {  	v3 =	vld [tilespmem:s30+$0x80]  }
0x56f: {  	v4 =	vld [tilespmem:s30+$0x90]  }
0x570: {  	v5 =	vld [tilespmem:s30+$0xA0]  }
0x571: {  	v6 =	vld [tilespmem:s30+$0xB0]  }
0x572: {  	v7 =	vld [tilespmem:s30+$0xC0]  }
0x573: {  	v8 =	vld [tilespmem:s30+$0xD0]  }
0x574: {  	v22 =	vld [tilespmem:s30+$0xE0]  }
0x575: {  	v23 =	vld [tilespmem:s30+$0xF0]  }
0x576: {  	v24 =	vld [tilespmem:s30+$0x480]  }
0x577: {  	v25 =	vld [tilespmem:s30+$0x490]  }
0x578: {  	v26 =	vld [tilespmem:s30+$0x4A0]  }
0x579: {  	v27 =	vld [tilespmem:s30+$0x4B0]  }
0x57a: {  	v28 =	vld [tilespmem:s30+$0x4C0];
	v3 =	vtrunc.f32 v3  }
0x57b: {  	v29 =	vld [tilespmem:s30+$0x4D0];
	v4 =	vtrunc.f32 v4;
	v5 =	vtrunc.f32 v5  }
0x57c: {  	v30 =	vld [tilespmem:s30+$0x4E0];
	v6 =	vtrunc.f32 v6;
	v7 =	vtrunc.f32 v7  }
0x57d: {  	v31 =	vld [tilespmem:s30+$0x4F0];
	v8 =	vtrunc.f32 v8;
	v9 =	vtrunc.f32 v22  }
0x57e: {  	v10 =	vtrunc.f32 v23;
	v11 =	vtrunc.f32 v24  }
0x57f: {  	v12 =	vtrunc.f32 v25;
	v13 =	vtrunc.f32 v26  }
0x580: {  	v14 =	vtrunc.f32 v27;
	v15 =	vtrunc.f32 v28  }
0x581: {  	v16 =	vtrunc.f32 v29;
	v17 =	vtrunc.f32 v30  }
0x582: {  	v18 =	vtrunc.f32 v31;
	v3 =	vcvt.f32.s32 v3  }
0x583: {  	v4 =	vcvt.f32.s32 v4;
	v5 =	vcvt.f32.s32 v5  }
0x584: {  	v6 =	vcvt.f32.s32 v6;
	v7 =	vcvt.f32.s32 v7  }
0x585: {  	v8 =	vcvt.f32.s32 v8;
	v9 =	vcvt.f32.s32 v9  }
0x586: {  	v10 =	vcvt.f32.s32 v10;
	v11 =	vcvt.f32.s32 v11  }
0x587: {  	v12 =	vcvt.f32.s32 v12;
	v13 =	vcvt.f32.s32 v13  }
0x588: {  	v14 =	vcvt.f32.s32 v14;
	v15 =	vcvt.f32.s32 v15  }
0x589: {  	v16 =	vcvt.f32.s32 v16;
	v17 =	vcvt.f32.s32 v17  }
0x58a: {  	v18 =	vcvt.f32.s32 v18;
	v32 =	vand.u32 $0x7F, v3;
	v3 =	vshll.u32 v3, $0x3  }
0x58b: {  	v33 =	vshll.u32 v4, $0x3;
	v4 =	vand.u32 $0x7F, v4;
	v34 =	vshll.u32 v5, $0x3  }
0x58c: {  	v5 =	vand.u32 $0x7F, v5;
	v35 =	vshll.u32 v6, $0x3;
	v6 =	vand.u32 $0x7F, v6  }
0x58d: {  	v37 =	vshll.u32 v7, $0x3;
	v7 =	vand.u32 $0x7F, v7;
	v38 =	vshll.u32 v8, $0x3  }
0x58e: {  	v8 =	vand.u32 $0x7F, v8;
	v40 =	vand.u32 $0x7F, v9;
	v9 =	vshll.u32 v9, $0x3  }
0x58f: {  	v41 =	vshll.u32 v10, $0x3;
	v10 =	vand.u32 $0x7F, v10;
	v42 =	vshll.u32 v11, $0x3  }
0x590: {  	v11 =	vand.u32 $0x7F, v11;
	v43 =	vshll.u32 v12, $0x3;
	v44 =	vand.u32 $0x7F, v12  }
0x591: {  	v47 =	vshll.u32 v13, $0x3;
	v48 =	vand.u32 $0x7F, v13;
	v49 =	vshll.u32 v14, $0x3  }
0x592: {  	v50 =	vand.u32 $0x7F, v14;
	v52 =	vand.u32 $0x7F, v15;
	v53 =	vshll.u32 v15, $0x3  }
0x593: {  	v54 =	vshll.u32 v16, $0x3;
	v56 =	vand.u32 $0x7F, v16;
	v58 =	vshll.u32 v17, $0x3  }
0x594: {  	v59 =	vand.u32 $0x7F, v17;
	v60 =	vshll.u32 v18, $0x3;
	v3 =	vand.u32 $0xFFFFFC00, v3  }
0x595: {  	v61 =	vand.u32 $0x7F, v18;
	v20 =	vand.u32 $0xFFFFFC00, v33;
	v3 =	vor.u32 v32, v3  }
0x596: {  	v19 =	vand.u32 $0xFFFFFC00, v34;
	v4 =	vor.u32 v4, v20;
	v3 =	vadd.s32 v1, v3  }
0x597: {  	v36 =	vand.u32 $0xFFFFFC00, v35;
	v5 =	vor.u32 v5, v19;
	v4 =	vadd.s32 v1, v4  }
0x598: {  	v6 =	vor.u32 v6, v36;
	v19 =	vand.u32 $0xFFFFFC00, v37;
	v5 =	vadd.s32 v1, v5  }
0x599: {  	v39 =	vand.u32 $0xFFFFFC00, v38;
	v7 =	vor.u32 v7, v19;
	v6 =	vadd.s32 v1, v6  }
0x59a: {  	v9 =	vand.u32 $0xFFFFFC00, v9;
	v8 =	vor.u32 v8, v39;
	v7 =	vadd.s32 v1, v7  }
0x59b: {  	v20 =	vand.u32 $0xFFFFFC00, v41;
	v9 =	vor.u32 v40, v9;
	v8 =	vadd.s32 v1, v8;
	[tilespmem:v3+s19+$0x0] =	vst.idx.add.f32.msk $0xffff, v2  }
0x59c: {  	v10 =	vor.u32 v10, v20;
	v9 =	vadd.s32 v1, v9;
	v19 =	vand.u32 $0xFFFFFC00, v42;
	[tilespmem:v4+s19+$0x0] =	vst.idx.add.f32.msk $0xffff, v2  }
0x59d: {  	v45 =	vand.u32 $0xFFFFFC00, v43;
	v10 =	vadd.s32 v1, v10;
	v3 =	vor.u32 v11, v19;
	[tilespmem:v5+s19+$0x0] =	vst.idx.add.f32.msk $0xffff, v2  }
0x59e: {  	v46 =	vor.u32 v44, v45;
	v11 =	vand.u32 $0xFFFFFC00, v47;
	v3 =	vadd.s32 v1, v3;
	[tilespmem:v6+s19+$0x0] =	vst.idx.add.f32.msk $0xffff, v2  }
0x59f: {  	v51 =	vand.u32 $0xFFFFFC00, v49;
	v4 =	vadd.s32 v1, v46;
	v5 =	vor.u32 v48, v11;
	[tilespmem:v7+s19+$0x0] =	vst.idx.add.f32.msk $0xffff, v2  }
0x5a0: {  	v55 =	vand.u32 $0xFFFFFC00, v53;
	v5 =	vadd.s32 v1, v5;
	v6 =	vor.u32 v50, v51;
	[tilespmem:v8+s19+$0x0] =	vst.idx.add.f32.msk $0xffff, v2  }
0x5a1: {  	v12 =	vand.u32 $0xFFFFFC00, v54;
	v6 =	vadd.s32 v1, v6;
	v7 =	vor.u32 v52, v55;
	[tilespmem:v9+s19+$0x0] =	vst.idx.add.f32.msk $0xffff, v2  }
0x5a2: {  	v57 =	vor.u32 v56, v12;
	v7 =	vadd.s32 v1, v7;
	v9 =	vand.u32 $0xFFFFFC00, v58;
	[tilespmem:v10+s19+$0x0] =	vst.idx.add.f32.msk $0xffff, v2  }
0x5a3: {  	v62 =	vand.u32 $0xFFFFFC00, v60;
	v8 =	vadd.s32 v1, v57;
	[tilespmem:v3+s19+$0x0] =	vst.idx.add.f32.msk $0xffff, v2;
	v3 =	vor.u32 v59, v9  }
0x5a4: {  	s28 =	sadd.s32 $0x2, s28;
	v63 =	vor.u32 v61, v62;
	[tilespmem:v4+s19+$0x0] =	vst.idx.add.f32.msk $0xffff, v2;
	v3 =	vadd.s32 v1, v3  }
0x5a5: {  	p0 =	slt.u32 s28, $0x7E;
	v4 =	vadd.s32 v1, v63;
	[tilespmem:v5+s19+$0x0] =	vst.idx.add.f32.msk $0xffff, v2  }
.Ltmp11:
0x5a6: {  	[tilespmem:v6+s19+$0x0] =	vst.idx.add.f32.msk $0xffff, v2;
	(pc) =	sbr.rel @p0 .LBB2_24-.Ltmp11, $4  }
0x5a7: {  	[tilespmem:v7+s19+$0x0] =	vst.idx.add.f32.msk $0xffff, v2  }
0x5a8: {  	[tilespmem:v8+s19+$0x0] =	vst.idx.add.f32.msk $0xffff, v2  }
0x5a9: {  	[tilespmem:v3+s19+$0x0] =	vst.idx.add.f32.msk $0xffff, v2  }
0x5aa: {  	s29 =	sadd.s32 $0x100, s29;
	s26 =	sadd.s32 $0x200, s26;
	[tilespmem:v4+s19+$0x0] =	vst.idx.add.f32.msk $0xffff, v2  }
0x5ab: {  	_ =	swait.ge [sflag:s20], $0x8000  }
0x5ac: {  	s28 =	simm.s32 $0xFFFFFFFE;
	s26 =	simm.s32 $0x0;
	[sflag:s20] =	ssyncset.done $0x0  }
0x5ad: {  	s29 =	simm.s32 $0x0;
	s30 =	simm.s32 $0x0;
	[sflag:s20] =	ssyncadd.s32 $0xFFFF8000  }
.LBB2_26:
0x5ae: {  	s1 =	sand.u32 $0x7800, s29;
	s31 =	sand.u32 $0x300, s30  }
0x5af: {  	s31 =	sor.u32 s31, s1  }
0x5b0: {  	v3 =	vld [tilespmem:s31+$0x8000]  }
0x5b1: {  	v4 =	vld [tilespmem:s31+$0x8010]  }
0x5b2: {  	v5 =	vld [tilespmem:s31+$0x8020]  }
0x5b3: {  	v6 =	vld [tilespmem:s31+$0x8030]  }
0x5b4: {  	v7 =	vld [tilespmem:s31+$0x8040]  }
0x5b5: {  	v8 =	vld [tilespmem:s31+$0x8050]  }
0x5b6: {  	v9 =	vld [tilespmem:s31+$0x8060]  }
0x5b7: {  	v10 =	vld [tilespmem:s31+$0x8070]  }
0x5b8: {  	v11 =	vld [tilespmem:s31+$0x8400]  }
0x5b9: {  	v12 =	vld [tilespmem:s31+$0x8410]  }
0x5ba: {  	v13 =	vld [tilespmem:s31+$0x8420]  }
0x5bb: {  	v14 =	vld [tilespmem:s31+$0x8430]  }
0x5bc: {  	v15 =	vld [tilespmem:s31+$0x8440];
	v3 =	vtrunc.f32 v3  }
0x5bd: {  	v16 =	vld [tilespmem:s31+$0x8450];
	v4 =	vtrunc.f32 v4;
	v5 =	vtrunc.f32 v5  }
0x5be: {  	v17 =	vld [tilespmem:s31+$0x8460];
	v6 =	vtrunc.f32 v6;
	v7 =	vtrunc.f32 v7  }
0x5bf: {  	v18 =	vld [tilespmem:s31+$0x8470];
	v8 =	vtrunc.f32 v8;
	v9 =	vtrunc.f32 v9  }
0x5c0: {  	v10 =	vtrunc.f32 v10;
	v11 =	vtrunc.f32 v11  }
0x5c1: {  	v12 =	vtrunc.f32 v12;
	v13 =	vtrunc.f32 v13  }
0x5c2: {  	v14 =	vtrunc.f32 v14;
	v15 =	vtrunc.f32 v15  }
0x5c3: {  	v16 =	vtrunc.f32 v16;
	v17 =	vtrunc.f32 v17  }
0x5c4: {  	v18 =	vtrunc.f32 v18;
	v3 =	vcvt.f32.s32 v3  }
0x5c5: {  	v4 =	vcvt.f32.s32 v4;
	v5 =	vcvt.f32.s32 v5  }
0x5c6: {  	v6 =	vcvt.f32.s32 v6;
	v7 =	vcvt.f32.s32 v7  }
0x5c7: {  	v8 =	vcvt.f32.s32 v8;
	v9 =	vcvt.f32.s32 v9  }
0x5c8: {  	v10 =	vcvt.f32.s32 v10;
	v11 =	vcvt.f32.s32 v11  }
0x5c9: {  	v12 =	vcvt.f32.s32 v12;
	v13 =	vcvt.f32.s32 v13  }
0x5ca: {  	v14 =	vcvt.f32.s32 v14;
	v15 =	vcvt.f32.s32 v15  }
0x5cb: {  	v16 =	vcvt.f32.s32 v16;
	v17 =	vcvt.f32.s32 v17  }
0x5cc: {  	v18 =	vcvt.f32.s32 v18;
	v19 =	vand.u32 $0x7F, v3;
	v3 =	vshll.u32 v3, $0x3  }
0x5cd: {  	v20 =	vshll.u32 v4, $0x3;
	v4 =	vand.u32 $0x7F, v4;
	v41 =	vshll.u32 v5, $0x3  }
0x5ce: {  	v5 =	vand.u32 $0x7F, v5;
	v42 =	vshll.u32 v6, $0x3;
	v6 =	vand.u32 $0x7F, v6  }
0x5cf: {  	v44 =	vshll.u32 v7, $0x3;
	v7 =	vand.u32 $0x7F, v7;
	v45 =	vshll.u32 v8, $0x3  }
0x5d0: {  	v8 =	vand.u32 $0x7F, v8;
	v47 =	vand.u32 $0x7F, v9;
	v9 =	vshll.u32 v9, $0x3  }
0x5d1: {  	v48 =	vshll.u32 v10, $0x3;
	v10 =	vand.u32 $0x7F, v10;
	v49 =	vshll.u32 v11, $0x3  }
0x5d2: {  	v11 =	vand.u32 $0x7F, v11;
	v50 =	vshll.u32 v12, $0x3;
	v51 =	vand.u32 $0x7F, v12  }
0x5d3: {  	v54 =	vshll.u32 v13, $0x3;
	v55 =	vand.u32 $0x7F, v13;
	v56 =	vshll.u32 v14, $0x3  }
0x5d4: {  	v57 =	vand.u32 $0x7F, v14;
	v59 =	vand.u32 $0x7F, v15;
	v60 =	vshll.u32 v15, $0x3  }
0x5d5: {  	v61 =	vshll.u32 v16, $0x3;
	v63 =	vand.u32 $0x7F, v16;
	v15 =	vshll.u32 v17, $0x3  }
0x5d6: {  	v16 =	vand.u32 $0x7F, v17;
	v3 =	vand.u32 $0xFFFFFC00, v3;
	v20 =	vand.u32 $0xFFFFFC00, v20  }
0x5d7: {  	v43 =	vand.u32 $0xFFFFFC00, v42;
	v46 =	vand.u32 $0xFFFFFC00, v45;
	v3 =	vor.u32 v19, v3  }
0x5d8: {  	v4 =	vor.u32 v4, v20;
	v19 =	vand.u32 $0xFFFFFC00, v41;
	v3 =	vadd.s32 v1, v3  }
0x5d9: {  	v9 =	vand.u32 $0xFFFFFC00, v9;
	v4 =	vadd.s32 v1, v4;
	v5 =	vor.u32 v5, v19  }
0x5da: {  	v6 =	vor.u32 v6, v43;
	v19 =	vand.u32 $0xFFFFFC00, v44;
	v5 =	vadd.s32 v1, v5  }
0x5db: {  	v52 =	vand.u32 $0xFFFFFC00, v50;
	v6 =	vadd.s32 v1, v6;
	v7 =	vor.u32 v7, v19  }
0x5dc: {  	v8 =	vor.u32 v8, v46;
	v9 =	vor.u32 v47, v9;
	v7 =	vadd.s32 v1, v7  }
0x5dd: {  	v20 =	vand.u32 $0xFFFFFC00, v48;
	v53 =	vor.u32 v51, v52;
	v8 =	vadd.s32 v1, v8;
	[tilespmem:v3+s19+$0x0] =	vst.idx.add.f32.msk $0xffff, v2  }
0x5de: {  	v10 =	vor.u32 v10, v20;
	v9 =	vadd.s32 v1, v9;
	v19 =	vand.u32 $0xFFFFFC00, v49;
	[tilespmem:v4+s19+$0x0] =	vst.idx.add.f32.msk $0xffff, v2  }
0x5df: {  	v12 =	vand.u32 $0xFFFFFC00, v61;
	v10 =	vadd.s32 v1, v10;
	v3 =	vor.u32 v11, v19;
	[tilespmem:v5+s19+$0x0] =	vst.idx.add.f32.msk $0xffff, v2  }
0x5e0: {  	v14 =	vor.u32 v63, v12;
	v11 =	vand.u32 $0xFFFFFC00, v54;
	v3 =	vadd.s32 v1, v3;
	[tilespmem:v6+s19+$0x0] =	vst.idx.add.f32.msk $0xffff, v2  }
0x5e1: {  	v58 =	vand.u32 $0xFFFFFC00, v56;
	v4 =	vadd.s32 v1, v53;
	v5 =	vor.u32 v55, v11;
	[tilespmem:v7+s19+$0x0] =	vst.idx.add.f32.msk $0xffff, v2  }
0x5e2: {  	v62 =	vand.u32 $0xFFFFFC00, v60;
	v5 =	vadd.s32 v1, v5;
	v6 =	vor.u32 v57, v58;
	[tilespmem:v8+s19+$0x0] =	vst.idx.add.f32.msk $0xffff, v2  }
0x5e3: {  	v17 =	vshll.u32 v18, $0x3;
	v6 =	vadd.s32 v1, v6;
	v7 =	vor.u32 v59, v62;
	[tilespmem:v9+s19+$0x0] =	vst.idx.add.f32.msk $0xffff, v2  }
0x5e4: {  	v20 =	vand.u32 $0xFFFFFC00, v17;
	v7 =	vadd.s32 v1, v7;
	v9 =	vand.u32 $0xFFFFFC00, v15;
	[tilespmem:v10+s19+$0x0] =	vst.idx.add.f32.msk $0xffff, v2  }
0x5e5: {  	v19 =	vand.u32 $0x7F, v18;
	v8 =	vadd.s32 v1, v14;
	[tilespmem:v3+s19+$0x0] =	vst.idx.add.f32.msk $0xffff, v2;
	v3 =	vor.u32 v16, v9  }
0x5e6: {  	v21 =	vor.u32 v19, v20;
	[tilespmem:v4+s19+$0x0] =	vst.idx.add.f32.msk $0xffff, v2;
	v3 =	vadd.s32 v1, v3  }
0x5e7: {  	v4 =	vadd.s32 v1, v21;
	[tilespmem:v5+s19+$0x0] =	vst.idx.add.f32.msk $0xffff, v2  }
0x5e8: {  	[tilespmem:v6+s19+$0x0] =	vst.idx.add.f32.msk $0xffff, v2  }
0x5e9: {  	[tilespmem:v7+s19+$0x0] =	vst.idx.add.f32.msk $0xffff, v2  }
0x5ea: {  	[tilespmem:v8+s19+$0x0] =	vst.idx.add.f32.msk $0xffff, v2  }
0x5eb: {  	[tilespmem:v3+s19+$0x0] =	vst.idx.add.f32.msk $0xffff, v2  }
0x5ec: {  	[tilespmem:v4+s19+$0x0] =	vst.idx.add.f32.msk $0xffff, v2  }
0x5ed: {  	v3 =	vld [tilespmem:s31+$0x8080]  }
0x5ee: {  	v4 =	vld [tilespmem:s31+$0x8090]  }
0x5ef: {  	v5 =	vld [tilespmem:s31+$0x80A0]  }
0x5f0: {  	v6 =	vld [tilespmem:s31+$0x80B0]  }
0x5f1: {  	v7 =	vld [tilespmem:s31+$0x80C0]  }
0x5f2: {  	v8 =	vld [tilespmem:s31+$0x80D0]  }
0x5f3: {  	v22 =	vld [tilespmem:s31+$0x80E0]  }
0x5f4: {  	v23 =	vld [tilespmem:s31+$0x80F0]  }
0x5f5: {  	v24 =	vld [tilespmem:s31+$0x8480]  }
0x5f6: {  	v25 =	vld [tilespmem:s31+$0x8490]  }
0x5f7: {  	v26 =	vld [tilespmem:s31+$0x84A0]  }
0x5f8: {  	v27 =	vld [tilespmem:s31+$0x84B0]  }
0x5f9: {  	v28 =	vld [tilespmem:s31+$0x84C0];
	v3 =	vtrunc.f32 v3  }
0x5fa: {  	v29 =	vld [tilespmem:s31+$0x84D0];
	v4 =	vtrunc.f32 v4;
	v5 =	vtrunc.f32 v5  }
0x5fb: {  	v30 =	vld [tilespmem:s31+$0x84E0];
	v6 =	vtrunc.f32 v6;
	v7 =	vtrunc.f32 v7  }
0x5fc: {  	v31 =	vld [tilespmem:s31+$0x84F0];
	v8 =	vtrunc.f32 v8;
	v9 =	vtrunc.f32 v22  }
0x5fd: {  	v10 =	vtrunc.f32 v23;
	v11 =	vtrunc.f32 v24  }
0x5fe: {  	v12 =	vtrunc.f32 v25;
	v13 =	vtrunc.f32 v26  }
0x5ff: {  	v14 =	vtrunc.f32 v27;
	v15 =	vtrunc.f32 v28  }
0x600: {  	v16 =	vtrunc.f32 v29;
	v17 =	vtrunc.f32 v30  }
0x601: {  	v18 =	vtrunc.f32 v31;
	v3 =	vcvt.f32.s32 v3  }
0x602: {  	v4 =	vcvt.f32.s32 v4;
	v5 =	vcvt.f32.s32 v5  }
0x603: {  	v6 =	vcvt.f32.s32 v6;
	v7 =	vcvt.f32.s32 v7  }
0x604: {  	v8 =	vcvt.f32.s32 v8;
	v9 =	vcvt.f32.s32 v9  }
0x605: {  	v10 =	vcvt.f32.s32 v10;
	v11 =	vcvt.f32.s32 v11  }
0x606: {  	v12 =	vcvt.f32.s32 v12;
	v13 =	vcvt.f32.s32 v13  }
0x607: {  	v14 =	vcvt.f32.s32 v14;
	v15 =	vcvt.f32.s32 v15  }
0x608: {  	v16 =	vcvt.f32.s32 v16;
	v17 =	vcvt.f32.s32 v17  }
0x609: {  	v18 =	vcvt.f32.s32 v18;
	v32 =	vand.u32 $0x7F, v3;
	v3 =	vshll.u32 v3, $0x3  }
0x60a: {  	v33 =	vshll.u32 v4, $0x3;
	v4 =	vand.u32 $0x7F, v4;
	v34 =	vshll.u32 v5, $0x3  }
0x60b: {  	v5 =	vand.u32 $0x7F, v5;
	v35 =	vshll.u32 v6, $0x3;
	v6 =	vand.u32 $0x7F, v6  }
0x60c: {  	v37 =	vshll.u32 v7, $0x3;
	v7 =	vand.u32 $0x7F, v7;
	v38 =	vshll.u32 v8, $0x3  }
0x60d: {  	v8 =	vand.u32 $0x7F, v8;
	v40 =	vand.u32 $0x7F, v9;
	v9 =	vshll.u32 v9, $0x3  }
0x60e: {  	v41 =	vshll.u32 v10, $0x3;
	v10 =	vand.u32 $0x7F, v10;
	v42 =	vshll.u32 v11, $0x3  }
0x60f: {  	v11 =	vand.u32 $0x7F, v11;
	v43 =	vshll.u32 v12, $0x3;
	v44 =	vand.u32 $0x7F, v12  }
0x610: {  	v47 =	vshll.u32 v13, $0x3;
	v48 =	vand.u32 $0x7F, v13;
	v49 =	vshll.u32 v14, $0x3  }
0x611: {  	v50 =	vand.u32 $0x7F, v14;
	v52 =	vand.u32 $0x7F, v15;
	v53 =	vshll.u32 v15, $0x3  }
0x612: {  	v54 =	vshll.u32 v16, $0x3;
	v56 =	vand.u32 $0x7F, v16;
	v58 =	vshll.u32 v17, $0x3  }
0x613: {  	v59 =	vand.u32 $0x7F, v17;
	v60 =	vshll.u32 v18, $0x3;
	v3 =	vand.u32 $0xFFFFFC00, v3  }
0x614: {  	v61 =	vand.u32 $0x7F, v18;
	v20 =	vand.u32 $0xFFFFFC00, v33;
	v3 =	vor.u32 v32, v3  }
0x615: {  	v19 =	vand.u32 $0xFFFFFC00, v34;
	v4 =	vor.u32 v4, v20;
	v3 =	vadd.s32 v1, v3  }
0x616: {  	v36 =	vand.u32 $0xFFFFFC00, v35;
	v5 =	vor.u32 v5, v19;
	v4 =	vadd.s32 v1, v4  }
0x617: {  	v6 =	vor.u32 v6, v36;
	v19 =	vand.u32 $0xFFFFFC00, v37;
	v5 =	vadd.s32 v1, v5  }
0x618: {  	v39 =	vand.u32 $0xFFFFFC00, v38;
	v7 =	vor.u32 v7, v19;
	v6 =	vadd.s32 v1, v6  }
0x619: {  	v9 =	vand.u32 $0xFFFFFC00, v9;
	v8 =	vor.u32 v8, v39;
	v7 =	vadd.s32 v1, v7  }
0x61a: {  	v20 =	vand.u32 $0xFFFFFC00, v41;
	v9 =	vor.u32 v40, v9;
	v8 =	vadd.s32 v1, v8;
	[tilespmem:v3+s19+$0x0] =	vst.idx.add.f32.msk $0xffff, v2  }
0x61b: {  	v10 =	vor.u32 v10, v20;
	v9 =	vadd.s32 v1, v9;
	v19 =	vand.u32 $0xFFFFFC00, v42;
	[tilespmem:v4+s19+$0x0] =	vst.idx.add.f32.msk $0xffff, v2  }
0x61c: {  	v45 =	vand.u32 $0xFFFFFC00, v43;
	v10 =	vadd.s32 v1, v10;
	v3 =	vor.u32 v11, v19;
	[tilespmem:v5+s19+$0x0] =	vst.idx.add.f32.msk $0xffff, v2  }
0x61d: {  	v46 =	vor.u32 v44, v45;
	v11 =	vand.u32 $0xFFFFFC00, v47;
	v3 =	vadd.s32 v1, v3;
	[tilespmem:v6+s19+$0x0] =	vst.idx.add.f32.msk $0xffff, v2  }
0x61e: {  	v51 =	vand.u32 $0xFFFFFC00, v49;
	v4 =	vadd.s32 v1, v46;
	v5 =	vor.u32 v48, v11;
	[tilespmem:v7+s19+$0x0] =	vst.idx.add.f32.msk $0xffff, v2  }
0x61f: {  	v55 =	vand.u32 $0xFFFFFC00, v53;
	v5 =	vadd.s32 v1, v5;
	v6 =	vor.u32 v50, v51;
	[tilespmem:v8+s19+$0x0] =	vst.idx.add.f32.msk $0xffff, v2  }
0x620: {  	v12 =	vand.u32 $0xFFFFFC00, v54;
	v6 =	vadd.s32 v1, v6;
	v7 =	vor.u32 v52, v55;
	[tilespmem:v9+s19+$0x0] =	vst.idx.add.f32.msk $0xffff, v2  }
0x621: {  	v57 =	vor.u32 v56, v12;
	v7 =	vadd.s32 v1, v7;
	v9 =	vand.u32 $0xFFFFFC00, v58;
	[tilespmem:v10+s19+$0x0] =	vst.idx.add.f32.msk $0xffff, v2  }
0x622: {  	v62 =	vand.u32 $0xFFFFFC00, v60;
	v8 =	vadd.s32 v1, v57;
	[tilespmem:v3+s19+$0x0] =	vst.idx.add.f32.msk $0xffff, v2;
	v3 =	vor.u32 v59, v9  }
0x623: {  	s28 =	sadd.s32 $0x2, s28;
	v63 =	vor.u32 v61, v62;
	[tilespmem:v4+s19+$0x0] =	vst.idx.add.f32.msk $0xffff, v2;
	v3 =	vadd.s32 v1, v3  }
0x624: {  	p0 =	slt.u32 s28, $0x7E;
	v4 =	vadd.s32 v1, v63;
	[tilespmem:v5+s19+$0x0] =	vst.idx.add.f32.msk $0xffff, v2  }
.Ltmp12:
0x625: {  	[tilespmem:v6+s19+$0x0] =	vst.idx.add.f32.msk $0xffff, v2;
	(pc) =	sbr.rel @p0 .LBB2_26-.Ltmp12, $4  }
0x626: {  	[tilespmem:v7+s19+$0x0] =	vst.idx.add.f32.msk $0xffff, v2  }
0x627: {  	[tilespmem:v8+s19+$0x0] =	vst.idx.add.f32.msk $0xffff, v2  }
0x628: {  	[tilespmem:v3+s19+$0x0] =	vst.idx.add.f32.msk $0xffff, v2  }
0x629: {  	s30 =	sadd.s32 $0x100, s30;
	s29 =	sadd.s32 $0x200, s29;
	s31 =	simm.s32 $0x11000;
	[tilespmem:v4+s19+$0x0] =	vst.idx.add.f32.msk $0xffff, v2  }
0x62a: {  	s1 =	sand.u32 $0x70, s26;
	s28 =	sand.u32 $0x400, s26  }
0x62b: {  	s1 =	sor.u32 s1, s28  }
0x62c: {  	v3 =	vld [tilespmem:s1+$0x10080]  }
0x62d: {  	v4 =	vld [tilespmem:s1+$0x10000];
	_ =	sdelay $0x1  }
0x62e: {  	v5 =	vld [tilespmem:s1+$0x10100];
	_ =	sdelay $0x1  }
0x62f: {  	v6 =	vld [tilespmem:s1+$0x10180]  }
0x630: {  	v3 =	vadd.f32 v3, v4  }
0x631: {  	v52 =	vld [tilespmem:s1+$0x10200]  }
0x632: {  	v3 =	vadd.f32 v5, v3  }
0x633: {  	v53 =	vld [tilespmem:s1+$0x10280]  }
0x634: {  	v3 =	vadd.f32 v6, v3  }
0x635: {  	v54 =	vld [tilespmem:s1+$0x10300]  }
0x636: {  	v3 =	vadd.f32 v52, v3  }
0x637: {  	v55 =	vld [tilespmem:s1+$0x10380]  }
0x638: {  	v3 =	vadd.f32 v53, v3  }
0x639: {  	v56 =	vld [tilespmem:s1+$0x10800]  }
0x63a: {  	v3 =	vadd.f32 v54, v3  }
0x63b: {  	v57 =	vld [tilespmem:s1+$0x10880]  }
0x63c: {  	v3 =	vadd.f32 v55, v3  }
0x63d: {  	v58 =	vld [tilespmem:s1+$0x10900]  }
0x63e: {  	v3 =	vadd.f32 v56, v3  }
0x63f: {  	v59 =	vld [tilespmem:s1+$0x10980]  }
0x640: {  	v3 =	vadd.f32 v57, v3  }
0x641: {  	v60 =	vld [tilespmem:s1+$0x10A00]  }
0x642: {  	v3 =	vadd.f32 v58, v3  }
0x643: {  	v61 =	vld [tilespmem:s1+$0x10A80]  }
0x644: {  	v3 =	vadd.f32 v59, v3  }
0x645: {  	v62 =	vld [tilespmem:s1+$0x10B00]  }
0x646: {  	v3 =	vadd.f32 v60, v3  }
0x647: {  	v63 =	vld [tilespmem:s1+$0x10B80]  }
0x648: {  	v3 =	vadd.f32 v61, v3;
	_ =	sdelay $0x1  }
0x649: {  	v3 =	vadd.f32 v62, v3;
	_ =	sdelay $0x1  }
0x64a: {  	s28 =	sadd.s32 $0x80, s26;
	s1 =	sadd.s32 $0x10, s26;
	v3 =	vadd.f32 v63, v3  }
0x64b: {  	s29 =	sand.u32 $0x400, s28;
	s30 =	sand.u32 $0x70, s1  }
0x64c: {  	s26 =	sor.u32 s30, s29;
	s29 =	sadd.s32 $0x10, s1;
	[tilespmem:s31+$0x0] =	vst v3  }
.LBB2_28:
0x64d: {  	p0 =	sne.s32 s29, $0xF0;
	v3 =	vld [tilespmem:s26+$0x10080]  }
0x64e: {  	v4 =	vld [tilespmem:s26+$0x10000];
	_ =	sdelay $0x1  }
0x64f: {  	v5 =	vld [tilespmem:s26+$0x10100];
	_ =	sdelay $0x1  }
0x650: {  	v6 =	vld [tilespmem:s26+$0x10180]  }
0x651: {  	v3 =	vadd.f32 v3, v4  }
0x652: {  	v4 =	vld [tilespmem:s26+$0x10200]  }
0x653: {  	v3 =	vadd.f32 v5, v3  }
0x654: {  	v5 =	vld [tilespmem:s26+$0x10280]  }
0x655: {  	v3 =	vadd.f32 v6, v3  }
0x656: {  	v6 =	vld [tilespmem:s26+$0x10300]  }
0x657: {  	v3 =	vadd.f32 v4, v3  }
0x658: {  	v4 =	vld [tilespmem:s26+$0x10380]  }
0x659: {  	v3 =	vadd.f32 v5, v3  }
0x65a: {  	v5 =	vld [tilespmem:s26+$0x10800]  }
0x65b: {  	v3 =	vadd.f32 v6, v3  }
0x65c: {  	v6 =	vld [tilespmem:s26+$0x10880]  }
0x65d: {  	v3 =	vadd.f32 v4, v3  }
0x65e: {  	v4 =	vld [tilespmem:s26+$0x10900]  }
0x65f: {  	v3 =	vadd.f32 v5, v3  }
0x660: {  	v5 =	vld [tilespmem:s26+$0x10980]  }
0x661: {  	v3 =	vadd.f32 v6, v3  }
0x662: {  	v6 =	vld [tilespmem:s26+$0x10A00]  }
0x663: {  	v3 =	vadd.f32 v4, v3  }
0x664: {  	v4 =	vld [tilespmem:s26+$0x10A80]  }
0x665: {  	v3 =	vadd.f32 v5, v3  }
0x666: {  	v5 =	vld [tilespmem:s26+$0x10B00]  }
0x667: {  	v3 =	vadd.f32 v6, v3  }
0x668: {  	v6 =	vld [tilespmem:s26+$0x10B80]  }
0x669: {  	v3 =	vadd.f32 v4, v3;
	_ =	sdelay $0x1  }
.Ltmp13:
0x66a: {  	v3 =	vadd.f32 v5, v3;
	(pc) =	sbr.rel @p0 .LBB2_28-.Ltmp13, $4  }
0x66b: {  	_ = 	snop  }
0x66c: {  	s28 =	sadd.s32 $0x80, s28;
	v3 =	vadd.f32 v6, v3  }
0x66d: {  	s1 =	sand.u32 $0x70, s29;
	s31 =	sadd.s32 $0x10, s31;
	s26 =	sand.u32 $0x400, s28  }
0x66e: {  	s29 =	sadd.s32 $0x10, s29;
	s26 =	sor.u32 s1, s26;
	[tilespmem:s31+$0x0] =	vst v3  }
0x66f: {  	v3 =	vld [tilespmem:s26+$0x10080]  }
0x670: {  	v4 =	vld [tilespmem:s26+$0x10000];
	_ =	sdelay $0x1  }
0x671: {  	v5 =	vld [tilespmem:s26+$0x10100];
	_ =	sdelay $0x1  }
0x672: {  	v6 =	vld [tilespmem:s26+$0x10180]  }
0x673: {  	v3 =	vadd.f32 v3, v4  }
0x674: {  	v52 =	vld [tilespmem:s26+$0x10200]  }
0x675: {  	v3 =	vadd.f32 v5, v3  }
0x676: {  	v53 =	vld [tilespmem:s26+$0x10280]  }
0x677: {  	v3 =	vadd.f32 v6, v3  }
0x678: {  	v54 =	vld [tilespmem:s26+$0x10300]  }
0x679: {  	v3 =	vadd.f32 v52, v3  }
0x67a: {  	v55 =	vld [tilespmem:s26+$0x10380]  }
0x67b: {  	v3 =	vadd.f32 v53, v3  }
0x67c: {  	v56 =	vld [tilespmem:s26+$0x10800]  }
0x67d: {  	v3 =	vadd.f32 v54, v3  }
0x67e: {  	v57 =	vld [tilespmem:s26+$0x10880]  }
0x67f: {  	v3 =	vadd.f32 v55, v3  }
0x680: {  	v58 =	vld [tilespmem:s26+$0x10900]  }
0x681: {  	v3 =	vadd.f32 v56, v3  }
0x682: {  	v59 =	vld [tilespmem:s26+$0x10980]  }
0x683: {  	v3 =	vadd.f32 v57, v3  }
0x684: {  	v60 =	vld [tilespmem:s26+$0x10A00]  }
0x685: {  	v3 =	vadd.f32 v58, v3  }
0x686: {  	v61 =	vld [tilespmem:s26+$0x10A80]  }
0x687: {  	v3 =	vadd.f32 v59, v3  }
0x688: {  	v62 =	vld [tilespmem:s26+$0x10B00]  }
0x689: {  	v3 =	vadd.f32 v60, v3  }
0x68a: {  	v63 =	vld [tilespmem:s26+$0x10B80]  }
0x68b: {  	v3 =	vadd.f32 v61, v3;
	_ =	sdelay $0x1  }
0x68c: {  	v3 =	vadd.f32 v62, v3;
	_ =	sdelay $0x1  }
0x68d: {  	s25 =	sadd.s32 $0x1, s25;
	v3 =	vadd.f32 v63, v3  }
0x68e: {  	s1 =	sadd.s32 $0x10, s31;
	p0 =	sne.s32 s25, s16  }
.Ltmp14:
0x68f: {  	[tilespmem:s1+$0x0] =	vst v3;
	(pc) =	sbr.rel @p0 .LBB2_1-.Ltmp14, $4  }
0x690: {  	[hbm4b:s15+s21] =	stream.strided.scatter [tilespmem:s23], [sflag:$0x3], $0x100, s22, s21, $0x38;
	[tilespmem:$0x11100] =	vst v63  }
0x691: {  	_ =	swait.ge [sflag:s24], $0x100  }
0x692: {  	[sflag:s24] =	ssyncset.done $0x0  }
0x693: {  	[sflag:s24] =	ssyncadd.s32 $0xFFFFFF00  }
0x694: {  	_ =	sfence.sel $0x180000  }
0x695: {  	[bflag:$0x0] =	sbarrier.arrive $0xFFFF  }
0x696: {  	_ =	strace $0x90000047  }
0x697: {  	[bflag:$0x2] =	sbarrier.arrive $0xFFFF  }
0x698: {  	p0 =	sne.s32 s0, $0x0;
	s0 =	rddreg [dreg:$0x2]  }
0x699: {  	s0 =	sadd.s32 @!p0 $0x100000, s0  }
0x69a: {  	[sflag:s0] =	ssyncadd.tile.s32 @!p0 $0x1;
	_ =	shalt  }
.Lfunc_end2:
_tile_overlayer_lowered:
.L_overlay_start_2:
0x69b: {  	(tag) =	ssettag $0x2  }
0x69c: {  	s0 =	rddreg [dreg:$0x0];
	s2 =	stileid.u32  }
0x69d: {  	s1 =	rddreg [dreg:$0x1];
	p0 =	sne.s32 s2, $0x0  }
0x69e: {  	s3 =	rddreg [dreg:$0x2];
	[bflag:$0x3] =	sbarrier.arrive $0xFFFF;
	s2 =	simm.s32 @!p0 $0x1C03  }
0x69f: {  	[timem:s3], [sflag:s2] =	dma.local @!p0 [hbm:s0], s1  }
0x6a0: {  	s0 =	simm.s32 @!p0 $0x3  }
0x6a1: {  	_ =	swait.ge @!p0 [sflag:s0], s1  }
0x6a2: {  	s1 =	ssub.s32 @!p0 $0x0, s1;
	[sflag:s0] =	ssyncset.done @!p0 $0x0  }
0x6a3: {  	[sflag:s0] =	ssyncadd.s32 @!p0 s1  }
0x6a4: {  	[bflag:$0x3] =	sbarrier.arrive $0xFFFF  }
0x6a5: {  	_ =	shalt  }

</sc_bundles>
